<compile_context>
chip_gen: v7x
topology: tpu7x:2x2x1
jax: 0.10.2.dev20260603
libtpu: 0.0.44.dev20260713+nightly
codegen_flags: <defaults>
</compile_context>

<pallas_src>
import functools

import jax
import jax.numpy as jnp
from jax import lax
from jax.experimental import pallas as pl
from jax.experimental.pallas import tpu as pltpu
from jax.experimental.pallas import tpu_sc as plsc

N = 10000
E = 320000
D = 128
H = 8
DH = 16

NC = 2
NS = 16
NW = NC * NS
EPW = E // NW
CH = 32
SBC = 8
SB_E = SBC * CH
NCHUNKS = 312
NSB = NCHUNKS // SBC
TAIL = EPW - NCHUNKS * CH
NPAD = 10240
RPS = NPAD // NS
ZROWS = 40
RZB = 128



def _qkv_body(x_ref, w_ref, b_ref, q_ref, kv_ref):
    acc = jnp.dot(x_ref[...], w_ref[...],
                  preferred_element_type=jnp.float32) + b_ref[...]
    q_ref[...] = acc[:, :D]
    kv_ref[...] = acc[:, D:]


def _qkv(x, w, b):
    blk = 1000
    return pl.pallas_call(
        _qkv_body,
        grid=(N // blk,),
        in_specs=[
            pl.BlockSpec((blk, D), lambda i: (i, 0)),
            pl.BlockSpec((D, 3 * D), lambda i: (0, 0)),
            pl.BlockSpec((1, 3 * D), lambda i: (0, 0)),
        ],
        out_specs=[pl.BlockSpec((blk, D), lambda i: (i, 0)),
                   pl.BlockSpec((blk, 2 * D), lambda i: (i, 0))],
        out_shape=[jax.ShapeDtypeStruct((N, D), jnp.float32),
                   jax.ShapeDtypeStruct((N, 2 * D), jnp.float32)],
    )(x, w, b)



def _edge_body(q_hbm, kv_hbm, src_hbm, dst_hbm, out_hbm,
               is0, is1, id0, id1, td, kvr, qr, msg, wv_sh, sem_i, sem_g):
    c = lax.axis_index("c")
    s = lax.axis_index("s")
    w = c * NS + s
    ebase = w * EPW

    zero16 = jnp.zeros((16,), jnp.float32)
    iota16 = lax.iota(jnp.int32, 16)

    def _zrow(r, carry):
        for g in range(D // 16):
            msg[r, pl.ds(g * 16, 16)] = zero16
        return carry

    lax.fori_loop(0, ZROWS, _zrow, 0)
    for j in range(RPS // ZROWS):
        pltpu.sync_copy(msg.at[pl.ds(0, ZROWS)],
                        wv_sh.at[pl.ds(s * RPS + j * ZROWS, ZROWS)])
    plsc.subcore_barrier()

    def _score_msg(kvr_ref, qr_ref, rows):
        def _head(h, carry):
            base = h * DH
            acc = zero16
            for dh in range(DH):
                col = jnp.full((16,), base + dh, jnp.int32)
                acc = acc + (plsc.load_gather(kvr_ref, [rows, col]) *
                             plsc.load_gather(qr_ref, [rows, col]))
            scv = jnp.exp(jnp.clip(acc * 0.25, -5.0, 5.0))
            for dh in range(DH):
                colm = jnp.full((16,), base + dh, jnp.int32)
                vv = plsc.load_gather(kvr_ref, [rows, colm + D])
                plsc.store_scatter(msg, [rows, colm], vv * scv)
            return carry

        lax.fori_loop(0, H, _head, 0)

    pltpu.sync_copy(src_hbm.at[pl.ds(ebase, CH)], is0)
    pltpu.sync_copy(dst_hbm.at[pl.ds(ebase, CH)], id0)
    pltpu.async_copy(src_hbm.at[pl.ds(ebase + CH, CH)], is1, sem_i.at[1])
    pltpu.async_copy(dst_hbm.at[pl.ds(ebase + CH, CH)], id1, sem_i.at[1])
    pltpu.async_copy(kv_hbm.at[is0], kvr.at[0], sem_g.at[0])
    pltpu.async_copy(q_hbm.at[id0], qr.at[0], sem_g.at[0])

    def _chunk(i, carry):
        b = lax.rem(i, 2)
        more = i < NCHUNKS - 1

        @pl.when(jnp.logical_and(more, b == 0))
        def _():
            off = pl.ds(ebase + (i + 1) * CH, CH)
            pltpu.make_async_copy(src_hbm.at[off], is1, sem_i.at[1]).wait()
            pltpu.make_async_copy(dst_hbm.at[off], id1, sem_i.at[1]).wait()
            pltpu.async_copy(kv_hbm.at[is1], kvr.at[1], sem_g.at[1])
            pltpu.async_copy(q_hbm.at[id1], qr.at[1], sem_g.at[1])

        @pl.when(jnp.logical_and(more, b == 1))
        def _():
            off = pl.ds(ebase + (i + 1) * CH, CH)
            pltpu.make_async_copy(src_hbm.at[off], is0, sem_i.at[0]).wait()
            pltpu.make_async_copy(dst_hbm.at[off], id0, sem_i.at[0]).wait()
            pltpu.async_copy(kv_hbm.at[is0], kvr.at[0], sem_g.at[0])
            pltpu.async_copy(q_hbm.at[id0], qr.at[0], sem_g.at[0])

        pltpu.make_async_copy(kv_hbm.at[is0], kvr.at[b], sem_g.at[b]).wait()
        pltpu.make_async_copy(q_hbm.at[id0], qr.at[b], sem_g.at[b]).wait()

        def _grp(g, carry2):
            _score_msg(kvr.at[b], qr.at[b], g * 16 + iota16)
            return carry2

        lax.fori_loop(0, CH // 16, _grp, 0)

        @pl.when(b == 0)
        def _():
            pltpu.sync_copy(msg, wv_sh.at[id0], add=True)

        @pl.when(b == 1)
        def _():
            pltpu.sync_copy(msg, wv_sh.at[id1], add=True)

        @pl.when(jnp.logical_and(i < NCHUNKS - 2, b == 0))
        def _():
            off = pl.ds(ebase + (i + 2) * CH, CH)
            pltpu.async_copy(src_hbm.at[off], is0, sem_i.at[0])
            pltpu.async_copy(dst_hbm.at[off], id0, sem_i.at[0])

        @pl.when(jnp.logical_and(i < NCHUNKS - 2, b == 1))
        def _():
            off = pl.ds(ebase + (i + 2) * CH, CH)
            pltpu.async_copy(src_hbm.at[off], is1, sem_i.at[1])
            pltpu.async_copy(dst_hbm.at[off], id1, sem_i.at[1])
        return carry

    lax.fori_loop(0, NCHUNKS, _chunk, 0)

    tb = ebase + NCHUNKS * CH
    pltpu.sync_copy(src_hbm.at[pl.ds(tb, TAIL)], is0.at[pl.ds(0, TAIL)])
    pltpu.sync_copy(dst_hbm.at[pl.ds(tb, TAIL)], td)
    cp1 = pltpu.async_copy(kv_hbm.at[is0.at[pl.ds(0, TAIL)]],
                           kvr.at[0, pl.ds(0, TAIL)], sem_g.at[0])
    cp2 = pltpu.async_copy(q_hbm.at[td], qr.at[0, pl.ds(0, TAIL)],
                           sem_g.at[0])
    cp1.wait()
    cp2.wait()
    _score_msg(kvr.at[0], qr.at[0], iota16)
    pltpu.sync_copy(msg.at[pl.ds(0, TAIL)], wv_sh.at[td], add=True)

    plsc.subcore_barrier()
    for j in range(RPS // RZB):
        r0 = s * RPS + j * RZB
        pltpu.sync_copy(wv_sh.at[pl.ds(r0, RZB)], out_hbm.at[c, pl.ds(r0, RZB)])


_edge = functools.partial(
    pl.kernel,
    out_type=jax.ShapeDtypeStruct((NC, NPAD, D), jnp.float32),
    mesh=plsc.VectorSubcoreMesh(core_axis_name="c", subcore_axis_name="s",
                                num_cores=NC, num_subcores=NS),
    compiler_params=pltpu.CompilerParams(needs_layout_passes=False),
    scratch_types=[
        pltpu.VMEM((CH,), jnp.int32),
        pltpu.VMEM((CH,), jnp.int32),
        pltpu.VMEM((CH,), jnp.int32),
        pltpu.VMEM((CH,), jnp.int32),
        pltpu.VMEM((TAIL,), jnp.int32),
        pltpu.VMEM((2, CH, 2 * D), jnp.float32),
        pltpu.VMEM((2, CH, D), jnp.float32),
        pltpu.VMEM((CH, D), jnp.float32),
        pltpu.VMEM_SHARED((NPAD, D), jnp.float32),
        pltpu.SemaphoreType.DMA((2,)),
        pltpu.SemaphoreType.DMA((2,)),
    ],
)(_edge_body)



def _tail_body(x_ref, wv_ref, g1_ref, b1_ref, g2_ref, b2_ref, wo_ref, bo_ref,
               out_ref):
    h = x_ref[...] + jnp.sum(wv_ref[...], axis=0)
    mu = jnp.mean(h, axis=-1, keepdims=True)
    var = jnp.mean((h - mu) ** 2, axis=-1, keepdims=True)
    hn = (h - mu) / jnp.sqrt(var + 1e-5) * g1_ref[...] + b1_ref[...]
    mu2 = jnp.mean(hn, axis=-1, keepdims=True)
    var2 = jnp.mean((hn - mu2) ** 2, axis=-1, keepdims=True)
    t = (hn - mu2) / jnp.sqrt(var2 + 1e-5) * g2_ref[...] + b2_ref[...]
    ff = jnp.dot(t, wo_ref[...], preferred_element_type=jnp.float32) + bo_ref[...]
    out_ref[...] = hn + jnp.maximum(ff, 0.0)


def _tail(x, wv2, g1, b1, g2, b2, wo, bo):
    blk = 1000
    return pl.pallas_call(
        _tail_body,
        grid=(N // blk,),
        in_specs=[
            pl.BlockSpec((blk, D), lambda i: (i, 0)),
            pl.BlockSpec((NC, blk, D), lambda i: (0, i, 0)),
            pl.BlockSpec((1, D), lambda i: (0, 0)),
            pl.BlockSpec((1, D), lambda i: (0, 0)),
            pl.BlockSpec((1, D), lambda i: (0, 0)),
            pl.BlockSpec((1, D), lambda i: (0, 0)),
            pl.BlockSpec((D, D), lambda i: (0, 0)),
            pl.BlockSpec((1, D), lambda i: (0, 0)),
        ],
        out_specs=pl.BlockSpec((blk, D), lambda i: (i, 0)),
        out_shape=jax.ShapeDtypeStruct((N, D), jnp.float32),
    )(x, wv2, g1, b1, g2, b2, wo, bo)



def kernel(x, edge_index, Wq, bq, Wk, bk, Wv, bv, Wo, bo,
           gamma1, beta1, gamma2, beta2):
    src = edge_index[0].astype(jnp.int32)
    dst = edge_index[1].astype(jnp.int32)
    w = jnp.concatenate([Wq, Wk, Wv], axis=1)
    b = jnp.concatenate([bq, bk, bv]).reshape(1, 3 * D)
    q, kv = _qkv(x, w, b)
    wv2 = _edge(q, kv, src, dst)
    return _tail(x, wv2,
                 gamma1.reshape(1, D), beta1.reshape(1, D),
                 gamma2.reshape(1, D), beta2.reshape(1, D),
                 Wo, bo.reshape(1, D))

# --- scband reference (transcript-rebuilt; emitter-appended) ---
"""Pipeline reference for scband-graph-transformer-layer-30906584662329 (READ-ONLY COPY).

The authoritative reference and input builder live on the scoring server;
editing this copy changes nothing except your own understanding.
"""

import jax, jax.numpy as jnp
import numpy as np

N = 10000
E = 320000
D = 128
H = 8
DH = D // H


def _layer_norm(h, gamma, beta, eps=1e-5):
    mu = jnp.mean(h, axis=-1, keepdims=True)
    var = jnp.var(h, axis=-1, keepdims=True)
    return (h - mu) / jnp.sqrt(var + eps) * gamma + beta


def setup_inputs(seed: int = 0) -> dict:
    key = jax.random.key(seed)
    ks = jax.random.split(key, 12)
    s = 1.0 / np.sqrt(D)
    inp = {
        "x": jax.random.normal(ks[0], (N, D), dtype=jnp.float32),
        "edge_index": jax.random.randint(ks[1], (2, E), 0, N).astype(jnp.int64),
        "Wq": jax.random.normal(ks[2], (D, D), dtype=jnp.float32) * s,
        "bq": jnp.zeros((D,), dtype=jnp.float32),
        "Wk": jax.random.normal(ks[3], (D, D), dtype=jnp.float32) * s,
        "bk": jnp.zeros((D,), dtype=jnp.float32),
        "Wv": jax.random.normal(ks[4], (D, D), dtype=jnp.float32) * s,
        "bv": jnp.zeros((D,), dtype=jnp.float32),
        "Wo": jax.random.normal(ks[5], (D, D), dtype=jnp.float32) * s,
        "bo": jnp.zeros((D,), dtype=jnp.float32),
        "gamma1": jnp.ones((D,), dtype=jnp.float32),
        "beta1": jnp.zeros((D,), dtype=jnp.float32),
        "gamma2": jnp.ones((D,), dtype=jnp.float32),
        "beta2": jnp.zeros((D,), dtype=jnp.float32),
    }
    return inp


def reference(x, edge_index, Wq, bq, Wk, bk, Wv, bv, Wo, bo, gamma1, beta1, gamma2, beta2):
    n = x.shape[0]
    src = edge_index[0]
    dst = edge_index[1]
    # MultiHeadAttention
    Q_h = (x @ Wq + bq).reshape(n, H, DH)
    K_h = (x @ Wk + bk).reshape(n, H, DH)
    V_h = (x @ Wv + bv).reshape(n, H, DH)
    # src_dot_dst('K_h','Q_h','score'): per-edge dot of K[src] and Q[dst]
    score = jnp.sum(K_h[src] * Q_h[dst], axis=-1, keepdims=True)  # [E, H, 1]
    # scaled_exp: exp(clamp(score/sqrt(out_dim), -5, 5))
    score = jnp.exp(jnp.clip(score / np.sqrt(DH), -5.0, 5.0))
    # src_mul_edge + sum -> wV (note: forward uses wV without dividing by z)
    msg = V_h[src] * score  # [E, H, DH]
    wV = jax.ops.segment_sum(msg, dst, num_segments=n)  # [n, H, DH]
    attn_out = wV.reshape(n, D)
    # residual + norm
    h = x + attn_out  # dropout is identity at p=0.0 / eval
    h = _layer_norm(h, gamma1, beta1)
    # SubLayerWrapper: h + relu(O(norm(h)))
    h = h + jax.nn.relu(_layer_norm(h, gamma2, beta2) @ Wo + bo)
    return h

if __name__ == "__main__":
    import jax
    _d = setup_inputs()
    print(jax.jit(kernel)(*tuple(_d.values())))

</pallas_src>

<mosaic_0001>
#map = affine_map<(d0, d1) -> (0, 0)>
#map1 = affine_map<(d0, d1) -> (0)>
#map2 = affine_map<(d0, d1) -> (0, 0, 0)>
module attributes {stable_mosaic.version = 14 : i64} {
  func.func @_edge_body(%arg0: i32, %arg1: i32, %arg2: memref<10000x128xf32, #tpu.memory_space<hbm>>, %arg3: memref<10000x256xf32, #tpu.memory_space<hbm>>, %arg4: memref<320000xi32, #tpu.memory_space<hbm>>, %arg5: memref<320000xi32, #tpu.memory_space<hbm>>, %arg6: memref<2x10240x128xf32, #tpu.memory_space<hbm>>, %arg7: memref<32xi32, #tpu.memory_space<vmem>>, %arg8: memref<32xi32, #tpu.memory_space<vmem>>, %arg9: memref<32xi32, #tpu.memory_space<vmem>>, %arg10: memref<32xi32, #tpu.memory_space<vmem>>, %arg11: memref<16xi32, #tpu.memory_space<vmem>>, %arg12: memref<2x32x256xf32, #tpu.memory_space<vmem>>, %arg13: memref<2x32x128xf32, #tpu.memory_space<vmem>>, %arg14: memref<32x128xf32, #tpu.memory_space<vmem>>, %arg15: memref<10240x128xf32, #tpu.memory_space<vmem_shared>>, %arg16: memref<2x!tpu.dma_semaphore, #tpu.memory_space<semaphore_mem>>, %arg17: memref<2x!tpu.dma_semaphore, #tpu.memory_space<semaphore_mem>>) attributes {dimension_semantics = [#tpu.dimension_semantics<core_parallel>, #tpu.dimension_semantics<subcore_parallel>], iteration_bounds = array<i64: 2, 16>, scalar_prefetch = 0 : i64, scratch_operands = 11 : i64, tpu.core_type = #tpu.core_type<sc_vector_subcore>, window_params = [{transform_indices = #map}, {transform_indices = #map}, {transform_indices = #map1}, {transform_indices = #map1}, {transform_indices = #map2}]} {
    %mul3A = arith.constant 16 : i32
    %mul3A_0 = arith.muli %arg0, %mul3A : i32
    %add3A = arith.addi %mul3A_0, %arg1 : i32
    %mul3A_1 = arith.constant 10000 : i32
    %mul3A_2 = arith.muli %add3A, %mul3A_1 : i32
    %broadcast_in_dim3A = arith.constant 0.000000e+00 : f32
    %broadcast_in_dim3A_3 = vector.broadcast %broadcast_in_dim3A : f32 to vector<16xf32>
    %iota3A = tpu.iota {dimensions = array<i32: 0>} : vector<16xi32>
    %scan3A = arith.constant 0 : i32
    %scan3A_4 = arith.constant 0 : i32
    %scan3A_5 = arith.constant 40 : i32
    %scan3A_6 = arith.addi %scan3A_4, %scan3A_5 : i32
    %scan3A_7 = arith.constant 1 : i32
    scf.for %scan3A_192 = %scan3A_4 to %scan3A_6 step %scan3A_7  : i32 {
      %swap3A = arith.index_cast %scan3A_192 : i32 to index
      %swap3A_193 = arith.constant 0 : index
      %swap3A_194 = tpu.vector_load %arg14[%swap3A, %swap3A_193] {strides = array<i32>} : memref<32x128xf32, #tpu.memory_space<vmem>>, vector<16xf32>,
      tpu.vector_store %arg14[%swap3A, %swap3A_193], %broadcast_in_dim3A_3 {strides = array<i32>} : memref<32x128xf32, #tpu.memory_space<vmem>>, vector<16xf32>,
      %swap3A_195 = arith.index_cast %scan3A_192 : i32 to index
      %swap3A_196 = arith.constant 16 : index
      %swap3A_197 = tpu.vector_load %arg14[%swap3A_195, %swap3A_196] {strides = array<i32>} : memref<32x128xf32, #tpu.memory_space<vmem>>, vector<16xf32>,
      tpu.vector_store %arg14[%swap3A_195, %swap3A_196], %broadcast_in_dim3A_3 {strides = array<i32>} : memref<32x128xf32, #tpu.memory_space<vmem>>, vector<16xf32>,
      %swap3A_198 = arith.index_cast %scan3A_192 : i32 to index
      %swap3A_199 = arith.constant 32 : index
      %swap3A_200 = tpu.vector_load %arg14[%swap3A_198, %swap3A_199] {strides = array<i32>} : memref<32x128xf32, #tpu.memory_space<vmem>>, vector<16xf32>,
      tpu.vector_store %arg14[%swap3A_198, %swap3A_199], %broadcast_in_dim3A_3 {strides = array<i32>} : memref<32x128xf32, #tpu.memory_space<vmem>>, vector<16xf32>,
      %swap3A_201 = arith.index_cast %scan3A_192 : i32 to index
      %swap3A_202 = arith.constant 48 : index
      %swap3A_203 = tpu.vector_load %arg14[%swap3A_201, %swap3A_202] {strides = array<i32>} : memref<32x128xf32, #tpu.memory_space<vmem>>, vector<16xf32>,
      tpu.vector_store %arg14[%swap3A_201, %swap3A_202], %broadcast_in_dim3A_3 {strides = array<i32>} : memref<32x128xf32, #tpu.memory_space<vmem>>, vector<16xf32>,
      %swap3A_204 = arith.index_cast %scan3A_192 : i32 to index
      %swap3A_205 = arith.constant 64 : index
      %swap3A_206 = tpu.vector_load %arg14[%swap3A_204, %swap3A_205] {strides = array<i32>} : memref<32x128xf32, #tpu.memory_space<vmem>>, vector<16xf32>,
      tpu.vector_store %arg14[%swap3A_204, %swap3A_205], %broadcast_in_dim3A_3 {strides = array<i32>} : memref<32x128xf32, #tpu.memory_space<vmem>>, vector<16xf32>,
      %swap3A_207 = arith.index_cast %scan3A_192 : i32 to index
      %swap3A_208 = arith.constant 80 : index
      %swap3A_209 = tpu.vector_load %arg14[%swap3A_207, %swap3A_208] {strides = array<i32>} : memref<32x128xf32, #tpu.memory_space<vmem>>, vector<16xf32>,
      tpu.vector_store %arg14[%swap3A_207, %swap3A_208], %broadcast_in_dim3A_3 {strides = array<i32>} : memref<32x128xf32, #tpu.memory_space<vmem>>, vector<16xf32>,
      %swap3A_210 = arith.index_cast %scan3A_192 : i32 to index
      %swap3A_211 = arith.constant 96 : index
      %swap3A_212 = tpu.vector_load %arg14[%swap3A_210, %swap3A_211] {strides = array<i32>} : memref<32x128xf32, #tpu.memory_space<vmem>>, vector<16xf32>,
      tpu.vector_store %arg14[%swap3A_210, %swap3A_211], %broadcast_in_dim3A_3 {strides = array<i32>} : memref<32x128xf32, #tpu.memory_space<vmem>>, vector<16xf32>,
      %swap3A_213 = arith.index_cast %scan3A_192 : i32 to index
      %swap3A_214 = arith.constant 112 : index
      %swap3A_215 = tpu.vector_load %arg14[%swap3A_213, %swap3A_214] {strides = array<i32>} : memref<32x128xf32, #tpu.memory_space<vmem>>, vector<16xf32>,
      tpu.vector_store %arg14[%swap3A_213, %swap3A_214], %broadcast_in_dim3A_3 {strides = array<i32>} : memref<32x128xf32, #tpu.memory_space<vmem>>, vector<16xf32>,
    }
    %scan3A_8 = arith.constant 40 : i32
    %mul3A_9 = arith.constant 640 : i32
    %mul3A_10 = arith.muli %arg1, %mul3A_9 : i32
    %add3A_11 = arith.constant 0 : i32
    %add3A_12 = arith.addi %mul3A_10, %add3A_11 : i32
    "tpu.region"() ({
      %run_scoped3A = tpu.sem_alloc : memref<!tpu.dma_semaphore, #tpu.memory_space<semaphore_mem>>
      %dma_start3A_192 = arith.constant 0 : i32
      %dma_start3A_193 = arith.constant 0 : i32
      %dma_start3A_194 = tpu.memref_slice %arg14[%dma_start3A_192, %dma_start3A_193] : memref<32x128xf32, #tpu.memory_space<vmem>> -> memref<40x128xf32, #tpu.memory_space<vmem>>
      %dma_start3A_195 = arith.constant 0 : i32
      %dma_start3A_196 = tpu.memref_slice %arg15[%add3A_12, %dma_start3A_195] : memref<10240x128xf32, #tpu.memory_space<vmem_shared>> -> memref<40x128xf32, #tpu.memory_space<vmem_shared>>
      %dma_start3A_197 = arith.constant 0 : i32
      %dma_start3A_198 = tpu.memref_slice %arg15[%add3A_12, %dma_start3A_197] : memref<10240x128xf32, #tpu.memory_space<vmem_shared>> -> memref<40x128xf32, #tpu.memory_space<vmem_shared>>
      %dma_start3A_199 = arith.constant 0 : i32
      %dma_start3A_200 = arith.constant 0 : i32
      %dma_start3A_201 = tpu.memref_slice %arg14[%dma_start3A_199, %dma_start3A_200] : memref<32x128xf32, #tpu.memory_space<vmem>> -> memref<40x128xf32, #tpu.memory_space<vmem>>
      tpu.enqueue_dma source(%dma_start3A_201 : memref<40x128xf32, #tpu.memory_space<vmem>>) target(%dma_start3A_198 : memref<40x128xf32, #tpu.memory_space<vmem_shared>>) target_semaphore(%run_scoped3A : memref<!tpu.dma_semaphore, #tpu.memory_space<semaphore_mem>>)
      %dma_wait3A_202 = arith.constant 0 : i32
      %dma_wait3A_203 = arith.constant 0 : i32
      %dma_wait3A_204 = tpu.memref_slice %arg14[%dma_wait3A_202, %dma_wait3A_203] : memref<32x128xf32, #tpu.memory_space<vmem>> -> memref<40x128xf32, #tpu.memory_space<vmem>>
      %dma_wait3A_205 = arith.constant 0 : i32
      %dma_wait3A_206 = tpu.memref_slice %arg15[%add3A_12, %dma_wait3A_205] : memref<10240x128xf32, #tpu.memory_space<vmem_shared>> -> memref<40x128xf32, #tpu.memory_space<vmem_shared>>
      %dma_wait3A_207 = arith.constant 0 : i32
      %dma_wait3A_208 = tpu.memref_slice %arg15[%add3A_12, %dma_wait3A_207] : memref<10240x128xf32, #tpu.memory_space<vmem_shared>> -> memref<40x128xf32, #tpu.memory_space<vmem_shared>>
      %dma_wait3A_209 = arith.constant 0 : i32
      %dma_wait3A_210 = arith.constant 0 : i32
      %dma_wait3A_211 = tpu.memref_slice %arg14[%dma_wait3A_209, %dma_wait3A_210] : memref<32x128xf32, #tpu.memory_space<vmem>> -> memref<40x128xf32, #tpu.memory_space<vmem>>
      tpu.wait_dma2 semaphore(%run_scoped3A : memref<!tpu.dma_semaphore, #tpu.memory_space<semaphore_mem>>) src(%dma_wait3A_211 : memref<40x128xf32, #tpu.memory_space<vmem>>) dst(%dma_wait3A_208 : memref<40x128xf32, #tpu.memory_space<vmem_shared>>)
      tpu.yield
    }) : () -> ()
    %mul3A_13 = arith.constant 640 : i32
    %mul3A_14 = arith.muli %arg1, %mul3A_13 : i32
    %add3A_15 = arith.constant 40 : i32
    %add3A_16 = arith.addi %mul3A_14, %add3A_15 : i32
    "tpu.region"() ({
      %run_scoped3A = tpu.sem_alloc : memref<!tpu.dma_semaphore, #tpu.memory_space<semaphore_mem>>
      %dma_start3A_192 = arith.constant 0 : i32
      %dma_start3A_193 = arith.constant 0 : i32
      %dma_start3A_194 = tpu.memref_slice %arg14[%dma_start3A_192, %dma_start3A_193] : memref<32x128xf32, #tpu.memory_space<vmem>> -> memref<40x128xf32, #tpu.memory_space<vmem>>
      %dma_start3A_195 = arith.constant 0 : i32
      %dma_start3A_196 = tpu.memref_slice %arg15[%add3A_16, %dma_start3A_195] : memref<10240x128xf32, #tpu.memory_space<vmem_shared>> -> memref<40x128xf32, #tpu.memory_space<vmem_shared>>
      %dma_start3A_197 = arith.constant 0 : i32
      %dma_start3A_198 = tpu.memref_slice %arg15[%add3A_16, %dma_start3A_197] : memref<10240x128xf32, #tpu.memory_space<vmem_shared>> -> memref<40x128xf32, #tpu.memory_space<vmem_shared>>
      %dma_start3A_199 = arith.constant 0 : i32
      %dma_start3A_200 = arith.constant 0 : i32
      %dma_start3A_201 = tpu.memref_slice %arg14[%dma_start3A_199, %dma_start3A_200] : memref<32x128xf32, #tpu.memory_space<vmem>> -> memref<40x128xf32, #tpu.memory_space<vmem>>
      tpu.enqueue_dma source(%dma_start3A_201 : memref<40x128xf32, #tpu.memory_space<vmem>>) target(%dma_start3A_198 : memref<40x128xf32, #tpu.memory_space<vmem_shared>>) target_semaphore(%run_scoped3A : memref<!tpu.dma_semaphore, #tpu.memory_space<semaphore_mem>>)
      %dma_wait3A_202 = arith.constant 0 : i32
      %dma_wait3A_203 = arith.constant 0 : i32
      %dma_wait3A_204 = tpu.memref_slice %arg14[%dma_wait3A_202, %dma_wait3A_203] : memref<32x128xf32, #tpu.memory_space<vmem>> -> memref<40x128xf32, #tpu.memory_space<vmem>>
      %dma_wait3A_205 = arith.constant 0 : i32
      %dma_wait3A_206 = tpu.memref_slice %arg15[%add3A_16, %dma_wait3A_205] : memref<10240x128xf32, #tpu.memory_space<vmem_shared>> -> memref<40x128xf32, #tpu.memory_space<vmem_shared>>
      %dma_wait3A_207 = arith.constant 0 : i32
      %dma_wait3A_208 = tpu.memref_slice %arg15[%add3A_16, %dma_wait3A_207] : memref<10240x128xf32, #tpu.memory_space<vmem_shared>> -> memref<40x128xf32, #tpu.memory_space<vmem_shared>>
      %dma_wait3A_209 = arith.constant 0 : i32
      %dma_wait3A_210 = arith.constant 0 : i32
      %dma_wait3A_211 = tpu.memref_slice %arg14[%dma_wait3A_209, %dma_wait3A_210] : memref<32x128xf32, #tpu.memory_space<vmem>> -> memref<40x128xf32, #tpu.memory_space<vmem>>
      tpu.wait_dma2 semaphore(%run_scoped3A : memref<!tpu.dma_semaphore, #tpu.memory_space<semaphore_mem>>) src(%dma_wait3A_211 : memref<40x128xf32, #tpu.memory_space<vmem>>) dst(%dma_wait3A_208 : memref<40x128xf32, #tpu.memory_space<vmem_shared>>)
      tpu.yield
    }) : () -> ()
    %mul3A_17 = arith.constant 640 : i32
    %mul3A_18 = arith.muli %arg1, %mul3A_17 : i32
    %add3A_19 = arith.constant 80 : i32
    %add3A_20 = arith.addi %mul3A_18, %add3A_19 : i32
    "tpu.region"() ({
      %run_scoped3A = tpu.sem_alloc : memref<!tpu.dma_semaphore, #tpu.memory_space<semaphore_mem>>
      %dma_start3A_192 = arith.constant 0 : i32
      %dma_start3A_193 = arith.constant 0 : i32
      %dma_start3A_194 = tpu.memref_slice %arg14[%dma_start3A_192, %dma_start3A_193] : memref<32x128xf32, #tpu.memory_space<vmem>> -> memref<40x128xf32, #tpu.memory_space<vmem>>
      %dma_start3A_195 = arith.constant 0 : i32
      %dma_start3A_196 = tpu.memref_slice %arg15[%add3A_20, %dma_start3A_195] : memref<10240x128xf32, #tpu.memory_space<vmem_shared>> -> memref<40x128xf32, #tpu.memory_space<vmem_shared>>
      %dma_start3A_197 = arith.constant 0 : i32
      %dma_start3A_198 = tpu.memref_slice %arg15[%add3A_20, %dma_start3A_197] : memref<10240x128xf32, #tpu.memory_space<vmem_shared>> -> memref<40x128xf32, #tpu.memory_space<vmem_shared>>
      %dma_start3A_199 = arith.constant 0 : i32
      %dma_start3A_200 = arith.constant 0 : i32
      %dma_start3A_201 = tpu.memref_slice %arg14[%dma_start3A_199, %dma_start3A_200] : memref<32x128xf32, #tpu.memory_space<vmem>> -> memref<40x128xf32, #tpu.memory_space<vmem>>
      tpu.enqueue_dma source(%dma_start3A_201 : memref<40x128xf32, #tpu.memory_space<vmem>>) target(%dma_start3A_198 : memref<40x128xf32, #tpu.memory_space<vmem_shared>>) target_semaphore(%run_scoped3A : memref<!tpu.dma_semaphore, #tpu.memory_space<semaphore_mem>>)
      %dma_wait3A_202 = arith.constant 0 : i32
      %dma_wait3A_203 = arith.constant 0 : i32
      %dma_wait3A_204 = tpu.memref_slice %arg14[%dma_wait3A_202, %dma_wait3A_203] : memref<32x128xf32, #tpu.memory_space<vmem>> -> memref<40x128xf32, #tpu.memory_space<vmem>>
      %dma_wait3A_205 = arith.constant 0 : i32
      %dma_wait3A_206 = tpu.memref_slice %arg15[%add3A_20, %dma_wait3A_205] : memref<10240x128xf32, #tpu.memory_space<vmem_shared>> -> memref<40x128xf32, #tpu.memory_space<vmem_shared>>
      %dma_wait3A_207 = arith.constant 0 : i32
      %dma_wait3A_208 = tpu.memref_slice %arg15[%add3A_20, %dma_wait3A_207] : memref<10240x128xf32, #tpu.memory_space<vmem_shared>> -> memref<40x128xf32, #tpu.memory_space<vmem_shared>>
      %dma_wait3A_209 = arith.constant 0 : i32
      %dma_wait3A_210 = arith.constant 0 : i32
      %dma_wait3A_211 = tpu.memref_slice %arg14[%dma_wait3A_209, %dma_wait3A_210] : memref<32x128xf32, #tpu.memory_space<vmem>> -> memref<40x128xf32, #tpu.memory_space<vmem>>
      tpu.wait_dma2 semaphore(%run_scoped3A : memref<!tpu.dma_semaphore, #tpu.memory_space<semaphore_mem>>) src(%dma_wait3A_211 : memref<40x128xf32, #tpu.memory_space<vmem>>) dst(%dma_wait3A_208 : memref<40x128xf32, #tpu.memory_space<vmem_shared>>)
      tpu.yield
    }) : () -> ()
    %mul3A_21 = arith.constant 640 : i32
    %mul3A_22 = arith.muli %arg1, %mul3A_21 : i32
    %add3A_23 = arith.constant 120 : i32
    %add3A_24 = arith.addi %mul3A_22, %add3A_23 : i32
    "tpu.region"() ({
      %run_scoped3A = tpu.sem_alloc : memref<!tpu.dma_semaphore, #tpu.memory_space<semaphore_mem>>
      %dma_start3A_192 = arith.constant 0 : i32
      %dma_start3A_193 = arith.constant 0 : i32
      %dma_start3A_194 = tpu.memref_slice %arg14[%dma_start3A_192, %dma_start3A_193] : memref<32x128xf32, #tpu.memory_space<vmem>> -> memref<40x128xf32, #tpu.memory_space<vmem>>
      %dma_start3A_195 = arith.constant 0 : i32
      %dma_start3A_196 = tpu.memref_slice %arg15[%add3A_24, %dma_start3A_195] : memref<10240x128xf32, #tpu.memory_space<vmem_shared>> -> memref<40x128xf32, #tpu.memory_space<vmem_shared>>
      %dma_start3A_197 = arith.constant 0 : i32
      %dma_start3A_198 = tpu.memref_slice %arg15[%add3A_24, %dma_start3A_197] : memref<10240x128xf32, #tpu.memory_space<vmem_shared>> -> memref<40x128xf32, #tpu.memory_space<vmem_shared>>
      %dma_start3A_199 = arith.constant 0 : i32
      %dma_start3A_200 = arith.constant 0 : i32
      %dma_start3A_201 = tpu.memref_slice %arg14[%dma_start3A_199, %dma_start3A_200] : memref<32x128xf32, #tpu.memory_space<vmem>> -> memref<40x128xf32, #tpu.memory_space<vmem>>
      tpu.enqueue_dma source(%dma_start3A_201 : memref<40x128xf32, #tpu.memory_space<vmem>>) target(%dma_start3A_198 : memref<40x128xf32, #tpu.memory_space<vmem_shared>>) target_semaphore(%run_scoped3A : memref<!tpu.dma_semaphore, #tpu.memory_space<semaphore_mem>>)
      %dma_wait3A_202 = arith.constant 0 : i32
      %dma_wait3A_203 = arith.constant 0 : i32
      %dma_wait3A_204 = tpu.memref_slice %arg14[%dma_wait3A_202, %dma_wait3A_203] : memref<32x128xf32, #tpu.memory_space<vmem>> -> memref<40x128xf32, #tpu.memory_space<vmem>>
      %dma_wait3A_205 = arith.constant 0 : i32
      %dma_wait3A_206 = tpu.memref_slice %arg15[%add3A_24, %dma_wait3A_205] : memref<10240x128xf32, #tpu.memory_space<vmem_shared>> -> memref<40x128xf32, #tpu.memory_space<vmem_shared>>
      %dma_wait3A_207 = arith.constant 0 : i32
      %dma_wait3A_208 = tpu.memref_slice %arg15[%add3A_24, %dma_wait3A_207] : memref<10240x128xf32, #tpu.memory_space<vmem_shared>> -> memref<40x128xf32, #tpu.memory_space<vmem_shared>>
      %dma_wait3A_209 = arith.constant 0 : i32
      %dma_wait3A_210 = arith.constant 0 : i32
      %dma_wait3A_211 = tpu.memref_slice %arg14[%dma_wait3A_209, %dma_wait3A_210] : memref<32x128xf32, #tpu.memory_space<vmem>> -> memref<40x128xf32, #tpu.memory_space<vmem>>
      tpu.wait_dma2 semaphore(%run_scoped3A : memref<!tpu.dma_semaphore, #tpu.memory_space<semaphore_mem>>) src(%dma_wait3A_211 : memref<40x128xf32, #tpu.memory_space<vmem>>) dst(%dma_wait3A_208 : memref<40x128xf32, #tpu.memory_space<vmem_shared>>)
      tpu.yield
    }) : () -> ()
    %mul3A_25 = arith.constant 640 : i32
    %mul3A_26 = arith.muli %arg1, %mul3A_25 : i32
    %add3A_27 = arith.constant 160 : i32
    %add3A_28 = arith.addi %mul3A_26, %add3A_27 : i32
    "tpu.region"() ({
      %run_scoped3A = tpu.sem_alloc : memref<!tpu.dma_semaphore, #tpu.memory_space<semaphore_mem>>
      %dma_start3A_192 = arith.constant 0 : i32
      %dma_start3A_193 = arith.constant 0 : i32
      %dma_start3A_194 = tpu.memref_slice %arg14[%dma_start3A_192, %dma_start3A_193] : memref<32x128xf32, #tpu.memory_space<vmem>> -> memref<40x128xf32, #tpu.memory_space<vmem>>
      %dma_start3A_195 = arith.constant 0 : i32
      %dma_start3A_196 = tpu.memref_slice %arg15[%add3A_28, %dma_start3A_195] : memref<10240x128xf32, #tpu.memory_space<vmem_shared>> -> memref<40x128xf32, #tpu.memory_space<vmem_shared>>
      %dma_start3A_197 = arith.constant 0 : i32
      %dma_start3A_198 = tpu.memref_slice %arg15[%add3A_28, %dma_start3A_197] : memref<10240x128xf32, #tpu.memory_space<vmem_shared>> -> memref<40x128xf32, #tpu.memory_space<vmem_shared>>
      %dma_start3A_199 = arith.constant 0 : i32
      %dma_start3A_200 = arith.constant 0 : i32
      %dma_start3A_201 = tpu.memref_slice %arg14[%dma_start3A_199, %dma_start3A_200] : memref<32x128xf32, #tpu.memory_space<vmem>> -> memref<40x128xf32, #tpu.memory_space<vmem>>
      tpu.enqueue_dma source(%dma_start3A_201 : memref<40x128xf32, #tpu.memory_space<vmem>>) target(%dma_start3A_198 : memref<40x128xf32, #tpu.memory_space<vmem_shared>>) target_semaphore(%run_scoped3A : memref<!tpu.dma_semaphore, #tpu.memory_space<semaphore_mem>>)
      %dma_wait3A_202 = arith.constant 0 : i32
      %dma_wait3A_203 = arith.constant 0 : i32
      %dma_wait3A_204 = tpu.memref_slice %arg14[%dma_wait3A_202, %dma_wait3A_203] : memref<32x128xf32, #tpu.memory_space<vmem>> -> memref<40x128xf32, #tpu.memory_space<vmem>>
      %dma_wait3A_205 = arith.constant 0 : i32
      %dma_wait3A_206 = tpu.memref_slice %arg15[%add3A_28, %dma_wait3A_205] : memref<10240x128xf32, #tpu.memory_space<vmem_shared>> -> memref<40x128xf32, #tpu.memory_space<vmem_shared>>
      %dma_wait3A_207 = arith.constant 0 : i32
      %dma_wait3A_208 = tpu.memref_slice %arg15[%add3A_28, %dma_wait3A_207] : memref<10240x128xf32, #tpu.memory_space<vmem_shared>> -> memref<40x128xf32, #tpu.memory_space<vmem_shared>>
      %dma_wait3A_209 = arith.constant 0 : i32
      %dma_wait3A_210 = arith.constant 0 : i32
      %dma_wait3A_211 = tpu.memref_slice %arg14[%dma_wait3A_209, %dma_wait3A_210] : memref<32x128xf32, #tpu.memory_space<vmem>> -> memref<40x128xf32, #tpu.memory_space<vmem>>
      tpu.wait_dma2 semaphore(%run_scoped3A : memref<!tpu.dma_semaphore, #tpu.memory_space<semaphore_mem>>) src(%dma_wait3A_211 : memref<40x128xf32, #tpu.memory_space<vmem>>) dst(%dma_wait3A_208 : memref<40x128xf32, #tpu.memory_space<vmem_shared>>)
      tpu.yield
    }) : () -> ()
    %mul3A_29 = arith.constant 640 : i32
    %mul3A_30 = arith.muli %arg1, %mul3A_29 : i32
    %add3A_31 = arith.constant 200 : i32
    %add3A_32 = arith.addi %mul3A_30, %add3A_31 : i32
    "tpu.region"() ({
      %run_scoped3A = tpu.sem_alloc : memref<!tpu.dma_semaphore, #tpu.memory_space<semaphore_mem>>
      %dma_start3A_192 = arith.constant 0 : i32
      %dma_start3A_193 = arith.constant 0 : i32
      %dma_start3A_194 = tpu.memref_slice %arg14[%dma_start3A_192, %dma_start3A_193] : memref<32x128xf32, #tpu.memory_space<vmem>> -> memref<40x128xf32, #tpu.memory_space<vmem>>
      %dma_start3A_195 = arith.constant 0 : i32
      %dma_start3A_196 = tpu.memref_slice %arg15[%add3A_32, %dma_start3A_195] : memref<10240x128xf32, #tpu.memory_space<vmem_shared>> -> memref<40x128xf32, #tpu.memory_space<vmem_shared>>
      %dma_start3A_197 = arith.constant 0 : i32
      %dma_start3A_198 = tpu.memref_slice %arg15[%add3A_32, %dma_start3A_197] : memref<10240x128xf32, #tpu.memory_space<vmem_shared>> -> memref<40x128xf32, #tpu.memory_space<vmem_shared>>
      %dma_start3A_199 = arith.constant 0 : i32
      %dma_start3A_200 = arith.constant 0 : i32
      %dma_start3A_201 = tpu.memref_slice %arg14[%dma_start3A_199, %dma_start3A_200] : memref<32x128xf32, #tpu.memory_space<vmem>> -> memref<40x128xf32, #tpu.memory_space<vmem>>
      tpu.enqueue_dma source(%dma_start3A_201 : memref<40x128xf32, #tpu.memory_space<vmem>>) target(%dma_start3A_198 : memref<40x128xf32, #tpu.memory_space<vmem_shared>>) target_semaphore(%run_scoped3A : memref<!tpu.dma_semaphore, #tpu.memory_space<semaphore_mem>>)
      %dma_wait3A_202 = arith.constant 0 : i32
      %dma_wait3A_203 = arith.constant 0 : i32
      %dma_wait3A_204 = tpu.memref_slice %arg14[%dma_wait3A_202, %dma_wait3A_203] : memref<32x128xf32, #tpu.memory_space<vmem>> -> memref<40x128xf32, #tpu.memory_space<vmem>>
      %dma_wait3A_205 = arith.constant 0 : i32
      %dma_wait3A_206 = tpu.memref_slice %arg15[%add3A_32, %dma_wait3A_205] : memref<10240x128xf32, #tpu.memory_space<vmem_shared>> -> memref<40x128xf32, #tpu.memory_space<vmem_shared>>
      %dma_wait3A_207 = arith.constant 0 : i32
      %dma_wait3A_208 = tpu.memref_slice %arg15[%add3A_32, %dma_wait3A_207] : memref<10240x128xf32, #tpu.memory_space<vmem_shared>> -> memref<40x128xf32, #tpu.memory_space<vmem_shared>>
      %dma_wait3A_209 = arith.constant 0 : i32
      %dma_wait3A_210 = arith.constant 0 : i32
      %dma_wait3A_211 = tpu.memref_slice %arg14[%dma_wait3A_209, %dma_wait3A_210] : memref<32x128xf32, #tpu.memory_space<vmem>> -> memref<40x128xf32, #tpu.memory_space<vmem>>
      tpu.wait_dma2 semaphore(%run_scoped3A : memref<!tpu.dma_semaphore, #tpu.memory_space<semaphore_mem>>) src(%dma_wait3A_211 : memref<40x128xf32, #tpu.memory_space<vmem>>) dst(%dma_wait3A_208 : memref<40x128xf32, #tpu.memory_space<vmem_shared>>)
      tpu.yield
    }) : () -> ()
    %mul3A_33 = arith.constant 640 : i32
    %mul3A_34 = arith.muli %arg1, %mul3A_33 : i32
    %add3A_35 = arith.constant 240 : i32
    %add3A_36 = arith.addi %mul3A_34, %add3A_35 : i32
    "tpu.region"() ({
      %run_scoped3A = tpu.sem_alloc : memref<!tpu.dma_semaphore, #tpu.memory_space<semaphore_mem>>
      %dma_start3A_192 = arith.constant 0 : i32
      %dma_start3A_193 = arith.constant 0 : i32
      %dma_start3A_194 = tpu.memref_slice %arg14[%dma_start3A_192, %dma_start3A_193] : memref<32x128xf32, #tpu.memory_space<vmem>> -> memref<40x128xf32, #tpu.memory_space<vmem>>
      %dma_start3A_195 = arith.constant 0 : i32
      %dma_start3A_196 = tpu.memref_slice %arg15[%add3A_36, %dma_start3A_195] : memref<10240x128xf32, #tpu.memory_space<vmem_shared>> -> memref<40x128xf32, #tpu.memory_space<vmem_shared>>
      %dma_start3A_197 = arith.constant 0 : i32
      %dma_start3A_198 = tpu.memref_slice %arg15[%add3A_36, %dma_start3A_197] : memref<10240x128xf32, #tpu.memory_space<vmem_shared>> -> memref<40x128xf32, #tpu.memory_space<vmem_shared>>
      %dma_start3A_199 = arith.constant 0 : i32
      %dma_start3A_200 = arith.constant 0 : i32
      %dma_start3A_201 = tpu.memref_slice %arg14[%dma_start3A_199, %dma_start3A_200] : memref<32x128xf32, #tpu.memory_space<vmem>> -> memref<40x128xf32, #tpu.memory_space<vmem>>
      tpu.enqueue_dma source(%dma_start3A_201 : memref<40x128xf32, #tpu.memory_space<vmem>>) target(%dma_start3A_198 : memref<40x128xf32, #tpu.memory_space<vmem_shared>>) target_semaphore(%run_scoped3A : memref<!tpu.dma_semaphore, #tpu.memory_space<semaphore_mem>>)
      %dma_wait3A_202 = arith.constant 0 : i32
      %dma_wait3A_203 = arith.constant 0 : i32
      %dma_wait3A_204 = tpu.memref_slice %arg14[%dma_wait3A_202, %dma_wait3A_203] : memref<32x128xf32, #tpu.memory_space<vmem>> -> memref<40x128xf32, #tpu.memory_space<vmem>>
      %dma_wait3A_205 = arith.constant 0 : i32
      %dma_wait3A_206 = tpu.memref_slice %arg15[%add3A_36, %dma_wait3A_205] : memref<10240x128xf32, #tpu.memory_space<vmem_shared>> -> memref<40x128xf32, #tpu.memory_space<vmem_shared>>
      %dma_wait3A_207 = arith.constant 0 : i32
      %dma_wait3A_208 = tpu.memref_slice %arg15[%add3A_36, %dma_wait3A_207] : memref<10240x128xf32, #tpu.memory_space<vmem_shared>> -> memref<40x128xf32, #tpu.memory_space<vmem_shared>>
      %dma_wait3A_209 = arith.constant 0 : i32
      %dma_wait3A_210 = arith.constant 0 : i32
      %dma_wait3A_211 = tpu.memref_slice %arg14[%dma_wait3A_209, %dma_wait3A_210] : memref<32x128xf32, #tpu.memory_space<vmem>> -> memref<40x128xf32, #tpu.memory_space<vmem>>
      tpu.wait_dma2 semaphore(%run_scoped3A : memref<!tpu.dma_semaphore, #tpu.memory_space<semaphore_mem>>) src(%dma_wait3A_211 : memref<40x128xf32, #tpu.memory_space<vmem>>) dst(%dma_wait3A_208 : memref<40x128xf32, #tpu.memory_space<vmem_shared>>)
      tpu.yield
    }) : () -> ()
    %mul3A_37 = arith.constant 640 : i32
    %mul3A_38 = arith.muli %arg1, %mul3A_37 : i32
    %add3A_39 = arith.constant 280 : i32
    %add3A_40 = arith.addi %mul3A_38, %add3A_39 : i32
    "tpu.region"() ({
      %run_scoped3A = tpu.sem_alloc : memref<!tpu.dma_semaphore, #tpu.memory_space<semaphore_mem>>
      %dma_start3A_192 = arith.constant 0 : i32
      %dma_start3A_193 = arith.constant 0 : i32
      %dma_start3A_194 = tpu.memref_slice %arg14[%dma_start3A_192, %dma_start3A_193] : memref<32x128xf32, #tpu.memory_space<vmem>> -> memref<40x128xf32, #tpu.memory_space<vmem>>
      %dma_start3A_195 = arith.constant 0 : i32
      %dma_start3A_196 = tpu.memref_slice %arg15[%add3A_40, %dma_start3A_195] : memref<10240x128xf32, #tpu.memory_space<vmem_shared>> -> memref<40x128xf32, #tpu.memory_space<vmem_shared>>
      %dma_start3A_197 = arith.constant 0 : i32
      %dma_start3A_198 = tpu.memref_slice %arg15[%add3A_40, %dma_start3A_197] : memref<10240x128xf32, #tpu.memory_space<vmem_shared>> -> memref<40x128xf32, #tpu.memory_space<vmem_shared>>
      %dma_start3A_199 = arith.constant 0 : i32
      %dma_start3A_200 = arith.constant 0 : i32
      %dma_start3A_201 = tpu.memref_slice %arg14[%dma_start3A_199, %dma_start3A_200] : memref<32x128xf32, #tpu.memory_space<vmem>> -> memref<40x128xf32, #tpu.memory_space<vmem>>
      tpu.enqueue_dma source(%dma_start3A_201 : memref<40x128xf32, #tpu.memory_space<vmem>>) target(%dma_start3A_198 : memref<40x128xf32, #tpu.memory_space<vmem_shared>>) target_semaphore(%run_scoped3A : memref<!tpu.dma_semaphore, #tpu.memory_space<semaphore_mem>>)
      %dma_wait3A_202 = arith.constant 0 : i32
      %dma_wait3A_203 = arith.constant 0 : i32
      %dma_wait3A_204 = tpu.memref_slice %arg14[%dma_wait3A_202, %dma_wait3A_203] : memref<32x128xf32, #tpu.memory_space<vmem>> -> memref<40x128xf32, #tpu.memory_space<vmem>>
      %dma_wait3A_205 = arith.constant 0 : i32
      %dma_wait3A_206 = tpu.memref_slice %arg15[%add3A_40, %dma_wait3A_205] : memref<10240x128xf32, #tpu.memory_space<vmem_shared>> -> memref<40x128xf32, #tpu.memory_space<vmem_shared>>
      %dma_wait3A_207 = arith.constant 0 : i32
      %dma_wait3A_208 = tpu.memref_slice %arg15[%add3A_40, %dma_wait3A_207] : memref<10240x128xf32, #tpu.memory_space<vmem_shared>> -> memref<40x128xf32, #tpu.memory_space<vmem_shared>>
      %dma_wait3A_209 = arith.constant 0 : i32
      %dma_wait3A_210 = arith.constant 0 : i32
      %dma_wait3A_211 = tpu.memref_slice %arg14[%dma_wait3A_209, %dma_wait3A_210] : memref<32x128xf32, #tpu.memory_space<vmem>> -> memref<40x128xf32, #tpu.memory_space<vmem>>
      tpu.wait_dma2 semaphore(%run_scoped3A : memref<!tpu.dma_semaphore, #tpu.memory_space<semaphore_mem>>) src(%dma_wait3A_211 : memref<40x128xf32, #tpu.memory_space<vmem>>) dst(%dma_wait3A_208 : memref<40x128xf32, #tpu.memory_space<vmem_shared>>)
      tpu.yield
    }) : () -> ()
    %mul3A_41 = arith.constant 640 : i32
    %mul3A_42 = arith.muli %arg1, %mul3A_41 : i32
    %add3A_43 = arith.constant 320 : i32
    %add3A_44 = arith.addi %mul3A_42, %add3A_43 : i32
    "tpu.region"() ({
      %run_scoped3A = tpu.sem_alloc : memref<!tpu.dma_semaphore, #tpu.memory_space<semaphore_mem>>
      %dma_start3A_192 = arith.constant 0 : i32
      %dma_start3A_193 = arith.constant 0 : i32
      %dma_start3A_194 = tpu.memref_slice %arg14[%dma_start3A_192, %dma_start3A_193] : memref<32x128xf32, #tpu.memory_space<vmem>> -> memref<40x128xf32, #tpu.memory_space<vmem>>
      %dma_start3A_195 = arith.constant 0 : i32
      %dma_start3A_196 = tpu.memref_slice %arg15[%add3A_44, %dma_start3A_195] : memref<10240x128xf32, #tpu.memory_space<vmem_shared>> -> memref<40x128xf32, #tpu.memory_space<vmem_shared>>
      %dma_start3A_197 = arith.constant 0 : i32
      %dma_start3A_198 = tpu.memref_slice %arg15[%add3A_44, %dma_start3A_197] : memref<10240x128xf32, #tpu.memory_space<vmem_shared>> -> memref<40x128xf32, #tpu.memory_space<vmem_shared>>
      %dma_start3A_199 = arith.constant 0 : i32
      %dma_start3A_200 = arith.constant 0 : i32
      %dma_start3A_201 = tpu.memref_slice %arg14[%dma_start3A_199, %dma_start3A_200] : memref<32x128xf32, #tpu.memory_space<vmem>> -> memref<40x128xf32, #tpu.memory_space<vmem>>
      tpu.enqueue_dma source(%dma_start3A_201 : memref<40x128xf32, #tpu.memory_space<vmem>>) target(%dma_start3A_198 : memref<40x128xf32, #tpu.memory_space<vmem_shared>>) target_semaphore(%run_scoped3A : memref<!tpu.dma_semaphore, #tpu.memory_space<semaphore_mem>>)
      %dma_wait3A_202 = arith.constant 0 : i32
      %dma_wait3A_203 = arith.constant 0 : i32
      %dma_wait3A_204 = tpu.memref_slice %arg14[%dma_wait3A_202, %dma_wait3A_203] : memref<32x128xf32, #tpu.memory_space<vmem>> -> memref<40x128xf32, #tpu.memory_space<vmem>>
      %dma_wait3A_205 = arith.constant 0 : i32
      %dma_wait3A_206 = tpu.memref_slice %arg15[%add3A_44, %dma_wait3A_205] : memref<10240x128xf32, #tpu.memory_space<vmem_shared>> -> memref<40x128xf32, #tpu.memory_space<vmem_shared>>
      %dma_wait3A_207 = arith.constant 0 : i32
      %dma_wait3A_208 = tpu.memref_slice %arg15[%add3A_44, %dma_wait3A_207] : memref<10240x128xf32, #tpu.memory_space<vmem_shared>> -> memref<40x128xf32, #tpu.memory_space<vmem_shared>>
      %dma_wait3A_209 = arith.constant 0 : i32
      %dma_wait3A_210 = arith.constant 0 : i32
      %dma_wait3A_211 = tpu.memref_slice %arg14[%dma_wait3A_209, %dma_wait3A_210] : memref<32x128xf32, #tpu.memory_space<vmem>> -> memref<40x128xf32, #tpu.memory_space<vmem>>
      tpu.wait_dma2 semaphore(%run_scoped3A : memref<!tpu.dma_semaphore, #tpu.memory_space<semaphore_mem>>) src(%dma_wait3A_211 : memref<40x128xf32, #tpu.memory_space<vmem>>) dst(%dma_wait3A_208 : memref<40x128xf32, #tpu.memory_space<vmem_shared>>)
      tpu.yield
    }) : () -> ()
    %mul3A_45 = arith.constant 640 : i32
    %mul3A_46 = arith.muli %arg1, %mul3A_45 : i32
    %add3A_47 = arith.constant 360 : i32
    %add3A_48 = arith.addi %mul3A_46, %add3A_47 : i32
    "tpu.region"() ({
      %run_scoped3A = tpu.sem_alloc : memref<!tpu.dma_semaphore, #tpu.memory_space<semaphore_mem>>
      %dma_start3A_192 = arith.constant 0 : i32
      %dma_start3A_193 = arith.constant 0 : i32
      %dma_start3A_194 = tpu.memref_slice %arg14[%dma_start3A_192, %dma_start3A_193] : memref<32x128xf32, #tpu.memory_space<vmem>> -> memref<40x128xf32, #tpu.memory_space<vmem>>
      %dma_start3A_195 = arith.constant 0 : i32
      %dma_start3A_196 = tpu.memref_slice %arg15[%add3A_48, %dma_start3A_195] : memref<10240x128xf32, #tpu.memory_space<vmem_shared>> -> memref<40x128xf32, #tpu.memory_space<vmem_shared>>
      %dma_start3A_197 = arith.constant 0 : i32
      %dma_start3A_198 = tpu.memref_slice %arg15[%add3A_48, %dma_start3A_197] : memref<10240x128xf32, #tpu.memory_space<vmem_shared>> -> memref<40x128xf32, #tpu.memory_space<vmem_shared>>
      %dma_start3A_199 = arith.constant 0 : i32
      %dma_start3A_200 = arith.constant 0 : i32
      %dma_start3A_201 = tpu.memref_slice %arg14[%dma_start3A_199, %dma_start3A_200] : memref<32x128xf32, #tpu.memory_space<vmem>> -> memref<40x128xf32, #tpu.memory_space<vmem>>
      tpu.enqueue_dma source(%dma_start3A_201 : memref<40x128xf32, #tpu.memory_space<vmem>>) target(%dma_start3A_198 : memref<40x128xf32, #tpu.memory_space<vmem_shared>>) target_semaphore(%run_scoped3A : memref<!tpu.dma_semaphore, #tpu.memory_space<semaphore_mem>>)
      %dma_wait3A_202 = arith.constant 0 : i32
      %dma_wait3A_203 = arith.constant 0 : i32
      %dma_wait3A_204 = tpu.memref_slice %arg14[%dma_wait3A_202, %dma_wait3A_203] : memref<32x128xf32, #tpu.memory_space<vmem>> -> memref<40x128xf32, #tpu.memory_space<vmem>>
      %dma_wait3A_205 = arith.constant 0 : i32
      %dma_wait3A_206 = tpu.memref_slice %arg15[%add3A_48, %dma_wait3A_205] : memref<10240x128xf32, #tpu.memory_space<vmem_shared>> -> memref<40x128xf32, #tpu.memory_space<vmem_shared>>
      %dma_wait3A_207 = arith.constant 0 : i32
      %dma_wait3A_208 = tpu.memref_slice %arg15[%add3A_48, %dma_wait3A_207] : memref<10240x128xf32, #tpu.memory_space<vmem_shared>> -> memref<40x128xf32, #tpu.memory_space<vmem_shared>>
      %dma_wait3A_209 = arith.constant 0 : i32
      %dma_wait3A_210 = arith.constant 0 : i32
      %dma_wait3A_211 = tpu.memref_slice %arg14[%dma_wait3A_209, %dma_wait3A_210] : memref<32x128xf32, #tpu.memory_space<vmem>> -> memref<40x128xf32, #tpu.memory_space<vmem>>
      tpu.wait_dma2 semaphore(%run_scoped3A : memref<!tpu.dma_semaphore, #tpu.memory_space<semaphore_mem>>) src(%dma_wait3A_211 : memref<40x128xf32, #tpu.memory_space<vmem>>) dst(%dma_wait3A_208 : memref<40x128xf32, #tpu.memory_space<vmem_shared>>)
      tpu.yield
    }) : () -> ()
    %mul3A_49 = arith.constant 640 : i32
    %mul3A_50 = arith.muli %arg1, %mul3A_49 : i32
    %add3A_51 = arith.constant 400 : i32
    %add3A_52 = arith.addi %mul3A_50, %add3A_51 : i32
    "tpu.region"() ({
      %run_scoped3A = tpu.sem_alloc : memref<!tpu.dma_semaphore, #tpu.memory_space<semaphore_mem>>
      %dma_start3A_192 = arith.constant 0 : i32
      %dma_start3A_193 = arith.constant 0 : i32
      %dma_start3A_194 = tpu.memref_slice %arg14[%dma_start3A_192, %dma_start3A_193] : memref<32x128xf32, #tpu.memory_space<vmem>> -> memref<40x128xf32, #tpu.memory_space<vmem>>
      %dma_start3A_195 = arith.constant 0 : i32
      %dma_start3A_196 = tpu.memref_slice %arg15[%add3A_52, %dma_start3A_195] : memref<10240x128xf32, #tpu.memory_space<vmem_shared>> -> memref<40x128xf32, #tpu.memory_space<vmem_shared>>
      %dma_start3A_197 = arith.constant 0 : i32
      %dma_start3A_198 = tpu.memref_slice %arg15[%add3A_52, %dma_start3A_197] : memref<10240x128xf32, #tpu.memory_space<vmem_shared>> -> memref<40x128xf32, #tpu.memory_space<vmem_shared>>
      %dma_start3A_199 = arith.constant 0 : i32
      %dma_start3A_200 = arith.constant 0 : i32
      %dma_start3A_201 = tpu.memref_slice %arg14[%dma_start3A_199, %dma_start3A_200] : memref<32x128xf32, #tpu.memory_space<vmem>> -> memref<40x128xf32, #tpu.memory_space<vmem>>
      tpu.enqueue_dma source(%dma_start3A_201 : memref<40x128xf32, #tpu.memory_space<vmem>>) target(%dma_start3A_198 : memref<40x128xf32, #tpu.memory_space<vmem_shared>>) target_semaphore(%run_scoped3A : memref<!tpu.dma_semaphore, #tpu.memory_space<semaphore_mem>>)
      %dma_wait3A_202 = arith.constant 0 : i32
      %dma_wait3A_203 = arith.constant 0 : i32
      %dma_wait3A_204 = tpu.memref_slice %arg14[%dma_wait3A_202, %dma_wait3A_203] : memref<32x128xf32, #tpu.memory_space<vmem>> -> memref<40x128xf32, #tpu.memory_space<vmem>>
      %dma_wait3A_205 = arith.constant 0 : i32
      %dma_wait3A_206 = tpu.memref_slice %arg15[%add3A_52, %dma_wait3A_205] : memref<10240x128xf32, #tpu.memory_space<vmem_shared>> -> memref<40x128xf32, #tpu.memory_space<vmem_shared>>
      %dma_wait3A_207 = arith.constant 0 : i32
      %dma_wait3A_208 = tpu.memref_slice %arg15[%add3A_52, %dma_wait3A_207] : memref<10240x128xf32, #tpu.memory_space<vmem_shared>> -> memref<40x128xf32, #tpu.memory_space<vmem_shared>>
      %dma_wait3A_209 = arith.constant 0 : i32
      %dma_wait3A_210 = arith.constant 0 : i32
      %dma_wait3A_211 = tpu.memref_slice %arg14[%dma_wait3A_209, %dma_wait3A_210] : memref<32x128xf32, #tpu.memory_space<vmem>> -> memref<40x128xf32, #tpu.memory_space<vmem>>
      tpu.wait_dma2 semaphore(%run_scoped3A : memref<!tpu.dma_semaphore, #tpu.memory_space<semaphore_mem>>) src(%dma_wait3A_211 : memref<40x128xf32, #tpu.memory_space<vmem>>) dst(%dma_wait3A_208 : memref<40x128xf32, #tpu.memory_space<vmem_shared>>)
      tpu.yield
    }) : () -> ()
    %mul3A_53 = arith.constant 640 : i32
    %mul3A_54 = arith.muli %arg1, %mul3A_53 : i32
    %add3A_55 = arith.constant 440 : i32
    %add3A_56 = arith.addi %mul3A_54, %add3A_55 : i32
    "tpu.region"() ({
      %run_scoped3A = tpu.sem_alloc : memref<!tpu.dma_semaphore, #tpu.memory_space<semaphore_mem>>
      %dma_start3A_192 = arith.constant 0 : i32
      %dma_start3A_193 = arith.constant 0 : i32
      %dma_start3A_194 = tpu.memref_slice %arg14[%dma_start3A_192, %dma_start3A_193] : memref<32x128xf32, #tpu.memory_space<vmem>> -> memref<40x128xf32, #tpu.memory_space<vmem>>
      %dma_start3A_195 = arith.constant 0 : i32
      %dma_start3A_196 = tpu.memref_slice %arg15[%add3A_56, %dma_start3A_195] : memref<10240x128xf32, #tpu.memory_space<vmem_shared>> -> memref<40x128xf32, #tpu.memory_space<vmem_shared>>
      %dma_start3A_197 = arith.constant 0 : i32
      %dma_start3A_198 = tpu.memref_slice %arg15[%add3A_56, %dma_start3A_197] : memref<10240x128xf32, #tpu.memory_space<vmem_shared>> -> memref<40x128xf32, #tpu.memory_space<vmem_shared>>
      %dma_start3A_199 = arith.constant 0 : i32
      %dma_start3A_200 = arith.constant 0 : i32
      %dma_start3A_201 = tpu.memref_slice %arg14[%dma_start3A_199, %dma_start3A_200] : memref<32x128xf32, #tpu.memory_space<vmem>> -> memref<40x128xf32, #tpu.memory_space<vmem>>
      tpu.enqueue_dma source(%dma_start3A_201 : memref<40x128xf32, #tpu.memory_space<vmem>>) target(%dma_start3A_198 : memref<40x128xf32, #tpu.memory_space<vmem_shared>>) target_semaphore(%run_scoped3A : memref<!tpu.dma_semaphore, #tpu.memory_space<semaphore_mem>>)
      %dma_wait3A_202 = arith.constant 0 : i32
      %dma_wait3A_203 = arith.constant 0 : i32
      %dma_wait3A_204 = tpu.memref_slice %arg14[%dma_wait3A_202, %dma_wait3A_203] : memref<32x128xf32, #tpu.memory_space<vmem>> -> memref<40x128xf32, #tpu.memory_space<vmem>>
      %dma_wait3A_205 = arith.constant 0 : i32
      %dma_wait3A_206 = tpu.memref_slice %arg15[%add3A_56, %dma_wait3A_205] : memref<10240x128xf32, #tpu.memory_space<vmem_shared>> -> memref<40x128xf32, #tpu.memory_space<vmem_shared>>
      %dma_wait3A_207 = arith.constant 0 : i32
      %dma_wait3A_208 = tpu.memref_slice %arg15[%add3A_56, %dma_wait3A_207] : memref<10240x128xf32, #tpu.memory_space<vmem_shared>> -> memref<40x128xf32, #tpu.memory_space<vmem_shared>>
      %dma_wait3A_209 = arith.constant 0 : i32
      %dma_wait3A_210 = arith.constant 0 : i32
      %dma_wait3A_211 = tpu.memref_slice %arg14[%dma_wait3A_209, %dma_wait3A_210] : memref<32x128xf32, #tpu.memory_space<vmem>> -> memref<40x128xf32, #tpu.memory_space<vmem>>
      tpu.wait_dma2 semaphore(%run_scoped3A : memref<!tpu.dma_semaphore, #tpu.memory_space<semaphore_mem>>) src(%dma_wait3A_211 : memref<40x128xf32, #tpu.memory_space<vmem>>) dst(%dma_wait3A_208 : memref<40x128xf32, #tpu.memory_space<vmem_shared>>)
      tpu.yield
    }) : () -> ()
    %mul3A_57 = arith.constant 640 : i32
    %mul3A_58 = arith.muli %arg1, %mul3A_57 : i32
    %add3A_59 = arith.constant 480 : i32
    %add3A_60 = arith.addi %mul3A_58, %add3A_59 : i32
    "tpu.region"() ({
      %run_scoped3A = tpu.sem_alloc : memref<!tpu.dma_semaphore, #tpu.memory_space<semaphore_mem>>
      %dma_start3A_192 = arith.constant 0 : i32
      %dma_start3A_193 = arith.constant 0 : i32
      %dma_start3A_194 = tpu.memref_slice %arg14[%dma_start3A_192, %dma_start3A_193] : memref<32x128xf32, #tpu.memory_space<vmem>> -> memref<40x128xf32, #tpu.memory_space<vmem>>
      %dma_start3A_195 = arith.constant 0 : i32
      %dma_start3A_196 = tpu.memref_slice %arg15[%add3A_60, %dma_start3A_195] : memref<10240x128xf32, #tpu.memory_space<vmem_shared>> -> memref<40x128xf32, #tpu.memory_space<vmem_shared>>
      %dma_start3A_197 = arith.constant 0 : i32
      %dma_start3A_198 = tpu.memref_slice %arg15[%add3A_60, %dma_start3A_197] : memref<10240x128xf32, #tpu.memory_space<vmem_shared>> -> memref<40x128xf32, #tpu.memory_space<vmem_shared>>
      %dma_start3A_199 = arith.constant 0 : i32
      %dma_start3A_200 = arith.constant 0 : i32
      %dma_start3A_201 = tpu.memref_slice %arg14[%dma_start3A_199, %dma_start3A_200] : memref<32x128xf32, #tpu.memory_space<vmem>> -> memref<40x128xf32, #tpu.memory_space<vmem>>
      tpu.enqueue_dma source(%dma_start3A_201 : memref<40x128xf32, #tpu.memory_space<vmem>>) target(%dma_start3A_198 : memref<40x128xf32, #tpu.memory_space<vmem_shared>>) target_semaphore(%run_scoped3A : memref<!tpu.dma_semaphore, #tpu.memory_space<semaphore_mem>>)
      %dma_wait3A_202 = arith.constant 0 : i32
      %dma_wait3A_203 = arith.constant 0 : i32
      %dma_wait3A_204 = tpu.memref_slice %arg14[%dma_wait3A_202, %dma_wait3A_203] : memref<32x128xf32, #tpu.memory_space<vmem>> -> memref<40x128xf32, #tpu.memory_space<vmem>>
      %dma_wait3A_205 = arith.constant 0 : i32
      %dma_wait3A_206 = tpu.memref_slice %arg15[%add3A_60, %dma_wait3A_205] : memref<10240x128xf32, #tpu.memory_space<vmem_shared>> -> memref<40x128xf32, #tpu.memory_space<vmem_shared>>
      %dma_wait3A_207 = arith.constant 0 : i32
      %dma_wait3A_208 = tpu.memref_slice %arg15[%add3A_60, %dma_wait3A_207] : memref<10240x128xf32, #tpu.memory_space<vmem_shared>> -> memref<40x128xf32, #tpu.memory_space<vmem_shared>>
      %dma_wait3A_209 = arith.constant 0 : i32
      %dma_wait3A_210 = arith.constant 0 : i32
      %dma_wait3A_211 = tpu.memref_slice %arg14[%dma_wait3A_209, %dma_wait3A_210] : memref<32x128xf32, #tpu.memory_space<vmem>> -> memref<40x128xf32, #tpu.memory_space<vmem>>
      tpu.wait_dma2 semaphore(%run_scoped3A : memref<!tpu.dma_semaphore, #tpu.memory_space<semaphore_mem>>) src(%dma_wait3A_211 : memref<40x128xf32, #tpu.memory_space<vmem>>) dst(%dma_wait3A_208 : memref<40x128xf32, #tpu.memory_space<vmem_shared>>)
      tpu.yield
    }) : () -> ()
    %mul3A_61 = arith.constant 640 : i32
    %mul3A_62 = arith.muli %arg1, %mul3A_61 : i32
    %add3A_63 = arith.constant 520 : i32
    %add3A_64 = arith.addi %mul3A_62, %add3A_63 : i32
    "tpu.region"() ({
      %run_scoped3A = tpu.sem_alloc : memref<!tpu.dma_semaphore, #tpu.memory_space<semaphore_mem>>
      %dma_start3A_192 = arith.constant 0 : i32
      %dma_start3A_193 = arith.constant 0 : i32
      %dma_start3A_194 = tpu.memref_slice %arg14[%dma_start3A_192, %dma_start3A_193] : memref<32x128xf32, #tpu.memory_space<vmem>> -> memref<40x128xf32, #tpu.memory_space<vmem>>
      %dma_start3A_195 = arith.constant 0 : i32
      %dma_start3A_196 = tpu.memref_slice %arg15[%add3A_64, %dma_start3A_195] : memref<10240x128xf32, #tpu.memory_space<vmem_shared>> -> memref<40x128xf32, #tpu.memory_space<vmem_shared>>
      %dma_start3A_197 = arith.constant 0 : i32
      %dma_start3A_198 = tpu.memref_slice %arg15[%add3A_64, %dma_start3A_197] : memref<10240x128xf32, #tpu.memory_space<vmem_shared>> -> memref<40x128xf32, #tpu.memory_space<vmem_shared>>
      %dma_start3A_199 = arith.constant 0 : i32
      %dma_start3A_200 = arith.constant 0 : i32
      %dma_start3A_201 = tpu.memref_slice %arg14[%dma_start3A_199, %dma_start3A_200] : memref<32x128xf32, #tpu.memory_space<vmem>> -> memref<40x128xf32, #tpu.memory_space<vmem>>
      tpu.enqueue_dma source(%dma_start3A_201 : memref<40x128xf32, #tpu.memory_space<vmem>>) target(%dma_start3A_198 : memref<40x128xf32, #tpu.memory_space<vmem_shared>>) target_semaphore(%run_scoped3A : memref<!tpu.dma_semaphore, #tpu.memory_space<semaphore_mem>>)
      %dma_wait3A_202 = arith.constant 0 : i32
      %dma_wait3A_203 = arith.constant 0 : i32
      %dma_wait3A_204 = tpu.memref_slice %arg14[%dma_wait3A_202, %dma_wait3A_203] : memref<32x128xf32, #tpu.memory_space<vmem>> -> memref<40x128xf32, #tpu.memory_space<vmem>>
      %dma_wait3A_205 = arith.constant 0 : i32
      %dma_wait3A_206 = tpu.memref_slice %arg15[%add3A_64, %dma_wait3A_205] : memref<10240x128xf32, #tpu.memory_space<vmem_shared>> -> memref<40x128xf32, #tpu.memory_space<vmem_shared>>
      %dma_wait3A_207 = arith.constant 0 : i32
      %dma_wait3A_208 = tpu.memref_slice %arg15[%add3A_64, %dma_wait3A_207] : memref<10240x128xf32, #tpu.memory_space<vmem_shared>> -> memref<40x128xf32, #tpu.memory_space<vmem_shared>>
      %dma_wait3A_209 = arith.constant 0 : i32
      %dma_wait3A_210 = arith.constant 0 : i32
      %dma_wait3A_211 = tpu.memref_slice %arg14[%dma_wait3A_209, %dma_wait3A_210] : memref<32x128xf32, #tpu.memory_space<vmem>> -> memref<40x128xf32, #tpu.memory_space<vmem>>
      tpu.wait_dma2 semaphore(%run_scoped3A : memref<!tpu.dma_semaphore, #tpu.memory_space<semaphore_mem>>) src(%dma_wait3A_211 : memref<40x128xf32, #tpu.memory_space<vmem>>) dst(%dma_wait3A_208 : memref<40x128xf32, #tpu.memory_space<vmem_shared>>)
      tpu.yield
    }) : () -> ()
    %mul3A_65 = arith.constant 640 : i32
    %mul3A_66 = arith.muli %arg1, %mul3A_65 : i32
    %add3A_67 = arith.constant 560 : i32
    %add3A_68 = arith.addi %mul3A_66, %add3A_67 : i32
    "tpu.region"() ({
      %run_scoped3A = tpu.sem_alloc : memref<!tpu.dma_semaphore, #tpu.memory_space<semaphore_mem>>
      %dma_start3A_192 = arith.constant 0 : i32
      %dma_start3A_193 = arith.constant 0 : i32
      %dma_start3A_194 = tpu.memref_slice %arg14[%dma_start3A_192, %dma_start3A_193] : memref<32x128xf32, #tpu.memory_space<vmem>> -> memref<40x128xf32, #tpu.memory_space<vmem>>
      %dma_start3A_195 = arith.constant 0 : i32
      %dma_start3A_196 = tpu.memref_slice %arg15[%add3A_68, %dma_start3A_195] : memref<10240x128xf32, #tpu.memory_space<vmem_shared>> -> memref<40x128xf32, #tpu.memory_space<vmem_shared>>
      %dma_start3A_197 = arith.constant 0 : i32
      %dma_start3A_198 = tpu.memref_slice %arg15[%add3A_68, %dma_start3A_197] : memref<10240x128xf32, #tpu.memory_space<vmem_shared>> -> memref<40x128xf32, #tpu.memory_space<vmem_shared>>
      %dma_start3A_199 = arith.constant 0 : i32
      %dma_start3A_200 = arith.constant 0 : i32
      %dma_start3A_201 = tpu.memref_slice %arg14[%dma_start3A_199, %dma_start3A_200] : memref<32x128xf32, #tpu.memory_space<vmem>> -> memref<40x128xf32, #tpu.memory_space<vmem>>
      tpu.enqueue_dma source(%dma_start3A_201 : memref<40x128xf32, #tpu.memory_space<vmem>>) target(%dma_start3A_198 : memref<40x128xf32, #tpu.memory_space<vmem_shared>>) target_semaphore(%run_scoped3A : memref<!tpu.dma_semaphore, #tpu.memory_space<semaphore_mem>>)
      %dma_wait3A_202 = arith.constant 0 : i32
      %dma_wait3A_203 = arith.constant 0 : i32
      %dma_wait3A_204 = tpu.memref_slice %arg14[%dma_wait3A_202, %dma_wait3A_203] : memref<32x128xf32, #tpu.memory_space<vmem>> -> memref<40x128xf32, #tpu.memory_space<vmem>>
      %dma_wait3A_205 = arith.constant 0 : i32
      %dma_wait3A_206 = tpu.memref_slice %arg15[%add3A_68, %dma_wait3A_205] : memref<10240x128xf32, #tpu.memory_space<vmem_shared>> -> memref<40x128xf32, #tpu.memory_space<vmem_shared>>
      %dma_wait3A_207 = arith.constant 0 : i32
      %dma_wait3A_208 = tpu.memref_slice %arg15[%add3A_68, %dma_wait3A_207] : memref<10240x128xf32, #tpu.memory_space<vmem_shared>> -> memref<40x128xf32, #tpu.memory_space<vmem_shared>>
      %dma_wait3A_209 = arith.constant 0 : i32
      %dma_wait3A_210 = arith.constant 0 : i32
      %dma_wait3A_211 = tpu.memref_slice %arg14[%dma_wait3A_209, %dma_wait3A_210] : memref<32x128xf32, #tpu.memory_space<vmem>> -> memref<40x128xf32, #tpu.memory_space<vmem>>
      tpu.wait_dma2 semaphore(%run_scoped3A : memref<!tpu.dma_semaphore, #tpu.memory_space<semaphore_mem>>) src(%dma_wait3A_211 : memref<40x128xf32, #tpu.memory_space<vmem>>) dst(%dma_wait3A_208 : memref<40x128xf32, #tpu.memory_space<vmem_shared>>)
      tpu.yield
    }) : () -> ()
    %mul3A_69 = arith.constant 640 : i32
    %mul3A_70 = arith.muli %arg1, %mul3A_69 : i32
    %add3A_71 = arith.constant 600 : i32
    %add3A_72 = arith.addi %mul3A_70, %add3A_71 : i32
    "tpu.region"() ({
      %run_scoped3A = tpu.sem_alloc : memref<!tpu.dma_semaphore, #tpu.memory_space<semaphore_mem>>
      %dma_start3A_192 = arith.constant 0 : i32
      %dma_start3A_193 = arith.constant 0 : i32
      %dma_start3A_194 = tpu.memref_slice %arg14[%dma_start3A_192, %dma_start3A_193] : memref<32x128xf32, #tpu.memory_space<vmem>> -> memref<40x128xf32, #tpu.memory_space<vmem>>
      %dma_start3A_195 = arith.constant 0 : i32
      %dma_start3A_196 = tpu.memref_slice %arg15[%add3A_72, %dma_start3A_195] : memref<10240x128xf32, #tpu.memory_space<vmem_shared>> -> memref<40x128xf32, #tpu.memory_space<vmem_shared>>
      %dma_start3A_197 = arith.constant 0 : i32
      %dma_start3A_198 = tpu.memref_slice %arg15[%add3A_72, %dma_start3A_197] : memref<10240x128xf32, #tpu.memory_space<vmem_shared>> -> memref<40x128xf32, #tpu.memory_space<vmem_shared>>
      %dma_start3A_199 = arith.constant 0 : i32
      %dma_start3A_200 = arith.constant 0 : i32
      %dma_start3A_201 = tpu.memref_slice %arg14[%dma_start3A_199, %dma_start3A_200] : memref<32x128xf32, #tpu.memory_space<vmem>> -> memref<40x128xf32, #tpu.memory_space<vmem>>
      tpu.enqueue_dma source(%dma_start3A_201 : memref<40x128xf32, #tpu.memory_space<vmem>>) target(%dma_start3A_198 : memref<40x128xf32, #tpu.memory_space<vmem_shared>>) target_semaphore(%run_scoped3A : memref<!tpu.dma_semaphore, #tpu.memory_space<semaphore_mem>>)
      %dma_wait3A_202 = arith.constant 0 : i32
      %dma_wait3A_203 = arith.constant 0 : i32
      %dma_wait3A_204 = tpu.memref_slice %arg14[%dma_wait3A_202, %dma_wait3A_203] : memref<32x128xf32, #tpu.memory_space<vmem>> -> memref<40x128xf32, #tpu.memory_space<vmem>>
      %dma_wait3A_205 = arith.constant 0 : i32
      %dma_wait3A_206 = tpu.memref_slice %arg15[%add3A_72, %dma_wait3A_205] : memref<10240x128xf32, #tpu.memory_space<vmem_shared>> -> memref<40x128xf32, #tpu.memory_space<vmem_shared>>
      %dma_wait3A_207 = arith.constant 0 : i32
      %dma_wait3A_208 = tpu.memref_slice %arg15[%add3A_72, %dma_wait3A_207] : memref<10240x128xf32, #tpu.memory_space<vmem_shared>> -> memref<40x128xf32, #tpu.memory_space<vmem_shared>>
      %dma_wait3A_209 = arith.constant 0 : i32
      %dma_wait3A_210 = arith.constant 0 : i32
      %dma_wait3A_211 = tpu.memref_slice %arg14[%dma_wait3A_209, %dma_wait3A_210] : memref<32x128xf32, #tpu.memory_space<vmem>> -> memref<40x128xf32, #tpu.memory_space<vmem>>
      tpu.wait_dma2 semaphore(%run_scoped3A : memref<!tpu.dma_semaphore, #tpu.memory_space<semaphore_mem>>) src(%dma_wait3A_211 : memref<40x128xf32, #tpu.memory_space<vmem>>) dst(%dma_wait3A_208 : memref<40x128xf32, #tpu.memory_space<vmem_shared>>)
      tpu.yield
    }) : () -> ()
    %barrier3A = arith.constant 0 : index
    tpu.barrier barrier_id(%barrier3A)
    "tpu.region"() ({
      %run_scoped3A = tpu.sem_alloc : memref<!tpu.dma_semaphore, #tpu.memory_space<semaphore_mem>>
      %dma_start3A_192 = tpu.memref_slice %arg4[%mul3A_2] : memref<320000xi32, #tpu.memory_space<hbm>> -> memref<32xi32, #tpu.memory_space<hbm>>
      %dma_start3A_193 = tpu.memref_slice %arg4[%mul3A_2] : memref<320000xi32, #tpu.memory_space<hbm>> -> memref<32xi32, #tpu.memory_space<hbm>>
      tpu.enqueue_dma source(%dma_start3A_193 : memref<32xi32, #tpu.memory_space<hbm>>) target(%arg7 : memref<32xi32, #tpu.memory_space<vmem>>) target_semaphore(%run_scoped3A : memref<!tpu.dma_semaphore, #tpu.memory_space<semaphore_mem>>)
      %dma_wait3A_194 = tpu.memref_slice %arg4[%mul3A_2] : memref<320000xi32, #tpu.memory_space<hbm>> -> memref<32xi32, #tpu.memory_space<hbm>>
      %dma_wait3A_195 = tpu.memref_slice %arg4[%mul3A_2] : memref<320000xi32, #tpu.memory_space<hbm>> -> memref<32xi32, #tpu.memory_space<hbm>>
      tpu.wait_dma2 semaphore(%run_scoped3A : memref<!tpu.dma_semaphore, #tpu.memory_space<semaphore_mem>>) src(%dma_wait3A_195 : memref<32xi32, #tpu.memory_space<hbm>>) dst(%arg7 : memref<32xi32, #tpu.memory_space<vmem>>)
      tpu.yield
    }) : () -> ()
    "tpu.region"() ({
      %run_scoped3A = tpu.sem_alloc : memref<!tpu.dma_semaphore, #tpu.memory_space<semaphore_mem>>
      %dma_start3A_192 = tpu.memref_slice %arg5[%mul3A_2] : memref<320000xi32, #tpu.memory_space<hbm>> -> memref<32xi32, #tpu.memory_space<hbm>>
      %dma_start3A_193 = tpu.memref_slice %arg5[%mul3A_2] : memref<320000xi32, #tpu.memory_space<hbm>> -> memref<32xi32, #tpu.memory_space<hbm>>
      tpu.enqueue_dma source(%dma_start3A_193 : memref<32xi32, #tpu.memory_space<hbm>>) target(%arg9 : memref<32xi32, #tpu.memory_space<vmem>>) target_semaphore(%run_scoped3A : memref<!tpu.dma_semaphore, #tpu.memory_space<semaphore_mem>>)
      %dma_wait3A_194 = tpu.memref_slice %arg5[%mul3A_2] : memref<320000xi32, #tpu.memory_space<hbm>> -> memref<32xi32, #tpu.memory_space<hbm>>
      %dma_wait3A_195 = tpu.memref_slice %arg5[%mul3A_2] : memref<320000xi32, #tpu.memory_space<hbm>> -> memref<32xi32, #tpu.memory_space<hbm>>
      tpu.wait_dma2 semaphore(%run_scoped3A : memref<!tpu.dma_semaphore, #tpu.memory_space<semaphore_mem>>) src(%dma_wait3A_195 : memref<32xi32, #tpu.memory_space<hbm>>) dst(%arg9 : memref<32xi32, #tpu.memory_space<vmem>>)
      tpu.yield
    }) : () -> ()
    %add3A_73 = arith.constant 32 : i32
    %add3A_74 = arith.addi %mul3A_2, %add3A_73 : i32
    %dma_start3A = arith.constant 1 : i32
    %dma_start3A_75 = tpu.memref_slice %arg4[%add3A_74] : memref<320000xi32, #tpu.memory_space<hbm>> -> memref<32xi32, #tpu.memory_space<hbm>>
    %dma_start3A_76 = tpu.memref_slice %arg16[%dma_start3A] : memref<2x!tpu.dma_semaphore, #tpu.memory_space<semaphore_mem>> -> memref<1x!tpu.dma_semaphore, #tpu.memory_space<semaphore_mem>>
    %dma_start3A_77 = tpu.memref_squeeze %dma_start3A_76 : memref<1x!tpu.dma_semaphore, #tpu.memory_space<semaphore_mem>> -> memref<!tpu.dma_semaphore, #tpu.memory_space<semaphore_mem>>
    %dma_start3A_78 = tpu.memref_slice %arg4[%add3A_74] : memref<320000xi32, #tpu.memory_space<hbm>> -> memref<32xi32, #tpu.memory_space<hbm>>
    tpu.enqueue_dma source(%dma_start3A_78 : memref<32xi32, #tpu.memory_space<hbm>>) target(%arg8 : memref<32xi32, #tpu.memory_space<vmem>>) target_semaphore(%dma_start3A_77 : memref<!tpu.dma_semaphore, #tpu.memory_space<semaphore_mem>>)
    %add3A_79 = arith.constant 32 : i32
    %add3A_80 = arith.addi %mul3A_2, %add3A_79 : i32
    %dma_start3A_81 = arith.constant 1 : i32
    %dma_start3A_82 = tpu.memref_slice %arg5[%add3A_80] : memref<320000xi32, #tpu.memory_space<hbm>> -> memref<32xi32, #tpu.memory_space<hbm>>
    %dma_start3A_83 = tpu.memref_slice %arg16[%dma_start3A_81] : memref<2x!tpu.dma_semaphore, #tpu.memory_space<semaphore_mem>> -> memref<1x!tpu.dma_semaphore, #tpu.memory_space<semaphore_mem>>
    %dma_start3A_84 = tpu.memref_squeeze %dma_start3A_83 : memref<1x!tpu.dma_semaphore, #tpu.memory_space<semaphore_mem>> -> memref<!tpu.dma_semaphore, #tpu.memory_space<semaphore_mem>>
    %dma_start3A_85 = tpu.memref_slice %arg5[%add3A_80] : memref<320000xi32, #tpu.memory_space<hbm>> -> memref<32xi32, #tpu.memory_space<hbm>>
    tpu.enqueue_dma source(%dma_start3A_85 : memref<32xi32, #tpu.memory_space<hbm>>) target(%arg10 : memref<32xi32, #tpu.memory_space<vmem>>) target_semaphore(%dma_start3A_84 : memref<!tpu.dma_semaphore, #tpu.memory_space<semaphore_mem>>)
    %dma_start3A_86 = arith.constant 0 : i32
    %dma_start3A_87 = arith.constant 0 : i32
    %dma_start3A_88 = arith.constant 0 : i32
    %dma_start3A_89 = arith.constant 0 : i32
    %dma_start3A_90 = tpu.memref_slice %arg12[%dma_start3A_86, %dma_start3A_88, %dma_start3A_89] : memref<2x32x256xf32, #tpu.memory_space<vmem>> -> memref<1x32x256xf32, #tpu.memory_space<vmem>>
    %dma_start3A_91 = tpu.memref_squeeze %dma_start3A_90 : memref<1x32x256xf32, #tpu.memory_space<vmem>> -> memref<32x256xf32, #tpu.memory_space<vmem>>
    %dma_start3A_92 = arith.constant 0 : i32
    %dma_start3A_93 = arith.constant 0 : i32
    %dma_start3A_94 = tpu.memref_slice %arg3[%dma_start3A_92, %dma_start3A_93] : memref<10000x256xf32, #tpu.memory_space<hbm>> -> memref<10000x256xf32, #tpu.memory_space<hbm>>
    %dma_start3A_95 = tpu.memref_slice %arg17[%dma_start3A_87] : memref<2x!tpu.dma_semaphore, #tpu.memory_space<semaphore_mem>> -> memref<1x!tpu.dma_semaphore, #tpu.memory_space<semaphore_mem>>
    %dma_start3A_96 = tpu.memref_squeeze %dma_start3A_95 : memref<1x!tpu.dma_semaphore, #tpu.memory_space<semaphore_mem>> -> memref<!tpu.dma_semaphore, #tpu.memory_space<semaphore_mem>>
    tpu.enqueue_indirect_dma source(%dma_start3A_94 : memref<10000x256xf32, #tpu.memory_space<hbm>>) target(%dma_start3A_91 : memref<32x256xf32, #tpu.memory_space<vmem>>) offsets(%arg7 : memref<32xi32, #tpu.memory_space<vmem>>) semaphore(%dma_start3A_96 : memref<!tpu.dma_semaphore, #tpu.memory_space<semaphore_mem>>)
    %dma_start3A_97 = arith.constant 0 : i32
    %dma_start3A_98 = arith.constant 0 : i32
    %dma_start3A_99 = arith.constant 0 : i32
    %dma_start3A_100 = arith.constant 0 : i32
    %dma_start3A_101 = tpu.memref_slice %arg13[%dma_start3A_97, %dma_start3A_99, %dma_start3A_100] : memref<2x32x128xf32, #tpu.memory_space<vmem>> -> memref<1x32x128xf32, #tpu.memory_space<vmem>>
    %dma_start3A_102 = tpu.memref_squeeze %dma_start3A_101 : memref<1x32x128xf32, #tpu.memory_space<vmem>> -> memref<32x128xf32, #tpu.memory_space<vmem>>
    %dma_start3A_103 = arith.constant 0 : i32
    %dma_start3A_104 = arith.constant 0 : i32
    %dma_start3A_105 = tpu.memref_slice %arg2[%dma_start3A_103, %dma_start3A_104] : memref<10000x128xf32, #tpu.memory_space<hbm>> -> memref<10000x128xf32, #tpu.memory_space<hbm>>
    %dma_start3A_106 = tpu.memref_slice %arg17[%dma_start3A_98] : memref<2x!tpu.dma_semaphore, #tpu.memory_space<semaphore_mem>> -> memref<1x!tpu.dma_semaphore, #tpu.memory_space<semaphore_mem>>
    %dma_start3A_107 = tpu.memref_squeeze %dma_start3A_106 : memref<1x!tpu.dma_semaphore, #tpu.memory_space<semaphore_mem>> -> memref<!tpu.dma_semaphore, #tpu.memory_space<semaphore_mem>>
    tpu.enqueue_indirect_dma source(%dma_start3A_105 : memref<10000x128xf32, #tpu.memory_space<hbm>>) target(%dma_start3A_102 : memref<32x128xf32, #tpu.memory_space<vmem>>) offsets(%arg9 : memref<32xi32, #tpu.memory_space<vmem>>) semaphore(%dma_start3A_107 : memref<!tpu.dma_semaphore, #tpu.memory_space<semaphore_mem>>)
    %scan3A_108 = arith.constant 0 : i32
    %scan3A_109 = arith.constant 0 : i32
    %scan3A_110 = arith.constant 312 : i32
    %scan3A_111 = arith.addi %scan3A_109, %scan3A_110 : i32
    %scan3A_112 = arith.constant 1 : i32
    scf.for %scan3A_192 = %scan3A_109 to %scan3A_111 step %scan3A_112  : i32 {
      %rem3A = arith.constant 2 : i32
      %rem3A_193 = arith.remsi %scan3A_192, %rem3A : i32
      %lt3A = arith.constant 311 : i32
      %lt3A_194 = arith.cmpi slt, %scan3A_192, %lt3A : i32
      %eq3A = arith.constant 0 : i32
      %eq3A_195 = arith.cmpi eq, %rem3A_193, %eq3A : i32
      %and3A = arith.andi %lt3A_194, %eq3A_195 : i1
      %convert_element_type3A = arith.extui %and3A : i1 to i32
      %cond3A = arith.constant 0 : i32
      %cond3A_196 = arith.cmpi ne, %convert_element_type3A, %cond3A : i32
      scf.if %cond3A_196 {
        %add3A_253 = arith.constant 1 : i32
        %add3A_254 = arith.addi %scan3A_192, %add3A_253 : i32
        %mul3A_255 = arith.constant 32 : i32
        %mul3A_256 = arith.muli %add3A_254, %mul3A_255 : i32
        %add3A_257 = arith.addi %mul3A_2, %mul3A_256 : i32
        %dma_wait3A_258 = arith.constant 1 : i32
        %dma_wait3A_259 = tpu.memref_slice %arg4[%add3A_257] : memref<320000xi32, #tpu.memory_space<hbm>> -> memref<32xi32, #tpu.memory_space<hbm>>
        %dma_wait3A_260 = tpu.memref_slice %arg16[%dma_wait3A_258] : memref<2x!tpu.dma_semaphore, #tpu.memory_space<semaphore_mem>> -> memref<1x!tpu.dma_semaphore, #tpu.memory_space<semaphore_mem>>
        %dma_wait3A_261 = tpu.memref_squeeze %dma_wait3A_260 : memref<1x!tpu.dma_semaphore, #tpu.memory_space<semaphore_mem>> -> memref<!tpu.dma_semaphore, #tpu.memory_space<semaphore_mem>>
        %dma_wait3A_262 = tpu.memref_slice %arg4[%add3A_257] : memref<320000xi32, #tpu.memory_space<hbm>> -> memref<32xi32, #tpu.memory_space<hbm>>
        tpu.wait_dma2 semaphore(%dma_wait3A_261 : memref<!tpu.dma_semaphore, #tpu.memory_space<semaphore_mem>>) src(%dma_wait3A_262 : memref<32xi32, #tpu.memory_space<hbm>>) dst(%arg8 : memref<32xi32, #tpu.memory_space<vmem>>)
        %dma_wait3A_263 = arith.constant 1 : i32
        %dma_wait3A_264 = tpu.memref_slice %arg5[%add3A_257] : memref<320000xi32, #tpu.memory_space<hbm>> -> memref<32xi32, #tpu.memory_space<hbm>>
        %dma_wait3A_265 = tpu.memref_slice %arg16[%dma_wait3A_263] : memref<2x!tpu.dma_semaphore, #tpu.memory_space<semaphore_mem>> -> memref<1x!tpu.dma_semaphore, #tpu.memory_space<semaphore_mem>>
        %dma_wait3A_266 = tpu.memref_squeeze %dma_wait3A_265 : memref<1x!tpu.dma_semaphore, #tpu.memory_space<semaphore_mem>> -> memref<!tpu.dma_semaphore, #tpu.memory_space<semaphore_mem>>
        %dma_wait3A_267 = tpu.memref_slice %arg5[%add3A_257] : memref<320000xi32, #tpu.memory_space<hbm>> -> memref<32xi32, #tpu.memory_space<hbm>>
        tpu.wait_dma2 semaphore(%dma_wait3A_266 : memref<!tpu.dma_semaphore, #tpu.memory_space<semaphore_mem>>) src(%dma_wait3A_267 : memref<32xi32, #tpu.memory_space<hbm>>) dst(%arg10 : memref<32xi32, #tpu.memory_space<vmem>>)
        %dma_start3A_268 = arith.constant 1 : i32
        %dma_start3A_269 = arith.constant 1 : i32
        %dma_start3A_270 = arith.constant 0 : i32
        %dma_start3A_271 = arith.constant 0 : i32
        %dma_start3A_272 = tpu.memref_slice %arg12[%dma_start3A_268, %dma_start3A_270, %dma_start3A_271] : memref<2x32x256xf32, #tpu.memory_space<vmem>> -> memref<1x32x256xf32, #tpu.memory_space<vmem>>
        %dma_start3A_273 = tpu.memref_squeeze %dma_start3A_272 : memref<1x32x256xf32, #tpu.memory_space<vmem>> -> memref<32x256xf32, #tpu.memory_space<vmem>>
        %dma_start3A_274 = arith.constant 0 : i32
        %dma_start3A_275 = arith.constant 0 : i32
        %dma_start3A_276 = tpu.memref_slice %arg3[%dma_start3A_274, %dma_start3A_275] : memref<10000x256xf32, #tpu.memory_space<hbm>> -> memref<10000x256xf32, #tpu.memory_space<hbm>>
        %dma_start3A_277 = tpu.memref_slice %arg17[%dma_start3A_269] : memref<2x!tpu.dma_semaphore, #tpu.memory_space<semaphore_mem>> -> memref<1x!tpu.dma_semaphore, #tpu.memory_space<semaphore_mem>>
        %dma_start3A_278 = tpu.memref_squeeze %dma_start3A_277 : memref<1x!tpu.dma_semaphore, #tpu.memory_space<semaphore_mem>> -> memref<!tpu.dma_semaphore, #tpu.memory_space<semaphore_mem>>
        tpu.enqueue_indirect_dma source(%dma_start3A_276 : memref<10000x256xf32, #tpu.memory_space<hbm>>) target(%dma_start3A_273 : memref<32x256xf32, #tpu.memory_space<vmem>>) offsets(%arg8 : memref<32xi32, #tpu.memory_space<vmem>>) semaphore(%dma_start3A_278 : memref<!tpu.dma_semaphore, #tpu.memory_space<semaphore_mem>>)
        %dma_start3A_279 = arith.constant 1 : i32
        %dma_start3A_280 = arith.constant 1 : i32
        %dma_start3A_281 = arith.constant 0 : i32
        %dma_start3A_282 = arith.constant 0 : i32
        %dma_start3A_283 = tpu.memref_slice %arg13[%dma_start3A_279, %dma_start3A_281, %dma_start3A_282] : memref<2x32x128xf32, #tpu.memory_space<vmem>> -> memref<1x32x128xf32, #tpu.memory_space<vmem>>
        %dma_start3A_284 = tpu.memref_squeeze %dma_start3A_283 : memref<1x32x128xf32, #tpu.memory_space<vmem>> -> memref<32x128xf32, #tpu.memory_space<vmem>>
        %dma_start3A_285 = arith.constant 0 : i32
        %dma_start3A_286 = arith.constant 0 : i32
        %dma_start3A_287 = tpu.memref_slice %arg2[%dma_start3A_285, %dma_start3A_286] : memref<10000x128xf32, #tpu.memory_space<hbm>> -> memref<10000x128xf32, #tpu.memory_space<hbm>>
        %dma_start3A_288 = tpu.memref_slice %arg17[%dma_start3A_280] : memref<2x!tpu.dma_semaphore, #tpu.memory_space<semaphore_mem>> -> memref<1x!tpu.dma_semaphore, #tpu.memory_space<semaphore_mem>>
        %dma_start3A_289 = tpu.memref_squeeze %dma_start3A_288 : memref<1x!tpu.dma_semaphore, #tpu.memory_space<semaphore_mem>> -> memref<!tpu.dma_semaphore, #tpu.memory_space<semaphore_mem>>
        tpu.enqueue_indirect_dma source(%dma_start3A_287 : memref<10000x128xf32, #tpu.memory_space<hbm>>) target(%dma_start3A_284 : memref<32x128xf32, #tpu.memory_space<vmem>>) offsets(%arg10 : memref<32xi32, #tpu.memory_space<vmem>>) semaphore(%dma_start3A_289 : memref<!tpu.dma_semaphore, #tpu.memory_space<semaphore_mem>>)
      } else {
      }
      %eq3A_197 = arith.constant 1 : i32
      %eq3A_198 = arith.cmpi eq, %rem3A_193, %eq3A_197 : i32
      %and3A_199 = arith.andi %lt3A_194, %eq3A_198 : i1
      %convert_element_type3A_200 = arith.extui %and3A_199 : i1 to i32
      %cond3A_201 = arith.constant 0 : i32
      %cond3A_202 = arith.cmpi ne, %convert_element_type3A_200, %cond3A_201 : i32
      scf.if %cond3A_202 {
        %add3A_253 = arith.constant 1 : i32
        %add3A_254 = arith.addi %scan3A_192, %add3A_253 : i32
        %mul3A_255 = arith.constant 32 : i32
        %mul3A_256 = arith.muli %add3A_254, %mul3A_255 : i32
        %add3A_257 = arith.addi %mul3A_2, %mul3A_256 : i32
        %dma_wait3A_258 = arith.constant 0 : i32
        %dma_wait3A_259 = tpu.memref_slice %arg4[%add3A_257] : memref<320000xi32, #tpu.memory_space<hbm>> -> memref<32xi32, #tpu.memory_space<hbm>>
        %dma_wait3A_260 = tpu.memref_slice %arg16[%dma_wait3A_258] : memref<2x!tpu.dma_semaphore, #tpu.memory_space<semaphore_mem>> -> memref<1x!tpu.dma_semaphore, #tpu.memory_space<semaphore_mem>>
        %dma_wait3A_261 = tpu.memref_squeeze %dma_wait3A_260 : memref<1x!tpu.dma_semaphore, #tpu.memory_space<semaphore_mem>> -> memref<!tpu.dma_semaphore, #tpu.memory_space<semaphore_mem>>
        %dma_wait3A_262 = tpu.memref_slice %arg4[%add3A_257] : memref<320000xi32, #tpu.memory_space<hbm>> -> memref<32xi32, #tpu.memory_space<hbm>>
        tpu.wait_dma2 semaphore(%dma_wait3A_261 : memref<!tpu.dma_semaphore, #tpu.memory_space<semaphore_mem>>) src(%dma_wait3A_262 : memref<32xi32, #tpu.memory_space<hbm>>) dst(%arg7 : memref<32xi32, #tpu.memory_space<vmem>>)
        %dma_wait3A_263 = arith.constant 0 : i32
        %dma_wait3A_264 = tpu.memref_slice %arg5[%add3A_257] : memref<320000xi32, #tpu.memory_space<hbm>> -> memref<32xi32, #tpu.memory_space<hbm>>
        %dma_wait3A_265 = tpu.memref_slice %arg16[%dma_wait3A_263] : memref<2x!tpu.dma_semaphore, #tpu.memory_space<semaphore_mem>> -> memref<1x!tpu.dma_semaphore, #tpu.memory_space<semaphore_mem>>
        %dma_wait3A_266 = tpu.memref_squeeze %dma_wait3A_265 : memref<1x!tpu.dma_semaphore, #tpu.memory_space<semaphore_mem>> -> memref<!tpu.dma_semaphore, #tpu.memory_space<semaphore_mem>>
        %dma_wait3A_267 = tpu.memref_slice %arg5[%add3A_257] : memref<320000xi32, #tpu.memory_space<hbm>> -> memref<32xi32, #tpu.memory_space<hbm>>
        tpu.wait_dma2 semaphore(%dma_wait3A_266 : memref<!tpu.dma_semaphore, #tpu.memory_space<semaphore_mem>>) src(%dma_wait3A_267 : memref<32xi32, #tpu.memory_space<hbm>>) dst(%arg9 : memref<32xi32, #tpu.memory_space<vmem>>)
        %dma_start3A_268 = arith.constant 0 : i32
        %dma_start3A_269 = arith.constant 0 : i32
        %dma_start3A_270 = arith.constant 0 : i32
        %dma_start3A_271 = arith.constant 0 : i32
        %dma_start3A_272 = tpu.memref_slice %arg12[%dma_start3A_268, %dma_start3A_270, %dma_start3A_271] : memref<2x32x256xf32, #tpu.memory_space<vmem>> -> memref<1x32x256xf32, #tpu.memory_space<vmem>>
        %dma_start3A_273 = tpu.memref_squeeze %dma_start3A_272 : memref<1x32x256xf32, #tpu.memory_space<vmem>> -> memref<32x256xf32, #tpu.memory_space<vmem>>
        %dma_start3A_274 = arith.constant 0 : i32
        %dma_start3A_275 = arith.constant 0 : i32
        %dma_start3A_276 = tpu.memref_slice %arg3[%dma_start3A_274, %dma_start3A_275] : memref<10000x256xf32, #tpu.memory_space<hbm>> -> memref<10000x256xf32, #tpu.memory_space<hbm>>
        %dma_start3A_277 = tpu.memref_slice %arg17[%dma_start3A_269] : memref<2x!tpu.dma_semaphore, #tpu.memory_space<semaphore_mem>> -> memref<1x!tpu.dma_semaphore, #tpu.memory_space<semaphore_mem>>
        %dma_start3A_278 = tpu.memref_squeeze %dma_start3A_277 : memref<1x!tpu.dma_semaphore, #tpu.memory_space<semaphore_mem>> -> memref<!tpu.dma_semaphore, #tpu.memory_space<semaphore_mem>>
        tpu.enqueue_indirect_dma source(%dma_start3A_276 : memref<10000x256xf32, #tpu.memory_space<hbm>>) target(%dma_start3A_273 : memref<32x256xf32, #tpu.memory_space<vmem>>) offsets(%arg7 : memref<32xi32, #tpu.memory_space<vmem>>) semaphore(%dma_start3A_278 : memref<!tpu.dma_semaphore, #tpu.memory_space<semaphore_mem>>)
        %dma_start3A_279 = arith.constant 0 : i32
        %dma_start3A_280 = arith.constant 0 : i32
        %dma_start3A_281 = arith.constant 0 : i32
        %dma_start3A_282 = arith.constant 0 : i32
        %dma_start3A_283 = tpu.memref_slice %arg13[%dma_start3A_279, %dma_start3A_281, %dma_start3A_282] : memref<2x32x128xf32, #tpu.memory_space<vmem>> -> memref<1x32x128xf32, #tpu.memory_space<vmem>>
        %dma_start3A_284 = tpu.memref_squeeze %dma_start3A_283 : memref<1x32x128xf32, #tpu.memory_space<vmem>> -> memref<32x128xf32, #tpu.memory_space<vmem>>
        %dma_start3A_285 = arith.constant 0 : i32
        %dma_start3A_286 = arith.constant 0 : i32
        %dma_start3A_287 = tpu.memref_slice %arg2[%dma_start3A_285, %dma_start3A_286] : memref<10000x128xf32, #tpu.memory_space<hbm>> -> memref<10000x128xf32, #tpu.memory_space<hbm>>
        %dma_start3A_288 = tpu.memref_slice %arg17[%dma_start3A_280] : memref<2x!tpu.dma_semaphore, #tpu.memory_space<semaphore_mem>> -> memref<1x!tpu.dma_semaphore, #tpu.memory_space<semaphore_mem>>
        %dma_start3A_289 = tpu.memref_squeeze %dma_start3A_288 : memref<1x!tpu.dma_semaphore, #tpu.memory_space<semaphore_mem>> -> memref<!tpu.dma_semaphore, #tpu.memory_space<semaphore_mem>>
        tpu.enqueue_indirect_dma source(%dma_start3A_287 : memref<10000x128xf32, #tpu.memory_space<hbm>>) target(%dma_start3A_284 : memref<32x128xf32, #tpu.memory_space<vmem>>) offsets(%arg9 : memref<32xi32, #tpu.memory_space<vmem>>) semaphore(%dma_start3A_289 : memref<!tpu.dma_semaphore, #tpu.memory_space<semaphore_mem>>)
      } else {
      }
      %dma_wait3A_203 = arith.constant 0 : i32
      %dma_wait3A_204 = arith.constant 0 : i32
      %dma_wait3A_205 = tpu.memref_slice %arg12[%rem3A_193, %dma_wait3A_203, %dma_wait3A_204] : memref<2x32x256xf32, #tpu.memory_space<vmem>> -> memref<1x32x256xf32, #tpu.memory_space<vmem>>
      %dma_wait3A_206 = tpu.memref_squeeze %dma_wait3A_205 : memref<1x32x256xf32, #tpu.memory_space<vmem>> -> memref<32x256xf32, #tpu.memory_space<vmem>>
      %dma_wait3A_207 = arith.constant 0 : i32
      %dma_wait3A_208 = arith.constant 0 : i32
      %dma_wait3A_209 = tpu.memref_slice %arg3[%dma_wait3A_207, %dma_wait3A_208] : memref<10000x256xf32, #tpu.memory_space<hbm>> -> memref<10000x256xf32, #tpu.memory_space<hbm>>
      %dma_wait3A_210 = tpu.memref_slice %arg17[%rem3A_193] : memref<2x!tpu.dma_semaphore, #tpu.memory_space<semaphore_mem>> -> memref<1x!tpu.dma_semaphore, #tpu.memory_space<semaphore_mem>>
      %dma_wait3A_211 = tpu.memref_squeeze %dma_wait3A_210 : memref<1x!tpu.dma_semaphore, #tpu.memory_space<semaphore_mem>> -> memref<!tpu.dma_semaphore, #tpu.memory_space<semaphore_mem>>
      tpu.wait_indirect_dma semaphore(%dma_wait3A_211 : memref<!tpu.dma_semaphore, #tpu.memory_space<semaphore_mem>>) src(%dma_wait3A_209 : memref<10000x256xf32, #tpu.memory_space<hbm>>) dst(%dma_wait3A_206 : memref<32x256xf32, #tpu.memory_space<vmem>>)
      %dma_wait3A_212 = arith.constant 0 : i32
      %dma_wait3A_213 = arith.constant 0 : i32
      %dma_wait3A_214 = tpu.memref_slice %arg13[%rem3A_193, %dma_wait3A_212, %dma_wait3A_213] : memref<2x32x128xf32, #tpu.memory_space<vmem>> -> memref<1x32x128xf32, #tpu.memory_space<vmem>>
      %dma_wait3A_215 = tpu.memref_squeeze %dma_wait3A_214 : memref<1x32x128xf32, #tpu.memory_space<vmem>> -> memref<32x128xf32, #tpu.memory_space<vmem>>
      %dma_wait3A_216 = arith.constant 0 : i32
      %dma_wait3A_217 = arith.constant 0 : i32
      %dma_wait3A_218 = tpu.memref_slice %arg2[%dma_wait3A_216, %dma_wait3A_217] : memref<10000x128xf32, #tpu.memory_space<hbm>> -> memref<10000x128xf32, #tpu.memory_space<hbm>>
      %dma_wait3A_219 = tpu.memref_slice %arg17[%rem3A_193] : memref<2x!tpu.dma_semaphore, #tpu.memory_space<semaphore_mem>> -> memref<1x!tpu.dma_semaphore, #tpu.memory_space<semaphore_mem>>
      %dma_wait3A_220 = tpu.memref_squeeze %dma_wait3A_219 : memref<1x!tpu.dma_semaphore, #tpu.memory_space<semaphore_mem>> -> memref<!tpu.dma_semaphore, #tpu.memory_space<semaphore_mem>>
      tpu.wait_indirect_dma semaphore(%dma_wait3A_220 : memref<!tpu.dma_semaphore, #tpu.memory_space<semaphore_mem>>) src(%dma_wait3A_218 : memref<10000x128xf32, #tpu.memory_space<hbm>>) dst(%dma_wait3A_215 : memref<32x128xf32, #tpu.memory_space<vmem>>)
      %scan3A_221 = arith.constant 0 : i32
      %scan3A_222 = arith.constant 0 : i32
      %scan3A_223 = arith.constant 2 : i32
      %scan3A_224 = arith.addi %scan3A_222, %scan3A_223 : i32
      %scan3A_225 = arith.constant 1 : i32
      scf.for %scan3A_253 = %scan3A_222 to %scan3A_224 step %scan3A_225  : i32 {
        %mul3A_254 = arith.constant 16 : i32
        %mul3A_255 = arith.muli %scan3A_253, %mul3A_254 : i32
        %add3A_256 = vector.broadcast %mul3A_255 : i32 to vector<16xi32>
        %add3A_257 = arith.addi %add3A_256, %iota3A : vector<16xi32>
        %scan3A_258 = arith.constant 0 : i32
        %scan3A_259 = arith.constant 0 : i32
        %scan3A_260 = arith.constant 8 : i32
        %scan3A_261 = arith.addi %scan3A_259, %scan3A_260 : i32
        %scan3A_262 = arith.constant 1 : i32
        scf.for %scan3A_264 = %scan3A_259 to %scan3A_261 step %scan3A_262  : i32 {
          %mul3A_265 = arith.constant 16 : i32
          %mul3A_266 = arith.muli %scan3A_264, %mul3A_265 : i32
          %add3A_267 = arith.constant 0 : i32
          %add3A_268 = arith.addi %mul3A_266, %add3A_267 : i32
          %broadcast_in_dim3A_269 = vector.broadcast %add3A_268 : i32 to vector<16xi32>
          %gather3A = arith.constant 0 : i32
          %gather3A_270 = arith.constant 0 : i32
          %gather3A_271 = tpu.memref_slice %arg12[%rem3A_193, %gather3A, %gather3A_270] : memref<2x32x256xf32, #tpu.memory_space<vmem>> -> memref<1x32x256xf32, #tpu.memory_space<vmem>>
          %gather3A_272 = tpu.memref_squeeze %gather3A_271 : memref<1x32x256xf32, #tpu.memory_space<vmem>> -> memref<32x256xf32, #tpu.memory_space<vmem>>
          %gather3A_273 = tpu.vector_load_idx %gather3A_272[%add3A_257, %broadcast_in_dim3A_269] : memref<32x256xf32, #tpu.memory_space<vmem>>[vector<16xi32>, vector<16xi32>], vector<16xf32>,
          %gather3A_274 = arith.constant 0 : i32
          %gather3A_275 = arith.constant 0 : i32
          %gather3A_276 = tpu.memref_slice %arg13[%rem3A_193, %gather3A_274, %gather3A_275] : memref<2x32x128xf32, #tpu.memory_space<vmem>> -> memref<1x32x128xf32, #tpu.memory_space<vmem>>
          %gather3A_277 = tpu.memref_squeeze %gather3A_276 : memref<1x32x128xf32, #tpu.memory_space<vmem>> -> memref<32x128xf32, #tpu.memory_space<vmem>>
          %gather3A_278 = tpu.vector_load_idx %gather3A_277[%add3A_257, %broadcast_in_dim3A_269] : memref<32x128xf32, #tpu.memory_space<vmem>>[vector<16xi32>, vector<16xi32>], vector<16xf32>,
          %mul3A_279 = arith.mulf %gather3A_273, %gather3A_278 : vector<16xf32>
          %add3A_280 = arith.addf %broadcast_in_dim3A_3, %mul3A_279 : vector<16xf32>
          %add3A_281 = arith.constant 1 : i32
          %add3A_282 = arith.addi %mul3A_266, %add3A_281 : i32
          %broadcast_in_dim3A_283 = vector.broadcast %add3A_282 : i32 to vector<16xi32>
          %gather3A_284 = arith.constant 0 : i32
          %gather3A_285 = arith.constant 0 : i32
          %gather3A_286 = tpu.memref_slice %arg12[%rem3A_193, %gather3A_284, %gather3A_285] : memref<2x32x256xf32, #tpu.memory_space<vmem>> -> memref<1x32x256xf32, #tpu.memory_space<vmem>>
          %gather3A_287 = tpu.memref_squeeze %gather3A_286 : memref<1x32x256xf32, #tpu.memory_space<vmem>> -> memref<32x256xf32, #tpu.memory_space<vmem>>
          %gather3A_288 = tpu.vector_load_idx %gather3A_287[%add3A_257, %broadcast_in_dim3A_283] : memref<32x256xf32, #tpu.memory_space<vmem>>[vector<16xi32>, vector<16xi32>], vector<16xf32>,
          %gather3A_289 = arith.constant 0 : i32
          %gather3A_290 = arith.constant 0 : i32
          %gather3A_291 = tpu.memref_slice %arg13[%rem3A_193, %gather3A_289, %gather3A_290] : memref<2x32x128xf32, #tpu.memory_space<vmem>> -> memref<1x32x128xf32, #tpu.memory_space<vmem>>
          %gather3A_292 = tpu.memref_squeeze %gather3A_291 : memref<1x32x128xf32, #tpu.memory_space<vmem>> -> memref<32x128xf32, #tpu.memory_space<vmem>>
          %gather3A_293 = tpu.vector_load_idx %gather3A_292[%add3A_257, %broadcast_in_dim3A_283] : memref<32x128xf32, #tpu.memory_space<vmem>>[vector<16xi32>, vector<16xi32>], vector<16xf32>,
          %mul3A_294 = arith.mulf %gather3A_288, %gather3A_293 : vector<16xf32>
          %add3A_295 = arith.addf %add3A_280, %mul3A_294 : vector<16xf32>
          %add3A_296 = arith.constant 2 : i32
          %add3A_297 = arith.addi %mul3A_266, %add3A_296 : i32
          %broadcast_in_dim3A_298 = vector.broadcast %add3A_297 : i32 to vector<16xi32>
          %gather3A_299 = arith.constant 0 : i32
          %gather3A_300 = arith.constant 0 : i32
          %gather3A_301 = tpu.memref_slice %arg12[%rem3A_193, %gather3A_299, %gather3A_300] : memref<2x32x256xf32, #tpu.memory_space<vmem>> -> memref<1x32x256xf32, #tpu.memory_space<vmem>>
          %gather3A_302 = tpu.memref_squeeze %gather3A_301 : memref<1x32x256xf32, #tpu.memory_space<vmem>> -> memref<32x256xf32, #tpu.memory_space<vmem>>
          %gather3A_303 = tpu.vector_load_idx %gather3A_302[%add3A_257, %broadcast_in_dim3A_298] : memref<32x256xf32, #tpu.memory_space<vmem>>[vector<16xi32>, vector<16xi32>], vector<16xf32>,
          %gather3A_304 = arith.constant 0 : i32
          %gather3A_305 = arith.constant 0 : i32
          %gather3A_306 = tpu.memref_slice %arg13[%rem3A_193, %gather3A_304, %gather3A_305] : memref<2x32x128xf32, #tpu.memory_space<vmem>> -> memref<1x32x128xf32, #tpu.memory_space<vmem>>
          %gather3A_307 = tpu.memref_squeeze %gather3A_306 : memref<1x32x128xf32, #tpu.memory_space<vmem>> -> memref<32x128xf32, #tpu.memory_space<vmem>>
          %gather3A_308 = tpu.vector_load_idx %gather3A_307[%add3A_257, %broadcast_in_dim3A_298] : memref<32x128xf32, #tpu.memory_space<vmem>>[vector<16xi32>, vector<16xi32>], vector<16xf32>,
          %mul3A_309 = arith.mulf %gather3A_303, %gather3A_308 : vector<16xf32>
          %add3A_310 = arith.addf %add3A_295, %mul3A_309 : vector<16xf32>
          %add3A_311 = arith.constant 3 : i32
          %add3A_312 = arith.addi %mul3A_266, %add3A_311 : i32
          %broadcast_in_dim3A_313 = vector.broadcast %add3A_312 : i32 to vector<16xi32>
          %gather3A_314 = arith.constant 0 : i32
          %gather3A_315 = arith.constant 0 : i32
          %gather3A_316 = tpu.memref_slice %arg12[%rem3A_193, %gather3A_314, %gather3A_315] : memref<2x32x256xf32, #tpu.memory_space<vmem>> -> memref<1x32x256xf32, #tpu.memory_space<vmem>>
          %gather3A_317 = tpu.memref_squeeze %gather3A_316 : memref<1x32x256xf32, #tpu.memory_space<vmem>> -> memref<32x256xf32, #tpu.memory_space<vmem>>
          %gather3A_318 = tpu.vector_load_idx %gather3A_317[%add3A_257, %broadcast_in_dim3A_313] : memref<32x256xf32, #tpu.memory_space<vmem>>[vector<16xi32>, vector<16xi32>], vector<16xf32>,
          %gather3A_319 = arith.constant 0 : i32
          %gather3A_320 = arith.constant 0 : i32
          %gather3A_321 = tpu.memref_slice %arg13[%rem3A_193, %gather3A_319, %gather3A_320] : memref<2x32x128xf32, #tpu.memory_space<vmem>> -> memref<1x32x128xf32, #tpu.memory_space<vmem>>
          %gather3A_322 = tpu.memref_squeeze %gather3A_321 : memref<1x32x128xf32, #tpu.memory_space<vmem>> -> memref<32x128xf32, #tpu.memory_space<vmem>>
          %gather3A_323 = tpu.vector_load_idx %gather3A_322[%add3A_257, %broadcast_in_dim3A_313] : memref<32x128xf32, #tpu.memory_space<vmem>>[vector<16xi32>, vector<16xi32>], vector<16xf32>,
          %mul3A_324 = arith.mulf %gather3A_318, %gather3A_323 : vector<16xf32>
          %add3A_325 = arith.addf %add3A_310, %mul3A_324 : vector<16xf32>
          %add3A_326 = arith.constant 4 : i32
          %add3A_327 = arith.addi %mul3A_266, %add3A_326 : i32
          %broadcast_in_dim3A_328 = vector.broadcast %add3A_327 : i32 to vector<16xi32>
          %gather3A_329 = arith.constant 0 : i32
          %gather3A_330 = arith.constant 0 : i32
          %gather3A_331 = tpu.memref_slice %arg12[%rem3A_193, %gather3A_329, %gather3A_330] : memref<2x32x256xf32, #tpu.memory_space<vmem>> -> memref<1x32x256xf32, #tpu.memory_space<vmem>>
          %gather3A_332 = tpu.memref_squeeze %gather3A_331 : memref<1x32x256xf32, #tpu.memory_space<vmem>> -> memref<32x256xf32, #tpu.memory_space<vmem>>
          %gather3A_333 = tpu.vector_load_idx %gather3A_332[%add3A_257, %broadcast_in_dim3A_328] : memref<32x256xf32, #tpu.memory_space<vmem>>[vector<16xi32>, vector<16xi32>], vector<16xf32>,
          %gather3A_334 = arith.constant 0 : i32
          %gather3A_335 = arith.constant 0 : i32
          %gather3A_336 = tpu.memref_slice %arg13[%rem3A_193, %gather3A_334, %gather3A_335] : memref<2x32x128xf32, #tpu.memory_space<vmem>> -> memref<1x32x128xf32, #tpu.memory_space<vmem>>
          %gather3A_337 = tpu.memref_squeeze %gather3A_336 : memref<1x32x128xf32, #tpu.memory_space<vmem>> -> memref<32x128xf32, #tpu.memory_space<vmem>>
          %gather3A_338 = tpu.vector_load_idx %gather3A_337[%add3A_257, %broadcast_in_dim3A_328] : memref<32x128xf32, #tpu.memory_space<vmem>>[vector<16xi32>, vector<16xi32>], vector<16xf32>,
          %mul3A_339 = arith.mulf %gather3A_333, %gather3A_338 : vector<16xf32>
          %add3A_340 = arith.addf %add3A_325, %mul3A_339 : vector<16xf32>
          %add3A_341 = arith.constant 5 : i32
          %add3A_342 = arith.addi %mul3A_266, %add3A_341 : i32
          %broadcast_in_dim3A_343 = vector.broadcast %add3A_342 : i32 to vector<16xi32>
          %gather3A_344 = arith.constant 0 : i32
          %gather3A_345 = arith.constant 0 : i32
          %gather3A_346 = tpu.memref_slice %arg12[%rem3A_193, %gather3A_344, %gather3A_345] : memref<2x32x256xf32, #tpu.memory_space<vmem>> -> memref<1x32x256xf32, #tpu.memory_space<vmem>>
          %gather3A_347 = tpu.memref_squeeze %gather3A_346 : memref<1x32x256xf32, #tpu.memory_space<vmem>> -> memref<32x256xf32, #tpu.memory_space<vmem>>
          %gather3A_348 = tpu.vector_load_idx %gather3A_347[%add3A_257, %broadcast_in_dim3A_343] : memref<32x256xf32, #tpu.memory_space<vmem>>[vector<16xi32>, vector<16xi32>], vector<16xf32>,
          %gather3A_349 = arith.constant 0 : i32
          %gather3A_350 = arith.constant 0 : i32
          %gather3A_351 = tpu.memref_slice %arg13[%rem3A_193, %gather3A_349, %gather3A_350] : memref<2x32x128xf32, #tpu.memory_space<vmem>> -> memref<1x32x128xf32, #tpu.memory_space<vmem>>
          %gather3A_352 = tpu.memref_squeeze %gather3A_351 : memref<1x32x128xf32, #tpu.memory_space<vmem>> -> memref<32x128xf32, #tpu.memory_space<vmem>>
          %gather3A_353 = tpu.vector_load_idx %gather3A_352[%add3A_257, %broadcast_in_dim3A_343] : memref<32x128xf32, #tpu.memory_space<vmem>>[vector<16xi32>, vector<16xi32>], vector<16xf32>,
          %mul3A_354 = arith.mulf %gather3A_348, %gather3A_353 : vector<16xf32>
          %add3A_355 = arith.addf %add3A_340, %mul3A_354 : vector<16xf32>
          %add3A_356 = arith.constant 6 : i32
          %add3A_357 = arith.addi %mul3A_266, %add3A_356 : i32
          %broadcast_in_dim3A_358 = vector.broadcast %add3A_357 : i32 to vector<16xi32>
          %gather3A_359 = arith.constant 0 : i32
          %gather3A_360 = arith.constant 0 : i32
          %gather3A_361 = tpu.memref_slice %arg12[%rem3A_193, %gather3A_359, %gather3A_360] : memref<2x32x256xf32, #tpu.memory_space<vmem>> -> memref<1x32x256xf32, #tpu.memory_space<vmem>>
          %gather3A_362 = tpu.memref_squeeze %gather3A_361 : memref<1x32x256xf32, #tpu.memory_space<vmem>> -> memref<32x256xf32, #tpu.memory_space<vmem>>
          %gather3A_363 = tpu.vector_load_idx %gather3A_362[%add3A_257, %broadcast_in_dim3A_358] : memref<32x256xf32, #tpu.memory_space<vmem>>[vector<16xi32>, vector<16xi32>], vector<16xf32>,
          %gather3A_364 = arith.constant 0 : i32
          %gather3A_365 = arith.constant 0 : i32
          %gather3A_366 = tpu.memref_slice %arg13[%rem3A_193, %gather3A_364, %gather3A_365] : memref<2x32x128xf32, #tpu.memory_space<vmem>> -> memref<1x32x128xf32, #tpu.memory_space<vmem>>
          %gather3A_367 = tpu.memref_squeeze %gather3A_366 : memref<1x32x128xf32, #tpu.memory_space<vmem>> -> memref<32x128xf32, #tpu.memory_space<vmem>>
          %gather3A_368 = tpu.vector_load_idx %gather3A_367[%add3A_257, %broadcast_in_dim3A_358] : memref<32x128xf32, #tpu.memory_space<vmem>>[vector<16xi32>, vector<16xi32>], vector<16xf32>,
          %mul3A_369 = arith.mulf %gather3A_363, %gather3A_368 : vector<16xf32>
          %add3A_370 = arith.addf %add3A_355, %mul3A_369 : vector<16xf32>
          %add3A_371 = arith.constant 7 : i32
          %add3A_372 = arith.addi %mul3A_266, %add3A_371 : i32
          %broadcast_in_dim3A_373 = vector.broadcast %add3A_372 : i32 to vector<16xi32>
          %gather3A_374 = arith.constant 0 : i32
          %gather3A_375 = arith.constant 0 : i32
          %gather3A_376 = tpu.memref_slice %arg12[%rem3A_193, %gather3A_374, %gather3A_375] : memref<2x32x256xf32, #tpu.memory_space<vmem>> -> memref<1x32x256xf32, #tpu.memory_space<vmem>>
          %gather3A_377 = tpu.memref_squeeze %gather3A_376 : memref<1x32x256xf32, #tpu.memory_space<vmem>> -> memref<32x256xf32, #tpu.memory_space<vmem>>
          %gather3A_378 = tpu.vector_load_idx %gather3A_377[%add3A_257, %broadcast_in_dim3A_373] : memref<32x256xf32, #tpu.memory_space<vmem>>[vector<16xi32>, vector<16xi32>], vector<16xf32>,
          %gather3A_379 = arith.constant 0 : i32
          %gather3A_380 = arith.constant 0 : i32
          %gather3A_381 = tpu.memref_slice %arg13[%rem3A_193, %gather3A_379, %gather3A_380] : memref<2x32x128xf32, #tpu.memory_space<vmem>> -> memref<1x32x128xf32, #tpu.memory_space<vmem>>
          %gather3A_382 = tpu.memref_squeeze %gather3A_381 : memref<1x32x128xf32, #tpu.memory_space<vmem>> -> memref<32x128xf32, #tpu.memory_space<vmem>>
          %gather3A_383 = tpu.vector_load_idx %gather3A_382[%add3A_257, %broadcast_in_dim3A_373] : memref<32x128xf32, #tpu.memory_space<vmem>>[vector<16xi32>, vector<16xi32>], vector<16xf32>,
          %mul3A_384 = arith.mulf %gather3A_378, %gather3A_383 : vector<16xf32>
          %add3A_385 = arith.addf %add3A_370, %mul3A_384 : vector<16xf32>
          %add3A_386 = arith.constant 8 : i32
          %add3A_387 = arith.addi %mul3A_266, %add3A_386 : i32
          %broadcast_in_dim3A_388 = vector.broadcast %add3A_387 : i32 to vector<16xi32>
          %gather3A_389 = arith.constant 0 : i32
          %gather3A_390 = arith.constant 0 : i32
          %gather3A_391 = tpu.memref_slice %arg12[%rem3A_193, %gather3A_389, %gather3A_390] : memref<2x32x256xf32, #tpu.memory_space<vmem>> -> memref<1x32x256xf32, #tpu.memory_space<vmem>>
          %gather3A_392 = tpu.memref_squeeze %gather3A_391 : memref<1x32x256xf32, #tpu.memory_space<vmem>> -> memref<32x256xf32, #tpu.memory_space<vmem>>
          %gather3A_393 = tpu.vector_load_idx %gather3A_392[%add3A_257, %broadcast_in_dim3A_388] : memref<32x256xf32, #tpu.memory_space<vmem>>[vector<16xi32>, vector<16xi32>], vector<16xf32>,
          %gather3A_394 = arith.constant 0 : i32
          %gather3A_395 = arith.constant 0 : i32
          %gather3A_396 = tpu.memref_slice %arg13[%rem3A_193, %gather3A_394, %gather3A_395] : memref<2x32x128xf32, #tpu.memory_space<vmem>> -> memref<1x32x128xf32, #tpu.memory_space<vmem>>
          %gather3A_397 = tpu.memref_squeeze %gather3A_396 : memref<1x32x128xf32, #tpu.memory_space<vmem>> -> memref<32x128xf32, #tpu.memory_space<vmem>>
          %gather3A_398 = tpu.vector_load_idx %gather3A_397[%add3A_257, %broadcast_in_dim3A_388] : memref<32x128xf32, #tpu.memory_space<vmem>>[vector<16xi32>, vector<16xi32>], vector<16xf32>,
          %mul3A_399 = arith.mulf %gather3A_393, %gather3A_398 : vector<16xf32>
          %add3A_400 = arith.addf %add3A_385, %mul3A_399 : vector<16xf32>
          %add3A_401 = arith.constant 9 : i32
          %add3A_402 = arith.addi %mul3A_266, %add3A_401 : i32
          %broadcast_in_dim3A_403 = vector.broadcast %add3A_402 : i32 to vector<16xi32>
          %gather3A_404 = arith.constant 0 : i32
          %gather3A_405 = arith.constant 0 : i32
          %gather3A_406 = tpu.memref_slice %arg12[%rem3A_193, %gather3A_404, %gather3A_405] : memref<2x32x256xf32, #tpu.memory_space<vmem>> -> memref<1x32x256xf32, #tpu.memory_space<vmem>>
          %gather3A_407 = tpu.memref_squeeze %gather3A_406 : memref<1x32x256xf32, #tpu.memory_space<vmem>> -> memref<32x256xf32, #tpu.memory_space<vmem>>
          %gather3A_408 = tpu.vector_load_idx %gather3A_407[%add3A_257, %broadcast_in_dim3A_403] : memref<32x256xf32, #tpu.memory_space<vmem>>[vector<16xi32>, vector<16xi32>], vector<16xf32>,
          %gather3A_409 = arith.constant 0 : i32
          %gather3A_410 = arith.constant 0 : i32
          %gather3A_411 = tpu.memref_slice %arg13[%rem3A_193, %gather3A_409, %gather3A_410] : memref<2x32x128xf32, #tpu.memory_space<vmem>> -> memref<1x32x128xf32, #tpu.memory_space<vmem>>
          %gather3A_412 = tpu.memref_squeeze %gather3A_411 : memref<1x32x128xf32, #tpu.memory_space<vmem>> -> memref<32x128xf32, #tpu.memory_space<vmem>>
          %gather3A_413 = tpu.vector_load_idx %gather3A_412[%add3A_257, %broadcast_in_dim3A_403] : memref<32x128xf32, #tpu.memory_space<vmem>>[vector<16xi32>, vector<16xi32>], vector<16xf32>,
          %mul3A_414 = arith.mulf %gather3A_408, %gather3A_413 : vector<16xf32>
          %add3A_415 = arith.addf %add3A_400, %mul3A_414 : vector<16xf32>
          %add3A_416 = arith.constant 10 : i32
          %add3A_417 = arith.addi %mul3A_266, %add3A_416 : i32
          %broadcast_in_dim3A_418 = vector.broadcast %add3A_417 : i32 to vector<16xi32>
          %gather3A_419 = arith.constant 0 : i32
          %gather3A_420 = arith.constant 0 : i32
          %gather3A_421 = tpu.memref_slice %arg12[%rem3A_193, %gather3A_419, %gather3A_420] : memref<2x32x256xf32, #tpu.memory_space<vmem>> -> memref<1x32x256xf32, #tpu.memory_space<vmem>>
          %gather3A_422 = tpu.memref_squeeze %gather3A_421 : memref<1x32x256xf32, #tpu.memory_space<vmem>> -> memref<32x256xf32, #tpu.memory_space<vmem>>
          %gather3A_423 = tpu.vector_load_idx %gather3A_422[%add3A_257, %broadcast_in_dim3A_418] : memref<32x256xf32, #tpu.memory_space<vmem>>[vector<16xi32>, vector<16xi32>], vector<16xf32>,
          %gather3A_424 = arith.constant 0 : i32
          %gather3A_425 = arith.constant 0 : i32
          %gather3A_426 = tpu.memref_slice %arg13[%rem3A_193, %gather3A_424, %gather3A_425] : memref<2x32x128xf32, #tpu.memory_space<vmem>> -> memref<1x32x128xf32, #tpu.memory_space<vmem>>
          %gather3A_427 = tpu.memref_squeeze %gather3A_426 : memref<1x32x128xf32, #tpu.memory_space<vmem>> -> memref<32x128xf32, #tpu.memory_space<vmem>>
          %gather3A_428 = tpu.vector_load_idx %gather3A_427[%add3A_257, %broadcast_in_dim3A_418] : memref<32x128xf32, #tpu.memory_space<vmem>>[vector<16xi32>, vector<16xi32>], vector<16xf32>,
          %mul3A_429 = arith.mulf %gather3A_423, %gather3A_428 : vector<16xf32>
          %add3A_430 = arith.addf %add3A_415, %mul3A_429 : vector<16xf32>
          %add3A_431 = arith.constant 11 : i32
          %add3A_432 = arith.addi %mul3A_266, %add3A_431 : i32
          %broadcast_in_dim3A_433 = vector.broadcast %add3A_432 : i32 to vector<16xi32>
          %gather3A_434 = arith.constant 0 : i32
          %gather3A_435 = arith.constant 0 : i32
          %gather3A_436 = tpu.memref_slice %arg12[%rem3A_193, %gather3A_434, %gather3A_435] : memref<2x32x256xf32, #tpu.memory_space<vmem>> -> memref<1x32x256xf32, #tpu.memory_space<vmem>>
          %gather3A_437 = tpu.memref_squeeze %gather3A_436 : memref<1x32x256xf32, #tpu.memory_space<vmem>> -> memref<32x256xf32, #tpu.memory_space<vmem>>
          %gather3A_438 = tpu.vector_load_idx %gather3A_437[%add3A_257, %broadcast_in_dim3A_433] : memref<32x256xf32, #tpu.memory_space<vmem>>[vector<16xi32>, vector<16xi32>], vector<16xf32>,
          %gather3A_439 = arith.constant 0 : i32
          %gather3A_440 = arith.constant 0 : i32
          %gather3A_441 = tpu.memref_slice %arg13[%rem3A_193, %gather3A_439, %gather3A_440] : memref<2x32x128xf32, #tpu.memory_space<vmem>> -> memref<1x32x128xf32, #tpu.memory_space<vmem>>
          %gather3A_442 = tpu.memref_squeeze %gather3A_441 : memref<1x32x128xf32, #tpu.memory_space<vmem>> -> memref<32x128xf32, #tpu.memory_space<vmem>>
          %gather3A_443 = tpu.vector_load_idx %gather3A_442[%add3A_257, %broadcast_in_dim3A_433] : memref<32x128xf32, #tpu.memory_space<vmem>>[vector<16xi32>, vector<16xi32>], vector<16xf32>,
          %mul3A_444 = arith.mulf %gather3A_438, %gather3A_443 : vector<16xf32>
          %add3A_445 = arith.addf %add3A_430, %mul3A_444 : vector<16xf32>
          %add3A_446 = arith.constant 12 : i32
          %add3A_447 = arith.addi %mul3A_266, %add3A_446 : i32
          %broadcast_in_dim3A_448 = vector.broadcast %add3A_447 : i32 to vector<16xi32>
          %gather3A_449 = arith.constant 0 : i32
          %gather3A_450 = arith.constant 0 : i32
          %gather3A_451 = tpu.memref_slice %arg12[%rem3A_193, %gather3A_449, %gather3A_450] : memref<2x32x256xf32, #tpu.memory_space<vmem>> -> memref<1x32x256xf32, #tpu.memory_space<vmem>>
          %gather3A_452 = tpu.memref_squeeze %gather3A_451 : memref<1x32x256xf32, #tpu.memory_space<vmem>> -> memref<32x256xf32, #tpu.memory_space<vmem>>
          %gather3A_453 = tpu.vector_load_idx %gather3A_452[%add3A_257, %broadcast_in_dim3A_448] : memref<32x256xf32, #tpu.memory_space<vmem>>[vector<16xi32>, vector<16xi32>], vector<16xf32>,
          %gather3A_454 = arith.constant 0 : i32
          %gather3A_455 = arith.constant 0 : i32
          %gather3A_456 = tpu.memref_slice %arg13[%rem3A_193, %gather3A_454, %gather3A_455] : memref<2x32x128xf32, #tpu.memory_space<vmem>> -> memref<1x32x128xf32, #tpu.memory_space<vmem>>
          %gather3A_457 = tpu.memref_squeeze %gather3A_456 : memref<1x32x128xf32, #tpu.memory_space<vmem>> -> memref<32x128xf32, #tpu.memory_space<vmem>>
          %gather3A_458 = tpu.vector_load_idx %gather3A_457[%add3A_257, %broadcast_in_dim3A_448] : memref<32x128xf32, #tpu.memory_space<vmem>>[vector<16xi32>, vector<16xi32>], vector<16xf32>,
          %mul3A_459 = arith.mulf %gather3A_453, %gather3A_458 : vector<16xf32>
          %add3A_460 = arith.addf %add3A_445, %mul3A_459 : vector<16xf32>
          %add3A_461 = arith.constant 13 : i32
          %add3A_462 = arith.addi %mul3A_266, %add3A_461 : i32
          %broadcast_in_dim3A_463 = vector.broadcast %add3A_462 : i32 to vector<16xi32>
          %gather3A_464 = arith.constant 0 : i32
          %gather3A_465 = arith.constant 0 : i32
          %gather3A_466 = tpu.memref_slice %arg12[%rem3A_193, %gather3A_464, %gather3A_465] : memref<2x32x256xf32, #tpu.memory_space<vmem>> -> memref<1x32x256xf32, #tpu.memory_space<vmem>>
          %gather3A_467 = tpu.memref_squeeze %gather3A_466 : memref<1x32x256xf32, #tpu.memory_space<vmem>> -> memref<32x256xf32, #tpu.memory_space<vmem>>
          %gather3A_468 = tpu.vector_load_idx %gather3A_467[%add3A_257, %broadcast_in_dim3A_463] : memref<32x256xf32, #tpu.memory_space<vmem>>[vector<16xi32>, vector<16xi32>], vector<16xf32>,
          %gather3A_469 = arith.constant 0 : i32
          %gather3A_470 = arith.constant 0 : i32
          %gather3A_471 = tpu.memref_slice %arg13[%rem3A_193, %gather3A_469, %gather3A_470] : memref<2x32x128xf32, #tpu.memory_space<vmem>> -> memref<1x32x128xf32, #tpu.memory_space<vmem>>
          %gather3A_472 = tpu.memref_squeeze %gather3A_471 : memref<1x32x128xf32, #tpu.memory_space<vmem>> -> memref<32x128xf32, #tpu.memory_space<vmem>>
          %gather3A_473 = tpu.vector_load_idx %gather3A_472[%add3A_257, %broadcast_in_dim3A_463] : memref<32x128xf32, #tpu.memory_space<vmem>>[vector<16xi32>, vector<16xi32>], vector<16xf32>,
          %mul3A_474 = arith.mulf %gather3A_468, %gather3A_473 : vector<16xf32>
          %add3A_475 = arith.addf %add3A_460, %mul3A_474 : vector<16xf32>
          %add3A_476 = arith.constant 14 : i32
          %add3A_477 = arith.addi %mul3A_266, %add3A_476 : i32
          %broadcast_in_dim3A_478 = vector.broadcast %add3A_477 : i32 to vector<16xi32>
          %gather3A_479 = arith.constant 0 : i32
          %gather3A_480 = arith.constant 0 : i32
          %gather3A_481 = tpu.memref_slice %arg12[%rem3A_193, %gather3A_479, %gather3A_480] : memref<2x32x256xf32, #tpu.memory_space<vmem>> -> memref<1x32x256xf32, #tpu.memory_space<vmem>>
          %gather3A_482 = tpu.memref_squeeze %gather3A_481 : memref<1x32x256xf32, #tpu.memory_space<vmem>> -> memref<32x256xf32, #tpu.memory_space<vmem>>
          %gather3A_483 = tpu.vector_load_idx %gather3A_482[%add3A_257, %broadcast_in_dim3A_478] : memref<32x256xf32, #tpu.memory_space<vmem>>[vector<16xi32>, vector<16xi32>], vector<16xf32>,
          %gather3A_484 = arith.constant 0 : i32
          %gather3A_485 = arith.constant 0 : i32
          %gather3A_486 = tpu.memref_slice %arg13[%rem3A_193, %gather3A_484, %gather3A_485] : memref<2x32x128xf32, #tpu.memory_space<vmem>> -> memref<1x32x128xf32, #tpu.memory_space<vmem>>
          %gather3A_487 = tpu.memref_squeeze %gather3A_486 : memref<1x32x128xf32, #tpu.memory_space<vmem>> -> memref<32x128xf32, #tpu.memory_space<vmem>>
          %gather3A_488 = tpu.vector_load_idx %gather3A_487[%add3A_257, %broadcast_in_dim3A_478] : memref<32x128xf32, #tpu.memory_space<vmem>>[vector<16xi32>, vector<16xi32>], vector<16xf32>,
          %mul3A_489 = arith.mulf %gather3A_483, %gather3A_488 : vector<16xf32>
          %add3A_490 = arith.addf %add3A_475, %mul3A_489 : vector<16xf32>
          %add3A_491 = arith.constant 15 : i32
          %add3A_492 = arith.addi %mul3A_266, %add3A_491 : i32
          %broadcast_in_dim3A_493 = vector.broadcast %add3A_492 : i32 to vector<16xi32>
          %gather3A_494 = arith.constant 0 : i32
          %gather3A_495 = arith.constant 0 : i32
          %gather3A_496 = tpu.memref_slice %arg12[%rem3A_193, %gather3A_494, %gather3A_495] : memref<2x32x256xf32, #tpu.memory_space<vmem>> -> memref<1x32x256xf32, #tpu.memory_space<vmem>>
          %gather3A_497 = tpu.memref_squeeze %gather3A_496 : memref<1x32x256xf32, #tpu.memory_space<vmem>> -> memref<32x256xf32, #tpu.memory_space<vmem>>
          %gather3A_498 = tpu.vector_load_idx %gather3A_497[%add3A_257, %broadcast_in_dim3A_493] : memref<32x256xf32, #tpu.memory_space<vmem>>[vector<16xi32>, vector<16xi32>], vector<16xf32>,
          %gather3A_499 = arith.constant 0 : i32
          %gather3A_500 = arith.constant 0 : i32
          %gather3A_501 = tpu.memref_slice %arg13[%rem3A_193, %gather3A_499, %gather3A_500] : memref<2x32x128xf32, #tpu.memory_space<vmem>> -> memref<1x32x128xf32, #tpu.memory_space<vmem>>
          %gather3A_502 = tpu.memref_squeeze %gather3A_501 : memref<1x32x128xf32, #tpu.memory_space<vmem>> -> memref<32x128xf32, #tpu.memory_space<vmem>>
          %gather3A_503 = tpu.vector_load_idx %gather3A_502[%add3A_257, %broadcast_in_dim3A_493] : memref<32x128xf32, #tpu.memory_space<vmem>>[vector<16xi32>, vector<16xi32>], vector<16xf32>,
          %mul3A_504 = arith.mulf %gather3A_498, %gather3A_503 : vector<16xf32>
          %add3A_505 = arith.addf %add3A_490, %mul3A_504 : vector<16xf32>
          %mul3A_506 = arith.constant 2.500000e-01 : f32
          %mul3A_507 = vector.broadcast %mul3A_506 : f32 to vector<16xf32>
          %mul3A_508 = arith.mulf %add3A_505, %mul3A_507 : vector<16xf32>
          %jit3A = arith.constant -5.000000e+00 : f32
          %jit3A_509 = arith.constant 5.000000e+00 : f32
          %max3A = vector.broadcast %jit3A : f32 to vector<16xf32>
          %max3A_510 = arith.maximumf %max3A, %mul3A_508 : vector<16xf32>
          %min3A = vector.broadcast %jit3A_509 : f32 to vector<16xf32>
          %min3A_511 = arith.minimumf %min3A, %max3A_510 : vector<16xf32>
          %exp3A = math.exp %min3A_511 : vector<16xf32>
          %add3A_512 = arith.constant 0 : i32
          %add3A_513 = arith.addi %mul3A_266, %add3A_512 : i32
          %broadcast_in_dim3A_514 = vector.broadcast %add3A_513 : i32 to vector<16xi32>
          %add3A_515 = arith.constant 128 : i32
          %add3A_516 = vector.broadcast %add3A_515 : i32 to vector<16xi32>
          %add3A_517 = arith.addi %broadcast_in_dim3A_514, %add3A_516 : vector<16xi32>
          %gather3A_518 = arith.constant 0 : i32
          %gather3A_519 = arith.constant 0 : i32
          %gather3A_520 = tpu.memref_slice %arg12[%rem3A_193, %gather3A_518, %gather3A_519] : memref<2x32x256xf32, #tpu.memory_space<vmem>> -> memref<1x32x256xf32, #tpu.memory_space<vmem>>
          %gather3A_521 = tpu.memref_squeeze %gather3A_520 : memref<1x32x256xf32, #tpu.memory_space<vmem>> -> memref<32x256xf32, #tpu.memory_space<vmem>>
          %gather3A_522 = tpu.vector_load_idx %gather3A_521[%add3A_257, %add3A_517] : memref<32x256xf32, #tpu.memory_space<vmem>>[vector<16xi32>, vector<16xi32>], vector<16xf32>,
          %mul3A_523 = arith.mulf %gather3A_522, %exp3A : vector<16xf32>
          tpu.vector_store_idx %arg14[%add3A_257, %broadcast_in_dim3A_514], %mul3A_523 : memref<32x128xf32, #tpu.memory_space<vmem>>[vector<16xi32>, vector<16xi32>], vector<16xf32>,
          %add3A_524 = arith.constant 1 : i32
          %add3A_525 = arith.addi %mul3A_266, %add3A_524 : i32
          %broadcast_in_dim3A_526 = vector.broadcast %add3A_525 : i32 to vector<16xi32>
          %add3A_527 = arith.constant 128 : i32
          %add3A_528 = vector.broadcast %add3A_527 : i32 to vector<16xi32>
          %add3A_529 = arith.addi %broadcast_in_dim3A_526, %add3A_528 : vector<16xi32>
          %gather3A_530 = arith.constant 0 : i32
          %gather3A_531 = arith.constant 0 : i32
          %gather3A_532 = tpu.memref_slice %arg12[%rem3A_193, %gather3A_530, %gather3A_531] : memref<2x32x256xf32, #tpu.memory_space<vmem>> -> memref<1x32x256xf32, #tpu.memory_space<vmem>>
          %gather3A_533 = tpu.memref_squeeze %gather3A_532 : memref<1x32x256xf32, #tpu.memory_space<vmem>> -> memref<32x256xf32, #tpu.memory_space<vmem>>
          %gather3A_534 = tpu.vector_load_idx %gather3A_533[%add3A_257, %add3A_529] : memref<32x256xf32, #tpu.memory_space<vmem>>[vector<16xi32>, vector<16xi32>], vector<16xf32>,
          %mul3A_535 = arith.mulf %gather3A_534, %exp3A : vector<16xf32>
          tpu.vector_store_idx %arg14[%add3A_257, %broadcast_in_dim3A_526], %mul3A_535 : memref<32x128xf32, #tpu.memory_space<vmem>>[vector<16xi32>, vector<16xi32>], vector<16xf32>,
          %add3A_536 = arith.constant 2 : i32
          %add3A_537 = arith.addi %mul3A_266, %add3A_536 : i32
          %broadcast_in_dim3A_538 = vector.broadcast %add3A_537 : i32 to vector<16xi32>
          %add3A_539 = arith.constant 128 : i32
          %add3A_540 = vector.broadcast %add3A_539 : i32 to vector<16xi32>
          %add3A_541 = arith.addi %broadcast_in_dim3A_538, %add3A_540 : vector<16xi32>
          %gather3A_542 = arith.constant 0 : i32
          %gather3A_543 = arith.constant 0 : i32
          %gather3A_544 = tpu.memref_slice %arg12[%rem3A_193, %gather3A_542, %gather3A_543] : memref<2x32x256xf32, #tpu.memory_space<vmem>> -> memref<1x32x256xf32, #tpu.memory_space<vmem>>
          %gather3A_545 = tpu.memref_squeeze %gather3A_544 : memref<1x32x256xf32, #tpu.memory_space<vmem>> -> memref<32x256xf32, #tpu.memory_space<vmem>>
          %gather3A_546 = tpu.vector_load_idx %gather3A_545[%add3A_257, %add3A_541] : memref<32x256xf32, #tpu.memory_space<vmem>>[vector<16xi32>, vector<16xi32>], vector<16xf32>,
          %mul3A_547 = arith.mulf %gather3A_546, %exp3A : vector<16xf32>
          tpu.vector_store_idx %arg14[%add3A_257, %broadcast_in_dim3A_538], %mul3A_547 : memref<32x128xf32, #tpu.memory_space<vmem>>[vector<16xi32>, vector<16xi32>], vector<16xf32>,
          %add3A_548 = arith.constant 3 : i32
          %add3A_549 = arith.addi %mul3A_266, %add3A_548 : i32
          %broadcast_in_dim3A_550 = vector.broadcast %add3A_549 : i32 to vector<16xi32>
          %add3A_551 = arith.constant 128 : i32
          %add3A_552 = vector.broadcast %add3A_551 : i32 to vector<16xi32>
          %add3A_553 = arith.addi %broadcast_in_dim3A_550, %add3A_552 : vector<16xi32>
          %gather3A_554 = arith.constant 0 : i32
          %gather3A_555 = arith.constant 0 : i32
          %gather3A_556 = tpu.memref_slice %arg12[%rem3A_193, %gather3A_554, %gather3A_555] : memref<2x32x256xf32, #tpu.memory_space<vmem>> -> memref<1x32x256xf32, #tpu.memory_space<vmem>>
          %gather3A_557 = tpu.memref_squeeze %gather3A_556 : memref<1x32x256xf32, #tpu.memory_space<vmem>> -> memref<32x256xf32, #tpu.memory_space<vmem>>
          %gather3A_558 = tpu.vector_load_idx %gather3A_557[%add3A_257, %add3A_553] : memref<32x256xf32, #tpu.memory_space<vmem>>[vector<16xi32>, vector<16xi32>], vector<16xf32>,
          %mul3A_559 = arith.mulf %gather3A_558, %exp3A : vector<16xf32>
          tpu.vector_store_idx %arg14[%add3A_257, %broadcast_in_dim3A_550], %mul3A_559 : memref<32x128xf32, #tpu.memory_space<vmem>>[vector<16xi32>, vector<16xi32>], vector<16xf32>,
          %add3A_560 = arith.constant 4 : i32
          %add3A_561 = arith.addi %mul3A_266, %add3A_560 : i32
          %broadcast_in_dim3A_562 = vector.broadcast %add3A_561 : i32 to vector<16xi32>
          %add3A_563 = arith.constant 128 : i32
          %add3A_564 = vector.broadcast %add3A_563 : i32 to vector<16xi32>
          %add3A_565 = arith.addi %broadcast_in_dim3A_562, %add3A_564 : vector<16xi32>
          %gather3A_566 = arith.constant 0 : i32
          %gather3A_567 = arith.constant 0 : i32
          %gather3A_568 = tpu.memref_slice %arg12[%rem3A_193, %gather3A_566, %gather3A_567] : memref<2x32x256xf32, #tpu.memory_space<vmem>> -> memref<1x32x256xf32, #tpu.memory_space<vmem>>
          %gather3A_569 = tpu.memref_squeeze %gather3A_568 : memref<1x32x256xf32, #tpu.memory_space<vmem>> -> memref<32x256xf32, #tpu.memory_space<vmem>>
          %gather3A_570 = tpu.vector_load_idx %gather3A_569[%add3A_257, %add3A_565] : memref<32x256xf32, #tpu.memory_space<vmem>>[vector<16xi32>, vector<16xi32>], vector<16xf32>,
          %mul3A_571 = arith.mulf %gather3A_570, %exp3A : vector<16xf32>
          tpu.vector_store_idx %arg14[%add3A_257, %broadcast_in_dim3A_562], %mul3A_571 : memref<32x128xf32, #tpu.memory_space<vmem>>[vector<16xi32>, vector<16xi32>], vector<16xf32>,
          %add3A_572 = arith.constant 5 : i32
          %add3A_573 = arith.addi %mul3A_266, %add3A_572 : i32
          %broadcast_in_dim3A_574 = vector.broadcast %add3A_573 : i32 to vector<16xi32>
          %add3A_575 = arith.constant 128 : i32
          %add3A_576 = vector.broadcast %add3A_575 : i32 to vector<16xi32>
          %add3A_577 = arith.addi %broadcast_in_dim3A_574, %add3A_576 : vector<16xi32>
          %gather3A_578 = arith.constant 0 : i32
          %gather3A_579 = arith.constant 0 : i32
          %gather3A_580 = tpu.memref_slice %arg12[%rem3A_193, %gather3A_578, %gather3A_579] : memref<2x32x256xf32, #tpu.memory_space<vmem>> -> memref<1x32x256xf32, #tpu.memory_space<vmem>>
          %gather3A_581 = tpu.memref_squeeze %gather3A_580 : memref<1x32x256xf32, #tpu.memory_space<vmem>> -> memref<32x256xf32, #tpu.memory_space<vmem>>
          %gather3A_582 = tpu.vector_load_idx %gather3A_581[%add3A_257, %add3A_577] : memref<32x256xf32, #tpu.memory_space<vmem>>[vector<16xi32>, vector<16xi32>], vector<16xf32>,
          %mul3A_583 = arith.mulf %gather3A_582, %exp3A : vector<16xf32>
          tpu.vector_store_idx %arg14[%add3A_257, %broadcast_in_dim3A_574], %mul3A_583 : memref<32x128xf32, #tpu.memory_space<vmem>>[vector<16xi32>, vector<16xi32>], vector<16xf32>,
          %add3A_584 = arith.constant 6 : i32
          %add3A_585 = arith.addi %mul3A_266, %add3A_584 : i32
          %broadcast_in_dim3A_586 = vector.broadcast %add3A_585 : i32 to vector<16xi32>
          %add3A_587 = arith.constant 128 : i32
          %add3A_588 = vector.broadcast %add3A_587 : i32 to vector<16xi32>
          %add3A_589 = arith.addi %broadcast_in_dim3A_586, %add3A_588 : vector<16xi32>
          %gather3A_590 = arith.constant 0 : i32
          %gather3A_591 = arith.constant 0 : i32
          %gather3A_592 = tpu.memref_slice %arg12[%rem3A_193, %gather3A_590, %gather3A_591] : memref<2x32x256xf32, #tpu.memory_space<vmem>> -> memref<1x32x256xf32, #tpu.memory_space<vmem>>
          %gather3A_593 = tpu.memref_squeeze %gather3A_592 : memref<1x32x256xf32, #tpu.memory_space<vmem>> -> memref<32x256xf32, #tpu.memory_space<vmem>>
          %gather3A_594 = tpu.vector_load_idx %gather3A_593[%add3A_257, %add3A_589] : memref<32x256xf32, #tpu.memory_space<vmem>>[vector<16xi32>, vector<16xi32>], vector<16xf32>,
          %mul3A_595 = arith.mulf %gather3A_594, %exp3A : vector<16xf32>
          tpu.vector_store_idx %arg14[%add3A_257, %broadcast_in_dim3A_586], %mul3A_595 : memref<32x128xf32, #tpu.memory_space<vmem>>[vector<16xi32>, vector<16xi32>], vector<16xf32>,
          %add3A_596 = arith.constant 7 : i32
          %add3A_597 = arith.addi %mul3A_266, %add3A_596 : i32
          %broadcast_in_dim3A_598 = vector.broadcast %add3A_597 : i32 to vector<16xi32>
          %add3A_599 = arith.constant 128 : i32
          %add3A_600 = vector.broadcast %add3A_599 : i32 to vector<16xi32>
          %add3A_601 = arith.addi %broadcast_in_dim3A_598, %add3A_600 : vector<16xi32>
          %gather3A_602 = arith.constant 0 : i32
          %gather3A_603 = arith.constant 0 : i32
          %gather3A_604 = tpu.memref_slice %arg12[%rem3A_193, %gather3A_602, %gather3A_603] : memref<2x32x256xf32, #tpu.memory_space<vmem>> -> memref<1x32x256xf32, #tpu.memory_space<vmem>>
          %gather3A_605 = tpu.memref_squeeze %gather3A_604 : memref<1x32x256xf32, #tpu.memory_space<vmem>> -> memref<32x256xf32, #tpu.memory_space<vmem>>
          %gather3A_606 = tpu.vector_load_idx %gather3A_605[%add3A_257, %add3A_601] : memref<32x256xf32, #tpu.memory_space<vmem>>[vector<16xi32>, vector<16xi32>], vector<16xf32>,
          %mul3A_607 = arith.mulf %gather3A_606, %exp3A : vector<16xf32>
          tpu.vector_store_idx %arg14[%add3A_257, %broadcast_in_dim3A_598], %mul3A_607 : memref<32x128xf32, #tpu.memory_space<vmem>>[vector<16xi32>, vector<16xi32>], vector<16xf32>,
          %add3A_608 = arith.constant 8 : i32
          %add3A_609 = arith.addi %mul3A_266, %add3A_608 : i32
          %broadcast_in_dim3A_610 = vector.broadcast %add3A_609 : i32 to vector<16xi32>
          %add3A_611 = arith.constant 128 : i32
          %add3A_612 = vector.broadcast %add3A_611 : i32 to vector<16xi32>
          %add3A_613 = arith.addi %broadcast_in_dim3A_610, %add3A_612 : vector<16xi32>
          %gather3A_614 = arith.constant 0 : i32
          %gather3A_615 = arith.constant 0 : i32
          %gather3A_616 = tpu.memref_slice %arg12[%rem3A_193, %gather3A_614, %gather3A_615] : memref<2x32x256xf32, #tpu.memory_space<vmem>> -> memref<1x32x256xf32, #tpu.memory_space<vmem>>
          %gather3A_617 = tpu.memref_squeeze %gather3A_616 : memref<1x32x256xf32, #tpu.memory_space<vmem>> -> memref<32x256xf32, #tpu.memory_space<vmem>>
          %gather3A_618 = tpu.vector_load_idx %gather3A_617[%add3A_257, %add3A_613] : memref<32x256xf32, #tpu.memory_space<vmem>>[vector<16xi32>, vector<16xi32>], vector<16xf32>,
          %mul3A_619 = arith.mulf %gather3A_618, %exp3A : vector<16xf32>
          tpu.vector_store_idx %arg14[%add3A_257, %broadcast_in_dim3A_610], %mul3A_619 : memref<32x128xf32, #tpu.memory_space<vmem>>[vector<16xi32>, vector<16xi32>], vector<16xf32>,
          %add3A_620 = arith.constant 9 : i32
          %add3A_621 = arith.addi %mul3A_266, %add3A_620 : i32
          %broadcast_in_dim3A_622 = vector.broadcast %add3A_621 : i32 to vector<16xi32>
          %add3A_623 = arith.constant 128 : i32
          %add3A_624 = vector.broadcast %add3A_623 : i32 to vector<16xi32>
          %add3A_625 = arith.addi %broadcast_in_dim3A_622, %add3A_624 : vector<16xi32>
          %gather3A_626 = arith.constant 0 : i32
          %gather3A_627 = arith.constant 0 : i32
          %gather3A_628 = tpu.memref_slice %arg12[%rem3A_193, %gather3A_626, %gather3A_627] : memref<2x32x256xf32, #tpu.memory_space<vmem>> -> memref<1x32x256xf32, #tpu.memory_space<vmem>>
          %gather3A_629 = tpu.memref_squeeze %gather3A_628 : memref<1x32x256xf32, #tpu.memory_space<vmem>> -> memref<32x256xf32, #tpu.memory_space<vmem>>
          %gather3A_630 = tpu.vector_load_idx %gather3A_629[%add3A_257, %add3A_625] : memref<32x256xf32, #tpu.memory_space<vmem>>[vector<16xi32>, vector<16xi32>], vector<16xf32>,
          %mul3A_631 = arith.mulf %gather3A_630, %exp3A : vector<16xf32>
          tpu.vector_store_idx %arg14[%add3A_257, %broadcast_in_dim3A_622], %mul3A_631 : memref<32x128xf32, #tpu.memory_space<vmem>>[vector<16xi32>, vector<16xi32>], vector<16xf32>,
          %add3A_632 = arith.constant 10 : i32
          %add3A_633 = arith.addi %mul3A_266, %add3A_632 : i32
          %broadcast_in_dim3A_634 = vector.broadcast %add3A_633 : i32 to vector<16xi32>
          %add3A_635 = arith.constant 128 : i32
          %add3A_636 = vector.broadcast %add3A_635 : i32 to vector<16xi32>
          %add3A_637 = arith.addi %broadcast_in_dim3A_634, %add3A_636 : vector<16xi32>
          %gather3A_638 = arith.constant 0 : i32
          %gather3A_639 = arith.constant 0 : i32
          %gather3A_640 = tpu.memref_slice %arg12[%rem3A_193, %gather3A_638, %gather3A_639] : memref<2x32x256xf32, #tpu.memory_space<vmem>> -> memref<1x32x256xf32, #tpu.memory_space<vmem>>
          %gather3A_641 = tpu.memref_squeeze %gather3A_640 : memref<1x32x256xf32, #tpu.memory_space<vmem>> -> memref<32x256xf32, #tpu.memory_space<vmem>>
          %gather3A_642 = tpu.vector_load_idx %gather3A_641[%add3A_257, %add3A_637] : memref<32x256xf32, #tpu.memory_space<vmem>>[vector<16xi32>, vector<16xi32>], vector<16xf32>,
          %mul3A_643 = arith.mulf %gather3A_642, %exp3A : vector<16xf32>
          tpu.vector_store_idx %arg14[%add3A_257, %broadcast_in_dim3A_634], %mul3A_643 : memref<32x128xf32, #tpu.memory_space<vmem>>[vector<16xi32>, vector<16xi32>], vector<16xf32>,
          %add3A_644 = arith.constant 11 : i32
          %add3A_645 = arith.addi %mul3A_266, %add3A_644 : i32
          %broadcast_in_dim3A_646 = vector.broadcast %add3A_645 : i32 to vector<16xi32>
          %add3A_647 = arith.constant 128 : i32
          %add3A_648 = vector.broadcast %add3A_647 : i32 to vector<16xi32>
          %add3A_649 = arith.addi %broadcast_in_dim3A_646, %add3A_648 : vector<16xi32>
          %gather3A_650 = arith.constant 0 : i32
          %gather3A_651 = arith.constant 0 : i32
          %gather3A_652 = tpu.memref_slice %arg12[%rem3A_193, %gather3A_650, %gather3A_651] : memref<2x32x256xf32, #tpu.memory_space<vmem>> -> memref<1x32x256xf32, #tpu.memory_space<vmem>>
          %gather3A_653 = tpu.memref_squeeze %gather3A_652 : memref<1x32x256xf32, #tpu.memory_space<vmem>> -> memref<32x256xf32, #tpu.memory_space<vmem>>
          %gather3A_654 = tpu.vector_load_idx %gather3A_653[%add3A_257, %add3A_649] : memref<32x256xf32, #tpu.memory_space<vmem>>[vector<16xi32>, vector<16xi32>], vector<16xf32>,
          %mul3A_655 = arith.mulf %gather3A_654, %exp3A : vector<16xf32>
          tpu.vector_store_idx %arg14[%add3A_257, %broadcast_in_dim3A_646], %mul3A_655 : memref<32x128xf32, #tpu.memory_space<vmem>>[vector<16xi32>, vector<16xi32>], vector<16xf32>,
          %add3A_656 = arith.constant 12 : i32
          %add3A_657 = arith.addi %mul3A_266, %add3A_656 : i32
          %broadcast_in_dim3A_658 = vector.broadcast %add3A_657 : i32 to vector<16xi32>
          %add3A_659 = arith.constant 128 : i32
          %add3A_660 = vector.broadcast %add3A_659 : i32 to vector<16xi32>
          %add3A_661 = arith.addi %broadcast_in_dim3A_658, %add3A_660 : vector<16xi32>
          %gather3A_662 = arith.constant 0 : i32
          %gather3A_663 = arith.constant 0 : i32
          %gather3A_664 = tpu.memref_slice %arg12[%rem3A_193, %gather3A_662, %gather3A_663] : memref<2x32x256xf32, #tpu.memory_space<vmem>> -> memref<1x32x256xf32, #tpu.memory_space<vmem>>
          %gather3A_665 = tpu.memref_squeeze %gather3A_664 : memref<1x32x256xf32, #tpu.memory_space<vmem>> -> memref<32x256xf32, #tpu.memory_space<vmem>>
          %gather3A_666 = tpu.vector_load_idx %gather3A_665[%add3A_257, %add3A_661] : memref<32x256xf32, #tpu.memory_space<vmem>>[vector<16xi32>, vector<16xi32>], vector<16xf32>,
          %mul3A_667 = arith.mulf %gather3A_666, %exp3A : vector<16xf32>
          tpu.vector_store_idx %arg14[%add3A_257, %broadcast_in_dim3A_658], %mul3A_667 : memref<32x128xf32, #tpu.memory_space<vmem>>[vector<16xi32>, vector<16xi32>], vector<16xf32>,
          %add3A_668 = arith.constant 13 : i32
          %add3A_669 = arith.addi %mul3A_266, %add3A_668 : i32
          %broadcast_in_dim3A_670 = vector.broadcast %add3A_669 : i32 to vector<16xi32>
          %add3A_671 = arith.constant 128 : i32
          %add3A_672 = vector.broadcast %add3A_671 : i32 to vector<16xi32>
          %add3A_673 = arith.addi %broadcast_in_dim3A_670, %add3A_672 : vector<16xi32>
          %gather3A_674 = arith.constant 0 : i32
          %gather3A_675 = arith.constant 0 : i32
          %gather3A_676 = tpu.memref_slice %arg12[%rem3A_193, %gather3A_674, %gather3A_675] : memref<2x32x256xf32, #tpu.memory_space<vmem>> -> memref<1x32x256xf32, #tpu.memory_space<vmem>>
          %gather3A_677 = tpu.memref_squeeze %gather3A_676 : memref<1x32x256xf32, #tpu.memory_space<vmem>> -> memref<32x256xf32, #tpu.memory_space<vmem>>
          %gather3A_678 = tpu.vector_load_idx %gather3A_677[%add3A_257, %add3A_673] : memref<32x256xf32, #tpu.memory_space<vmem>>[vector<16xi32>, vector<16xi32>], vector<16xf32>,
          %mul3A_679 = arith.mulf %gather3A_678, %exp3A : vector<16xf32>
          tpu.vector_store_idx %arg14[%add3A_257, %broadcast_in_dim3A_670], %mul3A_679 : memref<32x128xf32, #tpu.memory_space<vmem>>[vector<16xi32>, vector<16xi32>], vector<16xf32>,
          %add3A_680 = arith.constant 14 : i32
          %add3A_681 = arith.addi %mul3A_266, %add3A_680 : i32
          %broadcast_in_dim3A_682 = vector.broadcast %add3A_681 : i32 to vector<16xi32>
          %add3A_683 = arith.constant 128 : i32
          %add3A_684 = vector.broadcast %add3A_683 : i32 to vector<16xi32>
          %add3A_685 = arith.addi %broadcast_in_dim3A_682, %add3A_684 : vector<16xi32>
          %gather3A_686 = arith.constant 0 : i32
          %gather3A_687 = arith.constant 0 : i32
          %gather3A_688 = tpu.memref_slice %arg12[%rem3A_193, %gather3A_686, %gather3A_687] : memref<2x32x256xf32, #tpu.memory_space<vmem>> -> memref<1x32x256xf32, #tpu.memory_space<vmem>>
          %gather3A_689 = tpu.memref_squeeze %gather3A_688 : memref<1x32x256xf32, #tpu.memory_space<vmem>> -> memref<32x256xf32, #tpu.memory_space<vmem>>
          %gather3A_690 = tpu.vector_load_idx %gather3A_689[%add3A_257, %add3A_685] : memref<32x256xf32, #tpu.memory_space<vmem>>[vector<16xi32>, vector<16xi32>], vector<16xf32>,
          %mul3A_691 = arith.mulf %gather3A_690, %exp3A : vector<16xf32>
          tpu.vector_store_idx %arg14[%add3A_257, %broadcast_in_dim3A_682], %mul3A_691 : memref<32x128xf32, #tpu.memory_space<vmem>>[vector<16xi32>, vector<16xi32>], vector<16xf32>,
          %add3A_692 = arith.constant 15 : i32
          %add3A_693 = arith.addi %mul3A_266, %add3A_692 : i32
          %broadcast_in_dim3A_694 = vector.broadcast %add3A_693 : i32 to vector<16xi32>
          %add3A_695 = arith.constant 128 : i32
          %add3A_696 = vector.broadcast %add3A_695 : i32 to vector<16xi32>
          %add3A_697 = arith.addi %broadcast_in_dim3A_694, %add3A_696 : vector<16xi32>
          %gather3A_698 = arith.constant 0 : i32
          %gather3A_699 = arith.constant 0 : i32
          %gather3A_700 = tpu.memref_slice %arg12[%rem3A_193, %gather3A_698, %gather3A_699] : memref<2x32x256xf32, #tpu.memory_space<vmem>> -> memref<1x32x256xf32, #tpu.memory_space<vmem>>
          %gather3A_701 = tpu.memref_squeeze %gather3A_700 : memref<1x32x256xf32, #tpu.memory_space<vmem>> -> memref<32x256xf32, #tpu.memory_space<vmem>>
          %gather3A_702 = tpu.vector_load_idx %gather3A_701[%add3A_257, %add3A_697] : memref<32x256xf32, #tpu.memory_space<vmem>>[vector<16xi32>, vector<16xi32>], vector<16xf32>,
          %mul3A_703 = arith.mulf %gather3A_702, %exp3A : vector<16xf32>
          tpu.vector_store_idx %arg14[%add3A_257, %broadcast_in_dim3A_694], %mul3A_703 : memref<32x128xf32, #tpu.memory_space<vmem>>[vector<16xi32>, vector<16xi32>], vector<16xf32>,
        }
        %scan3A_263 = arith.constant 8 : i32
      }
      %scan3A_226 = arith.constant 2 : i32
      %eq3A_227 = arith.constant 0 : i32
      %eq3A_228 = arith.cmpi eq, %rem3A_193, %eq3A_227 : i32
      %convert_element_type3A_229 = arith.extui %eq3A_228 : i1 to i32
      %cond3A_230 = arith.constant 0 : i32
      %cond3A_231 = arith.cmpi ne, %convert_element_type3A_229, %cond3A_230 : i32
      scf.if %cond3A_231 {
        "tpu.region"() ({
          %run_scoped3A = tpu.sem_alloc : memref<!tpu.dma_semaphore, #tpu.memory_space<semaphore_mem>>
          %dma_start3A_253 = arith.constant 0 : i32
          %dma_start3A_254 = arith.constant 0 : i32
          %dma_start3A_255 = tpu.memref_slice %arg15[%dma_start3A_253, %dma_start3A_254] : memref<10240x128xf32, #tpu.memory_space<vmem_shared>> -> memref<10240x128xf32, #tpu.memory_space<vmem_shared>>
          tpu.enqueue_indirect_dma source(%arg14 : memref<32x128xf32, #tpu.memory_space<vmem>>) target(%dma_start3A_255 : memref<10240x128xf32, #tpu.memory_space<vmem_shared>>) offsets(%arg9 : memref<32xi32, #tpu.memory_space<vmem>>) semaphore(%run_scoped3A : memref<!tpu.dma_semaphore, #tpu.memory_space<semaphore_mem>>) {add = true}
          %dma_wait3A_256 = arith.constant 0 : i32
          %dma_wait3A_257 = arith.constant 0 : i32
          %dma_wait3A_258 = tpu.memref_slice %arg15[%dma_wait3A_256, %dma_wait3A_257] : memref<10240x128xf32, #tpu.memory_space<vmem_shared>> -> memref<10240x128xf32, #tpu.memory_space<vmem_shared>>
          tpu.wait_indirect_dma semaphore(%run_scoped3A : memref<!tpu.dma_semaphore, #tpu.memory_space<semaphore_mem>>) src(%arg14 : memref<32x128xf32, #tpu.memory_space<vmem>>) dst(%dma_wait3A_258 : memref<10240x128xf32, #tpu.memory_space<vmem_shared>>)
          tpu.yield
        }) : () -> ()
      } else {
      }
      %eq3A_232 = arith.constant 1 : i32
      %eq3A_233 = arith.cmpi eq, %rem3A_193, %eq3A_232 : i32
      %convert_element_type3A_234 = arith.extui %eq3A_233 : i1 to i32
      %cond3A_235 = arith.constant 0 : i32
      %cond3A_236 = arith.cmpi ne, %convert_element_type3A_234, %cond3A_235 : i32
      scf.if %cond3A_236 {
        "tpu.region"() ({
          %run_scoped3A = tpu.sem_alloc : memref<!tpu.dma_semaphore, #tpu.memory_space<semaphore_mem>>
          %dma_start3A_253 = arith.constant 0 : i32
          %dma_start3A_254 = arith.constant 0 : i32
          %dma_start3A_255 = tpu.memref_slice %arg15[%dma_start3A_253, %dma_start3A_254] : memref<10240x128xf32, #tpu.memory_space<vmem_shared>> -> memref<10240x128xf32, #tpu.memory_space<vmem_shared>>
          tpu.enqueue_indirect_dma source(%arg14 : memref<32x128xf32, #tpu.memory_space<vmem>>) target(%dma_start3A_255 : memref<10240x128xf32, #tpu.memory_space<vmem_shared>>) offsets(%arg10 : memref<32xi32, #tpu.memory_space<vmem>>) semaphore(%run_scoped3A : memref<!tpu.dma_semaphore, #tpu.memory_space<semaphore_mem>>) {add = true}
          %dma_wait3A_256 = arith.constant 0 : i32
          %dma_wait3A_257 = arith.constant 0 : i32
          %dma_wait3A_258 = tpu.memref_slice %arg15[%dma_wait3A_256, %dma_wait3A_257] : memref<10240x128xf32, #tpu.memory_space<vmem_shared>> -> memref<10240x128xf32, #tpu.memory_space<vmem_shared>>
          tpu.wait_indirect_dma semaphore(%run_scoped3A : memref<!tpu.dma_semaphore, #tpu.memory_space<semaphore_mem>>) src(%arg14 : memref<32x128xf32, #tpu.memory_space<vmem>>) dst(%dma_wait3A_258 : memref<10240x128xf32, #tpu.memory_space<vmem_shared>>)
          tpu.yield
        }) : () -> ()
      } else {
      }
      %lt3A_237 = arith.constant 310 : i32
      %lt3A_238 = arith.cmpi slt, %scan3A_192, %lt3A_237 : i32
      %eq3A_239 = arith.constant 0 : i32
      %eq3A_240 = arith.cmpi eq, %rem3A_193, %eq3A_239 : i32
      %and3A_241 = arith.andi %lt3A_238, %eq3A_240 : i1
      %convert_element_type3A_242 = arith.extui %and3A_241 : i1 to i32
      %cond3A_243 = arith.constant 0 : i32
      %cond3A_244 = arith.cmpi ne, %convert_element_type3A_242, %cond3A_243 : i32
      scf.if %cond3A_244 {
        %add3A_253 = arith.constant 2 : i32
        %add3A_254 = arith.addi %scan3A_192, %add3A_253 : i32
        %mul3A_255 = arith.constant 32 : i32
        %mul3A_256 = arith.muli %add3A_254, %mul3A_255 : i32
        %add3A_257 = arith.addi %mul3A_2, %mul3A_256 : i32
        %dma_start3A_258 = arith.constant 0 : i32
        %dma_start3A_259 = tpu.memref_slice %arg4[%add3A_257] : memref<320000xi32, #tpu.memory_space<hbm>> -> memref<32xi32, #tpu.memory_space<hbm>>
        %dma_start3A_260 = tpu.memref_slice %arg16[%dma_start3A_258] : memref<2x!tpu.dma_semaphore, #tpu.memory_space<semaphore_mem>> -> memref<1x!tpu.dma_semaphore, #tpu.memory_space<semaphore_mem>>
        %dma_start3A_261 = tpu.memref_squeeze %dma_start3A_260 : memref<1x!tpu.dma_semaphore, #tpu.memory_space<semaphore_mem>> -> memref<!tpu.dma_semaphore, #tpu.memory_space<semaphore_mem>>
        %dma_start3A_262 = tpu.memref_slice %arg4[%add3A_257] : memref<320000xi32, #tpu.memory_space<hbm>> -> memref<32xi32, #tpu.memory_space<hbm>>
        tpu.enqueue_dma source(%dma_start3A_262 : memref<32xi32, #tpu.memory_space<hbm>>) target(%arg7 : memref<32xi32, #tpu.memory_space<vmem>>) target_semaphore(%dma_start3A_261 : memref<!tpu.dma_semaphore, #tpu.memory_space<semaphore_mem>>)
        %dma_start3A_263 = arith.constant 0 : i32
        %dma_start3A_264 = tpu.memref_slice %arg5[%add3A_257] : memref<320000xi32, #tpu.memory_space<hbm>> -> memref<32xi32, #tpu.memory_space<hbm>>
        %dma_start3A_265 = tpu.memref_slice %arg16[%dma_start3A_263] : memref<2x!tpu.dma_semaphore, #tpu.memory_space<semaphore_mem>> -> memref<1x!tpu.dma_semaphore, #tpu.memory_space<semaphore_mem>>
        %dma_start3A_266 = tpu.memref_squeeze %dma_start3A_265 : memref<1x!tpu.dma_semaphore, #tpu.memory_space<semaphore_mem>> -> memref<!tpu.dma_semaphore, #tpu.memory_space<semaphore_mem>>
        %dma_start3A_267 = tpu.memref_slice %arg5[%add3A_257] : memref<320000xi32, #tpu.memory_space<hbm>> -> memref<32xi32, #tpu.memory_space<hbm>>
        tpu.enqueue_dma source(%dma_start3A_267 : memref<32xi32, #tpu.memory_space<hbm>>) target(%arg9 : memref<32xi32, #tpu.memory_space<vmem>>) target_semaphore(%dma_start3A_266 : memref<!tpu.dma_semaphore, #tpu.memory_space<semaphore_mem>>)
      } else {
      }
      %lt3A_245 = arith.constant 310 : i32
      %lt3A_246 = arith.cmpi slt, %scan3A_192, %lt3A_245 : i32
      %eq3A_247 = arith.constant 1 : i32
      %eq3A_248 = arith.cmpi eq, %rem3A_193, %eq3A_247 : i32
      %and3A_249 = arith.andi %lt3A_246, %eq3A_248 : i1
      %convert_element_type3A_250 = arith.extui %and3A_249 : i1 to i32
      %cond3A_251 = arith.constant 0 : i32
      %cond3A_252 = arith.cmpi ne, %convert_element_type3A_250, %cond3A_251 : i32
      scf.if %cond3A_252 {
        %add3A_253 = arith.constant 2 : i32
        %add3A_254 = arith.addi %scan3A_192, %add3A_253 : i32
        %mul3A_255 = arith.constant 32 : i32
        %mul3A_256 = arith.muli %add3A_254, %mul3A_255 : i32
        %add3A_257 = arith.addi %mul3A_2, %mul3A_256 : i32
        %dma_start3A_258 = arith.constant 1 : i32
        %dma_start3A_259 = tpu.memref_slice %arg4[%add3A_257] : memref<320000xi32, #tpu.memory_space<hbm>> -> memref<32xi32, #tpu.memory_space<hbm>>
        %dma_start3A_260 = tpu.memref_slice %arg16[%dma_start3A_258] : memref<2x!tpu.dma_semaphore, #tpu.memory_space<semaphore_mem>> -> memref<1x!tpu.dma_semaphore, #tpu.memory_space<semaphore_mem>>
        %dma_start3A_261 = tpu.memref_squeeze %dma_start3A_260 : memref<1x!tpu.dma_semaphore, #tpu.memory_space<semaphore_mem>> -> memref<!tpu.dma_semaphore, #tpu.memory_space<semaphore_mem>>
        %dma_start3A_262 = tpu.memref_slice %arg4[%add3A_257] : memref<320000xi32, #tpu.memory_space<hbm>> -> memref<32xi32, #tpu.memory_space<hbm>>
        tpu.enqueue_dma source(%dma_start3A_262 : memref<32xi32, #tpu.memory_space<hbm>>) target(%arg8 : memref<32xi32, #tpu.memory_space<vmem>>) target_semaphore(%dma_start3A_261 : memref<!tpu.dma_semaphore, #tpu.memory_space<semaphore_mem>>)
        %dma_start3A_263 = arith.constant 1 : i32
        %dma_start3A_264 = tpu.memref_slice %arg5[%add3A_257] : memref<320000xi32, #tpu.memory_space<hbm>> -> memref<32xi32, #tpu.memory_space<hbm>>
        %dma_start3A_265 = tpu.memref_slice %arg16[%dma_start3A_263] : memref<2x!tpu.dma_semaphore, #tpu.memory_space<semaphore_mem>> -> memref<1x!tpu.dma_semaphore, #tpu.memory_space<semaphore_mem>>
        %dma_start3A_266 = tpu.memref_squeeze %dma_start3A_265 : memref<1x!tpu.dma_semaphore, #tpu.memory_space<semaphore_mem>> -> memref<!tpu.dma_semaphore, #tpu.memory_space<semaphore_mem>>
        %dma_start3A_267 = tpu.memref_slice %arg5[%add3A_257] : memref<320000xi32, #tpu.memory_space<hbm>> -> memref<32xi32, #tpu.memory_space<hbm>>
        tpu.enqueue_dma source(%dma_start3A_267 : memref<32xi32, #tpu.memory_space<hbm>>) target(%arg10 : memref<32xi32, #tpu.memory_space<vmem>>) target_semaphore(%dma_start3A_266 : memref<!tpu.dma_semaphore, #tpu.memory_space<semaphore_mem>>)
      } else {
      }
    }
    %scan3A_113 = arith.constant 312 : i32
    %add3A_114 = arith.constant 9984 : i32
    %add3A_115 = arith.addi %mul3A_2, %add3A_114 : i32
    "tpu.region"() ({
      %run_scoped3A = tpu.sem_alloc : memref<!tpu.dma_semaphore, #tpu.memory_space<semaphore_mem>>
      %dma_start3A_192 = arith.constant 0 : i32
      %dma_start3A_193 = tpu.memref_slice %arg7[%dma_start3A_192] : memref<32xi32, #tpu.memory_space<vmem>> -> memref<16xi32, #tpu.memory_space<vmem>>
      %dma_start3A_194 = tpu.memref_slice %arg4[%add3A_115] : memref<320000xi32, #tpu.memory_space<hbm>> -> memref<16xi32, #tpu.memory_space<hbm>>
      %dma_start3A_195 = arith.constant 0 : i32
      %dma_start3A_196 = tpu.memref_slice %arg7[%dma_start3A_195] : memref<32xi32, #tpu.memory_space<vmem>> -> memref<16xi32, #tpu.memory_space<vmem>>
      %dma_start3A_197 = tpu.memref_slice %arg4[%add3A_115] : memref<320000xi32, #tpu.memory_space<hbm>> -> memref<16xi32, #tpu.memory_space<hbm>>
      tpu.enqueue_dma source(%dma_start3A_197 : memref<16xi32, #tpu.memory_space<hbm>>) target(%dma_start3A_196 : memref<16xi32, #tpu.memory_space<vmem>>) target_semaphore(%run_scoped3A : memref<!tpu.dma_semaphore, #tpu.memory_space<semaphore_mem>>)
      %dma_wait3A_198 = arith.constant 0 : i32
      %dma_wait3A_199 = tpu.memref_slice %arg7[%dma_wait3A_198] : memref<32xi32, #tpu.memory_space<vmem>> -> memref<16xi32, #tpu.memory_space<vmem>>
      %dma_wait3A_200 = tpu.memref_slice %arg4[%add3A_115] : memref<320000xi32, #tpu.memory_space<hbm>> -> memref<16xi32, #tpu.memory_space<hbm>>
      %dma_wait3A_201 = arith.constant 0 : i32
      %dma_wait3A_202 = tpu.memref_slice %arg7[%dma_wait3A_201] : memref<32xi32, #tpu.memory_space<vmem>> -> memref<16xi32, #tpu.memory_space<vmem>>
      %dma_wait3A_203 = tpu.memref_slice %arg4[%add3A_115] : memref<320000xi32, #tpu.memory_space<hbm>> -> memref<16xi32, #tpu.memory_space<hbm>>
      tpu.wait_dma2 semaphore(%run_scoped3A : memref<!tpu.dma_semaphore, #tpu.memory_space<semaphore_mem>>) src(%dma_wait3A_203 : memref<16xi32, #tpu.memory_space<hbm>>) dst(%dma_wait3A_202 : memref<16xi32, #tpu.memory_space<vmem>>)
      tpu.yield
    }) : () -> ()
    "tpu.region"() ({
      %run_scoped3A = tpu.sem_alloc : memref<!tpu.dma_semaphore, #tpu.memory_space<semaphore_mem>>
      %dma_start3A_192 = tpu.memref_slice %arg5[%add3A_115] : memref<320000xi32, #tpu.memory_space<hbm>> -> memref<16xi32, #tpu.memory_space<hbm>>
      %dma_start3A_193 = tpu.memref_slice %arg5[%add3A_115] : memref<320000xi32, #tpu.memory_space<hbm>> -> memref<16xi32, #tpu.memory_space<hbm>>
      tpu.enqueue_dma source(%dma_start3A_193 : memref<16xi32, #tpu.memory_space<hbm>>) target(%arg11 : memref<16xi32, #tpu.memory_space<vmem>>) target_semaphore(%run_scoped3A : memref<!tpu.dma_semaphore, #tpu.memory_space<semaphore_mem>>)
      %dma_wait3A_194 = tpu.memref_slice %arg5[%add3A_115] : memref<320000xi32, #tpu.memory_space<hbm>> -> memref<16xi32, #tpu.memory_space<hbm>>
      %dma_wait3A_195 = tpu.memref_slice %arg5[%add3A_115] : memref<320000xi32, #tpu.memory_space<hbm>> -> memref<16xi32, #tpu.memory_space<hbm>>
      tpu.wait_dma2 semaphore(%run_scoped3A : memref<!tpu.dma_semaphore, #tpu.memory_space<semaphore_mem>>) src(%dma_wait3A_195 : memref<16xi32, #tpu.memory_space<hbm>>) dst(%arg11 : memref<16xi32, #tpu.memory_space<vmem>>)
      tpu.yield
    }) : () -> ()
    %dma_start3A_116 = arith.constant 0 : i32
    %dma_start3A_117 = arith.constant 0 : i32
    %dma_start3A_118 = arith.constant 0 : i32
    %dma_start3A_119 = arith.constant 0 : i32
    %dma_start3A_120 = tpu.memref_slice %arg12[%dma_start3A_116, %dma_start3A_118, %dma_start3A_119] : memref<2x32x256xf32, #tpu.memory_space<vmem>> -> memref<1x16x256xf32, #tpu.memory_space<vmem>>
    %dma_start3A_121 = tpu.memref_squeeze %dma_start3A_120 : memref<1x16x256xf32, #tpu.memory_space<vmem>> -> memref<16x256xf32, #tpu.memory_space<vmem>>
    %dma_start3A_122 = arith.constant 0 : i32
    %dma_start3A_123 = tpu.memref_slice %arg7[%dma_start3A_122] : memref<32xi32, #tpu.memory_space<vmem>> -> memref<16xi32, #tpu.memory_space<vmem>>
    %dma_start3A_124 = arith.constant 0 : i32
    %dma_start3A_125 = arith.constant 0 : i32
    %dma_start3A_126 = tpu.memref_slice %arg3[%dma_start3A_124, %dma_start3A_125] : memref<10000x256xf32, #tpu.memory_space<hbm>> -> memref<10000x256xf32, #tpu.memory_space<hbm>>
    %dma_start3A_127 = tpu.memref_slice %arg17[%dma_start3A_117] : memref<2x!tpu.dma_semaphore, #tpu.memory_space<semaphore_mem>> -> memref<1x!tpu.dma_semaphore, #tpu.memory_space<semaphore_mem>>
    %dma_start3A_128 = tpu.memref_squeeze %dma_start3A_127 : memref<1x!tpu.dma_semaphore, #tpu.memory_space<semaphore_mem>> -> memref<!tpu.dma_semaphore, #tpu.memory_space<semaphore_mem>>
    tpu.enqueue_indirect_dma source(%dma_start3A_126 : memref<10000x256xf32, #tpu.memory_space<hbm>>) target(%dma_start3A_121 : memref<16x256xf32, #tpu.memory_space<vmem>>) offsets(%dma_start3A_123 : memref<16xi32, #tpu.memory_space<vmem>>) semaphore(%dma_start3A_128 : memref<!tpu.dma_semaphore, #tpu.memory_space<semaphore_mem>>)
    %dma_start3A_129 = arith.constant 0 : i32
    %dma_start3A_130 = arith.constant 0 : i32
    %dma_start3A_131 = arith.constant 0 : i32
    %dma_start3A_132 = arith.constant 0 : i32
    %dma_start3A_133 = tpu.memref_slice %arg13[%dma_start3A_129, %dma_start3A_131, %dma_start3A_132] : memref<2x32x128xf32, #tpu.memory_space<vmem>> -> memref<1x16x128xf32, #tpu.memory_space<vmem>>
    %dma_start3A_134 = tpu.memref_squeeze %dma_start3A_133 : memref<1x16x128xf32, #tpu.memory_space<vmem>> -> memref<16x128xf32, #tpu.memory_space<vmem>>
    %dma_start3A_135 = arith.constant 0 : i32
    %dma_start3A_136 = arith.constant 0 : i32
    %dma_start3A_137 = tpu.memref_slice %arg2[%dma_start3A_135, %dma_start3A_136] : memref<10000x128xf32, #tpu.memory_space<hbm>> -> memref<10000x128xf32, #tpu.memory_space<hbm>>
    %dma_start3A_138 = tpu.memref_slice %arg17[%dma_start3A_130] : memref<2x!tpu.dma_semaphore, #tpu.memory_space<semaphore_mem>> -> memref<1x!tpu.dma_semaphore, #tpu.memory_space<semaphore_mem>>
    %dma_start3A_139 = tpu.memref_squeeze %dma_start3A_138 : memref<1x!tpu.dma_semaphore, #tpu.memory_space<semaphore_mem>> -> memref<!tpu.dma_semaphore, #tpu.memory_space<semaphore_mem>>
    tpu.enqueue_indirect_dma source(%dma_start3A_137 : memref<10000x128xf32, #tpu.memory_space<hbm>>) target(%dma_start3A_134 : memref<16x128xf32, #tpu.memory_space<vmem>>) offsets(%arg11 : memref<16xi32, #tpu.memory_space<vmem>>) semaphore(%dma_start3A_139 : memref<!tpu.dma_semaphore, #tpu.memory_space<semaphore_mem>>)
    %dma_wait3A = arith.constant 0 : i32
    %dma_wait3A_140 = arith.constant 0 : i32
    %dma_wait3A_141 = arith.constant 0 : i32
    %dma_wait3A_142 = arith.constant 0 : i32
    %dma_wait3A_143 = tpu.memref_slice %arg12[%dma_wait3A, %dma_wait3A_141, %dma_wait3A_142] : memref<2x32x256xf32, #tpu.memory_space<vmem>> -> memref<1x16x256xf32, #tpu.memory_space<vmem>>
    %dma_wait3A_144 = tpu.memref_squeeze %dma_wait3A_143 : memref<1x16x256xf32, #tpu.memory_space<vmem>> -> memref<16x256xf32, #tpu.memory_space<vmem>>
    %dma_wait3A_145 = arith.constant 0 : i32
    %dma_wait3A_146 = tpu.memref_slice %arg7[%dma_wait3A_145] : memref<32xi32, #tpu.memory_space<vmem>> -> memref<16xi32, #tpu.memory_space<vmem>>
    %dma_wait3A_147 = arith.constant 0 : i32
    %dma_wait3A_148 = arith.constant 0 : i32
    %dma_wait3A_149 = tpu.memref_slice %arg3[%dma_wait3A_147, %dma_wait3A_148] : memref<10000x256xf32, #tpu.memory_space<hbm>> -> memref<10000x256xf32, #tpu.memory_space<hbm>>
    %dma_wait3A_150 = tpu.memref_slice %arg17[%dma_wait3A_140] : memref<2x!tpu.dma_semaphore, #tpu.memory_space<semaphore_mem>> -> memref<1x!tpu.dma_semaphore, #tpu.memory_space<semaphore_mem>>
    %dma_wait3A_151 = tpu.memref_squeeze %dma_wait3A_150 : memref<1x!tpu.dma_semaphore, #tpu.memory_space<semaphore_mem>> -> memref<!tpu.dma_semaphore, #tpu.memory_space<semaphore_mem>>
    tpu.wait_indirect_dma semaphore(%dma_wait3A_151 : memref<!tpu.dma_semaphore, #tpu.memory_space<semaphore_mem>>) src(%dma_wait3A_149 : memref<10000x256xf32, #tpu.memory_space<hbm>>) dst(%dma_wait3A_144 : memref<16x256xf32, #tpu.memory_space<vmem>>)
    %dma_wait3A_152 = arith.constant 0 : i32
    %dma_wait3A_153 = arith.constant 0 : i32
    %dma_wait3A_154 = arith.constant 0 : i32
    %dma_wait3A_155 = arith.constant 0 : i32
    %dma_wait3A_156 = tpu.memref_slice %arg13[%dma_wait3A_152, %dma_wait3A_154, %dma_wait3A_155] : memref<2x32x128xf32, #tpu.memory_space<vmem>> -> memref<1x16x128xf32, #tpu.memory_space<vmem>>
    %dma_wait3A_157 = tpu.memref_squeeze %dma_wait3A_156 : memref<1x16x128xf32, #tpu.memory_space<vmem>> -> memref<16x128xf32, #tpu.memory_space<vmem>>
    %dma_wait3A_158 = arith.constant 0 : i32
    %dma_wait3A_159 = arith.constant 0 : i32
    %dma_wait3A_160 = tpu.memref_slice %arg2[%dma_wait3A_158, %dma_wait3A_159] : memref<10000x128xf32, #tpu.memory_space<hbm>> -> memref<10000x128xf32, #tpu.memory_space<hbm>>
    %dma_wait3A_161 = tpu.memref_slice %arg17[%dma_wait3A_153] : memref<2x!tpu.dma_semaphore, #tpu.memory_space<semaphore_mem>> -> memref<1x!tpu.dma_semaphore, #tpu.memory_space<semaphore_mem>>
    %dma_wait3A_162 = tpu.memref_squeeze %dma_wait3A_161 : memref<1x!tpu.dma_semaphore, #tpu.memory_space<semaphore_mem>> -> memref<!tpu.dma_semaphore, #tpu.memory_space<semaphore_mem>>
    tpu.wait_indirect_dma semaphore(%dma_wait3A_162 : memref<!tpu.dma_semaphore, #tpu.memory_space<semaphore_mem>>) src(%dma_wait3A_160 : memref<10000x128xf32, #tpu.memory_space<hbm>>) dst(%dma_wait3A_157 : memref<16x128xf32, #tpu.memory_space<vmem>>)
    %scan3A_163 = arith.constant 0 : i32
    %scan3A_164 = arith.constant 0 : i32
    %scan3A_165 = arith.constant 0 : i32
    %scan3A_166 = arith.constant 0 : i32
    %scan3A_167 = arith.constant 8 : i32
    %scan3A_168 = arith.addi %scan3A_166, %scan3A_167 : i32
    %scan3A_169 = arith.constant 1 : i32
    scf.for %scan3A_192 = %scan3A_166 to %scan3A_168 step %scan3A_169  : i32 {
      %mul3A_193 = arith.constant 16 : i32
      %mul3A_194 = arith.muli %scan3A_192, %mul3A_193 : i32
      %add3A_195 = arith.constant 0 : i32
      %add3A_196 = arith.addi %mul3A_194, %add3A_195 : i32
      %broadcast_in_dim3A_197 = vector.broadcast %add3A_196 : i32 to vector<16xi32>
      %gather3A = arith.constant 0 : i32
      %gather3A_198 = arith.constant 0 : i32
      %gather3A_199 = tpu.memref_slice %arg12[%scan3A_164, %gather3A, %gather3A_198] : memref<2x32x256xf32, #tpu.memory_space<vmem>> -> memref<1x32x256xf32, #tpu.memory_space<vmem>>
      %gather3A_200 = tpu.memref_squeeze %gather3A_199 : memref<1x32x256xf32, #tpu.memory_space<vmem>> -> memref<32x256xf32, #tpu.memory_space<vmem>>
      %gather3A_201 = tpu.vector_load_idx %gather3A_200[%iota3A, %broadcast_in_dim3A_197] : memref<32x256xf32, #tpu.memory_space<vmem>>[vector<16xi32>, vector<16xi32>], vector<16xf32>,
      %gather3A_202 = arith.constant 0 : i32
      %gather3A_203 = arith.constant 0 : i32
      %gather3A_204 = tpu.memref_slice %arg13[%scan3A_165, %gather3A_202, %gather3A_203] : memref<2x32x128xf32, #tpu.memory_space<vmem>> -> memref<1x32x128xf32, #tpu.memory_space<vmem>>
      %gather3A_205 = tpu.memref_squeeze %gather3A_204 : memref<1x32x128xf32, #tpu.memory_space<vmem>> -> memref<32x128xf32, #tpu.memory_space<vmem>>
      %gather3A_206 = tpu.vector_load_idx %gather3A_205[%iota3A, %broadcast_in_dim3A_197] : memref<32x128xf32, #tpu.memory_space<vmem>>[vector<16xi32>, vector<16xi32>], vector<16xf32>,
      %mul3A_207 = arith.mulf %gather3A_201, %gather3A_206 : vector<16xf32>
      %add3A_208 = arith.addf %broadcast_in_dim3A_3, %mul3A_207 : vector<16xf32>
      %add3A_209 = arith.constant 1 : i32
      %add3A_210 = arith.addi %mul3A_194, %add3A_209 : i32
      %broadcast_in_dim3A_211 = vector.broadcast %add3A_210 : i32 to vector<16xi32>
      %gather3A_212 = arith.constant 0 : i32
      %gather3A_213 = arith.constant 0 : i32
      %gather3A_214 = tpu.memref_slice %arg12[%scan3A_164, %gather3A_212, %gather3A_213] : memref<2x32x256xf32, #tpu.memory_space<vmem>> -> memref<1x32x256xf32, #tpu.memory_space<vmem>>
      %gather3A_215 = tpu.memref_squeeze %gather3A_214 : memref<1x32x256xf32, #tpu.memory_space<vmem>> -> memref<32x256xf32, #tpu.memory_space<vmem>>
      %gather3A_216 = tpu.vector_load_idx %gather3A_215[%iota3A, %broadcast_in_dim3A_211] : memref<32x256xf32, #tpu.memory_space<vmem>>[vector<16xi32>, vector<16xi32>], vector<16xf32>,
      %gather3A_217 = arith.constant 0 : i32
      %gather3A_218 = arith.constant 0 : i32
      %gather3A_219 = tpu.memref_slice %arg13[%scan3A_165, %gather3A_217, %gather3A_218] : memref<2x32x128xf32, #tpu.memory_space<vmem>> -> memref<1x32x128xf32, #tpu.memory_space<vmem>>
      %gather3A_220 = tpu.memref_squeeze %gather3A_219 : memref<1x32x128xf32, #tpu.memory_space<vmem>> -> memref<32x128xf32, #tpu.memory_space<vmem>>
      %gather3A_221 = tpu.vector_load_idx %gather3A_220[%iota3A, %broadcast_in_dim3A_211] : memref<32x128xf32, #tpu.memory_space<vmem>>[vector<16xi32>, vector<16xi32>], vector<16xf32>,
      %mul3A_222 = arith.mulf %gather3A_216, %gather3A_221 : vector<16xf32>
      %add3A_223 = arith.addf %add3A_208, %mul3A_222 : vector<16xf32>
      %add3A_224 = arith.constant 2 : i32
      %add3A_225 = arith.addi %mul3A_194, %add3A_224 : i32
      %broadcast_in_dim3A_226 = vector.broadcast %add3A_225 : i32 to vector<16xi32>
      %gather3A_227 = arith.constant 0 : i32
      %gather3A_228 = arith.constant 0 : i32
      %gather3A_229 = tpu.memref_slice %arg12[%scan3A_164, %gather3A_227, %gather3A_228] : memref<2x32x256xf32, #tpu.memory_space<vmem>> -> memref<1x32x256xf32, #tpu.memory_space<vmem>>
      %gather3A_230 = tpu.memref_squeeze %gather3A_229 : memref<1x32x256xf32, #tpu.memory_space<vmem>> -> memref<32x256xf32, #tpu.memory_space<vmem>>
      %gather3A_231 = tpu.vector_load_idx %gather3A_230[%iota3A, %broadcast_in_dim3A_226] : memref<32x256xf32, #tpu.memory_space<vmem>>[vector<16xi32>, vector<16xi32>], vector<16xf32>,
      %gather3A_232 = arith.constant 0 : i32
      %gather3A_233 = arith.constant 0 : i32
      %gather3A_234 = tpu.memref_slice %arg13[%scan3A_165, %gather3A_232, %gather3A_233] : memref<2x32x128xf32, #tpu.memory_space<vmem>> -> memref<1x32x128xf32, #tpu.memory_space<vmem>>
      %gather3A_235 = tpu.memref_squeeze %gather3A_234 : memref<1x32x128xf32, #tpu.memory_space<vmem>> -> memref<32x128xf32, #tpu.memory_space<vmem>>
      %gather3A_236 = tpu.vector_load_idx %gather3A_235[%iota3A, %broadcast_in_dim3A_226] : memref<32x128xf32, #tpu.memory_space<vmem>>[vector<16xi32>, vector<16xi32>], vector<16xf32>,
      %mul3A_237 = arith.mulf %gather3A_231, %gather3A_236 : vector<16xf32>
      %add3A_238 = arith.addf %add3A_223, %mul3A_237 : vector<16xf32>
      %add3A_239 = arith.constant 3 : i32
      %add3A_240 = arith.addi %mul3A_194, %add3A_239 : i32
      %broadcast_in_dim3A_241 = vector.broadcast %add3A_240 : i32 to vector<16xi32>
      %gather3A_242 = arith.constant 0 : i32
      %gather3A_243 = arith.constant 0 : i32
      %gather3A_244 = tpu.memref_slice %arg12[%scan3A_164, %gather3A_242, %gather3A_243] : memref<2x32x256xf32, #tpu.memory_space<vmem>> -> memref<1x32x256xf32, #tpu.memory_space<vmem>>
      %gather3A_245 = tpu.memref_squeeze %gather3A_244 : memref<1x32x256xf32, #tpu.memory_space<vmem>> -> memref<32x256xf32, #tpu.memory_space<vmem>>
      %gather3A_246 = tpu.vector_load_idx %gather3A_245[%iota3A, %broadcast_in_dim3A_241] : memref<32x256xf32, #tpu.memory_space<vmem>>[vector<16xi32>, vector<16xi32>], vector<16xf32>,
      %gather3A_247 = arith.constant 0 : i32
      %gather3A_248 = arith.constant 0 : i32
      %gather3A_249 = tpu.memref_slice %arg13[%scan3A_165, %gather3A_247, %gather3A_248] : memref<2x32x128xf32, #tpu.memory_space<vmem>> -> memref<1x32x128xf32, #tpu.memory_space<vmem>>
      %gather3A_250 = tpu.memref_squeeze %gather3A_249 : memref<1x32x128xf32, #tpu.memory_space<vmem>> -> memref<32x128xf32, #tpu.memory_space<vmem>>
      %gather3A_251 = tpu.vector_load_idx %gather3A_250[%iota3A, %broadcast_in_dim3A_241] : memref<32x128xf32, #tpu.memory_space<vmem>>[vector<16xi32>, vector<16xi32>], vector<16xf32>,
      %mul3A_252 = arith.mulf %gather3A_246, %gather3A_251 : vector<16xf32>
      %add3A_253 = arith.addf %add3A_238, %mul3A_252 : vector<16xf32>
      %add3A_254 = arith.constant 4 : i32
      %add3A_255 = arith.addi %mul3A_194, %add3A_254 : i32
      %broadcast_in_dim3A_256 = vector.broadcast %add3A_255 : i32 to vector<16xi32>
      %gather3A_257 = arith.constant 0 : i32
      %gather3A_258 = arith.constant 0 : i32
      %gather3A_259 = tpu.memref_slice %arg12[%scan3A_164, %gather3A_257, %gather3A_258] : memref<2x32x256xf32, #tpu.memory_space<vmem>> -> memref<1x32x256xf32, #tpu.memory_space<vmem>>
      %gather3A_260 = tpu.memref_squeeze %gather3A_259 : memref<1x32x256xf32, #tpu.memory_space<vmem>> -> memref<32x256xf32, #tpu.memory_space<vmem>>
      %gather3A_261 = tpu.vector_load_idx %gather3A_260[%iota3A, %broadcast_in_dim3A_256] : memref<32x256xf32, #tpu.memory_space<vmem>>[vector<16xi32>, vector<16xi32>], vector<16xf32>,
      %gather3A_262 = arith.constant 0 : i32
      %gather3A_263 = arith.constant 0 : i32
      %gather3A_264 = tpu.memref_slice %arg13[%scan3A_165, %gather3A_262, %gather3A_263] : memref<2x32x128xf32, #tpu.memory_space<vmem>> -> memref<1x32x128xf32, #tpu.memory_space<vmem>>
      %gather3A_265 = tpu.memref_squeeze %gather3A_264 : memref<1x32x128xf32, #tpu.memory_space<vmem>> -> memref<32x128xf32, #tpu.memory_space<vmem>>
      %gather3A_266 = tpu.vector_load_idx %gather3A_265[%iota3A, %broadcast_in_dim3A_256] : memref<32x128xf32, #tpu.memory_space<vmem>>[vector<16xi32>, vector<16xi32>], vector<16xf32>,
      %mul3A_267 = arith.mulf %gather3A_261, %gather3A_266 : vector<16xf32>
      %add3A_268 = arith.addf %add3A_253, %mul3A_267 : vector<16xf32>
      %add3A_269 = arith.constant 5 : i32
      %add3A_270 = arith.addi %mul3A_194, %add3A_269 : i32
      %broadcast_in_dim3A_271 = vector.broadcast %add3A_270 : i32 to vector<16xi32>
      %gather3A_272 = arith.constant 0 : i32
      %gather3A_273 = arith.constant 0 : i32
      %gather3A_274 = tpu.memref_slice %arg12[%scan3A_164, %gather3A_272, %gather3A_273] : memref<2x32x256xf32, #tpu.memory_space<vmem>> -> memref<1x32x256xf32, #tpu.memory_space<vmem>>
      %gather3A_275 = tpu.memref_squeeze %gather3A_274 : memref<1x32x256xf32, #tpu.memory_space<vmem>> -> memref<32x256xf32, #tpu.memory_space<vmem>>
      %gather3A_276 = tpu.vector_load_idx %gather3A_275[%iota3A, %broadcast_in_dim3A_271] : memref<32x256xf32, #tpu.memory_space<vmem>>[vector<16xi32>, vector<16xi32>], vector<16xf32>,
      %gather3A_277 = arith.constant 0 : i32
      %gather3A_278 = arith.constant 0 : i32
      %gather3A_279 = tpu.memref_slice %arg13[%scan3A_165, %gather3A_277, %gather3A_278] : memref<2x32x128xf32, #tpu.memory_space<vmem>> -> memref<1x32x128xf32, #tpu.memory_space<vmem>>
      %gather3A_280 = tpu.memref_squeeze %gather3A_279 : memref<1x32x128xf32, #tpu.memory_space<vmem>> -> memref<32x128xf32, #tpu.memory_space<vmem>>
      %gather3A_281 = tpu.vector_load_idx %gather3A_280[%iota3A, %broadcast_in_dim3A_271] : memref<32x128xf32, #tpu.memory_space<vmem>>[vector<16xi32>, vector<16xi32>], vector<16xf32>,
      %mul3A_282 = arith.mulf %gather3A_276, %gather3A_281 : vector<16xf32>
      %add3A_283 = arith.addf %add3A_268, %mul3A_282 : vector<16xf32>
      %add3A_284 = arith.constant 6 : i32
      %add3A_285 = arith.addi %mul3A_194, %add3A_284 : i32
      %broadcast_in_dim3A_286 = vector.broadcast %add3A_285 : i32 to vector<16xi32>
      %gather3A_287 = arith.constant 0 : i32
      %gather3A_288 = arith.constant 0 : i32
      %gather3A_289 = tpu.memref_slice %arg12[%scan3A_164, %gather3A_287, %gather3A_288] : memref<2x32x256xf32, #tpu.memory_space<vmem>> -> memref<1x32x256xf32, #tpu.memory_space<vmem>>
      %gather3A_290 = tpu.memref_squeeze %gather3A_289 : memref<1x32x256xf32, #tpu.memory_space<vmem>> -> memref<32x256xf32, #tpu.memory_space<vmem>>
      %gather3A_291 = tpu.vector_load_idx %gather3A_290[%iota3A, %broadcast_in_dim3A_286] : memref<32x256xf32, #tpu.memory_space<vmem>>[vector<16xi32>, vector<16xi32>], vector<16xf32>,
      %gather3A_292 = arith.constant 0 : i32
      %gather3A_293 = arith.constant 0 : i32
      %gather3A_294 = tpu.memref_slice %arg13[%scan3A_165, %gather3A_292, %gather3A_293] : memref<2x32x128xf32, #tpu.memory_space<vmem>> -> memref<1x32x128xf32, #tpu.memory_space<vmem>>
      %gather3A_295 = tpu.memref_squeeze %gather3A_294 : memref<1x32x128xf32, #tpu.memory_space<vmem>> -> memref<32x128xf32, #tpu.memory_space<vmem>>
      %gather3A_296 = tpu.vector_load_idx %gather3A_295[%iota3A, %broadcast_in_dim3A_286] : memref<32x128xf32, #tpu.memory_space<vmem>>[vector<16xi32>, vector<16xi32>], vector<16xf32>,
      %mul3A_297 = arith.mulf %gather3A_291, %gather3A_296 : vector<16xf32>
      %add3A_298 = arith.addf %add3A_283, %mul3A_297 : vector<16xf32>
      %add3A_299 = arith.constant 7 : i32
      %add3A_300 = arith.addi %mul3A_194, %add3A_299 : i32
      %broadcast_in_dim3A_301 = vector.broadcast %add3A_300 : i32 to vector<16xi32>
      %gather3A_302 = arith.constant 0 : i32
      %gather3A_303 = arith.constant 0 : i32
      %gather3A_304 = tpu.memref_slice %arg12[%scan3A_164, %gather3A_302, %gather3A_303] : memref<2x32x256xf32, #tpu.memory_space<vmem>> -> memref<1x32x256xf32, #tpu.memory_space<vmem>>
      %gather3A_305 = tpu.memref_squeeze %gather3A_304 : memref<1x32x256xf32, #tpu.memory_space<vmem>> -> memref<32x256xf32, #tpu.memory_space<vmem>>
      %gather3A_306 = tpu.vector_load_idx %gather3A_305[%iota3A, %broadcast_in_dim3A_301] : memref<32x256xf32, #tpu.memory_space<vmem>>[vector<16xi32>, vector<16xi32>], vector<16xf32>,
      %gather3A_307 = arith.constant 0 : i32
      %gather3A_308 = arith.constant 0 : i32
      %gather3A_309 = tpu.memref_slice %arg13[%scan3A_165, %gather3A_307, %gather3A_308] : memref<2x32x128xf32, #tpu.memory_space<vmem>> -> memref<1x32x128xf32, #tpu.memory_space<vmem>>
      %gather3A_310 = tpu.memref_squeeze %gather3A_309 : memref<1x32x128xf32, #tpu.memory_space<vmem>> -> memref<32x128xf32, #tpu.memory_space<vmem>>
      %gather3A_311 = tpu.vector_load_idx %gather3A_310[%iota3A, %broadcast_in_dim3A_301] : memref<32x128xf32, #tpu.memory_space<vmem>>[vector<16xi32>, vector<16xi32>], vector<16xf32>,
      %mul3A_312 = arith.mulf %gather3A_306, %gather3A_311 : vector<16xf32>
      %add3A_313 = arith.addf %add3A_298, %mul3A_312 : vector<16xf32>
      %add3A_314 = arith.constant 8 : i32
      %add3A_315 = arith.addi %mul3A_194, %add3A_314 : i32
      %broadcast_in_dim3A_316 = vector.broadcast %add3A_315 : i32 to vector<16xi32>
      %gather3A_317 = arith.constant 0 : i32
      %gather3A_318 = arith.constant 0 : i32
      %gather3A_319 = tpu.memref_slice %arg12[%scan3A_164, %gather3A_317, %gather3A_318] : memref<2x32x256xf32, #tpu.memory_space<vmem>> -> memref<1x32x256xf32, #tpu.memory_space<vmem>>
      %gather3A_320 = tpu.memref_squeeze %gather3A_319 : memref<1x32x256xf32, #tpu.memory_space<vmem>> -> memref<32x256xf32, #tpu.memory_space<vmem>>
      %gather3A_321 = tpu.vector_load_idx %gather3A_320[%iota3A, %broadcast_in_dim3A_316] : memref<32x256xf32, #tpu.memory_space<vmem>>[vector<16xi32>, vector<16xi32>], vector<16xf32>,
      %gather3A_322 = arith.constant 0 : i32
      %gather3A_323 = arith.constant 0 : i32
      %gather3A_324 = tpu.memref_slice %arg13[%scan3A_165, %gather3A_322, %gather3A_323] : memref<2x32x128xf32, #tpu.memory_space<vmem>> -> memref<1x32x128xf32, #tpu.memory_space<vmem>>
      %gather3A_325 = tpu.memref_squeeze %gather3A_324 : memref<1x32x128xf32, #tpu.memory_space<vmem>> -> memref<32x128xf32, #tpu.memory_space<vmem>>
      %gather3A_326 = tpu.vector_load_idx %gather3A_325[%iota3A, %broadcast_in_dim3A_316] : memref<32x128xf32, #tpu.memory_space<vmem>>[vector<16xi32>, vector<16xi32>], vector<16xf32>,
      %mul3A_327 = arith.mulf %gather3A_321, %gather3A_326 : vector<16xf32>
      %add3A_328 = arith.addf %add3A_313, %mul3A_327 : vector<16xf32>
      %add3A_329 = arith.constant 9 : i32
      %add3A_330 = arith.addi %mul3A_194, %add3A_329 : i32
      %broadcast_in_dim3A_331 = vector.broadcast %add3A_330 : i32 to vector<16xi32>
      %gather3A_332 = arith.constant 0 : i32
      %gather3A_333 = arith.constant 0 : i32
      %gather3A_334 = tpu.memref_slice %arg12[%scan3A_164, %gather3A_332, %gather3A_333] : memref<2x32x256xf32, #tpu.memory_space<vmem>> -> memref<1x32x256xf32, #tpu.memory_space<vmem>>
      %gather3A_335 = tpu.memref_squeeze %gather3A_334 : memref<1x32x256xf32, #tpu.memory_space<vmem>> -> memref<32x256xf32, #tpu.memory_space<vmem>>
      %gather3A_336 = tpu.vector_load_idx %gather3A_335[%iota3A, %broadcast_in_dim3A_331] : memref<32x256xf32, #tpu.memory_space<vmem>>[vector<16xi32>, vector<16xi32>], vector<16xf32>,
      %gather3A_337 = arith.constant 0 : i32
      %gather3A_338 = arith.constant 0 : i32
      %gather3A_339 = tpu.memref_slice %arg13[%scan3A_165, %gather3A_337, %gather3A_338] : memref<2x32x128xf32, #tpu.memory_space<vmem>> -> memref<1x32x128xf32, #tpu.memory_space<vmem>>
      %gather3A_340 = tpu.memref_squeeze %gather3A_339 : memref<1x32x128xf32, #tpu.memory_space<vmem>> -> memref<32x128xf32, #tpu.memory_space<vmem>>
      %gather3A_341 = tpu.vector_load_idx %gather3A_340[%iota3A, %broadcast_in_dim3A_331] : memref<32x128xf32, #tpu.memory_space<vmem>>[vector<16xi32>, vector<16xi32>], vector<16xf32>,
      %mul3A_342 = arith.mulf %gather3A_336, %gather3A_341 : vector<16xf32>
      %add3A_343 = arith.addf %add3A_328, %mul3A_342 : vector<16xf32>
      %add3A_344 = arith.constant 10 : i32
      %add3A_345 = arith.addi %mul3A_194, %add3A_344 : i32
      %broadcast_in_dim3A_346 = vector.broadcast %add3A_345 : i32 to vector<16xi32>
      %gather3A_347 = arith.constant 0 : i32
      %gather3A_348 = arith.constant 0 : i32
      %gather3A_349 = tpu.memref_slice %arg12[%scan3A_164, %gather3A_347, %gather3A_348] : memref<2x32x256xf32, #tpu.memory_space<vmem>> -> memref<1x32x256xf32, #tpu.memory_space<vmem>>
      %gather3A_350 = tpu.memref_squeeze %gather3A_349 : memref<1x32x256xf32, #tpu.memory_space<vmem>> -> memref<32x256xf32, #tpu.memory_space<vmem>>
      %gather3A_351 = tpu.vector_load_idx %gather3A_350[%iota3A, %broadcast_in_dim3A_346] : memref<32x256xf32, #tpu.memory_space<vmem>>[vector<16xi32>, vector<16xi32>], vector<16xf32>,
      %gather3A_352 = arith.constant 0 : i32
      %gather3A_353 = arith.constant 0 : i32
      %gather3A_354 = tpu.memref_slice %arg13[%scan3A_165, %gather3A_352, %gather3A_353] : memref<2x32x128xf32, #tpu.memory_space<vmem>> -> memref<1x32x128xf32, #tpu.memory_space<vmem>>
      %gather3A_355 = tpu.memref_squeeze %gather3A_354 : memref<1x32x128xf32, #tpu.memory_space<vmem>> -> memref<32x128xf32, #tpu.memory_space<vmem>>
      %gather3A_356 = tpu.vector_load_idx %gather3A_355[%iota3A, %broadcast_in_dim3A_346] : memref<32x128xf32, #tpu.memory_space<vmem>>[vector<16xi32>, vector<16xi32>], vector<16xf32>,
      %mul3A_357 = arith.mulf %gather3A_351, %gather3A_356 : vector<16xf32>
      %add3A_358 = arith.addf %add3A_343, %mul3A_357 : vector<16xf32>
      %add3A_359 = arith.constant 11 : i32
      %add3A_360 = arith.addi %mul3A_194, %add3A_359 : i32
      %broadcast_in_dim3A_361 = vector.broadcast %add3A_360 : i32 to vector<16xi32>
      %gather3A_362 = arith.constant 0 : i32
      %gather3A_363 = arith.constant 0 : i32
      %gather3A_364 = tpu.memref_slice %arg12[%scan3A_164, %gather3A_362, %gather3A_363] : memref<2x32x256xf32, #tpu.memory_space<vmem>> -> memref<1x32x256xf32, #tpu.memory_space<vmem>>
      %gather3A_365 = tpu.memref_squeeze %gather3A_364 : memref<1x32x256xf32, #tpu.memory_space<vmem>> -> memref<32x256xf32, #tpu.memory_space<vmem>>
      %gather3A_366 = tpu.vector_load_idx %gather3A_365[%iota3A, %broadcast_in_dim3A_361] : memref<32x256xf32, #tpu.memory_space<vmem>>[vector<16xi32>, vector<16xi32>], vector<16xf32>,
      %gather3A_367 = arith.constant 0 : i32
      %gather3A_368 = arith.constant 0 : i32
      %gather3A_369 = tpu.memref_slice %arg13[%scan3A_165, %gather3A_367, %gather3A_368] : memref<2x32x128xf32, #tpu.memory_space<vmem>> -> memref<1x32x128xf32, #tpu.memory_space<vmem>>
      %gather3A_370 = tpu.memref_squeeze %gather3A_369 : memref<1x32x128xf32, #tpu.memory_space<vmem>> -> memref<32x128xf32, #tpu.memory_space<vmem>>
      %gather3A_371 = tpu.vector_load_idx %gather3A_370[%iota3A, %broadcast_in_dim3A_361] : memref<32x128xf32, #tpu.memory_space<vmem>>[vector<16xi32>, vector<16xi32>], vector<16xf32>,
      %mul3A_372 = arith.mulf %gather3A_366, %gather3A_371 : vector<16xf32>
      %add3A_373 = arith.addf %add3A_358, %mul3A_372 : vector<16xf32>
      %add3A_374 = arith.constant 12 : i32
      %add3A_375 = arith.addi %mul3A_194, %add3A_374 : i32
      %broadcast_in_dim3A_376 = vector.broadcast %add3A_375 : i32 to vector<16xi32>
      %gather3A_377 = arith.constant 0 : i32
      %gather3A_378 = arith.constant 0 : i32
      %gather3A_379 = tpu.memref_slice %arg12[%scan3A_164, %gather3A_377, %gather3A_378] : memref<2x32x256xf32, #tpu.memory_space<vmem>> -> memref<1x32x256xf32, #tpu.memory_space<vmem>>
      %gather3A_380 = tpu.memref_squeeze %gather3A_379 : memref<1x32x256xf32, #tpu.memory_space<vmem>> -> memref<32x256xf32, #tpu.memory_space<vmem>>
      %gather3A_381 = tpu.vector_load_idx %gather3A_380[%iota3A, %broadcast_in_dim3A_376] : memref<32x256xf32, #tpu.memory_space<vmem>>[vector<16xi32>, vector<16xi32>], vector<16xf32>,
      %gather3A_382 = arith.constant 0 : i32
      %gather3A_383 = arith.constant 0 : i32
      %gather3A_384 = tpu.memref_slice %arg13[%scan3A_165, %gather3A_382, %gather3A_383] : memref<2x32x128xf32, #tpu.memory_space<vmem>> -> memref<1x32x128xf32, #tpu.memory_space<vmem>>
      %gather3A_385 = tpu.memref_squeeze %gather3A_384 : memref<1x32x128xf32, #tpu.memory_space<vmem>> -> memref<32x128xf32, #tpu.memory_space<vmem>>
      %gather3A_386 = tpu.vector_load_idx %gather3A_385[%iota3A, %broadcast_in_dim3A_376] : memref<32x128xf32, #tpu.memory_space<vmem>>[vector<16xi32>, vector<16xi32>], vector<16xf32>,
      %mul3A_387 = arith.mulf %gather3A_381, %gather3A_386 : vector<16xf32>
      %add3A_388 = arith.addf %add3A_373, %mul3A_387 : vector<16xf32>
      %add3A_389 = arith.constant 13 : i32
      %add3A_390 = arith.addi %mul3A_194, %add3A_389 : i32
      %broadcast_in_dim3A_391 = vector.broadcast %add3A_390 : i32 to vector<16xi32>
      %gather3A_392 = arith.constant 0 : i32
      %gather3A_393 = arith.constant 0 : i32
      %gather3A_394 = tpu.memref_slice %arg12[%scan3A_164, %gather3A_392, %gather3A_393] : memref<2x32x256xf32, #tpu.memory_space<vmem>> -> memref<1x32x256xf32, #tpu.memory_space<vmem>>
      %gather3A_395 = tpu.memref_squeeze %gather3A_394 : memref<1x32x256xf32, #tpu.memory_space<vmem>> -> memref<32x256xf32, #tpu.memory_space<vmem>>
      %gather3A_396 = tpu.vector_load_idx %gather3A_395[%iota3A, %broadcast_in_dim3A_391] : memref<32x256xf32, #tpu.memory_space<vmem>>[vector<16xi32>, vector<16xi32>], vector<16xf32>,
      %gather3A_397 = arith.constant 0 : i32
      %gather3A_398 = arith.constant 0 : i32
      %gather3A_399 = tpu.memref_slice %arg13[%scan3A_165, %gather3A_397, %gather3A_398] : memref<2x32x128xf32, #tpu.memory_space<vmem>> -> memref<1x32x128xf32, #tpu.memory_space<vmem>>
      %gather3A_400 = tpu.memref_squeeze %gather3A_399 : memref<1x32x128xf32, #tpu.memory_space<vmem>> -> memref<32x128xf32, #tpu.memory_space<vmem>>
      %gather3A_401 = tpu.vector_load_idx %gather3A_400[%iota3A, %broadcast_in_dim3A_391] : memref<32x128xf32, #tpu.memory_space<vmem>>[vector<16xi32>, vector<16xi32>], vector<16xf32>,
      %mul3A_402 = arith.mulf %gather3A_396, %gather3A_401 : vector<16xf32>
      %add3A_403 = arith.addf %add3A_388, %mul3A_402 : vector<16xf32>
      %add3A_404 = arith.constant 14 : i32
      %add3A_405 = arith.addi %mul3A_194, %add3A_404 : i32
      %broadcast_in_dim3A_406 = vector.broadcast %add3A_405 : i32 to vector<16xi32>
      %gather3A_407 = arith.constant 0 : i32
      %gather3A_408 = arith.constant 0 : i32
      %gather3A_409 = tpu.memref_slice %arg12[%scan3A_164, %gather3A_407, %gather3A_408] : memref<2x32x256xf32, #tpu.memory_space<vmem>> -> memref<1x32x256xf32, #tpu.memory_space<vmem>>
      %gather3A_410 = tpu.memref_squeeze %gather3A_409 : memref<1x32x256xf32, #tpu.memory_space<vmem>> -> memref<32x256xf32, #tpu.memory_space<vmem>>
      %gather3A_411 = tpu.vector_load_idx %gather3A_410[%iota3A, %broadcast_in_dim3A_406] : memref<32x256xf32, #tpu.memory_space<vmem>>[vector<16xi32>, vector<16xi32>], vector<16xf32>,
      %gather3A_412 = arith.constant 0 : i32
      %gather3A_413 = arith.constant 0 : i32
      %gather3A_414 = tpu.memref_slice %arg13[%scan3A_165, %gather3A_412, %gather3A_413] : memref<2x32x128xf32, #tpu.memory_space<vmem>> -> memref<1x32x128xf32, #tpu.memory_space<vmem>>
      %gather3A_415 = tpu.memref_squeeze %gather3A_414 : memref<1x32x128xf32, #tpu.memory_space<vmem>> -> memref<32x128xf32, #tpu.memory_space<vmem>>
      %gather3A_416 = tpu.vector_load_idx %gather3A_415[%iota3A, %broadcast_in_dim3A_406] : memref<32x128xf32, #tpu.memory_space<vmem>>[vector<16xi32>, vector<16xi32>], vector<16xf32>,
      %mul3A_417 = arith.mulf %gather3A_411, %gather3A_416 : vector<16xf32>
      %add3A_418 = arith.addf %add3A_403, %mul3A_417 : vector<16xf32>
      %add3A_419 = arith.constant 15 : i32
      %add3A_420 = arith.addi %mul3A_194, %add3A_419 : i32
      %broadcast_in_dim3A_421 = vector.broadcast %add3A_420 : i32 to vector<16xi32>
      %gather3A_422 = arith.constant 0 : i32
      %gather3A_423 = arith.constant 0 : i32
      %gather3A_424 = tpu.memref_slice %arg12[%scan3A_164, %gather3A_422, %gather3A_423] : memref<2x32x256xf32, #tpu.memory_space<vmem>> -> memref<1x32x256xf32, #tpu.memory_space<vmem>>
      %gather3A_425 = tpu.memref_squeeze %gather3A_424 : memref<1x32x256xf32, #tpu.memory_space<vmem>> -> memref<32x256xf32, #tpu.memory_space<vmem>>
      %gather3A_426 = tpu.vector_load_idx %gather3A_425[%iota3A, %broadcast_in_dim3A_421] : memref<32x256xf32, #tpu.memory_space<vmem>>[vector<16xi32>, vector<16xi32>], vector<16xf32>,
      %gather3A_427 = arith.constant 0 : i32
      %gather3A_428 = arith.constant 0 : i32
      %gather3A_429 = tpu.memref_slice %arg13[%scan3A_165, %gather3A_427, %gather3A_428] : memref<2x32x128xf32, #tpu.memory_space<vmem>> -> memref<1x32x128xf32, #tpu.memory_space<vmem>>
      %gather3A_430 = tpu.memref_squeeze %gather3A_429 : memref<1x32x128xf32, #tpu.memory_space<vmem>> -> memref<32x128xf32, #tpu.memory_space<vmem>>
      %gather3A_431 = tpu.vector_load_idx %gather3A_430[%iota3A, %broadcast_in_dim3A_421] : memref<32x128xf32, #tpu.memory_space<vmem>>[vector<16xi32>, vector<16xi32>], vector<16xf32>,
      %mul3A_432 = arith.mulf %gather3A_426, %gather3A_431 : vector<16xf32>
      %add3A_433 = arith.addf %add3A_418, %mul3A_432 : vector<16xf32>
      %mul3A_434 = arith.constant 2.500000e-01 : f32
      %mul3A_435 = vector.broadcast %mul3A_434 : f32 to vector<16xf32>
      %mul3A_436 = arith.mulf %add3A_433, %mul3A_435 : vector<16xf32>
      %jit3A = arith.constant -5.000000e+00 : f32
      %jit3A_437 = arith.constant 5.000000e+00 : f32
      %max3A = vector.broadcast %jit3A : f32 to vector<16xf32>
      %max3A_438 = arith.maximumf %max3A, %mul3A_436 : vector<16xf32>
      %min3A = vector.broadcast %jit3A_437 : f32 to vector<16xf32>
      %min3A_439 = arith.minimumf %min3A, %max3A_438 : vector<16xf32>
      %exp3A = math.exp %min3A_439 : vector<16xf32>
      %add3A_440 = arith.constant 0 : i32
      %add3A_441 = arith.addi %mul3A_194, %add3A_440 : i32
      %broadcast_in_dim3A_442 = vector.broadcast %add3A_441 : i32 to vector<16xi32>
      %add3A_443 = arith.constant 128 : i32
      %add3A_444 = vector.broadcast %add3A_443 : i32 to vector<16xi32>
      %add3A_445 = arith.addi %broadcast_in_dim3A_442, %add3A_444 : vector<16xi32>
      %gather3A_446 = arith.constant 0 : i32
      %gather3A_447 = arith.constant 0 : i32
      %gather3A_448 = tpu.memref_slice %arg12[%scan3A_164, %gather3A_446, %gather3A_447] : memref<2x32x256xf32, #tpu.memory_space<vmem>> -> memref<1x32x256xf32, #tpu.memory_space<vmem>>
      %gather3A_449 = tpu.memref_squeeze %gather3A_448 : memref<1x32x256xf32, #tpu.memory_space<vmem>> -> memref<32x256xf32, #tpu.memory_space<vmem>>
      %gather3A_450 = tpu.vector_load_idx %gather3A_449[%iota3A, %add3A_445] : memref<32x256xf32, #tpu.memory_space<vmem>>[vector<16xi32>, vector<16xi32>], vector<16xf32>,
      %mul3A_451 = arith.mulf %gather3A_450, %exp3A : vector<16xf32>
      tpu.vector_store_idx %arg14[%iota3A, %broadcast_in_dim3A_442], %mul3A_451 : memref<32x128xf32, #tpu.memory_space<vmem>>[vector<16xi32>, vector<16xi32>], vector<16xf32>,
      %add3A_452 = arith.constant 1 : i32
      %add3A_453 = arith.addi %mul3A_194, %add3A_452 : i32
      %broadcast_in_dim3A_454 = vector.broadcast %add3A_453 : i32 to vector<16xi32>
      %add3A_455 = arith.constant 128 : i32
      %add3A_456 = vector.broadcast %add3A_455 : i32 to vector<16xi32>
      %add3A_457 = arith.addi %broadcast_in_dim3A_454, %add3A_456 : vector<16xi32>
      %gather3A_458 = arith.constant 0 : i32
      %gather3A_459 = arith.constant 0 : i32
      %gather3A_460 = tpu.memref_slice %arg12[%scan3A_164, %gather3A_458, %gather3A_459] : memref<2x32x256xf32, #tpu.memory_space<vmem>> -> memref<1x32x256xf32, #tpu.memory_space<vmem>>
      %gather3A_461 = tpu.memref_squeeze %gather3A_460 : memref<1x32x256xf32, #tpu.memory_space<vmem>> -> memref<32x256xf32, #tpu.memory_space<vmem>>
      %gather3A_462 = tpu.vector_load_idx %gather3A_461[%iota3A, %add3A_457] : memref<32x256xf32, #tpu.memory_space<vmem>>[vector<16xi32>, vector<16xi32>], vector<16xf32>,
      %mul3A_463 = arith.mulf %gather3A_462, %exp3A : vector<16xf32>
      tpu.vector_store_idx %arg14[%iota3A, %broadcast_in_dim3A_454], %mul3A_463 : memref<32x128xf32, #tpu.memory_space<vmem>>[vector<16xi32>, vector<16xi32>], vector<16xf32>,
      %add3A_464 = arith.constant 2 : i32
      %add3A_465 = arith.addi %mul3A_194, %add3A_464 : i32
      %broadcast_in_dim3A_466 = vector.broadcast %add3A_465 : i32 to vector<16xi32>
      %add3A_467 = arith.constant 128 : i32
      %add3A_468 = vector.broadcast %add3A_467 : i32 to vector<16xi32>
      %add3A_469 = arith.addi %broadcast_in_dim3A_466, %add3A_468 : vector<16xi32>
      %gather3A_470 = arith.constant 0 : i32
      %gather3A_471 = arith.constant 0 : i32
      %gather3A_472 = tpu.memref_slice %arg12[%scan3A_164, %gather3A_470, %gather3A_471] : memref<2x32x256xf32, #tpu.memory_space<vmem>> -> memref<1x32x256xf32, #tpu.memory_space<vmem>>
      %gather3A_473 = tpu.memref_squeeze %gather3A_472 : memref<1x32x256xf32, #tpu.memory_space<vmem>> -> memref<32x256xf32, #tpu.memory_space<vmem>>
      %gather3A_474 = tpu.vector_load_idx %gather3A_473[%iota3A, %add3A_469] : memref<32x256xf32, #tpu.memory_space<vmem>>[vector<16xi32>, vector<16xi32>], vector<16xf32>,
      %mul3A_475 = arith.mulf %gather3A_474, %exp3A : vector<16xf32>
      tpu.vector_store_idx %arg14[%iota3A, %broadcast_in_dim3A_466], %mul3A_475 : memref<32x128xf32, #tpu.memory_space<vmem>>[vector<16xi32>, vector<16xi32>], vector<16xf32>,
      %add3A_476 = arith.constant 3 : i32
      %add3A_477 = arith.addi %mul3A_194, %add3A_476 : i32
      %broadcast_in_dim3A_478 = vector.broadcast %add3A_477 : i32 to vector<16xi32>
      %add3A_479 = arith.constant 128 : i32
      %add3A_480 = vector.broadcast %add3A_479 : i32 to vector<16xi32>
      %add3A_481 = arith.addi %broadcast_in_dim3A_478, %add3A_480 : vector<16xi32>
      %gather3A_482 = arith.constant 0 : i32
      %gather3A_483 = arith.constant 0 : i32
      %gather3A_484 = tpu.memref_slice %arg12[%scan3A_164, %gather3A_482, %gather3A_483] : memref<2x32x256xf32, #tpu.memory_space<vmem>> -> memref<1x32x256xf32, #tpu.memory_space<vmem>>
      %gather3A_485 = tpu.memref_squeeze %gather3A_484 : memref<1x32x256xf32, #tpu.memory_space<vmem>> -> memref<32x256xf32, #tpu.memory_space<vmem>>
      %gather3A_486 = tpu.vector_load_idx %gather3A_485[%iota3A, %add3A_481] : memref<32x256xf32, #tpu.memory_space<vmem>>[vector<16xi32>, vector<16xi32>], vector<16xf32>,
      %mul3A_487 = arith.mulf %gather3A_486, %exp3A : vector<16xf32>
      tpu.vector_store_idx %arg14[%iota3A, %broadcast_in_dim3A_478], %mul3A_487 : memref<32x128xf32, #tpu.memory_space<vmem>>[vector<16xi32>, vector<16xi32>], vector<16xf32>,
      %add3A_488 = arith.constant 4 : i32
      %add3A_489 = arith.addi %mul3A_194, %add3A_488 : i32
      %broadcast_in_dim3A_490 = vector.broadcast %add3A_489 : i32 to vector<16xi32>
      %add3A_491 = arith.constant 128 : i32
      %add3A_492 = vector.broadcast %add3A_491 : i32 to vector<16xi32>
      %add3A_493 = arith.addi %broadcast_in_dim3A_490, %add3A_492 : vector<16xi32>
      %gather3A_494 = arith.constant 0 : i32
      %gather3A_495 = arith.constant 0 : i32
      %gather3A_496 = tpu.memref_slice %arg12[%scan3A_164, %gather3A_494, %gather3A_495] : memref<2x32x256xf32, #tpu.memory_space<vmem>> -> memref<1x32x256xf32, #tpu.memory_space<vmem>>
      %gather3A_497 = tpu.memref_squeeze %gather3A_496 : memref<1x32x256xf32, #tpu.memory_space<vmem>> -> memref<32x256xf32, #tpu.memory_space<vmem>>
      %gather3A_498 = tpu.vector_load_idx %gather3A_497[%iota3A, %add3A_493] : memref<32x256xf32, #tpu.memory_space<vmem>>[vector<16xi32>, vector<16xi32>], vector<16xf32>,
      %mul3A_499 = arith.mulf %gather3A_498, %exp3A : vector<16xf32>
      tpu.vector_store_idx %arg14[%iota3A, %broadcast_in_dim3A_490], %mul3A_499 : memref<32x128xf32, #tpu.memory_space<vmem>>[vector<16xi32>, vector<16xi32>], vector<16xf32>,
      %add3A_500 = arith.constant 5 : i32
      %add3A_501 = arith.addi %mul3A_194, %add3A_500 : i32
      %broadcast_in_dim3A_502 = vector.broadcast %add3A_501 : i32 to vector<16xi32>
      %add3A_503 = arith.constant 128 : i32
      %add3A_504 = vector.broadcast %add3A_503 : i32 to vector<16xi32>
      %add3A_505 = arith.addi %broadcast_in_dim3A_502, %add3A_504 : vector<16xi32>
      %gather3A_506 = arith.constant 0 : i32
      %gather3A_507 = arith.constant 0 : i32
      %gather3A_508 = tpu.memref_slice %arg12[%scan3A_164, %gather3A_506, %gather3A_507] : memref<2x32x256xf32, #tpu.memory_space<vmem>> -> memref<1x32x256xf32, #tpu.memory_space<vmem>>
      %gather3A_509 = tpu.memref_squeeze %gather3A_508 : memref<1x32x256xf32, #tpu.memory_space<vmem>> -> memref<32x256xf32, #tpu.memory_space<vmem>>
      %gather3A_510 = tpu.vector_load_idx %gather3A_509[%iota3A, %add3A_505] : memref<32x256xf32, #tpu.memory_space<vmem>>[vector<16xi32>, vector<16xi32>], vector<16xf32>,
      %mul3A_511 = arith.mulf %gather3A_510, %exp3A : vector<16xf32>
      tpu.vector_store_idx %arg14[%iota3A, %broadcast_in_dim3A_502], %mul3A_511 : memref<32x128xf32, #tpu.memory_space<vmem>>[vector<16xi32>, vector<16xi32>], vector<16xf32>,
      %add3A_512 = arith.constant 6 : i32
      %add3A_513 = arith.addi %mul3A_194, %add3A_512 : i32
      %broadcast_in_dim3A_514 = vector.broadcast %add3A_513 : i32 to vector<16xi32>
      %add3A_515 = arith.constant 128 : i32
      %add3A_516 = vector.broadcast %add3A_515 : i32 to vector<16xi32>
      %add3A_517 = arith.addi %broadcast_in_dim3A_514, %add3A_516 : vector<16xi32>
      %gather3A_518 = arith.constant 0 : i32
      %gather3A_519 = arith.constant 0 : i32
      %gather3A_520 = tpu.memref_slice %arg12[%scan3A_164, %gather3A_518, %gather3A_519] : memref<2x32x256xf32, #tpu.memory_space<vmem>> -> memref<1x32x256xf32, #tpu.memory_space<vmem>>
      %gather3A_521 = tpu.memref_squeeze %gather3A_520 : memref<1x32x256xf32, #tpu.memory_space<vmem>> -> memref<32x256xf32, #tpu.memory_space<vmem>>
      %gather3A_522 = tpu.vector_load_idx %gather3A_521[%iota3A, %add3A_517] : memref<32x256xf32, #tpu.memory_space<vmem>>[vector<16xi32>, vector<16xi32>], vector<16xf32>,
      %mul3A_523 = arith.mulf %gather3A_522, %exp3A : vector<16xf32>
      tpu.vector_store_idx %arg14[%iota3A, %broadcast_in_dim3A_514], %mul3A_523 : memref<32x128xf32, #tpu.memory_space<vmem>>[vector<16xi32>, vector<16xi32>], vector<16xf32>,
      %add3A_524 = arith.constant 7 : i32
      %add3A_525 = arith.addi %mul3A_194, %add3A_524 : i32
      %broadcast_in_dim3A_526 = vector.broadcast %add3A_525 : i32 to vector<16xi32>
      %add3A_527 = arith.constant 128 : i32
      %add3A_528 = vector.broadcast %add3A_527 : i32 to vector<16xi32>
      %add3A_529 = arith.addi %broadcast_in_dim3A_526, %add3A_528 : vector<16xi32>
      %gather3A_530 = arith.constant 0 : i32
      %gather3A_531 = arith.constant 0 : i32
      %gather3A_532 = tpu.memref_slice %arg12[%scan3A_164, %gather3A_530, %gather3A_531] : memref<2x32x256xf32, #tpu.memory_space<vmem>> -> memref<1x32x256xf32, #tpu.memory_space<vmem>>
      %gather3A_533 = tpu.memref_squeeze %gather3A_532 : memref<1x32x256xf32, #tpu.memory_space<vmem>> -> memref<32x256xf32, #tpu.memory_space<vmem>>
      %gather3A_534 = tpu.vector_load_idx %gather3A_533[%iota3A, %add3A_529] : memref<32x256xf32, #tpu.memory_space<vmem>>[vector<16xi32>, vector<16xi32>], vector<16xf32>,
      %mul3A_535 = arith.mulf %gather3A_534, %exp3A : vector<16xf32>
      tpu.vector_store_idx %arg14[%iota3A, %broadcast_in_dim3A_526], %mul3A_535 : memref<32x128xf32, #tpu.memory_space<vmem>>[vector<16xi32>, vector<16xi32>], vector<16xf32>,
      %add3A_536 = arith.constant 8 : i32
      %add3A_537 = arith.addi %mul3A_194, %add3A_536 : i32
      %broadcast_in_dim3A_538 = vector.broadcast %add3A_537 : i32 to vector<16xi32>
      %add3A_539 = arith.constant 128 : i32
      %add3A_540 = vector.broadcast %add3A_539 : i32 to vector<16xi32>
      %add3A_541 = arith.addi %broadcast_in_dim3A_538, %add3A_540 : vector<16xi32>
      %gather3A_542 = arith.constant 0 : i32
      %gather3A_543 = arith.constant 0 : i32
      %gather3A_544 = tpu.memref_slice %arg12[%scan3A_164, %gather3A_542, %gather3A_543] : memref<2x32x256xf32, #tpu.memory_space<vmem>> -> memref<1x32x256xf32, #tpu.memory_space<vmem>>
      %gather3A_545 = tpu.memref_squeeze %gather3A_544 : memref<1x32x256xf32, #tpu.memory_space<vmem>> -> memref<32x256xf32, #tpu.memory_space<vmem>>
      %gather3A_546 = tpu.vector_load_idx %gather3A_545[%iota3A, %add3A_541] : memref<32x256xf32, #tpu.memory_space<vmem>>[vector<16xi32>, vector<16xi32>], vector<16xf32>,
      %mul3A_547 = arith.mulf %gather3A_546, %exp3A : vector<16xf32>
      tpu.vector_store_idx %arg14[%iota3A, %broadcast_in_dim3A_538], %mul3A_547 : memref<32x128xf32, #tpu.memory_space<vmem>>[vector<16xi32>, vector<16xi32>], vector<16xf32>,
      %add3A_548 = arith.constant 9 : i32
      %add3A_549 = arith.addi %mul3A_194, %add3A_548 : i32
      %broadcast_in_dim3A_550 = vector.broadcast %add3A_549 : i32 to vector<16xi32>
      %add3A_551 = arith.constant 128 : i32
      %add3A_552 = vector.broadcast %add3A_551 : i32 to vector<16xi32>
      %add3A_553 = arith.addi %broadcast_in_dim3A_550, %add3A_552 : vector<16xi32>
      %gather3A_554 = arith.constant 0 : i32
      %gather3A_555 = arith.constant 0 : i32
      %gather3A_556 = tpu.memref_slice %arg12[%scan3A_164, %gather3A_554, %gather3A_555] : memref<2x32x256xf32, #tpu.memory_space<vmem>> -> memref<1x32x256xf32, #tpu.memory_space<vmem>>
      %gather3A_557 = tpu.memref_squeeze %gather3A_556 : memref<1x32x256xf32, #tpu.memory_space<vmem>> -> memref<32x256xf32, #tpu.memory_space<vmem>>
      %gather3A_558 = tpu.vector_load_idx %gather3A_557[%iota3A, %add3A_553] : memref<32x256xf32, #tpu.memory_space<vmem>>[vector<16xi32>, vector<16xi32>], vector<16xf32>,
      %mul3A_559 = arith.mulf %gather3A_558, %exp3A : vector<16xf32>
      tpu.vector_store_idx %arg14[%iota3A, %broadcast_in_dim3A_550], %mul3A_559 : memref<32x128xf32, #tpu.memory_space<vmem>>[vector<16xi32>, vector<16xi32>], vector<16xf32>,
      %add3A_560 = arith.constant 10 : i32
      %add3A_561 = arith.addi %mul3A_194, %add3A_560 : i32
      %broadcast_in_dim3A_562 = vector.broadcast %add3A_561 : i32 to vector<16xi32>
      %add3A_563 = arith.constant 128 : i32
      %add3A_564 = vector.broadcast %add3A_563 : i32 to vector<16xi32>
      %add3A_565 = arith.addi %broadcast_in_dim3A_562, %add3A_564 : vector<16xi32>
      %gather3A_566 = arith.constant 0 : i32
      %gather3A_567 = arith.constant 0 : i32
      %gather3A_568 = tpu.memref_slice %arg12[%scan3A_164, %gather3A_566, %gather3A_567] : memref<2x32x256xf32, #tpu.memory_space<vmem>> -> memref<1x32x256xf32, #tpu.memory_space<vmem>>
      %gather3A_569 = tpu.memref_squeeze %gather3A_568 : memref<1x32x256xf32, #tpu.memory_space<vmem>> -> memref<32x256xf32, #tpu.memory_space<vmem>>
      %gather3A_570 = tpu.vector_load_idx %gather3A_569[%iota3A, %add3A_565] : memref<32x256xf32, #tpu.memory_space<vmem>>[vector<16xi32>, vector<16xi32>], vector<16xf32>,
      %mul3A_571 = arith.mulf %gather3A_570, %exp3A : vector<16xf32>
      tpu.vector_store_idx %arg14[%iota3A, %broadcast_in_dim3A_562], %mul3A_571 : memref<32x128xf32, #tpu.memory_space<vmem>>[vector<16xi32>, vector<16xi32>], vector<16xf32>,
      %add3A_572 = arith.constant 11 : i32
      %add3A_573 = arith.addi %mul3A_194, %add3A_572 : i32
      %broadcast_in_dim3A_574 = vector.broadcast %add3A_573 : i32 to vector<16xi32>
      %add3A_575 = arith.constant 128 : i32
      %add3A_576 = vector.broadcast %add3A_575 : i32 to vector<16xi32>
      %add3A_577 = arith.addi %broadcast_in_dim3A_574, %add3A_576 : vector<16xi32>
      %gather3A_578 = arith.constant 0 : i32
      %gather3A_579 = arith.constant 0 : i32
      %gather3A_580 = tpu.memref_slice %arg12[%scan3A_164, %gather3A_578, %gather3A_579] : memref<2x32x256xf32, #tpu.memory_space<vmem>> -> memref<1x32x256xf32, #tpu.memory_space<vmem>>
      %gather3A_581 = tpu.memref_squeeze %gather3A_580 : memref<1x32x256xf32, #tpu.memory_space<vmem>> -> memref<32x256xf32, #tpu.memory_space<vmem>>
      %gather3A_582 = tpu.vector_load_idx %gather3A_581[%iota3A, %add3A_577] : memref<32x256xf32, #tpu.memory_space<vmem>>[vector<16xi32>, vector<16xi32>], vector<16xf32>,
      %mul3A_583 = arith.mulf %gather3A_582, %exp3A : vector<16xf32>
      tpu.vector_store_idx %arg14[%iota3A, %broadcast_in_dim3A_574], %mul3A_583 : memref<32x128xf32, #tpu.memory_space<vmem>>[vector<16xi32>, vector<16xi32>], vector<16xf32>,
      %add3A_584 = arith.constant 12 : i32
      %add3A_585 = arith.addi %mul3A_194, %add3A_584 : i32
      %broadcast_in_dim3A_586 = vector.broadcast %add3A_585 : i32 to vector<16xi32>
      %add3A_587 = arith.constant 128 : i32
      %add3A_588 = vector.broadcast %add3A_587 : i32 to vector<16xi32>
      %add3A_589 = arith.addi %broadcast_in_dim3A_586, %add3A_588 : vector<16xi32>
      %gather3A_590 = arith.constant 0 : i32
      %gather3A_591 = arith.constant 0 : i32
      %gather3A_592 = tpu.memref_slice %arg12[%scan3A_164, %gather3A_590, %gather3A_591] : memref<2x32x256xf32, #tpu.memory_space<vmem>> -> memref<1x32x256xf32, #tpu.memory_space<vmem>>
      %gather3A_593 = tpu.memref_squeeze %gather3A_592 : memref<1x32x256xf32, #tpu.memory_space<vmem>> -> memref<32x256xf32, #tpu.memory_space<vmem>>
      %gather3A_594 = tpu.vector_load_idx %gather3A_593[%iota3A, %add3A_589] : memref<32x256xf32, #tpu.memory_space<vmem>>[vector<16xi32>, vector<16xi32>], vector<16xf32>,
      %mul3A_595 = arith.mulf %gather3A_594, %exp3A : vector<16xf32>
      tpu.vector_store_idx %arg14[%iota3A, %broadcast_in_dim3A_586], %mul3A_595 : memref<32x128xf32, #tpu.memory_space<vmem>>[vector<16xi32>, vector<16xi32>], vector<16xf32>,
      %add3A_596 = arith.constant 13 : i32
      %add3A_597 = arith.addi %mul3A_194, %add3A_596 : i32
      %broadcast_in_dim3A_598 = vector.broadcast %add3A_597 : i32 to vector<16xi32>
      %add3A_599 = arith.constant 128 : i32
      %add3A_600 = vector.broadcast %add3A_599 : i32 to vector<16xi32>
      %add3A_601 = arith.addi %broadcast_in_dim3A_598, %add3A_600 : vector<16xi32>
      %gather3A_602 = arith.constant 0 : i32
      %gather3A_603 = arith.constant 0 : i32
      %gather3A_604 = tpu.memref_slice %arg12[%scan3A_164, %gather3A_602, %gather3A_603] : memref<2x32x256xf32, #tpu.memory_space<vmem>> -> memref<1x32x256xf32, #tpu.memory_space<vmem>>
      %gather3A_605 = tpu.memref_squeeze %gather3A_604 : memref<1x32x256xf32, #tpu.memory_space<vmem>> -> memref<32x256xf32, #tpu.memory_space<vmem>>
      %gather3A_606 = tpu.vector_load_idx %gather3A_605[%iota3A, %add3A_601] : memref<32x256xf32, #tpu.memory_space<vmem>>[vector<16xi32>, vector<16xi32>], vector<16xf32>,
      %mul3A_607 = arith.mulf %gather3A_606, %exp3A : vector<16xf32>
      tpu.vector_store_idx %arg14[%iota3A, %broadcast_in_dim3A_598], %mul3A_607 : memref<32x128xf32, #tpu.memory_space<vmem>>[vector<16xi32>, vector<16xi32>], vector<16xf32>,
      %add3A_608 = arith.constant 14 : i32
      %add3A_609 = arith.addi %mul3A_194, %add3A_608 : i32
      %broadcast_in_dim3A_610 = vector.broadcast %add3A_609 : i32 to vector<16xi32>
      %add3A_611 = arith.constant 128 : i32
      %add3A_612 = vector.broadcast %add3A_611 : i32 to vector<16xi32>
      %add3A_613 = arith.addi %broadcast_in_dim3A_610, %add3A_612 : vector<16xi32>
      %gather3A_614 = arith.constant 0 : i32
      %gather3A_615 = arith.constant 0 : i32
      %gather3A_616 = tpu.memref_slice %arg12[%scan3A_164, %gather3A_614, %gather3A_615] : memref<2x32x256xf32, #tpu.memory_space<vmem>> -> memref<1x32x256xf32, #tpu.memory_space<vmem>>
      %gather3A_617 = tpu.memref_squeeze %gather3A_616 : memref<1x32x256xf32, #tpu.memory_space<vmem>> -> memref<32x256xf32, #tpu.memory_space<vmem>>
      %gather3A_618 = tpu.vector_load_idx %gather3A_617[%iota3A, %add3A_613] : memref<32x256xf32, #tpu.memory_space<vmem>>[vector<16xi32>, vector<16xi32>], vector<16xf32>,
      %mul3A_619 = arith.mulf %gather3A_618, %exp3A : vector<16xf32>
      tpu.vector_store_idx %arg14[%iota3A, %broadcast_in_dim3A_610], %mul3A_619 : memref<32x128xf32, #tpu.memory_space<vmem>>[vector<16xi32>, vector<16xi32>], vector<16xf32>,
      %add3A_620 = arith.constant 15 : i32
      %add3A_621 = arith.addi %mul3A_194, %add3A_620 : i32
      %broadcast_in_dim3A_622 = vector.broadcast %add3A_621 : i32 to vector<16xi32>
      %add3A_623 = arith.constant 128 : i32
      %add3A_624 = vector.broadcast %add3A_623 : i32 to vector<16xi32>
      %add3A_625 = arith.addi %broadcast_in_dim3A_622, %add3A_624 : vector<16xi32>
      %gather3A_626 = arith.constant 0 : i32
      %gather3A_627 = arith.constant 0 : i32
      %gather3A_628 = tpu.memref_slice %arg12[%scan3A_164, %gather3A_626, %gather3A_627] : memref<2x32x256xf32, #tpu.memory_space<vmem>> -> memref<1x32x256xf32, #tpu.memory_space<vmem>>
      %gather3A_629 = tpu.memref_squeeze %gather3A_628 : memref<1x32x256xf32, #tpu.memory_space<vmem>> -> memref<32x256xf32, #tpu.memory_space<vmem>>
      %gather3A_630 = tpu.vector_load_idx %gather3A_629[%iota3A, %add3A_625] : memref<32x256xf32, #tpu.memory_space<vmem>>[vector<16xi32>, vector<16xi32>], vector<16xf32>,
      %mul3A_631 = arith.mulf %gather3A_630, %exp3A : vector<16xf32>
      tpu.vector_store_idx %arg14[%iota3A, %broadcast_in_dim3A_622], %mul3A_631 : memref<32x128xf32, #tpu.memory_space<vmem>>[vector<16xi32>, vector<16xi32>], vector<16xf32>,
    }
    %scan3A_170 = arith.constant 8 : i32
    "tpu.region"() ({
      %run_scoped3A = tpu.sem_alloc : memref<!tpu.dma_semaphore, #tpu.memory_space<semaphore_mem>>
      %dma_start3A_192 = arith.constant 0 : i32
      %dma_start3A_193 = arith.constant 0 : i32
      %dma_start3A_194 = tpu.memref_slice %arg14[%dma_start3A_192, %dma_start3A_193] : memref<32x128xf32, #tpu.memory_space<vmem>> -> memref<16x128xf32, #tpu.memory_space<vmem>>
      %dma_start3A_195 = arith.constant 0 : i32
      %dma_start3A_196 = arith.constant 0 : i32
      %dma_start3A_197 = tpu.memref_slice %arg15[%dma_start3A_195, %dma_start3A_196] : memref<10240x128xf32, #tpu.memory_space<vmem_shared>> -> memref<10240x128xf32, #tpu.memory_space<vmem_shared>>
      tpu.enqueue_indirect_dma source(%dma_start3A_194 : memref<16x128xf32, #tpu.memory_space<vmem>>) target(%dma_start3A_197 : memref<10240x128xf32, #tpu.memory_space<vmem_shared>>) offsets(%arg11 : memref<16xi32, #tpu.memory_space<vmem>>) semaphore(%run_scoped3A : memref<!tpu.dma_semaphore, #tpu.memory_space<semaphore_mem>>) {add = true}
      %dma_wait3A_198 = arith.constant 0 : i32
      %dma_wait3A_199 = arith.constant 0 : i32
      %dma_wait3A_200 = tpu.memref_slice %arg14[%dma_wait3A_198, %dma_wait3A_199] : memref<32x128xf32, #tpu.memory_space<vmem>> -> memref<16x128xf32, #tpu.memory_space<vmem>>
      %dma_wait3A_201 = arith.constant 0 : i32
      %dma_wait3A_202 = arith.constant 0 : i32
      %dma_wait3A_203 = tpu.memref_slice %arg15[%dma_wait3A_201, %dma_wait3A_202] : memref<10240x128xf32, #tpu.memory_space<vmem_shared>> -> memref<10240x128xf32, #tpu.memory_space<vmem_shared>>
      tpu.wait_indirect_dma semaphore(%run_scoped3A : memref<!tpu.dma_semaphore, #tpu.memory_space<semaphore_mem>>) src(%dma_wait3A_200 : memref<16x128xf32, #tpu.memory_space<vmem>>) dst(%dma_wait3A_203 : memref<10240x128xf32, #tpu.memory_space<vmem_shared>>)
      tpu.yield
    }) : () -> ()
    %barrier3A_171 = arith.constant 0 : index
    tpu.barrier barrier_id(%barrier3A_171)
    %mul3A_172 = arith.constant 640 : i32
    %mul3A_173 = arith.muli %arg1, %mul3A_172 : i32
    %add3A_174 = arith.constant 0 : i32
    %add3A_175 = arith.addi %mul3A_173, %add3A_174 : i32
    "tpu.region"() ({
      %run_scoped3A = tpu.sem_alloc : memref<!tpu.dma_semaphore, #tpu.memory_space<semaphore_mem>>
      %dma_start3A_192 = arith.constant 0 : i32
      %dma_start3A_193 = tpu.memref_slice %arg6[%arg0, %add3A_175, %dma_start3A_192] : memref<2x10240x128xf32, #tpu.memory_space<hbm>> -> memref<1x128x128xf32, #tpu.memory_space<hbm>>
      %dma_start3A_194 = tpu.memref_squeeze %dma_start3A_193 : memref<1x128x128xf32, #tpu.memory_space<hbm>> -> memref<128x128xf32, #tpu.memory_space<hbm>>
      %dma_start3A_195 = arith.constant 0 : i32
      %dma_start3A_196 = tpu.memref_slice %arg15[%add3A_175, %dma_start3A_195] : memref<10240x128xf32, #tpu.memory_space<vmem_shared>> -> memref<128x128xf32, #tpu.memory_space<vmem_shared>>
      tpu.enqueue_dma source(%dma_start3A_196 : memref<128x128xf32, #tpu.memory_space<vmem_shared>>) target(%dma_start3A_194 : memref<128x128xf32, #tpu.memory_space<hbm>>) target_semaphore(%run_scoped3A : memref<!tpu.dma_semaphore, #tpu.memory_space<semaphore_mem>>)
      %dma_wait3A_197 = arith.constant 0 : i32
      %dma_wait3A_198 = tpu.memref_slice %arg6[%arg0, %add3A_175, %dma_wait3A_197] : memref<2x10240x128xf32, #tpu.memory_space<hbm>> -> memref<1x128x128xf32, #tpu.memory_space<hbm>>
      %dma_wait3A_199 = tpu.memref_squeeze %dma_wait3A_198 : memref<1x128x128xf32, #tpu.memory_space<hbm>> -> memref<128x128xf32, #tpu.memory_space<hbm>>
      %dma_wait3A_200 = arith.constant 0 : i32
      %dma_wait3A_201 = tpu.memref_slice %arg15[%add3A_175, %dma_wait3A_200] : memref<10240x128xf32, #tpu.memory_space<vmem_shared>> -> memref<128x128xf32, #tpu.memory_space<vmem_shared>>
      tpu.wait_dma2 semaphore(%run_scoped3A : memref<!tpu.dma_semaphore, #tpu.memory_space<semaphore_mem>>) src(%dma_wait3A_201 : memref<128x128xf32, #tpu.memory_space<vmem_shared>>) dst(%dma_wait3A_199 : memref<128x128xf32, #tpu.memory_space<hbm>>)
      tpu.yield
    }) : () -> ()
    %mul3A_176 = arith.constant 640 : i32
    %mul3A_177 = arith.muli %arg1, %mul3A_176 : i32
    %add3A_178 = arith.constant 128 : i32
    %add3A_179 = arith.addi %mul3A_177, %add3A_178 : i32
    "tpu.region"() ({
      %run_scoped3A = tpu.sem_alloc : memref<!tpu.dma_semaphore, #tpu.memory_space<semaphore_mem>>
      %dma_start3A_192 = arith.constant 0 : i32
      %dma_start3A_193 = tpu.memref_slice %arg6[%arg0, %add3A_179, %dma_start3A_192] : memref<2x10240x128xf32, #tpu.memory_space<hbm>> -> memref<1x128x128xf32, #tpu.memory_space<hbm>>
      %dma_start3A_194 = tpu.memref_squeeze %dma_start3A_193 : memref<1x128x128xf32, #tpu.memory_space<hbm>> -> memref<128x128xf32, #tpu.memory_space<hbm>>
      %dma_start3A_195 = arith.constant 0 : i32
      %dma_start3A_196 = tpu.memref_slice %arg15[%add3A_179, %dma_start3A_195] : memref<10240x128xf32, #tpu.memory_space<vmem_shared>> -> memref<128x128xf32, #tpu.memory_space<vmem_shared>>
      tpu.enqueue_dma source(%dma_start3A_196 : memref<128x128xf32, #tpu.memory_space<vmem_shared>>) target(%dma_start3A_194 : memref<128x128xf32, #tpu.memory_space<hbm>>) target_semaphore(%run_scoped3A : memref<!tpu.dma_semaphore, #tpu.memory_space<semaphore_mem>>)
      %dma_wait3A_197 = arith.constant 0 : i32
      %dma_wait3A_198 = tpu.memref_slice %arg6[%arg0, %add3A_179, %dma_wait3A_197] : memref<2x10240x128xf32, #tpu.memory_space<hbm>> -> memref<1x128x128xf32, #tpu.memory_space<hbm>>
      %dma_wait3A_199 = tpu.memref_squeeze %dma_wait3A_198 : memref<1x128x128xf32, #tpu.memory_space<hbm>> -> memref<128x128xf32, #tpu.memory_space<hbm>>
      %dma_wait3A_200 = arith.constant 0 : i32
      %dma_wait3A_201 = tpu.memref_slice %arg15[%add3A_179, %dma_wait3A_200] : memref<10240x128xf32, #tpu.memory_space<vmem_shared>> -> memref<128x128xf32, #tpu.memory_space<vmem_shared>>
      tpu.wait_dma2 semaphore(%run_scoped3A : memref<!tpu.dma_semaphore, #tpu.memory_space<semaphore_mem>>) src(%dma_wait3A_201 : memref<128x128xf32, #tpu.memory_space<vmem_shared>>) dst(%dma_wait3A_199 : memref<128x128xf32, #tpu.memory_space<hbm>>)
      tpu.yield
    }) : () -> ()
    %mul3A_180 = arith.constant 640 : i32
    %mul3A_181 = arith.muli %arg1, %mul3A_180 : i32
    %add3A_182 = arith.constant 256 : i32
    %add3A_183 = arith.addi %mul3A_181, %add3A_182 : i32
    "tpu.region"() ({
      %run_scoped3A = tpu.sem_alloc : memref<!tpu.dma_semaphore, #tpu.memory_space<semaphore_mem>>
      %dma_start3A_192 = arith.constant 0 : i32
      %dma_start3A_193 = tpu.memref_slice %arg6[%arg0, %add3A_183, %dma_start3A_192] : memref<2x10240x128xf32, #tpu.memory_space<hbm>> -> memref<1x128x128xf32, #tpu.memory_space<hbm>>
      %dma_start3A_194 = tpu.memref_squeeze %dma_start3A_193 : memref<1x128x128xf32, #tpu.memory_space<hbm>> -> memref<128x128xf32, #tpu.memory_space<hbm>>
      %dma_start3A_195 = arith.constant 0 : i32
      %dma_start3A_196 = tpu.memref_slice %arg15[%add3A_183, %dma_start3A_195] : memref<10240x128xf32, #tpu.memory_space<vmem_shared>> -> memref<128x128xf32, #tpu.memory_space<vmem_shared>>
      tpu.enqueue_dma source(%dma_start3A_196 : memref<128x128xf32, #tpu.memory_space<vmem_shared>>) target(%dma_start3A_194 : memref<128x128xf32, #tpu.memory_space<hbm>>) target_semaphore(%run_scoped3A : memref<!tpu.dma_semaphore, #tpu.memory_space<semaphore_mem>>)
      %dma_wait3A_197 = arith.constant 0 : i32
      %dma_wait3A_198 = tpu.memref_slice %arg6[%arg0, %add3A_183, %dma_wait3A_197] : memref<2x10240x128xf32, #tpu.memory_space<hbm>> -> memref<1x128x128xf32, #tpu.memory_space<hbm>>
      %dma_wait3A_199 = tpu.memref_squeeze %dma_wait3A_198 : memref<1x128x128xf32, #tpu.memory_space<hbm>> -> memref<128x128xf32, #tpu.memory_space<hbm>>
      %dma_wait3A_200 = arith.constant 0 : i32
      %dma_wait3A_201 = tpu.memref_slice %arg15[%add3A_183, %dma_wait3A_200] : memref<10240x128xf32, #tpu.memory_space<vmem_shared>> -> memref<128x128xf32, #tpu.memory_space<vmem_shared>>
      tpu.wait_dma2 semaphore(%run_scoped3A : memref<!tpu.dma_semaphore, #tpu.memory_space<semaphore_mem>>) src(%dma_wait3A_201 : memref<128x128xf32, #tpu.memory_space<vmem_shared>>) dst(%dma_wait3A_199 : memref<128x128xf32, #tpu.memory_space<hbm>>)
      tpu.yield
    }) : () -> ()
    %mul3A_184 = arith.constant 640 : i32
    %mul3A_185 = arith.muli %arg1, %mul3A_184 : i32
    %add3A_186 = arith.constant 384 : i32
    %add3A_187 = arith.addi %mul3A_185, %add3A_186 : i32
    "tpu.region"() ({
      %run_scoped3A = tpu.sem_alloc : memref<!tpu.dma_semaphore, #tpu.memory_space<semaphore_mem>>
      %dma_start3A_192 = arith.constant 0 : i32
      %dma_start3A_193 = tpu.memref_slice %arg6[%arg0, %add3A_187, %dma_start3A_192] : memref<2x10240x128xf32, #tpu.memory_space<hbm>> -> memref<1x128x128xf32, #tpu.memory_space<hbm>>
      %dma_start3A_194 = tpu.memref_squeeze %dma_start3A_193 : memref<1x128x128xf32, #tpu.memory_space<hbm>> -> memref<128x128xf32, #tpu.memory_space<hbm>>
      %dma_start3A_195 = arith.constant 0 : i32
      %dma_start3A_196 = tpu.memref_slice %arg15[%add3A_187, %dma_start3A_195] : memref<10240x128xf32, #tpu.memory_space<vmem_shared>> -> memref<128x128xf32, #tpu.memory_space<vmem_shared>>
      tpu.enqueue_dma source(%dma_start3A_196 : memref<128x128xf32, #tpu.memory_space<vmem_shared>>) target(%dma_start3A_194 : memref<128x128xf32, #tpu.memory_space<hbm>>) target_semaphore(%run_scoped3A : memref<!tpu.dma_semaphore, #tpu.memory_space<semaphore_mem>>)
      %dma_wait3A_197 = arith.constant 0 : i32
      %dma_wait3A_198 = tpu.memref_slice %arg6[%arg0, %add3A_187, %dma_wait3A_197] : memref<2x10240x128xf32, #tpu.memory_space<hbm>> -> memref<1x128x128xf32, #tpu.memory_space<hbm>>
      %dma_wait3A_199 = tpu.memref_squeeze %dma_wait3A_198 : memref<1x128x128xf32, #tpu.memory_space<hbm>> -> memref<128x128xf32, #tpu.memory_space<hbm>>
      %dma_wait3A_200 = arith.constant 0 : i32
      %dma_wait3A_201 = tpu.memref_slice %arg15[%add3A_187, %dma_wait3A_200] : memref<10240x128xf32, #tpu.memory_space<vmem_shared>> -> memref<128x128xf32, #tpu.memory_space<vmem_shared>>
      tpu.wait_dma2 semaphore(%run_scoped3A : memref<!tpu.dma_semaphore, #tpu.memory_space<semaphore_mem>>) src(%dma_wait3A_201 : memref<128x128xf32, #tpu.memory_space<vmem_shared>>) dst(%dma_wait3A_199 : memref<128x128xf32, #tpu.memory_space<hbm>>)
      tpu.yield
    }) : () -> ()
    %mul3A_188 = arith.constant 640 : i32
    %mul3A_189 = arith.muli %arg1, %mul3A_188 : i32
    %add3A_190 = arith.constant 512 : i32
    %add3A_191 = arith.addi %mul3A_189, %add3A_190 : i32
    "tpu.region"() ({
      %run_scoped3A = tpu.sem_alloc : memref<!tpu.dma_semaphore, #tpu.memory_space<semaphore_mem>>
      %dma_start3A_192 = arith.constant 0 : i32
      %dma_start3A_193 = tpu.memref_slice %arg6[%arg0, %add3A_191, %dma_start3A_192] : memref<2x10240x128xf32, #tpu.memory_space<hbm>> -> memref<1x128x128xf32, #tpu.memory_space<hbm>>
      %dma_start3A_194 = tpu.memref_squeeze %dma_start3A_193 : memref<1x128x128xf32, #tpu.memory_space<hbm>> -> memref<128x128xf32, #tpu.memory_space<hbm>>
      %dma_start3A_195 = arith.constant 0 : i32
      %dma_start3A_196 = tpu.memref_slice %arg15[%add3A_191, %dma_start3A_195] : memref<10240x128xf32, #tpu.memory_space<vmem_shared>> -> memref<128x128xf32, #tpu.memory_space<vmem_shared>>
      tpu.enqueue_dma source(%dma_start3A_196 : memref<128x128xf32, #tpu.memory_space<vmem_shared>>) target(%dma_start3A_194 : memref<128x128xf32, #tpu.memory_space<hbm>>) target_semaphore(%run_scoped3A : memref<!tpu.dma_semaphore, #tpu.memory_space<semaphore_mem>>)
      %dma_wait3A_197 = arith.constant 0 : i32
      %dma_wait3A_198 = tpu.memref_slice %arg6[%arg0, %add3A_191, %dma_wait3A_197] : memref<2x10240x128xf32, #tpu.memory_space<hbm>> -> memref<1x128x128xf32, #tpu.memory_space<hbm>>
      %dma_wait3A_199 = tpu.memref_squeeze %dma_wait3A_198 : memref<1x128x128xf32, #tpu.memory_space<hbm>> -> memref<128x128xf32, #tpu.memory_space<hbm>>
      %dma_wait3A_200 = arith.constant 0 : i32
      %dma_wait3A_201 = tpu.memref_slice %arg15[%add3A_191, %dma_wait3A_200] : memref<10240x128xf32, #tpu.memory_space<vmem_shared>> -> memref<128x128xf32, #tpu.memory_space<vmem_shared>>
      tpu.wait_dma2 semaphore(%run_scoped3A : memref<!tpu.dma_semaphore, #tpu.memory_space<semaphore_mem>>) src(%dma_wait3A_201 : memref<128x128xf32, #tpu.memory_space<vmem_shared>>) dst(%dma_wait3A_199 : memref<128x128xf32, #tpu.memory_space<hbm>>)
      tpu.yield
    }) : () -> ()
    return
  }
}

module attributes {stable_mosaic.version = 14 : i64} {
  func.func @_qkv_body(%arg0: i32, %arg1: memref<1000x128xf32, #tpu.memory_space<vmem>>, %arg2: memref<128x384xf32, #tpu.memory_space<vmem>>, %arg3: memref<1x384xf32, #tpu.memory_space<vmem>>, %arg4: memref<1000x128xf32, #tpu.memory_space<vmem>>, %arg5: memref<1000x256xf32, #tpu.memory_space<vmem>>) attributes {dimension_semantics = [#tpu.dimension_semantics<arbitrary>], iteration_bounds = array<i64: 10>, scalar_prefetch = 0 : i64, scratch_operands = 0 : i64, tpu.core_type = #tpu.core_type<tc>, window_params = [{transform_indices = @transform_0, window_bounds = array<i64: 1000, 128>}, {pipeline_mode = #tpu.pipeline_mode<synchronous>, transform_indices = @transform_1, window_bounds = array<i64: 128, 384>}, {pipeline_mode = #tpu.pipeline_mode<synchronous>, transform_indices = @transform_2, window_bounds = array<i64: 1, 384>}, {transform_indices = @transform_3, window_bounds = array<i64: 1000, 128>}, {transform_indices = @transform_4, window_bounds = array<i64: 1000, 256>}]} {
    %get3A = arith.constant 0 : index
    %get3A_0 = arith.constant 0 : index
    %get3A_1 = vector.load %arg1[%get3A, %get3A_0] : memref<1000x128xf32, #tpu.memory_space<vmem>>, vector<1000x128xf32>
    %get3A_2 = arith.constant 0 : index
    %get3A_3 = arith.constant 0 : index
    %get3A_4 = vector.load %arg2[%get3A_2, %get3A_3] : memref<128x384xf32, #tpu.memory_space<vmem>>, vector<128x384xf32>
    %dot_general3A = arith.constant dense<0.000000e+00> : vector<1000x384xf32>
    %dot_general3A_5 = tpu.matmul %get3A_1, %get3A_4, %dot_general3A {dimension_numbers = #tpu.dot_dimension_numbers<[1], [0], [0], [1], [0, 0, 1, 1], [], []>, transpose_lhs_hint = false} : vector<1000x128xf32>, vector<128x384xf32>, vector<1000x384xf32> -> vector<1000x384xf32>
    %get3A_6 = arith.constant 0 : index
    %get3A_7 = arith.constant 0 : index
    %get3A_8 = vector.load %arg3[%get3A_6, %get3A_7] : memref<1x384xf32, #tpu.memory_space<vmem>>, vector<1x384xf32>
    %add3A = vector.broadcast %get3A_8 : vector<1x384xf32> to vector<1000x384xf32>
    %add3A_9 = arith.addf %dot_general3A_5, %add3A : vector<1000x384xf32>
    %slice3A = vector.extract_strided_slice %add3A_9 {offsets = [0, 0], sizes = [1000, 128], strides = [1, 1]} : vector<1000x384xf32> to vector<1000x128xf32>
    %swap3A = arith.constant 0 : index
    %swap3A_10 = arith.constant 0 : index
    %swap3A_11 = vector.load %arg4[%swap3A, %swap3A_10] : memref<1000x128xf32, #tpu.memory_space<vmem>>, vector<1000x128xf32>
    tpu.vector_store %arg4[%swap3A, %swap3A_10], %slice3A {strides = array<i32>} : memref<1000x128xf32, #tpu.memory_space<vmem>>, vector<1000x128xf32>,
    %slice3A_12 = vector.extract_strided_slice %add3A_9 {offsets = [0, 128], sizes = [1000, 256], strides = [1, 1]} : vector<1000x384xf32> to vector<1000x256xf32>
    %swap3A_13 = arith.constant 0 : index
    %swap3A_14 = arith.constant 0 : index
    %swap3A_15 = vector.load %arg5[%swap3A_13, %swap3A_14] : memref<1000x256xf32, #tpu.memory_space<vmem>>, vector<1000x256xf32>
    tpu.vector_store %arg5[%swap3A_13, %swap3A_14], %slice3A_12 {strides = array<i32>} : memref<1000x256xf32, #tpu.memory_space<vmem>>, vector<1000x256xf32>,
    return
  }
  func.func @transform_0(%arg0: i32) -> (i32, i32) {
    %c0_i32 = arith.constant 0 : i32
    %c0_i32_0 = arith.constant 0 : i32
    return %arg0, %c0_i32 : i32, i32
  }
  func.func @transform_1(%arg0: i32) -> (i32, i32) {
    %c0_i32 = arith.constant 0 : i32
    %c0_i32_0 = arith.constant 0 : i32
    %c0_i32_1 = arith.constant 0 : i32
    return %c0_i32, %c0_i32_0 : i32, i32
  }
  func.func @transform_2(%arg0: i32) -> (i32, i32) {
    %c0_i32 = arith.constant 0 : i32
    %c0_i32_0 = arith.constant 0 : i32
    %c0_i32_1 = arith.constant 0 : i32
    return %c0_i32, %c0_i32_0 : i32, i32
  }
  func.func @transform_3(%arg0: i32) -> (i32, i32) {
    %c0_i32 = arith.constant 0 : i32
    %c0_i32_0 = arith.constant 0 : i32
    return %arg0, %c0_i32 : i32, i32
  }
  func.func @transform_4(%arg0: i32) -> (i32, i32) {
    %c0_i32 = arith.constant 0 : i32
    %c0_i32_0 = arith.constant 0 : i32
    return %arg0, %c0_i32 : i32, i32
  }
}

module attributes {stable_mosaic.version = 14 : i64} {
  func.func @_tail_body(%arg0: i32, %arg1: memref<1000x128xf32, #tpu.memory_space<vmem>>, %arg2: memref<2x1000x128xf32, #tpu.memory_space<vmem>>, %arg3: memref<1x128xf32, #tpu.memory_space<vmem>>, %arg4: memref<1x128xf32, #tpu.memory_space<vmem>>, %arg5: memref<1x128xf32, #tpu.memory_space<vmem>>, %arg6: memref<1x128xf32, #tpu.memory_space<vmem>>, %arg7: memref<128x128xf32, #tpu.memory_space<vmem>>, %arg8: memref<1x128xf32, #tpu.memory_space<vmem>>, %arg9: memref<1000x128xf32, #tpu.memory_space<vmem>>) attributes {dimension_semantics = [#tpu.dimension_semantics<arbitrary>], iteration_bounds = array<i64: 10>, scalar_prefetch = 0 : i64, scratch_operands = 0 : i64, tpu.core_type = #tpu.core_type<tc>, window_params = [{transform_indices = @transform_0, window_bounds = array<i64: 1000, 128>}, {transform_indices = @transform_1, window_bounds = array<i64: 2, 1000, 128>}, {pipeline_mode = #tpu.pipeline_mode<synchronous>, transform_indices = @transform_2, window_bounds = array<i64: 1, 128>}, {pipeline_mode = #tpu.pipeline_mode<synchronous>, transform_indices = @transform_3, window_bounds = array<i64: 1, 128>}, {pipeline_mode = #tpu.pipeline_mode<synchronous>, transform_indices = @transform_4, window_bounds = array<i64: 1, 128>}, {pipeline_mode = #tpu.pipeline_mode<synchronous>, transform_indices = @transform_5, window_bounds = array<i64: 1, 128>}, {pipeline_mode = #tpu.pipeline_mode<synchronous>, transform_indices = @transform_6, window_bounds = array<i64: 128, 128>}, {pipeline_mode = #tpu.pipeline_mode<synchronous>, transform_indices = @transform_7, window_bounds = array<i64: 1, 128>}, {transform_indices = @transform_8, window_bounds = array<i64: 1000, 128>}]} {
    %get3A = arith.constant 0 : index
    %get3A_0 = arith.constant 0 : index
    %get3A_1 = vector.load %arg1[%get3A, %get3A_0] : memref<1000x128xf32, #tpu.memory_space<vmem>>, vector<1000x128xf32>
    %get3A_2 = arith.constant 0 : index
    %get3A_3 = arith.constant 0 : index
    %get3A_4 = arith.constant 0 : index
    %get3A_5 = vector.load %arg2[%get3A_2, %get3A_3, %get3A_4] : memref<2x1000x128xf32, #tpu.memory_space<vmem>>, vector<2x1000x128xf32>
    %reduce_sum3A = arith.constant dense<0.000000e+00> : vector<1000x128xf32>
    %reduce_sum3A_6 = vector.multi_reduction <add>, %get3A_5, %reduce_sum3A [0] : vector<2x1000x128xf32> to vector<1000x128xf32>
    %add3A = arith.addf %get3A_1, %reduce_sum3A_6 : vector<1000x128xf32>
    %reduce_sum3A_7 = arith.constant dense<0.000000e+00> : vector<1000xf32>
    %reduce_sum3A_8 = vector.multi_reduction <add>, %add3A, %reduce_sum3A_7 [1] : vector<1000x128xf32> to vector<1000xf32>
    %broadcast_in_dim3A = vector.shape_cast %reduce_sum3A_8 : vector<1000xf32> to vector<1000x1xf32>
    %div3A = arith.constant 1.280000e+02 : f32
    %div3A_9 = vector.broadcast %div3A : f32 to vector<1000x1xf32>
    %div3A_10 = arith.divf %broadcast_in_dim3A, %div3A_9 : vector<1000x1xf32>
    %sub3A = vector.broadcast %div3A_10 : vector<1000x1xf32> to vector<1000x128xf32>
    %sub3A_11 = arith.subf %add3A, %sub3A : vector<1000x128xf32>
    %integer_pow3A = arith.mulf %sub3A_11, %sub3A_11 : vector<1000x128xf32>
    %reduce_sum3A_12 = arith.constant dense<0.000000e+00> : vector<1000xf32>
    %reduce_sum3A_13 = vector.multi_reduction <add>, %integer_pow3A, %reduce_sum3A_12 [1] : vector<1000x128xf32> to vector<1000xf32>
    %broadcast_in_dim3A_14 = vector.shape_cast %reduce_sum3A_13 : vector<1000xf32> to vector<1000x1xf32>
    %div3A_15 = arith.constant 1.280000e+02 : f32
    %div3A_16 = vector.broadcast %div3A_15 : f32 to vector<1000x1xf32>
    %div3A_17 = arith.divf %broadcast_in_dim3A_14, %div3A_16 : vector<1000x1xf32>
    %sub3A_18 = vector.broadcast %div3A_10 : vector<1000x1xf32> to vector<1000x128xf32>
    %sub3A_19 = arith.subf %add3A, %sub3A_18 : vector<1000x128xf32>
    %add3A_20 = arith.constant 9.99999974E-6 : f32
    %add3A_21 = vector.broadcast %add3A_20 : f32 to vector<1000x1xf32>
    %add3A_22 = arith.addf %div3A_17, %add3A_21 : vector<1000x1xf32>
    %sqrt3A = math.sqrt %add3A_22 : vector<1000x1xf32>
    %div3A_23 = vector.broadcast %sqrt3A : vector<1000x1xf32> to vector<1000x128xf32>
    %div3A_24 = arith.divf %sub3A_19, %div3A_23 : vector<1000x128xf32>
    %get3A_25 = arith.constant 0 : index
    %get3A_26 = arith.constant 0 : index
    %get3A_27 = vector.load %arg3[%get3A_25, %get3A_26] : memref<1x128xf32, #tpu.memory_space<vmem>>, vector<1x128xf32>
    %mul3A = vector.broadcast %get3A_27 : vector<1x128xf32> to vector<1000x128xf32>
    %mul3A_28 = arith.mulf %div3A_24, %mul3A : vector<1000x128xf32>
    %get3A_29 = arith.constant 0 : index
    %get3A_30 = arith.constant 0 : index
    %get3A_31 = vector.load %arg4[%get3A_29, %get3A_30] : memref<1x128xf32, #tpu.memory_space<vmem>>, vector<1x128xf32>
    %add3A_32 = vector.broadcast %get3A_31 : vector<1x128xf32> to vector<1000x128xf32>
    %add3A_33 = arith.addf %mul3A_28, %add3A_32 : vector<1000x128xf32>
    %reduce_sum3A_34 = arith.constant dense<0.000000e+00> : vector<1000xf32>
    %reduce_sum3A_35 = vector.multi_reduction <add>, %add3A_33, %reduce_sum3A_34 [1] : vector<1000x128xf32> to vector<1000xf32>
    %broadcast_in_dim3A_36 = vector.shape_cast %reduce_sum3A_35 : vector<1000xf32> to vector<1000x1xf32>
    %div3A_37 = arith.constant 1.280000e+02 : f32
    %div3A_38 = vector.broadcast %div3A_37 : f32 to vector<1000x1xf32>
    %div3A_39 = arith.divf %broadcast_in_dim3A_36, %div3A_38 : vector<1000x1xf32>
    %sub3A_40 = vector.broadcast %div3A_39 : vector<1000x1xf32> to vector<1000x128xf32>
    %sub3A_41 = arith.subf %add3A_33, %sub3A_40 : vector<1000x128xf32>
    %integer_pow3A_42 = arith.mulf %sub3A_41, %sub3A_41 : vector<1000x128xf32>
    %reduce_sum3A_43 = arith.constant dense<0.000000e+00> : vector<1000xf32>
    %reduce_sum3A_44 = vector.multi_reduction <add>, %integer_pow3A_42, %reduce_sum3A_43 [1] : vector<1000x128xf32> to vector<1000xf32>
    %broadcast_in_dim3A_45 = vector.shape_cast %reduce_sum3A_44 : vector<1000xf32> to vector<1000x1xf32>
    %div3A_46 = arith.constant 1.280000e+02 : f32
    %div3A_47 = vector.broadcast %div3A_46 : f32 to vector<1000x1xf32>
    %div3A_48 = arith.divf %broadcast_in_dim3A_45, %div3A_47 : vector<1000x1xf32>
    %sub3A_49 = vector.broadcast %div3A_39 : vector<1000x1xf32> to vector<1000x128xf32>
    %sub3A_50 = arith.subf %add3A_33, %sub3A_49 : vector<1000x128xf32>
    %add3A_51 = arith.constant 9.99999974E-6 : f32
    %add3A_52 = vector.broadcast %add3A_51 : f32 to vector<1000x1xf32>
    %add3A_53 = arith.addf %div3A_48, %add3A_52 : vector<1000x1xf32>
    %sqrt3A_54 = math.sqrt %add3A_53 : vector<1000x1xf32>
    %div3A_55 = vector.broadcast %sqrt3A_54 : vector<1000x1xf32> to vector<1000x128xf32>
    %div3A_56 = arith.divf %sub3A_50, %div3A_55 : vector<1000x128xf32>
    %get3A_57 = arith.constant 0 : index
    %get3A_58 = arith.constant 0 : index
    %get3A_59 = vector.load %arg5[%get3A_57, %get3A_58] : memref<1x128xf32, #tpu.memory_space<vmem>>, vector<1x128xf32>
    %mul3A_60 = vector.broadcast %get3A_59 : vector<1x128xf32> to vector<1000x128xf32>
    %mul3A_61 = arith.mulf %div3A_56, %mul3A_60 : vector<1000x128xf32>
    %get3A_62 = arith.constant 0 : index
    %get3A_63 = arith.constant 0 : index
    %get3A_64 = vector.load %arg6[%get3A_62, %get3A_63] : memref<1x128xf32, #tpu.memory_space<vmem>>, vector<1x128xf32>
    %add3A_65 = vector.broadcast %get3A_64 : vector<1x128xf32> to vector<1000x128xf32>
    %add3A_66 = arith.addf %mul3A_61, %add3A_65 : vector<1000x128xf32>
    %get3A_67 = arith.constant 0 : index
    %get3A_68 = arith.constant 0 : index
    %get3A_69 = vector.load %arg7[%get3A_67, %get3A_68] : memref<128x128xf32, #tpu.memory_space<vmem>>, vector<128x128xf32>
    %dot_general3A = arith.constant dense<0.000000e+00> : vector<1000x128xf32>
    %dot_general3A_70 = tpu.matmul %add3A_66, %get3A_69, %dot_general3A {dimension_numbers = #tpu.dot_dimension_numbers<[1], [0], [0], [1], [0, 0, 1, 1], [], []>, transpose_lhs_hint = false} : vector<1000x128xf32>, vector<128x128xf32>, vector<1000x128xf32> -> vector<1000x128xf32>
    %get3A_71 = arith.constant 0 : index
    %get3A_72 = arith.constant 0 : index
    %get3A_73 = vector.load %arg8[%get3A_71, %get3A_72] : memref<1x128xf32, #tpu.memory_space<vmem>>, vector<1x128xf32>
    %add3A_74 = vector.broadcast %get3A_73 : vector<1x128xf32> to vector<1000x128xf32>
    %add3A_75 = arith.addf %dot_general3A_70, %add3A_74 : vector<1000x128xf32>
    %max3A = arith.constant 0.000000e+00 : f32
    %max3A_76 = vector.broadcast %max3A : f32 to vector<1000x128xf32>
    %max3A_77 = arith.maximumf %add3A_75, %max3A_76 : vector<1000x128xf32>
    %add3A_78 = arith.addf %add3A_33, %max3A_77 : vector<1000x128xf32>
    %swap3A = arith.constant 0 : index
    %swap3A_79 = arith.constant 0 : index
    %swap3A_80 = vector.load %arg9[%swap3A, %swap3A_79] : memref<1000x128xf32, #tpu.memory_space<vmem>>, vector<1000x128xf32>
    tpu.vector_store %arg9[%swap3A, %swap3A_79], %add3A_78 {strides = array<i32>} : memref<1000x128xf32, #tpu.memory_space<vmem>>, vector<1000x128xf32>,
    return
  }
  func.func @transform_0(%arg0: i32) -> (i32, i32) {
    %c0_i32 = arith.constant 0 : i32
    %c0_i32_0 = arith.constant 0 : i32
    return %arg0, %c0_i32 : i32, i32
  }
  func.func @transform_1(%arg0: i32) -> (i32, i32, i32) {
    %c0_i32 = arith.constant 0 : i32
    %c0_i32_0 = arith.constant 0 : i32
    %c0_i32_1 = arith.constant 0 : i32
    return %c0_i32, %arg0, %c0_i32_0 : i32, i32, i32
  }
  func.func @transform_2(%arg0: i32) -> (i32, i32) {
    %c0_i32 = arith.constant 0 : i32
    %c0_i32_0 = arith.constant 0 : i32
    %c0_i32_1 = arith.constant 0 : i32
    return %c0_i32, %c0_i32_0 : i32, i32
  }
  func.func @transform_3(%arg0: i32) -> (i32, i32) {
    %c0_i32 = arith.constant 0 : i32
    %c0_i32_0 = arith.constant 0 : i32
    %c0_i32_1 = arith.constant 0 : i32
    return %c0_i32, %c0_i32_0 : i32, i32
  }
  func.func @transform_4(%arg0: i32) -> (i32, i32) {
    %c0_i32 = arith.constant 0 : i32
    %c0_i32_0 = arith.constant 0 : i32
    %c0_i32_1 = arith.constant 0 : i32
    return %c0_i32, %c0_i32_0 : i32, i32
  }
  func.func @transform_5(%arg0: i32) -> (i32, i32) {
    %c0_i32 = arith.constant 0 : i32
    %c0_i32_0 = arith.constant 0 : i32
    %c0_i32_1 = arith.constant 0 : i32
    return %c0_i32, %c0_i32_0 : i32, i32
  }
  func.func @transform_6(%arg0: i32) -> (i32, i32) {
    %c0_i32 = arith.constant 0 : i32
    %c0_i32_0 = arith.constant 0 : i32
    %c0_i32_1 = arith.constant 0 : i32
    return %c0_i32, %c0_i32_0 : i32, i32
  }
  func.func @transform_7(%arg0: i32) -> (i32, i32) {
    %c0_i32 = arith.constant 0 : i32
    %c0_i32_0 = arith.constant 0 : i32
    %c0_i32_1 = arith.constant 0 : i32
    return %c0_i32, %c0_i32_0 : i32, i32
  }
  func.func @transform_8(%arg0: i32) -> (i32, i32) {
    %c0_i32 = arith.constant 0 : i32
    %c0_i32_0 = arith.constant 0 : i32
    return %arg0, %c0_i32 : i32, i32
  }
}

</mosaic_0001>

<sc_bundles>
// kernel: kernel.5.cloned.1.call-start
scs
__scs_entry_jumppad:
0x0: {  	(pc) =	sbr.rel $0x88, $3  }
0x1: {  	(tag) =	ssettag $0x0;
	lr =	simm.s32 $0x1  }
0x2: {  	[smem:$0x3F93] =	sst lr;
	_ =	strace $0xD0000000  }
0x3: {  	_ = 	snop  }
0x4: {  	_ = 	snop  }
0x5: {  	_ = 	snop  }
0x6: {  	_ = 	snop  }
0x7: {  	_ = 	snop  }
__scs_overlays_trampoline_lowered:
0x8: {  	[smem:$0x3FA2] =	sst s0  }
0x9: {  	[smem:$0x3FA3] =	sst s1  }
0xa: {  	[smem:$0x3FA4] =	sst s2  }
0xb: {  	[smem:$0x3FA5] =	sst s3  }
0xc: {  	[smem:$0x3FA6] =	sst s4  }
0xd: {  	[smem:$0x3FA7] =	sst s5  }
0xe: {  	[smem:$0x3FA8] =	sst s6  }
0xf: {  	[smem:$0x3FA9] =	sst s7  }
0x10: {  	[smem:$0x3FAA] =	sst s8  }
0x11: {  	[smem:$0x3FAB] =	sst s9;
	s0 =	simm.s32 @!p0 $0x0  }
0x12: {  	s1 =	sld [smem:$0x3F91];
	s0 =	simm.s32 @p0 $0x1  }
0x13: {  	[smem:$0x3FAC] =	sst s0;
	s0 =	simm.s32 @!p1 $0x0  }
0x14: {  	s2 =	sld [smem:$0x3F90];
	s0 =	simm.s32 @p1 $0x1  }
0x15: {  	[smem:$0x3FAD] =	sst s0;
	s0 =	simm.s32 @!p2 $0x0  }
0x16: {  	s3 =	sld [smem:$0x3FDB];
	s0 =	simm.s32 @p2 $0x1  }
0x17: {  	s4 =	simm.s32 $0x1BF5;
	[smem:$0x3FAF] =	sst s0  }
0x18: {  	s0 =	sld [smem:$0x3F92];
	_ =	swait.ge [sflag:s4], $0x0  }
0x19: {  	s7 =	sld [smem:$0x3F93]  }
0x1a: {  	s8 =	sadd.s32 $0xFFFFE003, lr  }
0x1b: {  	s9 =	sadd.s32 $0xFFFFFEF7, lr;
	s5 =	simm.s32 $0xFFFFFFFF;
	p2 =	slt.u32 s8, $0xFFFFF086  }
0x1c: {  	p1 =	slt.u32 s9, $0xF7A;
	s5 =	simm.s32 @!p2 $0x0  }
0x1d: {  	s5 =	simm.s32 @p1 $0x1;
	p0 =	seq.s32 s7, s2  }
0x1e: {  	s7 =	smul.u32 @!p0 $0xF7A, s2;
	p2 =	seq.s32 @!p0 s5, $0x0  }
0x1f: {  	s9 =	smul.u32 $0xF7A, s1;
	s8 =	simm.s32 @!p0 $0x1BF5;
	p2 =	por !p2, p0  }
0x20: {  	[sflag:s8] =	ssyncset.s32 @!p0 $0xFFFFF086;
	s6 =	sadd.s32 @!p0 s3, s7;
	s7 =	simm.s32 @!p0 $0x108  }
0x21: {  	s3 =	sadd.s32 s3, s9;
	s6 =	sadd.s32 @!p0 $0x88, s6;
	s7 =	simm.s32 @p2 $0x1082  }
0x22: {  	[simem:s7], [sflag:s8] =	dma.local @!p0 [hbm:s6], $0xF7A  }
0x23: {  	s9 =	sor.u32 $0xD0000000, s2;
	s6 =	simm.s32 $0x108;
	_ =	swait.ge @!p0 [sflag:s8], $0x0  }
0x24: {  	s3 =	sadd.s32 $0x88, s3;
	s6 =	simm.s32 @!p1 $0x1082;
	[sflag:s4] =	ssyncset.s32 $0xFFFFF086  }
0x25: {  	[simem:s6], [sflag:s4] =	dma.local [hbm:s3], $0xF7A  }
0x26: {  	[smem:$0x3F93] =	sst s1;
	(tag) =	ssettag s2;
	_ =	strace s9  }
0x27: {  	s1 =	sld [smem:$0x3FA3]  }
0x28: {  	s2 =	sld [smem:$0x3FA4]  }
0x29: {  	s4 =	sld [smem:$0x3FA6]  }
0x2a: {  	p0 =	seq.s32 s5, $0x0;
	s5 =	sld [smem:$0x3FA7]  }
0x2b: {  	s6 =	sld [smem:$0x3FA8]  }
0x2c: {  	s7 =	sld [smem:$0x3FA9]  }
0x2d: {  	s3 =	simm.s32 $0x108;
	s8 =	sld [smem:$0x3FAA]  }
0x2e: {  	s3 =	simm.s32 @!p0 $0x1082;
	s9 =	sld [smem:$0x3FAB]  }
0x2f: {  	lr =	sadd.s32 s0, s3;
	s0 =	sld [smem:$0x3FA2]  }
0x30: {  	s3 =	sld [smem:$0x3FA5]  }
0x31: {  	[smem:$0x3FAE] =	sst s10  }
0x32: {  	s10 =	sld [smem:$0x3FAC];
	_ =	sdelay $0x3  }
0x33: {  	p0 =	seq.s32 s10, $0x1;
	s10 =	sld [smem:$0x3FAE];
	_ =	sdelay $0x3  }
0x34: {  	[smem:$0x3FAE] =	sst s10  }
0x35: {  	s10 =	sld [smem:$0x3FAD];
	_ =	sdelay $0x3  }
0x36: {  	p1 =	seq.s32 s10, $0x1;
	s10 =	sld [smem:$0x3FAE];
	_ =	sdelay $0x3  }
0x37: {  	[smem:$0x3FAE] =	sst s10  }
0x38: {  	s10 =	sld [smem:$0x3FAF]  }
0x39: {  	_ = 	snop;
	(pc) =	sbr.ind lr, $3  }
0x3a: {  	_ = 	snop  }
0x3b: {  	_ = 	snop  }
0x3c: {  	p2 =	seq.s32 s10, $0x1;
	s10 =	sld [smem:$0x3FAE]  }
0x3d: {  	_ =	shalt  }
0x3e: {  	_ =	shalt  }
0x3f: {  	_ =	shalt  }
0x40: {  	_ =	shalt  }
0x41: {  	_ =	shalt  }
0x42: {  	_ =	shalt  }
0x43: {  	_ =	shalt  }
0x44: {  	_ =	shalt  }
0x45: {  	_ =	shalt  }
0x46: {  	_ =	shalt  }
0x47: {  	_ =	shalt  }
0x48: {  	_ =	shalt  }
0x49: {  	_ =	shalt  }
0x4a: {  	_ =	shalt  }
0x4b: {  	_ =	shalt  }
0x4c: {  	_ =	shalt  }
0x4d: {  	_ =	shalt  }
0x4e: {  	_ =	shalt  }
0x4f: {  	_ =	shalt  }
0x50: {  	_ =	shalt  }
0x51: {  	_ =	shalt  }
0x52: {  	_ =	shalt  }
0x53: {  	_ =	shalt  }
0x54: {  	_ =	shalt  }
0x55: {  	_ =	shalt  }
0x56: {  	_ =	shalt  }
0x57: {  	_ =	shalt  }
0x58: {  	_ =	shalt  }
0x59: {  	_ =	shalt  }
0x5a: {  	_ =	shalt  }
0x5b: {  	_ =	shalt  }
0x5c: {  	_ =	shalt  }
0x5d: {  	_ =	shalt  }
0x5e: {  	_ =	shalt  }
0x5f: {  	_ =	shalt  }
0x60: {  	_ =	shalt  }
0x61: {  	_ =	shalt  }
0x62: {  	_ =	shalt  }
0x63: {  	_ =	shalt  }
0x64: {  	_ =	shalt  }
0x65: {  	_ =	shalt  }
0x66: {  	_ =	shalt  }
0x67: {  	_ =	shalt  }
0x68: {  	_ =	shalt  }
0x69: {  	_ =	shalt  }
0x6a: {  	_ =	shalt  }
0x6b: {  	_ =	shalt  }
0x6c: {  	_ =	shalt  }
0x6d: {  	_ =	shalt  }
0x6e: {  	_ =	shalt  }
0x6f: {  	_ =	shalt  }
0x70: {  	_ =	shalt  }
0x71: {  	_ =	shalt  }
0x72: {  	_ =	shalt  }
0x73: {  	_ =	shalt  }
0x74: {  	_ =	shalt  }
0x75: {  	_ =	shalt  }
0x76: {  	_ =	shalt  }
0x77: {  	_ =	shalt  }
0x78: {  	_ =	shalt  }
0x79: {  	_ =	shalt  }
0x7a: {  	_ =	shalt  }
0x7b: {  	_ =	shalt  }
0x7c: {  	_ =	shalt  }
0x7d: {  	_ =	shalt  }
0x7e: {  	_ =	shalt  }
0x7f: {  	_ =	shalt  }
0x80: {  	_ =	shalt  }
0x81: {  	_ =	shalt  }
0x82: {  	_ =	shalt  }
0x83: {  	_ =	shalt  }
0x84: {  	_ =	shalt  }
0x85: {  	_ =	shalt  }
0x86: {  	_ =	shalt  }
0x87: {  	_ =	shalt  }
.Lfunc_end0:
.L_simem_size_0:
called_computation_lowered:
.L_overlay_start_0:
0x88: {  	s2 =	sld [smem:$0x3FD9]  }
0x89: {  	s3 =	sld [smem:$0x3FFE];
	_ =	sdelay $0x1  }
0x8a: {  	s1 =	srdreg.scid  }
0x8b: {  	s0 =	sand.u32 $0x1, s1  }
0x8c: {  	s17 =	sshll.u32 s0, $0xA;
	s2 =	sadd.s32 s3, s2  }
0x8d: {  	s2 =	sadd.s32 s2, s17  }
0x8e: {  	[smem:$0x3FBA] =	sst s2  }
0x8f: {  	_ = 	snop  }
0x90: {  	s2 =	sld [smem:$0x3FD0];
	(tm) =	ssettm $0x1  }
0x91: {  	s18 =	sld [smem:$0x3FFB];
	_ =	sdelay $0x3  }
0x92: {  	_ =	strace s18  }
0x93: {  	s3 =	sld [smem:$0x3FFC];
	_ =	sdelay $0x3  }
0x94: {  	_ =	strace s3  }
0x95: {  	s3 =	sld [smem:$0x3FFD];
	_ =	sdelay $0x3  }
0x96: {  	_ =	strace s3  }
0x97: {  	_ =	strace $0x8FFFFFFF  }
0x98: {  	s19 =	sld [smem:$0x3FDB];
	_ =	sdelay $0x1  }
0x99: {  	s4 =	simm.s32 $_scs_section_size  }
0x9a: {  	s5 =	simm.s32 $_size__tile_overlayer_lowered;
	s6 =	simm.s32 $_tile_overlayer_lowered  }
0x9b: {  	s22 =	simm.s32 $0x1BFF;
	s21 =	sshll.u32 s6, $0x1;
	s3 =	sadd.s32 s4, s19  }
0x9c: {  	s7 =	simm.s32 $0x0;
	s20 =	sshll.u32 s5, $0x1;
	s5 =	sadd.s32 s21, s3  }
0x9d: {  	[timem:s7], [sflag:s22] =	dma.local [hbm:s5], s20  }
0x9e: {  	_ =	swait.ge [sflag:s22], s20  }
0x9f: {  	s4 =	ssub.s32 $0x0, s20;
	[sflag:s22] =	ssyncset.done $0x0  }
0xa0: {  	[sflag:s22] =	ssyncadd.s32 s4;
	_ =	sdelay $0x1  }
0xa1: {  	s23 =	simm.s32 $0x1B8B  }
0xa2: {  	_ =	swait.ge [sflag:s23], $0x1  }
0xa3: {  	[sflag:s23] =	ssyncset.done $0x0  }
0xa4: {  	s25 =	simm.s32 $0x1B8E;
	s24 =	sld [smem:$0x3FFE];
	[sflag:s23] =	ssyncadd.s32 $0xFFFFFFFF  }
0xa5: {  	s26 =	simm.s32 $execute0_lowered;
	[smem:$0x3FD2] =	sst s25  }
0xa6: {  	s5 =	sshll.u32 s26, $0x1;
	_ =	strace $0x80000046;
	[dreg:$0x1] =	wrdreg $0xFFFFFFFF  }
0xa7: {  	s28 =	simm.s32 $_size_execute0_lowered;
	s3 =	sadd.s32 s3, s5;
	[dreg:$0x0] =	wrdreg $0x0  }
0xa8: {  	s5 =	sshll.u32 s28, $0x1;
	[dreg:$0x2] =	wrdreg s3  }
0xa9: {  	[dreg:$0x3] =	wrdreg s5  }
0xaa: {  	[dreg:$0x4] =	wrdreg $0xC0  }
0xab: {  	_ =	task [dreg:s7], $0x5FFFF  }
0xac: {  	[dreg:$0x1] =	wrdreg $0xFFFFFFFF  }
0xad: {  	[dreg:$0x0] =	wrdreg $0x60  }
0xae: {  	[dreg:$0x2] =	wrdreg s2  }
0xaf: {  	[dreg:$0x3] =	wrdreg s24  }
0xb0: {  	[dreg:$0x4] =	wrdreg $0x72800  }
0xb1: {  	[dreg:$0x5] =	wrdreg $0x9  }
0xb2: {  	_ =	task.clear_ibuf [dreg:s7], $0x6FFFF;
	_ =	strace $0x90000046  }
0xb3: {  	s29 =	simm.s32 $0x9;
	_ =	strace $0x80000048  }
0xb4: {  	_ =	swait.ge [sflag:s29], $0x1  }
0xb5: {  	[sflag:s29] =	ssyncadd.s32 $0xFFFFFFFF  }
0xb6: {  	_ =	strace $0x90000048  }
0xb7: {  	_ =	sfence  }
0xb8: {  	s30 =	sld [smem:$0x0];
	_ =	sdelay $0x2  }
0xb9: {  	s31 =	sshll.u32 s1, $0xD;
	s1 =	sshrl.u32 s1, $0x2  }
0xba: {  	s3 =	sand.u32 $0x4000, s31;
	s1 =	sadd.s32 s1, s30  }
0xbb: {  	s0 =	sor.u32 s3, s0;
	s1 =	sshll.u32 s1, $0x11  }
0xbc: {  	s0 =	sor.u32 s1, s0  }
0xbd: {  	s0 =	sadd.s32 $0x8F2B, s0  }
0xbe: {  	[sflag:s0] =	ssyncadd.remote.s32 $0x1  }
0xbf: {  	_ =	sfence.sel $0xFFFF  }
0xc0: {  	[dreg:$0x0] =	wrdreg $0xFFFFFFFF;
	(pc) =	sbr.abs _section_cstart, $3  }
0xc1: {  	[dreg:$0x1] =	wrdreg $0xFFFFFFFF  }
0xc2: {  	_ =	task.clear_ibuf [dreg:s7], $0x2FFFF;
	_ =	strace $0x9FFFFFFF  }
0xc3: {  	(tm) =	ssettm $0x7FFFFFFF  }
tec
execute0_lowered:
.L_overlay_start_1:
0x0: {  	(tag) =	ssettag $0x1  }
0x1: {  	s1 =	rddreg [dreg:$0x0]  }
0x2: {  	s0 =	rddreg [dreg:$0x1]  }
0x3: {  	s2 =	rddreg [dreg:$0x2];
	s3 =	srdreg.scid;
	s4 =	simm.s32 $0x0  }
0x4: {  	s11 =	stileid.u32;
	s3 =	sand.u32 $0x1, s3;
	[smem:$0x7FF] =	sst s4  }
0x5: {  	s5 =	sadd.s32 $0x14E00, s0;
	s6 =	sadd.s32 $0xB000, s0;
	s10 =	smul.u32 $0x50000, s11  }
0x6: {  	s7 =	sadd.s32 $0x1200, s0;
	s26 =	sshll.u32 s3, $0x4;
	_ =	strace $0x80000047  }
0x7: {  	s8 =	ssub.s32 $0x2, s3;
	s3 =	smul.u32 $0x140000, s3;
	s4 =	sor.u32 s11, s26  }
0x8: {  	s9 =	sshrl.u32 s8, $0x1;
	s29 =	sshrl.u32 s10, $0x2;
	s11 =	smul.u32 $0x14000, s11  }
0x9: {  	s4 =	smul.u32 $0x2710, s4;
	s8 =	ssub.s32 s8, s9;
	s16 =	sadd.s32 s29, s2  }
0xa: {  	s15 =	sadd.s32 s11, s3;
	s17 =	sadd.s32 $0x4000, s11;
	s22 =	sadd.s32 $0xC000, s11  }
0xb: {  	s8 =	smax.u32 s8, $0x1;
	[dreg:$0x4] =	wrdreg s16;
	s30 =	sshrl.u32 s4, $0x3  }
0xc: {  	s18 =	sshrl.u32 s15, $0x3;
	s19 =	sadd.s32 s3, s17;
	s15 =	sadd.s32 s3, s22  }
0xd: {  	s26 =	sadd.s32 s17, s2;
	[dreg:$0x10] =	wrdreg s8;
	s17 =	sadd.s32 $0x3C00, s16  }
0xe: {  	s31 =	sadd.s32 $0x4, s30;
	s12 =	sadd.s32 s6, s30;
	[dreg:$0x17] =	wrdreg s17  }
0xf: {  	s13 =	sadd.s32 s7, s30;
	s10 =	sadd.s32 $0x4E0, s30;
	[dreg:$0x5] =	wrdreg s12  }
0x10: {  	s20 =	sshrl.u32 s19, $0x3;
	s19 =	sadd.s32 $0x6400, s16;
	[dreg:$0x6] =	wrdreg s13  }
0x11: {  	s30 =	sadd.s32 s22, s2;
	s22 =	sadd.s32 $0xA000, s16;
	[dreg:$0x19] =	wrdreg s19  }
0x12: {  	s0 =	sadd.s32 $0x63000, s0;
	s14 =	sadd.s32 s6, s31;
	[dreg:$0x1c] =	wrdreg s22  }
0x13: {  	s15 =	sshrl.u32 s15, $0x3;
	s9 =	sadd.s32 s7, s31;
	[dreg:$0x7] =	wrdreg s14  }
0x14: {  	s13 =	sadd.s32 $0x40, s4;
	s4 =	sadd.s32 s0, s18;
	[dreg:$0x8] =	wrdreg s9  }
0x15: {  	s23 =	sadd.s32 s0, s15;
	[dreg:$0x9] =	wrdreg s4  }
0x16: {  	s21 =	sadd.s32 $0x8000, s11;
	s24 =	sadd.s32 s6, s10;
	[dreg:$0xc] =	wrdreg s23  }
0x17: {  	s29 =	sadd.s32 s21, s2;
	s25 =	sadd.s32 s7, s10;
	[dreg:$0xe] =	wrdreg s24  }
0x18: {  	s10 =	sshrl.u32 s29, $0x3;
	[dreg:$0xf] =	wrdreg s25  }
0x19: {  	v0 =	vlaneseq.u32;
	v3 =	vimm.f32 $0.0e+00;
	vm0 =	vmmov $0xffff;
	s15 =	sadd.s32 $0x2800, s16;
	[dreg:$0x12] =	wrdreg s10  }
0x1a: {  	v7 =	vimm.s32 $0xB80;
	vm1 =	vcmask $0x300;
	v8 =	vimm.s32 $0xF80;
	s11 =	sadd.s32 $0x10000, s11;
	s18 =	sadd.s32 $0x5000, s16;
	[dreg:$0x16] =	wrdreg s15  }
0x1b: {  	vm2 =	vcmask $0x704;
	v1 =	vand.u32 $0x7, v0;
	v4 =	vshrl.u32 v0, $0x3;
	s31 =	sadd.s32 s11, s2;
	s29 =	sadd.s32 $0x10400, s16;
	[dreg:$0x18] =	wrdreg s18  }
0x1c: {  	v5 =	vor.u32 $0x8, v0;
	v7 =	vsel vm1, $0x0, v7;
	v8 =	vsel vm1, $0x400, v8;
	s4 =	sadd.s32 s0, s20;
	s14 =	sadd.s32 s3, s21;
	[smem:$0x7FB] =	sst s29  }
0x1d: {  	vm1 =	vcmask $0xB08;
	v2 =	vmul.u32 $0x80, v1;
	v4 =	vmul.u32 $0x8, v4;
	s3 =	sadd.s32 s3, s11;
	s11 =	sshrl.u32 s30, $0x3;
	[dreg:$0xa] =	wrdreg s4  }
0x1e: {  	v7 =	vsel vm2, $0x80, v7;
	v8 =	vsel vm2, $0x480, v8;
	vm2 =	vcmask $0xF0C;
	s12 =	sshrl.u32 s31, $0x3;
	[dreg:$0x13] =	wrdreg s11  }
0x1f: {  	v7 =	vsel vm1, $0x100, v7;
	v8 =	vsel vm1, $0x500, v8;
	vm1 =	vcmask $0x1310;
	s20 =	sadd.s32 $0x7800, s16;
	[dreg:$0x14] =	wrdreg s12  }
0x20: {  	v6 =	vor.u32 $0x400, v2;
	v7 =	vsel vm2, $0x180, v7;
	v8 =	vsel vm2, $0x580, v8;
	s21 =	sadd.s32 $0x8C00, s16;
	[dreg:$0x1a] =	wrdreg s20  }
0x21: {  	vm2 =	vcmask $0x1714;
	v7 =	vsel vm1, $0x200, v7;
	v8 =	vsel vm1, $0x600, v8;
	s23 =	sadd.s32 $0xB400, s16;
	[dreg:$0x1b] =	wrdreg s21  }
0x22: {  	vm1 =	vcmask $0x1B18;
	v7 =	vsel vm2, $0x280, v7;
	v8 =	vsel vm2, $0x680, v8;
	s24 =	sadd.s32 $0xC800, s16;
	[dreg:$0x1d] =	wrdreg s23  }
0x23: {  	vm2 =	vcmask $0x1F1C;
	v7 =	vsel vm1, $0x300, v7;
	v8 =	vsel vm1, $0x700, v8;
	s25 =	sadd.s32 $0xDC00, s16;
	[dreg:$0x1e] =	wrdreg s24  }
0x24: {  	vm1 =	vcmask $0x2320;
	v7 =	vsel vm2, $0x380, v7;
	v8 =	vsel vm2, $0x780, v8;
	s30 =	sadd.s32 $0x11800, s16;
	[dreg:$0x1f] =	wrdreg s25  }
0x25: {  	vm2 =	vcmask $0x2724;
	v7 =	vsel vm1, $0x800, v7;
	v8 =	vsel vm1, $0xC00, v8;
	s31 =	sadd.s32 $0x12C00, s16;
	s14 =	sshrl.u32 s14, $0x3;
	[smem:$0x7FC] =	sst s30  }
0x26: {  	vm1 =	vcmask $0x2B28;
	s3 =	sshrl.u32 s3, $0x3;
	v7 =	vsel vm2, $0x880, v7;
	v8 =	vsel vm2, $0xC80, v8;
	[smem:$0x7FD] =	sst s31;
	s14 =	sadd.s32 s0, s14  }
0x27: {  	s28 =	simm.s32 $0xA80;
	vm2 =	vcmask $0x2F2C;
	s0 =	sadd.s32 s0, s3;
	v7 =	vsel vm1, $0x900, v7;
	v8 =	vsel vm1, $0xD00, v8;
	[dreg:$0xb] =	wrdreg s14  }
0x28: {  	s19 =	simm.s32 $0x5;
	vm1 =	vcmask $0x3330;
	[dreg:$0xd] =	wrdreg s0;
	s0 =	sshrl.u32 s26, $0x3;
	v7 =	vsel vm2, $0x980, v7;
	v8 =	vsel vm2, $0xD80, v8  }
0x29: {  	s18 =	simm.s32 $0x6280;
	s14 =	sadd.s32 $0x1400, s16;
	vm2 =	vcmask $0x3734;
	[dreg:$0x11] =	wrdreg s0;
	v7 =	vsel vm1, $0xA00, v7;
	v8 =	vsel vm1, $0xE00, v8  }
0x2a: {  	s21 =	simm.s32 $0x280;
	s26 =	sadd.s32 $0xF000, s16;
	[dreg:$0x15] =	wrdreg s14;
	vm1 =	vcmask $0x3B38;
	v7 =	vsel vm2, $0xA80, v7;
	v9 =	vsel vm2, $0xE80, v8  }
0x2b: {  	s23 =	simm.s32 $0x4280;
	s3 =	simm.s32 $0x0;
	[smem:$0x7FA] =	sst s26;
	v8 =	vmul.u32 $0x80, v0;
	v7 =	vsel vm1, $0xB00, v7;
	v9 =	vsel vm1, $0xF00, v9  }
.LBB2_1:
0x2c: {  	[smem:$0x7F9] =	sst s3;
	s0 =	simm.s32 $0x0;
	s3 =	simm.s32 $0x200  }
.LBB2_2:
0x2d: {  	p0 =	sne.s32 s3, $0x4E00;
	[tilespmem:s0+$0x62F0] =	vst v3  }
0x2e: {  	[tilespmem:s0+$0x6280] =	vst v3  }
0x2f: {  	[tilespmem:s0+$0x6290] =	vst v3  }
.Ltmp0:
0x30: {  	[tilespmem:s0+$0x62A0] =	vst v3;
	(pc) =	sbr.rel @p0 .LBB2_2-.Ltmp0, $4  }
0x31: {  	[tilespmem:s0+$0x62B0] =	vst v3  }
0x32: {  	[tilespmem:s0+$0x62C0] =	vst v3  }
0x33: {  	[tilespmem:s0+$0x62D0] =	vst v3  }
0x34: {  	[tilespmem:s0+$0x62E0] =	vst v3;
	s0 =	sshra.s32 s3, $0x2;
	s3 =	sadd.s32 $0x200, s3  }
0x35: {  	[tilespmem:s0+$0x62F0] =	vst v3  }
0x36: {  	[tilespmem:s0+$0x6280] =	vst v3  }
0x37: {  	[tilespmem:s0+$0x6290] =	vst v3  }
0x38: {  	[tilespmem:s0+$0x62A0] =	vst v3  }
0x39: {  	[tilespmem:s0+$0x62B0] =	vst v3  }
0x3a: {  	[tilespmem:s0+$0x62C0] =	vst v3  }
0x3b: {  	[tilespmem:s0+$0x62D0] =	vst v3  }
0x3c: {  	[tilespmem:s0+$0x62E0] =	vst v3  }
0x3d: {  	[spmem:s16] =	stream.linear.scatter [tilespmem:s18], [sflag:$0x5], $0x1400, $0x38;
	[tilespmem:$0x1B280] =	vst v63  }
0x3e: {  	_ =	swait.ge [sflag:s19], $0x1400  }
0x3f: {  	[sflag:s19] =	ssyncset.done $0x0  }
0x40: {  	s25 =	rddreg [dreg:$0x15];
	[sflag:s19] =	ssyncadd.s32 $0xFFFFEC00  }
0x41: {  	[spmem:s25] =	stream.linear.scatter [tilespmem:s18], [sflag:$0x5], $0x1400, $0x38;
	[tilespmem:$0x1B280] =	vst v63  }
0x42: {  	_ =	swait.ge [sflag:s19], $0x1400  }
0x43: {  	[sflag:s19] =	ssyncset.done $0x0  }
0x44: {  	s26 =	rddreg [dreg:$0x16];
	[sflag:s19] =	ssyncadd.s32 $0xFFFFEC00  }
0x45: {  	[spmem:s26] =	stream.linear.scatter [tilespmem:s18], [sflag:$0x5], $0x1400, $0x38;
	[tilespmem:$0x1B280] =	vst v63  }
0x46: {  	_ =	swait.ge [sflag:s19], $0x1400  }
0x47: {  	[sflag:s19] =	ssyncset.done $0x0  }
0x48: {  	s30 =	rddreg [dreg:$0x17];
	[sflag:s19] =	ssyncadd.s32 $0xFFFFEC00  }
0x49: {  	[spmem:s30] =	stream.linear.scatter [tilespmem:s18], [sflag:$0x5], $0x1400, $0x38;
	[tilespmem:$0x1B280] =	vst v63  }
0x4a: {  	_ =	swait.ge [sflag:s19], $0x1400  }
0x4b: {  	[sflag:s19] =	ssyncset.done $0x0  }
0x4c: {  	s31 =	rddreg [dreg:$0x18];
	[sflag:s19] =	ssyncadd.s32 $0xFFFFEC00  }
0x4d: {  	[spmem:s31] =	stream.linear.scatter [tilespmem:s18], [sflag:$0x5], $0x1400, $0x38;
	[tilespmem:$0x1B280] =	vst v63  }
0x4e: {  	_ =	swait.ge [sflag:s19], $0x1400  }
0x4f: {  	[sflag:s19] =	ssyncset.done $0x0  }
0x50: {  	s3 =	rddreg [dreg:$0x19];
	[sflag:s19] =	ssyncadd.s32 $0xFFFFEC00  }
0x51: {  	[spmem:s3] =	stream.linear.scatter [tilespmem:s18], [sflag:$0x5], $0x1400, $0x38;
	[tilespmem:$0x1B280] =	vst v63  }
0x52: {  	_ =	swait.ge [sflag:s19], $0x1400  }
0x53: {  	[sflag:s19] =	ssyncset.done $0x0  }
0x54: {  	s4 =	rddreg [dreg:$0x1a];
	[sflag:s19] =	ssyncadd.s32 $0xFFFFEC00  }
0x55: {  	[spmem:s4] =	stream.linear.scatter [tilespmem:s18], [sflag:$0x5], $0x1400, $0x38;
	[tilespmem:$0x1B280] =	vst v63  }
0x56: {  	_ =	swait.ge [sflag:s19], $0x1400  }
0x57: {  	[sflag:s19] =	ssyncset.done $0x0  }
0x58: {  	s8 =	rddreg [dreg:$0x1b];
	[sflag:s19] =	ssyncadd.s32 $0xFFFFEC00  }
0x59: {  	[spmem:s8] =	stream.linear.scatter [tilespmem:s18], [sflag:$0x5], $0x1400, $0x38;
	[tilespmem:$0x1B280] =	vst v63  }
0x5a: {  	_ =	swait.ge [sflag:s19], $0x1400  }
0x5b: {  	[sflag:s19] =	ssyncset.done $0x0  }
0x5c: {  	s9 =	rddreg [dreg:$0x1c];
	[sflag:s19] =	ssyncadd.s32 $0xFFFFEC00  }
0x5d: {  	[spmem:s9] =	stream.linear.scatter [tilespmem:s18], [sflag:$0x5], $0x1400, $0x38;
	[tilespmem:$0x1B280] =	vst v63  }
0x5e: {  	_ =	swait.ge [sflag:s19], $0x1400  }
0x5f: {  	[sflag:s19] =	ssyncset.done $0x0  }
0x60: {  	s10 =	rddreg [dreg:$0x1d];
	[sflag:s19] =	ssyncadd.s32 $0xFFFFEC00  }
0x61: {  	[spmem:s10] =	stream.linear.scatter [tilespmem:s18], [sflag:$0x5], $0x1400, $0x38;
	[tilespmem:$0x1B280] =	vst v63  }
0x62: {  	_ =	swait.ge [sflag:s19], $0x1400  }
0x63: {  	[sflag:s19] =	ssyncset.done $0x0  }
0x64: {  	s11 =	rddreg [dreg:$0x1e];
	[sflag:s19] =	ssyncadd.s32 $0xFFFFEC00  }
0x65: {  	[spmem:s11] =	stream.linear.scatter [tilespmem:s18], [sflag:$0x5], $0x1400, $0x38;
	[tilespmem:$0x1B280] =	vst v63  }
0x66: {  	_ =	swait.ge [sflag:s19], $0x1400  }
0x67: {  	[sflag:s19] =	ssyncset.done $0x0  }
0x68: {  	s12 =	rddreg [dreg:$0x1f];
	[sflag:s19] =	ssyncadd.s32 $0xFFFFEC00  }
0x69: {  	[spmem:s12] =	stream.linear.scatter [tilespmem:s18], [sflag:$0x5], $0x1400, $0x38;
	[tilespmem:$0x1B280] =	vst v63  }
0x6a: {  	_ =	swait.ge [sflag:s19], $0x1400  }
0x6b: {  	s14 =	sld [smem:$0x7FA]  }
0x6c: {  	[sflag:s19] =	ssyncset.done $0x0  }
0x6d: {  	[sflag:s19] =	ssyncadd.s32 $0xFFFFEC00  }
0x6e: {  	[spmem:s14] =	stream.linear.scatter [tilespmem:s18], [sflag:$0x5], $0x1400, $0x38;
	[tilespmem:$0x1B280] =	vst v63  }
0x6f: {  	_ =	swait.ge [sflag:s19], $0x1400  }
0x70: {  	s15 =	sld [smem:$0x7FB]  }
0x71: {  	[sflag:s19] =	ssyncset.done $0x0  }
0x72: {  	[sflag:s19] =	ssyncadd.s32 $0xFFFFEC00  }
0x73: {  	[spmem:s15] =	stream.linear.scatter [tilespmem:s18], [sflag:$0x5], $0x1400, $0x38;
	[tilespmem:$0x1B280] =	vst v63  }
0x74: {  	_ =	swait.ge [sflag:s19], $0x1400  }
0x75: {  	s16 =	sld [smem:$0x7FC]  }
0x76: {  	[sflag:s19] =	ssyncset.done $0x0  }
0x77: {  	[sflag:s19] =	ssyncadd.s32 $0xFFFFEC00  }
0x78: {  	[spmem:s16] =	stream.linear.scatter [tilespmem:s18], [sflag:$0x5], $0x1400, $0x38;
	[tilespmem:$0x1B280] =	vst v63  }
0x79: {  	_ =	swait.ge [sflag:s19], $0x1400  }
0x7a: {  	s17 =	sld [smem:$0x7FD]  }
0x7b: {  	[sflag:s19] =	ssyncset.done $0x0  }
0x7c: {  	[sflag:s19] =	ssyncadd.s32 $0xFFFFEC00  }
0x7d: {  	[spmem:s17] =	stream.linear.scatter [tilespmem:s18], [sflag:$0x5], $0x1400, $0x38;
	[tilespmem:$0x1B280] =	vst v63  }
0x7e: {  	_ =	swait.ge [sflag:s19], $0x1400  }
0x7f: {  	[sflag:s19] =	ssyncset.done $0x0  }
0x80: {  	[sflag:s19] =	ssyncadd.s32 $0xFFFFEC00  }
0x81: {  	[bflag:$0x0] =	sbarrier.arrive $0xFFFF  }
0x82: {  	s29 =	simm.s32 $0x0;
	s20 =	rddreg [dreg:$0x5]  }
0x83: {  	[tilespmem:s29], [sflag:$0x5] =	stream.linear.gather [hbm4b:s20+s29], $0x20, $0x38;
	[tilespmem:$0x1B280] =	vst v63  }
0x84: {  	_ =	swait.ge [sflag:s19], $0x20  }
0x85: {  	[sflag:s19] =	ssyncset.done $0x0  }
0x86: {  	s3 =	simm.s32 $0x100;
	s22 =	rddreg [dreg:$0x6];
	[sflag:s19] =	ssyncadd.s32 $0xFFFFFFE0  }
0x87: {  	[tilespmem:s3], [sflag:$0x5] =	stream.linear.gather [hbm4b:s22+s29], $0x20, $0x38;
	[tilespmem:$0x1B280] =	vst v63  }
0x88: {  	_ =	swait.ge [sflag:s19], $0x20  }
0x89: {  	[sflag:s19] =	ssyncset.done $0x0  }
0x8a: {  	s4 =	simm.s32 $0x80;
	s24 =	rddreg [dreg:$0x7];
	[sflag:s19] =	ssyncadd.s32 $0xFFFFFFE0  }
0x8b: {  	[tilespmem:s4], [sflag:$0x2] =	stream.linear.gather [hbm4b:s24+s29], $0x20, $0x38;
	[tilespmem:$0x1B280] =	vst v63  }
0x8c: {  	s26 =	simm.s32 $0x180;
	s25 =	rddreg [dreg:$0x8]  }
0x8d: {  	[tilespmem:s26], [sflag:$0x2] =	stream.linear.gather [hbm4b:s25+s29], $0x20, $0x38;
	[tilespmem:$0x1B280] =	vst v63  }
0x8e: {  	v10 =	vld [tilespmem:$0x0];
	_ =	sdelay $0x4  }
0x8f: {  	v11 =	vshll.u32 v10, $0x1  }
0x90: {  	v10 =	vand.u32 $0x7, v10;
	v11 =	vand.u32 $0xFFFFFFF0, v11  }
0x91: {  	v10 =	vor.u32 v10, v11  }
0x92: {  	v11 =	vperm.xlane v10, v1;
	_ =	sdelay $0x1  }
0x93: {  	v10 =	vperm.xlane v10, v5;
	v11 =	vadd.s32 v4, v11;
	_ =	sdelay $0x1  }
0x94: {  	v10 =	vadd.s32 v4, v10;
	_ =	sdelay $0x2  }
0x95: {  	[tilespmem:s21], [sflag:$0x3] =	stream.indirect_vreg.gather [hbm4b:s5+s29], $0x80, v11, vm0, $0xb8;
	[tilespmem:$0x1B280] =	vst v63  }
0x96: {  	_ = 	snop  }
0x97: {  	[tilespmem:s28], [sflag:$0x3] =	stream.indirect_vreg.gather [hbm4b:s5+s29], $0x80, v10, vm0, $0xb8;
	[tilespmem:$0x1B280] =	vst v63  }
0x98: {  	v10 =	vld [tilespmem:$0x10];
	_ =	sdelay $0x4  }
0x99: {  	v11 =	vshll.u32 v10, $0x1  }
0x9a: {  	v10 =	vand.u32 $0x7, v10;
	v11 =	vand.u32 $0xFFFFFFF0, v11  }
0x9b: {  	v10 =	vor.u32 v10, v11  }
0x9c: {  	v11 =	vperm.xlane v10, v1;
	_ =	sdelay $0x1  }
0x9d: {  	v10 =	vperm.xlane v10, v5;
	v11 =	vadd.s32 v4, v11;
	_ =	sdelay $0x1  }
0x9e: {  	v10 =	vadd.s32 v4, v10;
	_ =	sdelay $0x1  }
0x9f: {  	s28 =	simm.s32 $0x1280  }
0xa0: {  	[tilespmem:s28], [sflag:$0x3] =	stream.indirect_vreg.gather [hbm4b:s5+s29], $0x80, v11, vm0, $0xb8;
	[tilespmem:$0x1B280] =	vst v63  }
0xa1: {  	s30 =	simm.s32 $0x1A80  }
0xa2: {  	[tilespmem:s30], [sflag:$0x3] =	stream.indirect_vreg.gather [hbm4b:s5+s29], $0x80, v10, vm0, $0xb8;
	[tilespmem:$0x1B280] =	vst v63  }
0xa3: {  	s31 =	simm.s32 $0x20  }
0xa4: {  	[tilespmem:s23], [sflag:$0x3] =	stream.indirect.gather [hbm4b:s1+s31], $0x80, s3, s31, $0xb8;
	[tilespmem:$0x1B280] =	vst v63  }
.LBB2_4:
0xa5: {  	s20 =	sand.u32 $0x1, s29  }
0xa6: {  	p0 =	seq.s32 s20, $0x1  }
0xa7: {  	s0 =	simm.s32 @!p0 $0x2  }
0xa8: {  	_ =	swait.ge @!p0 [sflag:s0], $0x20  }
0xa9: {  	[sflag:s0] =	ssyncset.done @!p0 $0x0  }
0xaa: {  	[sflag:s0] =	ssyncadd.s32 @!p0 $0xFFFFFFE0  }
0xab: {  	_ =	swait.ge @!p0 [sflag:s0], $0x20  }
0xac: {  	[sflag:s0] =	ssyncset.done @!p0 $0x0  }
0xad: {  	[sflag:s0] =	ssyncadd.s32 @!p0 $0xFFFFFFE0  }
0xae: {  	v10 =	vld @!p0 [tilespmem:$0x80];
	_ =	sdelay $0x4  }
0xaf: {  	v11 =	vshll.u32 @!p0 v10, $0x1  }
0xb0: {  	v12 =	vlaneseq.u32 @!p0;
	v10 =	vand.u32 @!p0 $0x7, v10;
	v11 =	vand.u32 @!p0 $0xFFFFFFF0, v11  }
0xb1: {  	v13 =	vshrl.u32 @!p0 v12, $0x3;
	v10 =	vor.u32 @!p0 v10, v11;
	v11 =	vand.u32 @!p0 $0x7, v12  }
0xb2: {  	v13 =	vmul.u32 @!p0 $0x8, v13;
	v14 =	vperm.xlane @!p0 v10, v11  }
0xb3: {  	v12 =	vor.u32 @!p0 $0x8, v12  }
0xb4: {  	v10 =	vperm.xlane @!p0 v10, v12;
	v14 =	vadd.s32 @!p0 v13, v14;
	_ =	sdelay $0x1  }
0xb5: {  	v10 =	vadd.s32 @!p0 v13, v10;
	_ =	sdelay $0x1  }
0xb6: {  	vm1 =	vmmov @!p0 $0xffff;
	s3 =	simm.s32 @!p0 $0x2280;
	s0 =	simm.s32 @!p0 $0x0  }
0xb7: {  	[tilespmem:s3], [sflag:$0x4] =	stream.indirect_vreg.gather @!p0 [hbm4b:s5+s0], $0x80, v14, vm1, $0xb8;
	[tilespmem:$0x1B280] =	vst v63  }
0xb8: {  	s3 =	simm.s32 @!p0 $0x2A80  }
0xb9: {  	[tilespmem:s3], [sflag:$0x4] =	stream.indirect_vreg.gather @!p0 [hbm4b:s5+s0], $0x80, v10, vm1, $0xb8;
	[tilespmem:$0x1B280] =	vst v63  }
0xba: {  	v10 =	vld @!p0 [tilespmem:$0x90];
	_ =	sdelay $0x4  }
0xbb: {  	v14 =	vshll.u32 @!p0 v10, $0x1  }
0xbc: {  	v10 =	vand.u32 @!p0 $0x7, v10;
	v14 =	vand.u32 @!p0 $0xFFFFFFF0, v14  }
0xbd: {  	v10 =	vor.u32 @!p0 v10, v14  }
0xbe: {  	v11 =	vperm.xlane @!p0 v10, v11;
	_ =	sdelay $0x1  }
0xbf: {  	v10 =	vperm.xlane @!p0 v10, v12;
	v11 =	vadd.s32 @!p0 v13, v11;
	_ =	sdelay $0x1  }
0xc0: {  	v10 =	vadd.s32 @!p0 v13, v10;
	_ =	sdelay $0x1  }
0xc1: {  	s3 =	simm.s32 @!p0 $0x3280  }
0xc2: {  	[tilespmem:s3], [sflag:$0x4] =	stream.indirect_vreg.gather @!p0 [hbm4b:s5+s0], $0x80, v11, vm1, $0xb8;
	[tilespmem:$0x1B280] =	vst v63  }
0xc3: {  	p1 =	seq.s32 s29, $0x137;
	s4 =	simm.s32 @!p0 $0x5280;
	s3 =	simm.s32 @!p0 $0x3A80  }
0xc4: {  	[tilespmem:s3], [sflag:$0x4] =	stream.indirect_vreg.gather @!p0 [hbm4b:s5+s0], $0x80, v10, vm1, $0xb8;
	[tilespmem:$0x1B280] =	vst v63  }
0xc5: {  	p1 =	por !p0, p1;
	s0 =	simm.s32 @!p0 $0x20;
	s3 =	simm.s32 @!p0 $0x180  }
0xc6: {  	[tilespmem:s4], [sflag:$0x4] =	stream.indirect.gather @!p0 [hbm4b:s1+s0], $0x80, s3, s0, $0xb8;
	[tilespmem:$0x1B280] =	vst v63  }
0xc7: {  	s0 =	simm.s32 @!p1 $0x1  }
0xc8: {  	_ =	swait.ge @!p1 [sflag:s0], $0x20  }
0xc9: {  	[sflag:s0] =	ssyncset.done @!p1 $0x0  }
0xca: {  	[sflag:s0] =	ssyncadd.s32 @!p1 $0xFFFFFFE0  }
0xcb: {  	_ =	swait.ge @!p1 [sflag:s0], $0x20  }
0xcc: {  	[sflag:s0] =	ssyncset.done @!p1 $0x0  }
0xcd: {  	[sflag:s0] =	ssyncadd.s32 @!p1 $0xFFFFFFE0  }
0xce: {  	v10 =	vld @!p1 [tilespmem:$0x0];
	_ =	sdelay $0x4  }
0xcf: {  	v11 =	vshll.u32 @!p1 v10, $0x1  }
0xd0: {  	v12 =	vlaneseq.u32 @!p1;
	v10 =	vand.u32 @!p1 $0x7, v10;
	v11 =	vand.u32 @!p1 $0xFFFFFFF0, v11  }
0xd1: {  	v13 =	vshrl.u32 @!p1 v12, $0x3;
	v10 =	vor.u32 @!p1 v10, v11;
	v11 =	vand.u32 @!p1 $0x7, v12  }
0xd2: {  	v13 =	vmul.u32 @!p1 $0x8, v13;
	v14 =	vperm.xlane @!p1 v10, v11  }
0xd3: {  	v12 =	vor.u32 @!p1 $0x8, v12  }
0xd4: {  	v10 =	vperm.xlane @!p1 v10, v12;
	v14 =	vadd.s32 @!p1 v13, v14;
	_ =	sdelay $0x1  }
0xd5: {  	v10 =	vadd.s32 @!p1 v13, v10;
	_ =	sdelay $0x1  }
0xd6: {  	vm1 =	vmmov @!p1 $0xffff;
	s3 =	simm.s32 @!p1 $0x280;
	s0 =	simm.s32 @!p1 $0x0  }
0xd7: {  	[tilespmem:s3], [sflag:$0x3] =	stream.indirect_vreg.gather @!p1 [hbm4b:s5+s0], $0x80, v14, vm1, $0xb8;
	[tilespmem:$0x1B280] =	vst v63  }
0xd8: {  	s3 =	simm.s32 @!p1 $0xA80  }
0xd9: {  	[tilespmem:s3], [sflag:$0x3] =	stream.indirect_vreg.gather @!p1 [hbm4b:s5+s0], $0x80, v10, vm1, $0xb8;
	[tilespmem:$0x1B280] =	vst v63  }
0xda: {  	v10 =	vld @!p1 [tilespmem:$0x10];
	_ =	sdelay $0x4  }
0xdb: {  	v14 =	vshll.u32 @!p1 v10, $0x1  }
0xdc: {  	v10 =	vand.u32 @!p1 $0x7, v10;
	v14 =	vand.u32 @!p1 $0xFFFFFFF0, v14  }
0xdd: {  	v10 =	vor.u32 @!p1 v10, v14  }
0xde: {  	v11 =	vperm.xlane @!p1 v10, v11;
	_ =	sdelay $0x1  }
0xdf: {  	v10 =	vperm.xlane @!p1 v10, v12;
	v11 =	vadd.s32 @!p1 v13, v11;
	_ =	sdelay $0x1  }
0xe0: {  	v10 =	vadd.s32 @!p1 v13, v10;
	_ =	sdelay $0x1  }
0xe1: {  	s3 =	simm.s32 @!p1 $0x1280  }
0xe2: {  	[tilespmem:s3], [sflag:$0x3] =	stream.indirect_vreg.gather @!p1 [hbm4b:s5+s0], $0x80, v11, vm1, $0xb8;
	[tilespmem:$0x1B280] =	vst v63  }
0xe3: {  	s25 =	sadd.s32 $0x3, s20;
	s3 =	simm.s32 @!p1 $0x1A80  }
0xe4: {  	[tilespmem:s3], [sflag:$0x3] =	stream.indirect_vreg.gather @!p1 [hbm4b:s5+s0], $0x80, v10, vm1, $0xb8;
	[tilespmem:$0x1B280] =	vst v63  }
0xe5: {  	s4 =	simm.s32 @!p1 $0x4280;
	s0 =	simm.s32 @!p1 $0x20;
	s3 =	simm.s32 @!p1 $0x100  }
0xe6: {  	[tilespmem:s4], [sflag:$0x3] =	stream.indirect.gather @!p1 [hbm4b:s1+s0], $0x80, s3, s0, $0xb8;
	[tilespmem:$0x1B280] =	vst v63  }
0xe7: {  	_ =	swait.ge [sflag:s25], $0x2000  }
0xe8: {  	[sflag:s25] =	ssyncset.done $0x0  }
0xe9: {  	[sflag:s25] =	ssyncadd.s32 $0xFFFFE000  }
0xea: {  	p2 =	por $0x1, $0x1;
	s26 =	sshll.u32 s20, $0xD;
	_ =	swait.ge [sflag:s25], $0x1000  }
0xeb: {  	s28 =	sshll.u32 s20, $0xC;
	s30 =	sor.u32 $0x280, s26;
	[sflag:s25] =	ssyncset.done $0x0  }
0xec: {  	s31 =	sor.u32 $0x4280, s28;
	s0 =	simm.s32 $0x0;
	[sflag:s25] =	ssyncadd.s32 $0xFFFFF000  }
.LBB2_5:
0xed: {  	v11 =	vor.u32 s0, v0  }
0xee: {  	v10 =	vshll.u32 v11, $0x8  }
0xef: {  	s8 =	simm.s32 $0x0;
	v11 =	vshll.u32 v11, $0x7;
	v12 =	vand.u32 $0x1800, v10  }
0xf0: {  	v14 =	vor.u32 s8, v11;
	v10 =	vor.u32 v2, v12  }
0xf1: {  	s4 =	simm.s32 $0x1;
	v13 =	vor.u32 s8, v10  }
0xf2: {  	v15 =	vor.u32 s4, v11  }
0xf3: {  	s3 =	simm.s32 $0x2;
	v16 =	vor.u32 s4, v10  }
0xf4: {  	v17 =	vor.u32 s3, v11  }
0xf5: {  	s28 =	simm.s32 $0x3;
	v18 =	vor.u32 s3, v10;
	v20 =	vld.idx.msk [tilespmem:v14+s31+$0x0], $0xffff  }
0xf6: {  	v19 =	vor.u32 s28, v11;
	v13 =	vld.idx.msk [tilespmem:v13+s30+$0x0], $0xffff  }
0xf7: {  	s9 =	simm.s32 $0x4;
	v22 =	vor.u32 s28, v10;
	v21 =	vld.idx.msk [tilespmem:v15+s31+$0x0], $0xffff  }
0xf8: {  	v23 =	vor.u32 s9, v11;
	v16 =	vld.idx.msk [tilespmem:v16+s30+$0x0], $0xffff  }
0xf9: {  	s10 =	simm.s32 $0x5;
	v25 =	vor.u32 s9, v10;
	v24 =	vld.idx.msk [tilespmem:v17+s31+$0x0], $0xffff  }
0xfa: {  	v26 =	vor.u32 s10, v11;
	v18 =	vld.idx.msk [tilespmem:v18+s30+$0x0], $0xffff  }
0xfb: {  	s11 =	simm.s32 $0x6;
	v28 =	vor.u32 s10, v10;
	v27 =	vld.idx.msk [tilespmem:v19+s31+$0x0], $0xffff;
	v13 =	vmul.f32 v20, v13  }
0xfc: {  	v20 =	vld.idx.msk [tilespmem:v22+s30+$0x0], $0xffff;
	v22 =	vor.u32 s11, v11  }
0xfd: {  	s12 =	simm.s32 $0x7;
	v30 =	vor.u32 s11, v10;
	v29 =	vld.idx.msk [tilespmem:v23+s31+$0x0], $0xffff;
	v16 =	vmul.f32 v21, v16;
	v13 =	vadd.f32 $0.0e+00, v13  }
0xfe: {  	v43 =	vld.idx.msk [tilespmem:v25+s30+$0x0], $0xffff;
	v25 =	vor.u32 s12, v11  }
0xff: {  	s14 =	simm.s32 $0x8;
	v32 =	vor.u32 s12, v10;
	v31 =	vld.idx.msk [tilespmem:v26+s31+$0x0], $0xffff;
	v18 =	vmul.f32 v24, v18;
	v13 =	vadd.f32 v16, v13  }
0x100: {  	v44 =	vor.u32 s14, v11;
	v16 =	vld.idx.msk [tilespmem:v28+s30+$0x0], $0xffff  }
0x101: {  	s15 =	simm.s32 $0x9;
	v33 =	vor.u32 s14, v10;
	v45 =	vld.idx.msk [tilespmem:v22+s31+$0x0], $0xffff;
	v20 =	vmul.f32 v27, v20;
	v13 =	vadd.f32 v18, v13  }
0x102: {  	v46 =	vor.u32 s15, v11;
	v18 =	vld.idx.msk [tilespmem:v30+s30+$0x0], $0xffff  }
0x103: {  	s16 =	simm.s32 $0xA;
	v34 =	vor.u32 s15, v10;
	v47 =	vld.idx.msk [tilespmem:v25+s31+$0x0], $0xffff;
	v21 =	vmul.f32 v29, v43;
	v13 =	vadd.f32 v20, v13  }
0x104: {  	v48 =	vor.u32 s16, v11;
	v20 =	vld.idx.msk [tilespmem:v32+s30+$0x0], $0xffff  }
0x105: {  	s17 =	simm.s32 $0xB;
	v35 =	vor.u32 s16, v10;
	v49 =	vld.idx.msk [tilespmem:v44+s31+$0x0], $0xffff;
	v16 =	vmul.f32 v31, v16;
	v13 =	vadd.f32 v21, v13  }
0x106: {  	v51 =	vor.u32 s17, v11;
	v50 =	vld.idx.msk [tilespmem:v33+s30+$0x0], $0xffff  }
0x107: {  	s22 =	simm.s32 $0xC;
	v36 =	vor.u32 s17, v10;
	v52 =	vld.idx.msk [tilespmem:v46+s31+$0x0], $0xffff;
	v18 =	vmul.f32 v45, v18;
	v13 =	vadd.f32 v16, v13  }
0x108: {  	v53 =	vor.u32 s22, v11;
	v16 =	vld.idx.msk [tilespmem:v34+s30+$0x0], $0xffff  }
0x109: {  	s24 =	simm.s32 $0xD;
	v37 =	vor.u32 s22, v10;
	v54 =	vld.idx.msk [tilespmem:v48+s31+$0x0], $0xffff;
	v20 =	vmul.f32 v47, v20;
	v13 =	vadd.f32 v18, v13  }
0x10a: {  	v55 =	vor.u32 s24, v11;
	v18 =	vld.idx.msk [tilespmem:v35+s30+$0x0], $0xffff  }
0x10b: {  	s25 =	simm.s32 $0xE;
	v38 =	vor.u32 s24, v10;
	v56 =	vld.idx.msk [tilespmem:v51+s31+$0x0], $0xffff;
	v21 =	vmul.f32 v49, v50;
	v13 =	vadd.f32 v20, v13  }
0x10c: {  	v57 =	vor.u32 s25, v11;
	v20 =	vld.idx.msk [tilespmem:v36+s30+$0x0], $0xffff  }
0x10d: {  	s26 =	simm.s32 $0xF;
	v39 =	vor.u32 s25, v10;
	v58 =	vld.idx.msk [tilespmem:v53+s31+$0x0], $0xffff;
	v16 =	vmul.f32 v52, v16;
	v21 =	vadd.f32 v21, v13  }
0x10e: {  	v59 =	vld.idx.msk [tilespmem:v37+s30+$0x0], $0xffff;
	v13 =	vor.u32 s26, v11  }
0x10f: {  	v40 =	vor.u32 s26, v10;
	v60 =	vld.idx.msk [tilespmem:v55+s31+$0x0], $0xffff;
	v18 =	vmul.f32 v54, v18;
	v16 =	vadd.f32 v16, v21  }
0x110: {  	v61 =	vld.idx.msk [tilespmem:v38+s30+$0x0], $0xffff  }
0x111: {  	v62 =	vld.idx.msk [tilespmem:v57+s31+$0x0], $0xffff;
	v20 =	vmul.f32 v56, v20;
	v16 =	vadd.f32 v18, v16  }
0x112: {  	v18 =	vld.idx.msk [tilespmem:v39+s30+$0x0], $0xffff  }
0x113: {  	v33 =	vmul.f32 v58, v59;
	v63 =	vld.idx.msk [tilespmem:v13+s31+$0x0], $0xffff;
	v16 =	vadd.f32 v20, v16  }
0x114: {  	v20 =	vld.idx.msk [tilespmem:v40+s30+$0x0], $0xffff  }
0x115: {  	v21 =	vmul.f32 v60, v61;
	v16 =	vadd.f32 v33, v16;
	_ =	sdelay $0x1  }
0x116: {  	v18 =	vmul.f32 v62, v18;
	v16 =	vadd.f32 v21, v16;
	_ =	sdelay $0x1  }
0x117: {  	v20 =	vmul.f32 v63, v20;
	v16 =	vadd.f32 v18, v16;
	_ =	sdelay $0x1  }
0x118: {  	v16 =	vadd.f32 v20, v16;
	_ =	sdelay $0x1  }
0x119: {  	v16 =	vmul.f32 $2.500000000e-01, v16;
	_ =	sdelay $0x1  }
0x11a: {  	v16 =	vmax.f32 v16, $-5.000000000e+00  }
0x11b: {  	v16 =	vmin.f32 v16, $5.000000000e+00  }
0x11c: {  	v16 =	vmul.f32 $1.442695020e+00, v16  }
0x11d: {  	v12 =	vor.u32 v6, v12  }
0x11e: {  	v18 =	vor.u32 s8, v12;
	(erf) = vpow2.f32 v16;
	_ =	sdelay $0x4  }
0x11f: {  	v16 =	vld.idx.msk [tilespmem:v18+s30+$0x0], $0xffff;
	_ =	sdelay $0x2  }
0x120: {  	v18 =	vor.u32 s4, v12  }
0x121: {  	v20 =	vpop (erf)  }
0x122: {  	v16 =	vmul.f32 v20, v16;
	_ =	sdelay $0x1  }
0x123: {  	[tilespmem:v14+s18+$0x0] =	vst.idx.msk $0xffff, v16  }
0x124: {  	v14 =	vld.idx.msk [tilespmem:v18+s30+$0x0], $0xffff;
	_ =	sdelay $0x2  }
0x125: {  	v16 =	vor.u32 s3, v12;
	_ =	sdelay $0x1  }
0x126: {  	v14 =	vmul.f32 v20, v14;
	_ =	sdelay $0x1  }
0x127: {  	[tilespmem:v15+s18+$0x0] =	vst.idx.msk $0xffff, v14  }
0x128: {  	v14 =	vld.idx.msk [tilespmem:v16+s30+$0x0], $0xffff;
	_ =	sdelay $0x2  }
0x129: {  	v15 =	vor.u32 s28, v12;
	_ =	sdelay $0x1  }
0x12a: {  	v14 =	vmul.f32 v20, v14;
	_ =	sdelay $0x1  }
0x12b: {  	[tilespmem:v17+s18+$0x0] =	vst.idx.msk $0xffff, v14  }
0x12c: {  	v14 =	vld.idx.msk [tilespmem:v15+s30+$0x0], $0xffff;
	_ =	sdelay $0x2  }
0x12d: {  	v15 =	vor.u32 s9, v12;
	_ =	sdelay $0x1  }
0x12e: {  	v14 =	vmul.f32 v20, v14;
	_ =	sdelay $0x1  }
0x12f: {  	[tilespmem:v19+s18+$0x0] =	vst.idx.msk $0xffff, v14  }
0x130: {  	v14 =	vld.idx.msk [tilespmem:v15+s30+$0x0], $0xffff;
	_ =	sdelay $0x2  }
0x131: {  	v15 =	vor.u32 s10, v12;
	_ =	sdelay $0x1  }
0x132: {  	v14 =	vmul.f32 v14, v20;
	_ =	sdelay $0x1  }
0x133: {  	[tilespmem:v23+s18+$0x0] =	vst.idx.msk $0xffff, v14  }
0x134: {  	v14 =	vld.idx.msk [tilespmem:v15+s30+$0x0], $0xffff;
	_ =	sdelay $0x2  }
0x135: {  	v15 =	vor.u32 s11, v12;
	_ =	sdelay $0x1  }
0x136: {  	v14 =	vmul.f32 v14, v20;
	_ =	sdelay $0x1  }
0x137: {  	[tilespmem:v26+s18+$0x0] =	vst.idx.msk $0xffff, v14  }
0x138: {  	v14 =	vld.idx.msk [tilespmem:v15+s30+$0x0], $0xffff;
	_ =	sdelay $0x2  }
0x139: {  	v15 =	vor.u32 s12, v12;
	_ =	sdelay $0x1  }
0x13a: {  	v14 =	vmul.f32 v14, v20;
	_ =	sdelay $0x1  }
0x13b: {  	[tilespmem:v22+s18+$0x0] =	vst.idx.msk $0xffff, v14  }
0x13c: {  	v14 =	vld.idx.msk [tilespmem:v15+s30+$0x0], $0xffff;
	_ =	sdelay $0x2  }
0x13d: {  	v15 =	vor.u32 s14, v12;
	_ =	sdelay $0x1  }
0x13e: {  	v14 =	vmul.f32 v14, v20;
	_ =	sdelay $0x1  }
0x13f: {  	[tilespmem:v25+s18+$0x0] =	vst.idx.msk $0xffff, v14  }
0x140: {  	v14 =	vld.idx.msk [tilespmem:v15+s30+$0x0], $0xffff;
	_ =	sdelay $0x2  }
0x141: {  	v15 =	vor.u32 s15, v12;
	_ =	sdelay $0x1  }
0x142: {  	v14 =	vmul.f32 v14, v20;
	_ =	sdelay $0x1  }
0x143: {  	[tilespmem:v44+s18+$0x0] =	vst.idx.msk $0xffff, v14  }
0x144: {  	v14 =	vld.idx.msk [tilespmem:v15+s30+$0x0], $0xffff;
	_ =	sdelay $0x2  }
0x145: {  	v15 =	vor.u32 s16, v12;
	_ =	sdelay $0x1  }
0x146: {  	v14 =	vmul.f32 v14, v20;
	_ =	sdelay $0x1  }
0x147: {  	[tilespmem:v46+s18+$0x0] =	vst.idx.msk $0xffff, v14  }
0x148: {  	v14 =	vld.idx.msk [tilespmem:v15+s30+$0x0], $0xffff;
	_ =	sdelay $0x2  }
0x149: {  	v15 =	vor.u32 s17, v12;
	_ =	sdelay $0x1  }
0x14a: {  	v14 =	vmul.f32 v14, v20;
	_ =	sdelay $0x1  }
0x14b: {  	[tilespmem:v48+s18+$0x0] =	vst.idx.msk $0xffff, v14  }
0x14c: {  	v14 =	vld.idx.msk [tilespmem:v15+s30+$0x0], $0xffff;
	_ =	sdelay $0x2  }
0x14d: {  	v15 =	vor.u32 s22, v12;
	_ =	sdelay $0x1  }
0x14e: {  	v14 =	vmul.f32 v14, v20;
	_ =	sdelay $0x1  }
0x14f: {  	[tilespmem:v51+s18+$0x0] =	vst.idx.msk $0xffff, v14  }
0x150: {  	v14 =	vld.idx.msk [tilespmem:v15+s30+$0x0], $0xffff;
	_ =	sdelay $0x2  }
0x151: {  	v15 =	vor.u32 s24, v12;
	_ =	sdelay $0x1  }
0x152: {  	v14 =	vmul.f32 v14, v20;
	_ =	sdelay $0x1  }
0x153: {  	[tilespmem:v53+s18+$0x0] =	vst.idx.msk $0xffff, v14  }
0x154: {  	v14 =	vld.idx.msk [tilespmem:v15+s30+$0x0], $0xffff;
	_ =	sdelay $0x2  }
0x155: {  	v15 =	vor.u32 s25, v12;
	_ =	sdelay $0x1  }
0x156: {  	v14 =	vmul.f32 v14, v20;
	_ =	sdelay $0x1  }
0x157: {  	[tilespmem:v55+s18+$0x0] =	vst.idx.msk $0xffff, v14  }
0x158: {  	v14 =	vld.idx.msk [tilespmem:v15+s30+$0x0], $0xffff;
	_ =	sdelay $0x2  }
0x159: {  	v15 =	vor.u32 s26, v12;
	_ =	sdelay $0x1  }
0x15a: {  	v14 =	vmul.f32 v14, v20;
	_ =	sdelay $0x1  }
0x15b: {  	[tilespmem:v57+s18+$0x0] =	vst.idx.msk $0xffff, v14  }
0x15c: {  	v19 =	vld.idx.msk [tilespmem:v15+s30+$0x0], $0xffff;
	_ =	sdelay $0x2  }
0x15d: {  	s28 =	simm.s32 $0x10;
	s9 =	simm.s32 $0x11  }
0x15e: {  	v18 =	vor.u32 s28, v10;
	v16 =	vor.u32 s28, v12;
	v14 =	vor.u32 s9, v11  }
0x15f: {  	p1 =	por p2, p2;
	s0 =	simm.s32 $0x1F;
	s3 =	simm.s32 $0x2F;
	v17 =	vor.u32 s9, v10;
	v15 =	vor.u32 s28, v11;
	v19 =	vmul.f32 v19, v20  }
.LBB2_6:
0x160: {  	p2 =	sne.s32 s3, $0x7F  }
0x161: {  	s28 =	sadd.s32 $0xFFFFFFF3, s0;
	s22 =	smov.u32 s3;
	s3 =	sadd.s32 $0x10, s3  }
0x162: {  	v30 =	vor.u32 s28, v11;
	[tilespmem:v13+s18+$0x0] =	vst.idx.msk $0xffff, v19  }
0x163: {  	s26 =	sadd.s32 $0xFFFFFFF4, s0;
	v19 =	vor.u32 s28, v10;
	v13 =	vld.idx.msk [tilespmem:v14+s31+$0x0], $0xffff  }
0x164: {  	v28 =	vor.u32 s26, v11;
	v18 =	vld.idx.msk [tilespmem:v18+s30+$0x0], $0xffff  }
0x165: {  	s8 =	sadd.s32 $0xFFFFFFF5, s0;
	v21 =	vor.u32 s26, v10;
	v20 =	vld.idx.msk [tilespmem:v15+s31+$0x0], $0xffff  }
0x166: {  	v27 =	vor.u32 s8, v11;
	v17 =	vld.idx.msk [tilespmem:v17+s30+$0x0], $0xffff  }
0x167: {  	s4 =	sadd.s32 $0xFFFFFFF6, s0;
	v23 =	vor.u32 s8, v10;
	v22 =	vld.idx.msk [tilespmem:v30+s31+$0x0], $0xffff  }
0x168: {  	v26 =	vor.u32 s4, v11;
	v19 =	vld.idx.msk [tilespmem:v19+s30+$0x0], $0xffff  }
0x169: {  	s24 =	sadd.s32 $0xFFFFFFF7, s0;
	v31 =	vor.u32 s4, v10;
	v29 =	vld.idx.msk [tilespmem:v28+s31+$0x0], $0xffff  }
0x16a: {  	v25 =	vor.u32 s24, v11;
	v21 =	vld.idx.msk [tilespmem:v21+s30+$0x0], $0xffff  }
0x16b: {  	s17 =	sadd.s32 $0xFFFFFFF8, s0;
	v32 =	vor.u32 s24, v10;
	v18 =	vmul.f32 v20, v18;
	v20 =	vld.idx.msk [tilespmem:v27+s31+$0x0], $0xffff  }
0x16c: {  	v24 =	vor.u32 s17, v11;
	v13 =	vmul.f32 v13, v17;
	v17 =	vld.idx.msk [tilespmem:v23+s30+$0x0], $0xffff  }
0x16d: {  	s25 =	sadd.s32 $0xFFFFFFF9, s0;
	v34 =	vor.u32 s17, v10;
	v18 =	vadd.f32 $0.0e+00, v18;
	v33 =	vld.idx.msk [tilespmem:v26+s31+$0x0], $0xffff  }
0x16e: {  	v23 =	vor.u32 s25, v11;
	v19 =	vmul.f32 v22, v19;
	v31 =	vld.idx.msk [tilespmem:v31+s30+$0x0], $0xffff  }
0x16f: {  	s16 =	sadd.s32 $0xFFFFFFFA, s0;
	v35 =	vor.u32 s25, v10;
	v13 =	vadd.f32 v13, v18;
	v18 =	vld.idx.msk [tilespmem:v25+s31+$0x0], $0xffff  }
0x170: {  	v22 =	vor.u32 s16, v11;
	v29 =	vmul.f32 v29, v21;
	v32 =	vld.idx.msk [tilespmem:v32+s30+$0x0], $0xffff  }
0x171: {  	s15 =	sadd.s32 $0xFFFFFFFB, s0;
	v13 =	vadd.f32 v19, v13;
	v19 =	vor.u32 s16, v10;
	v36 =	vld.idx.msk [tilespmem:v24+s31+$0x0], $0xffff  }
0x172: {  	v21 =	vor.u32 s15, v11;
	v17 =	vmul.f32 v20, v17;
	v34 =	vld.idx.msk [tilespmem:v34+s30+$0x0], $0xffff  }
0x173: {  	s14 =	sadd.s32 $0xFFFFFFFC, s0;
	v37 =	vor.u32 s15, v10;
	v13 =	vadd.f32 v29, v13;
	v29 =	vld.idx.msk [tilespmem:v23+s31+$0x0], $0xffff  }
0x174: {  	v20 =	vor.u32 s14, v11;
	v31 =	vmul.f32 v33, v31;
	v33 =	vld.idx.msk [tilespmem:v35+s30+$0x0], $0xffff  }
0x175: {  	s12 =	sadd.s32 $0xFFFFFFFD, s0;
	v13 =	vadd.f32 v17, v13;
	v17 =	vor.u32 s14, v10;
	v35 =	vld.idx.msk [tilespmem:v22+s31+$0x0], $0xffff  }
0x176: {  	v32 =	vmul.f32 v18, v32;
	v38 =	vld.idx.msk [tilespmem:v19+s30+$0x0], $0xffff;
	v19 =	vor.u32 s12, v11  }
0x177: {  	s11 =	sadd.s32 $0xFFFFFFFE, s0;
	v39 =	vor.u32 s12, v10;
	v13 =	vadd.f32 v31, v13;
	v31 =	vld.idx.msk [tilespmem:v21+s31+$0x0], $0xffff  }
0x178: {  	v18 =	vor.u32 s11, v11;
	v34 =	vmul.f32 v36, v34;
	v36 =	vld.idx.msk [tilespmem:v37+s30+$0x0], $0xffff  }
0x179: {  	s10 =	sadd.s32 $0xFFFFFFFF, s0;
	v13 =	vadd.f32 v32, v13;
	v37 =	vor.u32 s11, v10;
	v32 =	vld.idx.msk [tilespmem:v20+s31+$0x0], $0xffff  }
0x17a: {  	v29 =	vmul.f32 v29, v33;
	v33 =	vld.idx.msk [tilespmem:v17+s30+$0x0], $0xffff;
	v17 =	vor.u32 s10, v11  }
0x17b: {  	v41 =	vor.u32 s10, v10;
	v34 =	vadd.f32 v34, v13;
	v40 =	vld.idx.msk [tilespmem:v19+s31+$0x0], $0xffff  }
0x17c: {  	v13 =	vor.u32 s0, v11;
	v35 =	vmul.f32 v35, v38;
	v38 =	vld.idx.msk [tilespmem:v39+s30+$0x0], $0xffff  }
0x17d: {  	v29 =	vadd.f32 v29, v34;
	v39 =	vor.u32 s0, v10;
	v34 =	vld.idx.msk [tilespmem:v18+s31+$0x0], $0xffff  }
0x17e: {  	v31 =	vmul.f32 v31, v36;
	v36 =	vld.idx.msk [tilespmem:v37+s30+$0x0], $0xffff  }
0x17f: {  	v29 =	vadd.f32 v35, v29;
	v35 =	vld.idx.msk [tilespmem:v17+s31+$0x0], $0xffff  }
0x180: {  	v32 =	vmul.f32 v32, v33;
	v33 =	vld.idx.msk [tilespmem:v41+s30+$0x0], $0xffff  }
0x181: {  	v29 =	vadd.f32 v31, v29;
	v31 =	vld.idx.msk [tilespmem:v13+s31+$0x0], $0xffff  }
0x182: {  	v37 =	vmul.f32 v40, v38;
	v38 =	vld.idx.msk [tilespmem:v39+s30+$0x0], $0xffff  }
0x183: {  	v29 =	vadd.f32 v32, v29  }
0x184: {  	v32 =	vmul.f32 v34, v36  }
0x185: {  	v29 =	vadd.f32 v37, v29  }
0x186: {  	v33 =	vmul.f32 v35, v33  }
0x187: {  	v29 =	vadd.f32 v32, v29  }
0x188: {  	v31 =	vmul.f32 v31, v38  }
0x189: {  	v29 =	vadd.f32 v33, v29;
	_ =	sdelay $0x1  }
0x18a: {  	v29 =	vadd.f32 v31, v29;
	_ =	sdelay $0x1  }
0x18b: {  	v29 =	vmul.f32 $2.500000000e-01, v29;
	_ =	sdelay $0x1  }
0x18c: {  	v29 =	vmax.f32 v29, $-5.000000000e+00  }
0x18d: {  	v29 =	vmin.f32 v29, $5.000000000e+00  }
0x18e: {  	v29 =	vmul.f32 $1.442695020e+00, v29;
	_ =	sdelay $0x1  }
0x18f: {  	(erf) = vpow2.f32 v29;
	_ =	sdelay $0x2  }
0x190: {  	v16 =	vld.idx.msk [tilespmem:v16+s30+$0x0], $0xffff;
	_ =	sdelay $0x3  }
0x191: {  	v31 =	vor.u32 s9, v12;
	_ =	sdelay $0x1  }
0x192: {  	v29 =	vpop (erf)  }
0x193: {  	v16 =	vmul.f32 v29, v16;
	_ =	sdelay $0x1  }
0x194: {  	[tilespmem:v15+s18+$0x0] =	vst.idx.msk $0xffff, v16  }
0x195: {  	v15 =	vld.idx.msk [tilespmem:v31+s30+$0x0], $0xffff;
	_ =	sdelay $0x2  }
0x196: {  	v16 =	vor.u32 s28, v12;
	_ =	sdelay $0x2  }
0x197: {  	v15 =	vmul.f32 v29, v15;
	_ =	sdelay $0x1  }
0x198: {  	[tilespmem:v14+s18+$0x0] =	vst.idx.msk $0xffff, v15  }
0x199: {  	v14 =	vld.idx.msk [tilespmem:v16+s30+$0x0], $0xffff;
	_ =	sdelay $0x2  }
0x19a: {  	v15 =	vor.u32 s26, v12;
	_ =	sdelay $0x2  }
0x19b: {  	v14 =	vmul.f32 v29, v14;
	_ =	sdelay $0x1  }
0x19c: {  	[tilespmem:v30+s18+$0x0] =	vst.idx.msk $0xffff, v14  }
0x19d: {  	v14 =	vld.idx.msk [tilespmem:v15+s30+$0x0], $0xffff;
	_ =	sdelay $0x2  }
0x19e: {  	v15 =	vor.u32 s8, v12;
	_ =	sdelay $0x2  }
0x19f: {  	v14 =	vmul.f32 v29, v14;
	_ =	sdelay $0x1  }
0x1a0: {  	[tilespmem:v28+s18+$0x0] =	vst.idx.msk $0xffff, v14  }
0x1a1: {  	v14 =	vld.idx.msk [tilespmem:v15+s30+$0x0], $0xffff;
	_ =	sdelay $0x2  }
0x1a2: {  	v15 =	vor.u32 s4, v12;
	_ =	sdelay $0x2  }
0x1a3: {  	v14 =	vmul.f32 v14, v29;
	_ =	sdelay $0x1  }
0x1a4: {  	[tilespmem:v27+s18+$0x0] =	vst.idx.msk $0xffff, v14  }
0x1a5: {  	v14 =	vld.idx.msk [tilespmem:v15+s30+$0x0], $0xffff;
	_ =	sdelay $0x2  }
0x1a6: {  	v15 =	vor.u32 s24, v12;
	_ =	sdelay $0x2  }
0x1a7: {  	v14 =	vmul.f32 v14, v29;
	_ =	sdelay $0x1  }
0x1a8: {  	[tilespmem:v26+s18+$0x0] =	vst.idx.msk $0xffff, v14  }
0x1a9: {  	v14 =	vld.idx.msk [tilespmem:v15+s30+$0x0], $0xffff;
	_ =	sdelay $0x2  }
0x1aa: {  	v15 =	vor.u32 s17, v12;
	_ =	sdelay $0x2  }
0x1ab: {  	v14 =	vmul.f32 v14, v29;
	_ =	sdelay $0x1  }
0x1ac: {  	[tilespmem:v25+s18+$0x0] =	vst.idx.msk $0xffff, v14  }
0x1ad: {  	v14 =	vld.idx.msk [tilespmem:v15+s30+$0x0], $0xffff;
	_ =	sdelay $0x2  }
0x1ae: {  	v15 =	vor.u32 s25, v12;
	_ =	sdelay $0x2  }
0x1af: {  	v14 =	vmul.f32 v14, v29;
	_ =	sdelay $0x1  }
0x1b0: {  	[tilespmem:v24+s18+$0x0] =	vst.idx.msk $0xffff, v14  }
0x1b1: {  	v14 =	vld.idx.msk [tilespmem:v15+s30+$0x0], $0xffff;
	_ =	sdelay $0x2  }
0x1b2: {  	v15 =	vor.u32 s16, v12;
	_ =	sdelay $0x2  }
0x1b3: {  	v14 =	vmul.f32 v14, v29;
	_ =	sdelay $0x1  }
0x1b4: {  	[tilespmem:v23+s18+$0x0] =	vst.idx.msk $0xffff, v14  }
0x1b5: {  	v14 =	vld.idx.msk [tilespmem:v15+s30+$0x0], $0xffff;
	_ =	sdelay $0x2  }
0x1b6: {  	v15 =	vor.u32 s15, v12;
	_ =	sdelay $0x2  }
0x1b7: {  	v14 =	vmul.f32 v14, v29;
	_ =	sdelay $0x1  }
0x1b8: {  	[tilespmem:v22+s18+$0x0] =	vst.idx.msk $0xffff, v14  }
0x1b9: {  	v14 =	vld.idx.msk [tilespmem:v15+s30+$0x0], $0xffff;
	_ =	sdelay $0x2  }
0x1ba: {  	v15 =	vor.u32 s14, v12;
	_ =	sdelay $0x2  }
0x1bb: {  	v14 =	vmul.f32 v14, v29;
	_ =	sdelay $0x1  }
0x1bc: {  	[tilespmem:v21+s18+$0x0] =	vst.idx.msk $0xffff, v14  }
0x1bd: {  	v14 =	vld.idx.msk [tilespmem:v15+s30+$0x0], $0xffff;
	_ =	sdelay $0x2  }
0x1be: {  	v15 =	vor.u32 s12, v12;
	_ =	sdelay $0x2  }
0x1bf: {  	v14 =	vmul.f32 v14, v29;
	_ =	sdelay $0x1  }
0x1c0: {  	[tilespmem:v20+s18+$0x0] =	vst.idx.msk $0xffff, v14  }
0x1c1: {  	v14 =	vld.idx.msk [tilespmem:v15+s30+$0x0], $0xffff;
	_ =	sdelay $0x2  }
0x1c2: {  	v15 =	vor.u32 s11, v12;
	_ =	sdelay $0x2  }
0x1c3: {  	v14 =	vmul.f32 v14, v29;
	_ =	sdelay $0x1  }
0x1c4: {  	[tilespmem:v19+s18+$0x0] =	vst.idx.msk $0xffff, v14  }
0x1c5: {  	v14 =	vld.idx.msk [tilespmem:v15+s30+$0x0], $0xffff;
	_ =	sdelay $0x2  }
0x1c6: {  	v15 =	vor.u32 s10, v12;
	_ =	sdelay $0x2  }
0x1c7: {  	v14 =	vmul.f32 v14, v29;
	_ =	sdelay $0x1  }
0x1c8: {  	[tilespmem:v18+s18+$0x0] =	vst.idx.msk $0xffff, v14  }
0x1c9: {  	v14 =	vld.idx.msk [tilespmem:v15+s30+$0x0], $0xffff;
	_ =	sdelay $0x2  }
0x1ca: {  	v15 =	vor.u32 s0, v12;
	s0 =	smov.u32 s22;
	_ =	sdelay $0x2  }
0x1cb: {  	v14 =	vmul.f32 v14, v29;
	_ =	sdelay $0x1  }
0x1cc: {  	[tilespmem:v17+s18+$0x0] =	vst.idx.msk $0xffff, v14  }
0x1cd: {  	v19 =	vld.idx.msk [tilespmem:v15+s30+$0x0], $0xffff;
	_ =	sdelay $0x1  }
.Ltmp1:
0x1ce: {  	(pc) =	sbr.rel @p2 .LBB2_6-.Ltmp1, $4  }
0x1cf: {  	s9 =	sadd.s32 $0xFFFFFFF2, s0  }
0x1d0: {  	s4 =	sadd.s32 $0xFFFFFFF1, s0;
	v17 =	vor.u32 s9, v10;
	v14 =	vor.u32 s9, v11  }
0x1d1: {  	v18 =	vor.u32 s4, v10;
	v16 =	vor.u32 s4, v12;
	v15 =	vor.u32 s4, v11  }
0x1d2: {  	v19 =	vmul.f32 v19, v29  }
0x1d3: {  	_ =	sdelay $0x2  }
0x1d4: {  	s3 =	sadd.s32 $0xFFFFFFF3, s0  }
0x1d5: {  	v20 =	vor.u32 s3, v11;
	[tilespmem:v13+s18+$0x0] =	vst.idx.msk $0xffff, v19  }
0x1d6: {  	s4 =	sadd.s32 $0xFFFFFFF4, s0;
	v47 =	vor.u32 s3, v10;
	v18 =	vld.idx.msk [tilespmem:v18+s30+$0x0], $0xffff  }
0x1d7: {  	v19 =	vor.u32 s4, v11;
	v21 =	vld.idx.msk [tilespmem:v15+s31+$0x0], $0xffff  }
0x1d8: {  	s8 =	sadd.s32 $0xFFFFFFF5, s0;
	v23 =	vor.u32 s4, v10;
	v22 =	vld.idx.msk [tilespmem:v14+s31+$0x0], $0xffff  }
0x1d9: {  	v24 =	vor.u32 s8, v11;
	v17 =	vld.idx.msk [tilespmem:v17+s30+$0x0], $0xffff  }
0x1da: {  	s10 =	sadd.s32 $0xFFFFFFF6, s0;
	v26 =	vor.u32 s8, v10;
	v25 =	vld.idx.msk [tilespmem:v20+s31+$0x0], $0xffff  }
0x1db: {  	v27 =	vor.u32 s10, v11;
	v13 =	vld.idx.msk [tilespmem:v47+s30+$0x0], $0xffff  }
0x1dc: {  	s11 =	sadd.s32 $0xFFFFFFF7, s0;
	v29 =	vor.u32 s10, v10;
	v28 =	vld.idx.msk [tilespmem:v19+s31+$0x0], $0xffff;
	v18 =	vmul.f32 v21, v18  }
0x1dd: {  	v31 =	vor.u32 s11, v10;
	v48 =	vld.idx.msk [tilespmem:v23+s30+$0x0], $0xffff  }
0x1de: {  	s12 =	sadd.s32 $0xFFFFFFF8, s0;
	v23 =	vor.u32 s11, v11;
	v30 =	vld.idx.msk [tilespmem:v24+s31+$0x0], $0xffff;
	v17 =	vmul.f32 v22, v17;
	v18 =	vadd.f32 $0.0e+00, v18  }
0x1df: {  	v33 =	vor.u32 s12, v10;
	v49 =	vld.idx.msk [tilespmem:v26+s30+$0x0], $0xffff  }
0x1e0: {  	s14 =	sadd.s32 $0xFFFFFFF9, s0;
	v26 =	vor.u32 s12, v11;
	v32 =	vld.idx.msk [tilespmem:v27+s31+$0x0], $0xffff;
	v13 =	vmul.f32 v25, v13;
	v17 =	vadd.f32 v17, v18  }
0x1e1: {  	v34 =	vor.u32 s14, v10;
	v50 =	vld.idx.msk [tilespmem:v29+s30+$0x0], $0xffff  }
0x1e2: {  	s15 =	sadd.s32 $0xFFFFFFFA, s0;
	v52 =	vld.idx.msk [tilespmem:v31+s30+$0x0], $0xffff;
	v25 =	vor.u32 s14, v11;
	v21 =	vmul.f32 v28, v48;
	v13 =	vadd.f32 v13, v17  }
0x1e3: {  	v35 =	vor.u32 s15, v10;
	v51 =	vld.idx.msk [tilespmem:v23+s31+$0x0], $0xffff  }
0x1e4: {  	s16 =	sadd.s32 $0xFFFFFFFB, s0;
	v54 =	vld.idx.msk [tilespmem:v33+s30+$0x0], $0xffff;
	v28 =	vor.u32 s15, v11;
	v22 =	vmul.f32 v30, v49;
	v13 =	vadd.f32 v21, v13  }
0x1e5: {  	v36 =	vor.u32 s16, v10;
	v53 =	vld.idx.msk [tilespmem:v26+s31+$0x0], $0xffff  }
0x1e6: {  	s17 =	sadd.s32 $0xFFFFFFFC, s0;
	v56 =	vld.idx.msk [tilespmem:v34+s30+$0x0], $0xffff;
	v30 =	vor.u32 s16, v11;
	v18 =	vmul.f32 v32, v50;
	v13 =	vadd.f32 v22, v13  }
0x1e7: {  	v37 =	vor.u32 s17, v10;
	v55 =	vld.idx.msk [tilespmem:v25+s31+$0x0], $0xffff  }
0x1e8: {  	s22 =	sadd.s32 $0xFFFFFFFD, s0;
	v58 =	vld.idx.msk [tilespmem:v35+s30+$0x0], $0xffff;
	v32 =	vor.u32 s17, v11;
	v17 =	vmul.f32 v51, v52;
	v13 =	vadd.f32 v18, v13  }
0x1e9: {  	v38 =	vor.u32 s22, v10;
	v57 =	vld.idx.msk [tilespmem:v28+s31+$0x0], $0xffff  }
0x1ea: {  	s24 =	sadd.s32 $0xFFFFFFFE, s0;
	v29 =	vor.u32 s22, v11;
	v60 =	vld.idx.msk [tilespmem:v36+s30+$0x0], $0xffff;
	v21 =	vmul.f32 v53, v54;
	v13 =	vadd.f32 v17, v13  }
0x1eb: {  	v39 =	vor.u32 s24, v10;
	v59 =	vld.idx.msk [tilespmem:v30+s31+$0x0], $0xffff  }
0x1ec: {  	s25 =	sadd.s32 $0xFFFFFFFF, s0;
	v31 =	vor.u32 s24, v11;
	v62 =	vld.idx.msk [tilespmem:v37+s30+$0x0], $0xffff;
	v22 =	vmul.f32 v55, v56;
	v13 =	vadd.f32 v21, v13  }
0x1ed: {  	v40 =	vor.u32 s25, v10;
	v61 =	vld.idx.msk [tilespmem:v32+s31+$0x0], $0xffff  }
0x1ee: {  	v33 =	vor.u32 s25, v11;
	v42 =	vld.idx.msk [tilespmem:v38+s30+$0x0], $0xffff;
	v18 =	vmul.f32 v57, v58;
	v13 =	vadd.f32 v22, v13  }
0x1ef: {  	v10 =	vor.u32 s0, v10;
	v63 =	vld.idx.msk [tilespmem:v29+s31+$0x0], $0xffff  }
0x1f0: {  	v44 =	vld.idx.msk [tilespmem:v39+s30+$0x0], $0xffff;
	v11 =	vor.u32 s0, v11;
	v17 =	vmul.f32 v59, v60;
	v13 =	vadd.f32 v18, v13  }
0x1f1: {  	v43 =	vld.idx.msk [tilespmem:v31+s31+$0x0], $0xffff  }
0x1f2: {  	v46 =	vld.idx.msk [tilespmem:v40+s30+$0x0], $0xffff;
	v21 =	vmul.f32 v61, v62;
	v13 =	vadd.f32 v17, v13  }
0x1f3: {  	v45 =	vld.idx.msk [tilespmem:v33+s31+$0x0], $0xffff  }
0x1f4: {  	v10 =	vld.idx.msk [tilespmem:v10+s30+$0x0], $0xffff;
	v22 =	vmul.f32 v63, v42;
	v13 =	vadd.f32 v21, v13  }
0x1f5: {  	v47 =	vld.idx.msk [tilespmem:v11+s31+$0x0], $0xffff  }
0x1f6: {  	v18 =	vmul.f32 v43, v44;
	v13 =	vadd.f32 v22, v13;
	_ =	sdelay $0x1  }
0x1f7: {  	v17 =	vmul.f32 v45, v46;
	v13 =	vadd.f32 v18, v13;
	_ =	sdelay $0x1  }
0x1f8: {  	v10 =	vmul.f32 v47, v10;
	v13 =	vadd.f32 v17, v13;
	_ =	sdelay $0x1  }
0x1f9: {  	v10 =	vadd.f32 v10, v13;
	_ =	sdelay $0x1  }
0x1fa: {  	v10 =	vmul.f32 $2.500000000e-01, v10;
	_ =	sdelay $0x1  }
0x1fb: {  	v10 =	vmax.f32 v10, $-5.000000000e+00  }
0x1fc: {  	v10 =	vmin.f32 v10, $5.000000000e+00  }
0x1fd: {  	v10 =	vmul.f32 $1.442695020e+00, v10;
	_ =	sdelay $0x1  }
0x1fe: {  	(erf) = vpow2.f32 v10;
	_ =	sdelay $0x4  }
0x1ff: {  	v10 =	vld.idx.msk [tilespmem:v16+s30+$0x0], $0xffff;
	_ =	sdelay $0x2  }
0x200: {  	v48 =	vor.u32 s9, v12  }
0x201: {  	v49 =	vpop (erf)  }
0x202: {  	v10 =	vmul.f32 v49, v10;
	_ =	sdelay $0x1  }
0x203: {  	[tilespmem:v15+s18+$0x0] =	vst.idx.msk $0xffff, v10  }
0x204: {  	v10 =	vld.idx.msk [tilespmem:v48+s30+$0x0], $0xffff;
	_ =	sdelay $0x2  }
0x205: {  	v50 =	vor.u32 s3, v12;
	_ =	sdelay $0x1  }
0x206: {  	v10 =	vmul.f32 v49, v10;
	_ =	sdelay $0x1  }
0x207: {  	[tilespmem:v14+s18+$0x0] =	vst.idx.msk $0xffff, v10  }
0x208: {  	v10 =	vld.idx.msk [tilespmem:v50+s30+$0x0], $0xffff;
	_ =	sdelay $0x2  }
0x209: {  	v51 =	vor.u32 s4, v12;
	_ =	sdelay $0x1  }
0x20a: {  	v10 =	vmul.f32 v49, v10;
	_ =	sdelay $0x1  }
0x20b: {  	[tilespmem:v20+s18+$0x0] =	vst.idx.msk $0xffff, v10  }
0x20c: {  	v10 =	vld.idx.msk [tilespmem:v51+s30+$0x0], $0xffff;
	_ =	sdelay $0x2  }
0x20d: {  	v52 =	vor.u32 s8, v12;
	_ =	sdelay $0x1  }
0x20e: {  	v10 =	vmul.f32 v49, v10;
	_ =	sdelay $0x1  }
0x20f: {  	[tilespmem:v19+s18+$0x0] =	vst.idx.msk $0xffff, v10  }
0x210: {  	v10 =	vld.idx.msk [tilespmem:v52+s30+$0x0], $0xffff;
	_ =	sdelay $0x2  }
0x211: {  	v53 =	vor.u32 s10, v12;
	_ =	sdelay $0x1  }
0x212: {  	v10 =	vmul.f32 v10, v49;
	_ =	sdelay $0x1  }
0x213: {  	[tilespmem:v24+s18+$0x0] =	vst.idx.msk $0xffff, v10  }
0x214: {  	v10 =	vld.idx.msk [tilespmem:v53+s30+$0x0], $0xffff;
	_ =	sdelay $0x2  }
0x215: {  	v54 =	vor.u32 s11, v12;
	_ =	sdelay $0x1  }
0x216: {  	v10 =	vmul.f32 v10, v49;
	_ =	sdelay $0x1  }
0x217: {  	[tilespmem:v27+s18+$0x0] =	vst.idx.msk $0xffff, v10  }
0x218: {  	v10 =	vld.idx.msk [tilespmem:v54+s30+$0x0], $0xffff;
	_ =	sdelay $0x2  }
0x219: {  	v55 =	vor.u32 s12, v12;
	_ =	sdelay $0x1  }
0x21a: {  	v10 =	vmul.f32 v10, v49;
	_ =	sdelay $0x1  }
0x21b: {  	[tilespmem:v23+s18+$0x0] =	vst.idx.msk $0xffff, v10  }
0x21c: {  	v10 =	vld.idx.msk [tilespmem:v55+s30+$0x0], $0xffff;
	_ =	sdelay $0x2  }
0x21d: {  	v56 =	vor.u32 s14, v12;
	_ =	sdelay $0x1  }
0x21e: {  	v10 =	vmul.f32 v10, v49;
	_ =	sdelay $0x1  }
0x21f: {  	[tilespmem:v26+s18+$0x0] =	vst.idx.msk $0xffff, v10  }
0x220: {  	v10 =	vld.idx.msk [tilespmem:v56+s30+$0x0], $0xffff;
	_ =	sdelay $0x2  }
0x221: {  	v57 =	vor.u32 s15, v12;
	_ =	sdelay $0x1  }
0x222: {  	v10 =	vmul.f32 v10, v49;
	_ =	sdelay $0x1  }
0x223: {  	[tilespmem:v25+s18+$0x0] =	vst.idx.msk $0xffff, v10  }
0x224: {  	v10 =	vld.idx.msk [tilespmem:v57+s30+$0x0], $0xffff;
	_ =	sdelay $0x2  }
0x225: {  	v58 =	vor.u32 s16, v12;
	_ =	sdelay $0x1  }
0x226: {  	v10 =	vmul.f32 v10, v49;
	_ =	sdelay $0x1  }
0x227: {  	[tilespmem:v28+s18+$0x0] =	vst.idx.msk $0xffff, v10  }
0x228: {  	v10 =	vld.idx.msk [tilespmem:v58+s30+$0x0], $0xffff;
	_ =	sdelay $0x2  }
0x229: {  	v59 =	vor.u32 s17, v12;
	_ =	sdelay $0x1  }
0x22a: {  	v10 =	vmul.f32 v10, v49;
	_ =	sdelay $0x1  }
0x22b: {  	[tilespmem:v30+s18+$0x0] =	vst.idx.msk $0xffff, v10  }
0x22c: {  	v10 =	vld.idx.msk [tilespmem:v59+s30+$0x0], $0xffff;
	_ =	sdelay $0x2  }
0x22d: {  	v60 =	vor.u32 s22, v12;
	_ =	sdelay $0x1  }
0x22e: {  	v10 =	vmul.f32 v10, v49;
	_ =	sdelay $0x1  }
0x22f: {  	[tilespmem:v32+s18+$0x0] =	vst.idx.msk $0xffff, v10  }
0x230: {  	v10 =	vld.idx.msk [tilespmem:v60+s30+$0x0], $0xffff;
	_ =	sdelay $0x2  }
0x231: {  	v61 =	vor.u32 s24, v12;
	_ =	sdelay $0x1  }
0x232: {  	v10 =	vmul.f32 v10, v49;
	_ =	sdelay $0x1  }
0x233: {  	[tilespmem:v29+s18+$0x0] =	vst.idx.msk $0xffff, v10  }
0x234: {  	v10 =	vld.idx.msk [tilespmem:v61+s30+$0x0], $0xffff;
	_ =	sdelay $0x2  }
0x235: {  	v62 =	vor.u32 s25, v12;
	_ =	sdelay $0x1  }
0x236: {  	v10 =	vmul.f32 v10, v49;
	_ =	sdelay $0x1  }
0x237: {  	[tilespmem:v31+s18+$0x0] =	vst.idx.msk $0xffff, v10  }
0x238: {  	v10 =	vld.idx.msk [tilespmem:v62+s30+$0x0], $0xffff;
	_ =	sdelay $0x2  }
0x239: {  	v63 =	vor.u32 s0, v12;
	_ =	sdelay $0x1  }
0x23a: {  	v10 =	vmul.f32 v10, v49;
	_ =	sdelay $0x1  }
0x23b: {  	[tilespmem:v33+s18+$0x0] =	vst.idx.msk $0xffff, v10  }
0x23c: {  	v10 =	vld.idx.msk [tilespmem:v63+s30+$0x0], $0xffff;
	_ =	sdelay $0x2  }
.Ltmp2:
0x23d: {  	_ = 	snop;
	(pc) =	sbr.rel @p1 .LBB2_5-.Ltmp2, $3  }
0x23e: {  	_ = 	snop  }
0x23f: {  	v10 =	vmul.f32 v10, v49;
	_ =	sdelay $0x1  }
0x240: {  	p2 =	por $0x0, $0x0;
	s0 =	simm.s32 $0x10;
	[tilespmem:v11+s18+$0x0] =	vst.idx.msk $0xffff, v10  }
0x241: {  	p1 =	sne.s32 s20, $0x0  }
0x242: {  	s0 =	simm.s32 @!p1 $0x20;
	s3 =	simm.s32 @!p1 $0x100;
	s4 =	simm.s32 @!p1 $0x6280  }
0x243: {  	[spmem:s2] =	stream.indirect.scatter.add.f32 @!p1 [tilespmem:s4], [sflag:$0x5], $0x80, s3, s0, $0xb8;
	[tilespmem:$0x1B280] =	vst v63  }
0x244: {  	s0 =	simm.s32 @!p1 $0x5  }
0x245: {  	_ =	swait.ge @!p1 [sflag:s0], $0x1000  }
0x246: {  	s3 =	simm.s32 @p0 $0x180;
	s4 =	simm.s32 @p0 $0x6280;
	[sflag:s0] =	ssyncset.done @!p1 $0x0  }
0x247: {  	[sflag:s0] =	ssyncadd.s32 @!p1 $0xFFFFF000;
	s0 =	simm.s32 @p0 $0x20;
	p1 =	sgt.u32 s29, $0x135  }
0x248: {  	[spmem:s2] =	stream.indirect.scatter.add.f32 @p0 [tilespmem:s4], [sflag:$0x5], $0x80, s3, s0, $0xb8;
	[tilespmem:$0x1B280] =	vst v63  }
0x249: {  	p2 =	sne.s32 @!p1 s20, $0x0  }
0x24a: {  	p2 =	por p2, p1  }
0x24b: {  	s0 =	simm.s32 @p0 $0x5;
	s3 =	sshll.u32 @!p2 s29, $0x5  }
0x24c: {  	_ =	swait.ge @p0 [sflag:s0], $0x1000;
	s3 =	sadd.s32 @!p2 s3, s13  }
0x24d: {  	p6 =	por !p0, !p0;
	[sflag:s0] =	ssyncset.done @p0 $0x0;
	s3 =	sshrl.u32 @!p2 s3, $0x3  }
0x24e: {  	s4 =	simm.s32 @!p2 $0x0;
	[sflag:s0] =	ssyncadd.s32 @p0 $0xFFFFF000;
	s0 =	sadd.s32 @!p2 s6, s3  }
0x24f: {  	[tilespmem:s4], [sflag:$0x1] =	stream.linear.gather @!p2 [hbm4b:s0+s4], $0x20, $0x38;
	[tilespmem:$0x1B280] =	vst v63  }
0x250: {  	p0 =	por p1, p6;
	s0 =	sadd.s32 @!p2 s7, s3;
	s3 =	simm.s32 @!p2 $0x100  }
0x251: {  	[tilespmem:s3], [sflag:$0x1] =	stream.linear.gather @!p2 [hbm4b:s0+s4], $0x20, $0x38;
	[tilespmem:$0x1B280] =	vst v63  }
0x252: {  	s0 =	sshll.u32 @!p0 s29, $0x5  }
0x253: {  	s0 =	sadd.s32 @!p0 s0, s13  }
0x254: {  	s0 =	sshrl.u32 @!p0 s0, $0x3  }
0x255: {  	s8 =	simm.s32 @!p0 $0x80;
	s4 =	simm.s32 @!p0 $0x0;
	s3 =	sadd.s32 @!p0 s6, s0  }
0x256: {  	[tilespmem:s8], [sflag:$0x2] =	stream.linear.gather @!p0 [hbm4b:s3+s4], $0x20, $0x38;
	[tilespmem:$0x1B280] =	vst v63  }
0x257: {  	s29 =	sadd.s32 $0x1, s29;
	s0 =	sadd.s32 @!p0 s7, s0;
	s3 =	simm.s32 @!p0 $0x180  }
0x258: {  	[tilespmem:s3], [sflag:$0x2] =	stream.linear.gather @!p0 [hbm4b:s0+s4], $0x20, $0x38;
	[tilespmem:$0x1B280] =	vst v63  }
0x259: {  	p0 =	sne.s32 s29, $0x138  }
.Ltmp3:
0x25a: {  	_ = 	snop;
	(pc) =	sbr.rel @p0 .LBB2_4-.Ltmp3, $1  }
0x25b: {  	_ =	sdelay $0x3  }
0x25c: {  	s0 =	simm.s32 $0x0;
	s3 =	rddreg [dreg:$0xe]  }
0x25d: {  	[tilespmem:s0], [sflag:$0x5] =	stream.linear.gather [hbm4b:s3+s0], $0x10, $0x38;
	[tilespmem:$0x1B280] =	vst v63  }
0x25e: {  	_ =	swait.ge [sflag:s19], $0x10  }
0x25f: {  	[sflag:s19] =	ssyncset.done $0x0  }
0x260: {  	s29 =	simm.s32 $0x200;
	s31 =	rddreg [dreg:$0xf];
	[sflag:s19] =	ssyncadd.s32 $0xFFFFFFF0  }
0x261: {  	[tilespmem:s29], [sflag:$0x5] =	stream.linear.gather [hbm4b:s31+s0], $0x10, $0x38;
	[tilespmem:$0x1B280] =	vst v63  }
0x262: {  	_ =	swait.ge [sflag:s19], $0x10  }
0x263: {  	[sflag:s19] =	ssyncset.done $0x0  }
0x264: {  	[sflag:s19] =	ssyncadd.s32 $0xFFFFFFF0  }
0x265: {  	v10 =	vld [tilespmem:$0x0];
	_ =	sdelay $0x4  }
0x266: {  	v11 =	vshll.u32 v10, $0x1  }
0x267: {  	v10 =	vand.u32 $0x7, v10;
	v11 =	vand.u32 $0xFFFFFFF0, v11  }
0x268: {  	v10 =	vor.u32 v10, v11  }
0x269: {  	v11 =	vperm.xlane v10, v1;
	_ =	sdelay $0x1  }
0x26a: {  	v10 =	vperm.xlane v10, v5;
	v11 =	vadd.s32 v4, v11;
	_ =	sdelay $0x1  }
0x26b: {  	v10 =	vadd.s32 v4, v10;
	_ =	sdelay $0x2  }
0x26c: {  	[tilespmem:s21], [sflag:$0x3] =	stream.indirect_vreg.gather [hbm4b:s5+s0], $0x80, v11, vm0, $0xb8;
	[tilespmem:$0x1B280] =	vst v63  }
0x26d: {  	s28 =	simm.s32 $0xA80  }
0x26e: {  	[tilespmem:s28], [sflag:$0x3] =	stream.indirect_vreg.gather [hbm4b:s5+s0], $0x80, v10, vm0, $0xb8;
	[tilespmem:$0x1B280] =	vst v63  }
0x26f: {  	s30 =	simm.s32 $0x10;
	s8 =	simm.s32 $0x3  }
0x270: {  	[tilespmem:s23], [sflag:$0x3] =	stream.indirect.gather [hbm4b:s1+s30], $0x80, s29, s30, $0xb8;
	[tilespmem:$0x1B280] =	vst v63  }
0x271: {  	s3 =	simm.s32 $0x0;
	_ =	swait.ge [sflag:s8], $0x1000  }
0x272: {  	v10 =	vor.u32 s3, v7;
	[sflag:s8] =	ssyncset.done $0x0  }
0x273: {  	s31 =	simm.s32 $0x1;
	v11 =	vor.u32 s3, v8;
	[sflag:s8] =	ssyncadd.s32 $0xFFFFF000  }
0x274: {  	v12 =	vor.u32 s31, v8;
	_ =	swait.ge [sflag:s8], $0x800  }
0x275: {  	s4 =	simm.s32 $0x2;
	v13 =	vor.u32 s31, v7;
	[sflag:s8] =	ssyncset.done $0x0  }
0x276: {  	v14 =	vor.u32 s4, v8;
	[sflag:s8] =	ssyncadd.s32 $0xFFFFF800  }
0x277: {  	s26 =	simm.s32 $0x3;
	v15 =	vor.u32 s4, v7;
	v10 =	vld.idx.msk [tilespmem:v10+s21+$0x0], $0xffff  }
0x278: {  	v16 =	vor.u32 s26, v8;
	v17 =	vld.idx.msk [tilespmem:v11+s23+$0x0], $0xffff  }
0x279: {  	s9 =	simm.s32 $0x4;
	v19 =	vor.u32 s26, v7;
	v18 =	vld.idx.msk [tilespmem:v12+s23+$0x0], $0xffff  }
0x27a: {  	v20 =	vor.u32 s9, v8;
	v13 =	vld.idx.msk [tilespmem:v13+s21+$0x0], $0xffff  }
0x27b: {  	s10 =	simm.s32 $0x5;
	v22 =	vor.u32 s9, v7;
	v21 =	vld.idx.msk [tilespmem:v14+s23+$0x0], $0xffff  }
0x27c: {  	v23 =	vor.u32 s10, v8;
	v15 =	vld.idx.msk [tilespmem:v15+s21+$0x0], $0xffff  }
0x27d: {  	s11 =	simm.s32 $0x6;
	v25 =	vor.u32 s10, v7;
	v24 =	vld.idx.msk [tilespmem:v16+s23+$0x0], $0xffff;
	v10 =	vmul.f32 v17, v10  }
0x27e: {  	v17 =	vld.idx.msk [tilespmem:v19+s21+$0x0], $0xffff;
	v19 =	vor.u32 s11, v8  }
0x27f: {  	s12 =	simm.s32 $0x7;
	v27 =	vor.u32 s11, v7;
	v26 =	vld.idx.msk [tilespmem:v20+s23+$0x0], $0xffff;
	v13 =	vmul.f32 v18, v13;
	v10 =	vadd.f32 $0.0e+00, v10  }
0x280: {  	v45 =	vor.u32 s12, v8;
	v18 =	vld.idx.msk [tilespmem:v22+s21+$0x0], $0xffff  }
0x281: {  	s14 =	simm.s32 $0x8;
	v29 =	vor.u32 s12, v7;
	v28 =	vld.idx.msk [tilespmem:v23+s23+$0x0], $0xffff;
	v15 =	vmul.f32 v21, v15;
	v10 =	vadd.f32 v13, v10  }
0x282: {  	v46 =	vor.u32 s14, v8;
	v13 =	vld.idx.msk [tilespmem:v25+s21+$0x0], $0xffff  }
0x283: {  	s15 =	simm.s32 $0x9;
	v30 =	vor.u32 s14, v7;
	v47 =	vld.idx.msk [tilespmem:v19+s23+$0x0], $0xffff;
	v17 =	vmul.f32 v24, v17;
	v10 =	vadd.f32 v15, v10  }
0x284: {  	v48 =	vor.u32 s15, v8;
	v15 =	vld.idx.msk [tilespmem:v27+s21+$0x0], $0xffff  }
0x285: {  	s16 =	simm.s32 $0xA;
	v31 =	vor.u32 s15, v7;
	v49 =	vld.idx.msk [tilespmem:v45+s23+$0x0], $0xffff;
	v18 =	vmul.f32 v26, v18;
	v10 =	vadd.f32 v17, v10  }
0x286: {  	v50 =	vor.u32 s16, v8;
	v17 =	vld.idx.msk [tilespmem:v29+s21+$0x0], $0xffff  }
0x287: {  	s17 =	simm.s32 $0xB;
	v32 =	vor.u32 s16, v7;
	v51 =	vld.idx.msk [tilespmem:v46+s23+$0x0], $0xffff;
	v13 =	vmul.f32 v28, v13;
	v10 =	vadd.f32 v18, v10  }
0x288: {  	v52 =	vor.u32 s17, v8;
	v18 =	vld.idx.msk [tilespmem:v30+s21+$0x0], $0xffff  }
0x289: {  	s20 =	simm.s32 $0xC;
	v33 =	vor.u32 s17, v7;
	v53 =	vld.idx.msk [tilespmem:v48+s23+$0x0], $0xffff;
	v15 =	vmul.f32 v47, v15;
	v10 =	vadd.f32 v13, v10  }
0x28a: {  	v54 =	vor.u32 s20, v8;
	v13 =	vld.idx.msk [tilespmem:v31+s21+$0x0], $0xffff  }
0x28b: {  	s22 =	simm.s32 $0xD;
	v34 =	vor.u32 s20, v7;
	v55 =	vld.idx.msk [tilespmem:v50+s23+$0x0], $0xffff;
	v17 =	vmul.f32 v49, v17;
	v10 =	vadd.f32 v15, v10  }
0x28c: {  	v56 =	vor.u32 s22, v8;
	v15 =	vld.idx.msk [tilespmem:v32+s21+$0x0], $0xffff  }
0x28d: {  	s24 =	simm.s32 $0xE;
	v35 =	vor.u32 s22, v7;
	v57 =	vld.idx.msk [tilespmem:v52+s23+$0x0], $0xffff;
	v18 =	vmul.f32 v51, v18;
	v10 =	vadd.f32 v17, v10  }
0x28e: {  	v58 =	vor.u32 s24, v8;
	v17 =	vld.idx.msk [tilespmem:v33+s21+$0x0], $0xffff  }
0x28f: {  	s25 =	simm.s32 $0xF;
	v36 =	vor.u32 s24, v7;
	v59 =	vld.idx.msk [tilespmem:v54+s23+$0x0], $0xffff;
	v13 =	vmul.f32 v53, v13;
	v18 =	vadd.f32 v18, v10  }
0x290: {  	v60 =	vld.idx.msk [tilespmem:v34+s21+$0x0], $0xffff;
	v10 =	vor.u32 s25, v8  }
0x291: {  	v37 =	vor.u32 s25, v7;
	v61 =	vld.idx.msk [tilespmem:v56+s23+$0x0], $0xffff;
	v15 =	vmul.f32 v55, v15;
	v13 =	vadd.f32 v13, v18  }
0x292: {  	v18 =	vld.idx.msk [tilespmem:v35+s21+$0x0], $0xffff  }
0x293: {  	v62 =	vld.idx.msk [tilespmem:v58+s23+$0x0], $0xffff;
	v17 =	vmul.f32 v57, v17;
	v13 =	vadd.f32 v15, v13  }
0x294: {  	v15 =	vld.idx.msk [tilespmem:v36+s21+$0x0], $0xffff  }
0x295: {  	v30 =	vmul.f32 v59, v60;
	v63 =	vld.idx.msk [tilespmem:v10+s23+$0x0], $0xffff;
	v13 =	vadd.f32 v17, v13  }
0x296: {  	v17 =	vld.idx.msk [tilespmem:v37+s21+$0x0], $0xffff  }
0x297: {  	v18 =	vmul.f32 v61, v18;
	v13 =	vadd.f32 v30, v13;
	_ =	sdelay $0x1  }
0x298: {  	v15 =	vmul.f32 v62, v15;
	v13 =	vadd.f32 v18, v13;
	_ =	sdelay $0x1  }
0x299: {  	v17 =	vmul.f32 v63, v17;
	v13 =	vadd.f32 v15, v13;
	_ =	sdelay $0x1  }
0x29a: {  	v13 =	vadd.f32 v17, v13;
	_ =	sdelay $0x1  }
0x29b: {  	v13 =	vmul.f32 $2.500000000e-01, v13;
	_ =	sdelay $0x1  }
0x29c: {  	v13 =	vmax.f32 v13, $-5.000000000e+00  }
0x29d: {  	v13 =	vmin.f32 v13, $5.000000000e+00  }
0x29e: {  	v13 =	vmul.f32 $1.442695020e+00, v13;
	_ =	sdelay $0x1  }
0x29f: {  	v15 =	vor.u32 s3, v9;
	(erf) = vpow2.f32 v13;
	_ =	sdelay $0x4  }
0x2a0: {  	v13 =	vld.idx.msk [tilespmem:v15+s21+$0x0], $0xffff;
	_ =	sdelay $0x2  }
0x2a1: {  	v15 =	vor.u32 s31, v9  }
0x2a2: {  	v17 =	vpop (erf)  }
0x2a3: {  	v13 =	vmul.f32 v17, v13;
	_ =	sdelay $0x1  }
0x2a4: {  	[tilespmem:v11+s18+$0x0] =	vst.idx.msk $0xffff, v13  }
0x2a5: {  	v11 =	vld.idx.msk [tilespmem:v15+s21+$0x0], $0xffff;
	_ =	sdelay $0x2  }
0x2a6: {  	v13 =	vor.u32 s4, v9;
	_ =	sdelay $0x1  }
0x2a7: {  	v11 =	vmul.f32 v17, v11;
	_ =	sdelay $0x1  }
0x2a8: {  	[tilespmem:v12+s18+$0x0] =	vst.idx.msk $0xffff, v11  }
0x2a9: {  	v11 =	vld.idx.msk [tilespmem:v13+s21+$0x0], $0xffff;
	_ =	sdelay $0x2  }
0x2aa: {  	v12 =	vor.u32 s26, v9;
	_ =	sdelay $0x1  }
0x2ab: {  	v11 =	vmul.f32 v17, v11;
	_ =	sdelay $0x1  }
0x2ac: {  	[tilespmem:v14+s18+$0x0] =	vst.idx.msk $0xffff, v11  }
0x2ad: {  	v11 =	vld.idx.msk [tilespmem:v12+s21+$0x0], $0xffff;
	_ =	sdelay $0x2  }
0x2ae: {  	v12 =	vor.u32 s9, v9;
	_ =	sdelay $0x1  }
0x2af: {  	v11 =	vmul.f32 v17, v11;
	_ =	sdelay $0x1  }
0x2b0: {  	[tilespmem:v16+s18+$0x0] =	vst.idx.msk $0xffff, v11  }
0x2b1: {  	v11 =	vld.idx.msk [tilespmem:v12+s21+$0x0], $0xffff;
	_ =	sdelay $0x2  }
0x2b2: {  	v12 =	vor.u32 s10, v9;
	_ =	sdelay $0x1  }
0x2b3: {  	v11 =	vmul.f32 v11, v17;
	_ =	sdelay $0x1  }
0x2b4: {  	[tilespmem:v20+s18+$0x0] =	vst.idx.msk $0xffff, v11  }
0x2b5: {  	v11 =	vld.idx.msk [tilespmem:v12+s21+$0x0], $0xffff;
	_ =	sdelay $0x2  }
0x2b6: {  	v12 =	vor.u32 s11, v9;
	_ =	sdelay $0x1  }
0x2b7: {  	v11 =	vmul.f32 v11, v17;
	_ =	sdelay $0x1  }
0x2b8: {  	[tilespmem:v23+s18+$0x0] =	vst.idx.msk $0xffff, v11  }
0x2b9: {  	v11 =	vld.idx.msk [tilespmem:v12+s21+$0x0], $0xffff;
	_ =	sdelay $0x2  }
0x2ba: {  	v12 =	vor.u32 s12, v9;
	_ =	sdelay $0x1  }
0x2bb: {  	v11 =	vmul.f32 v11, v17;
	_ =	sdelay $0x1  }
0x2bc: {  	[tilespmem:v19+s18+$0x0] =	vst.idx.msk $0xffff, v11  }
0x2bd: {  	v11 =	vld.idx.msk [tilespmem:v12+s21+$0x0], $0xffff;
	_ =	sdelay $0x2  }
0x2be: {  	v12 =	vor.u32 s14, v9;
	_ =	sdelay $0x1  }
0x2bf: {  	v11 =	vmul.f32 v11, v17;
	_ =	sdelay $0x1  }
0x2c0: {  	[tilespmem:v45+s18+$0x0] =	vst.idx.msk $0xffff, v11  }
0x2c1: {  	v11 =	vld.idx.msk [tilespmem:v12+s21+$0x0], $0xffff;
	_ =	sdelay $0x2  }
0x2c2: {  	v12 =	vor.u32 s15, v9;
	_ =	sdelay $0x1  }
0x2c3: {  	v11 =	vmul.f32 v11, v17;
	_ =	sdelay $0x1  }
0x2c4: {  	[tilespmem:v46+s18+$0x0] =	vst.idx.msk $0xffff, v11  }
0x2c5: {  	v11 =	vld.idx.msk [tilespmem:v12+s21+$0x0], $0xffff;
	_ =	sdelay $0x2  }
0x2c6: {  	v12 =	vor.u32 s16, v9;
	_ =	sdelay $0x1  }
0x2c7: {  	v11 =	vmul.f32 v11, v17;
	_ =	sdelay $0x1  }
0x2c8: {  	[tilespmem:v48+s18+$0x0] =	vst.idx.msk $0xffff, v11  }
0x2c9: {  	v11 =	vld.idx.msk [tilespmem:v12+s21+$0x0], $0xffff;
	_ =	sdelay $0x2  }
0x2ca: {  	v12 =	vor.u32 s17, v9;
	_ =	sdelay $0x1  }
0x2cb: {  	v11 =	vmul.f32 v11, v17;
	_ =	sdelay $0x1  }
0x2cc: {  	[tilespmem:v50+s18+$0x0] =	vst.idx.msk $0xffff, v11  }
0x2cd: {  	v11 =	vld.idx.msk [tilespmem:v12+s21+$0x0], $0xffff;
	_ =	sdelay $0x2  }
0x2ce: {  	v12 =	vor.u32 s20, v9;
	_ =	sdelay $0x1  }
0x2cf: {  	v11 =	vmul.f32 v11, v17;
	_ =	sdelay $0x1  }
0x2d0: {  	[tilespmem:v52+s18+$0x0] =	vst.idx.msk $0xffff, v11  }
0x2d1: {  	v11 =	vld.idx.msk [tilespmem:v12+s21+$0x0], $0xffff;
	_ =	sdelay $0x2  }
0x2d2: {  	v12 =	vor.u32 s22, v9;
	_ =	sdelay $0x1  }
0x2d3: {  	v11 =	vmul.f32 v11, v17;
	_ =	sdelay $0x1  }
0x2d4: {  	[tilespmem:v54+s18+$0x0] =	vst.idx.msk $0xffff, v11  }
0x2d5: {  	v11 =	vld.idx.msk [tilespmem:v12+s21+$0x0], $0xffff;
	_ =	sdelay $0x2  }
0x2d6: {  	v12 =	vor.u32 s24, v9;
	_ =	sdelay $0x1  }
0x2d7: {  	v11 =	vmul.f32 v11, v17;
	_ =	sdelay $0x1  }
0x2d8: {  	[tilespmem:v56+s18+$0x0] =	vst.idx.msk $0xffff, v11  }
0x2d9: {  	v11 =	vld.idx.msk [tilespmem:v12+s21+$0x0], $0xffff;
	_ =	sdelay $0x2  }
0x2da: {  	v12 =	vor.u32 s25, v9;
	_ =	sdelay $0x1  }
0x2db: {  	v11 =	vmul.f32 v11, v17;
	_ =	sdelay $0x1  }
0x2dc: {  	[tilespmem:v58+s18+$0x0] =	vst.idx.msk $0xffff, v11  }
0x2dd: {  	v16 =	vld.idx.msk [tilespmem:v12+s21+$0x0], $0xffff;
	_ =	sdelay $0x2  }
0x2de: {  	s31 =	simm.s32 $0x10;
	s9 =	simm.s32 $0x11  }
0x2df: {  	v15 =	vor.u32 s31, v7;
	v13 =	vor.u32 s31, v9;
	v11 =	vor.u32 s9, v8  }
0x2e0: {  	s0 =	simm.s32 $0x1F;
	s3 =	simm.s32 $0x2F;
	v14 =	vor.u32 s9, v7;
	v12 =	vor.u32 s31, v8;
	v16 =	vmul.f32 v16, v17  }
.LBB2_10:
0x2e1: {  	p0 =	sne.s32 s3, $0x7F  }
0x2e2: {  	s26 =	sadd.s32 $0xFFFFFFF3, s0;
	s20 =	smov.u32 s3;
	s3 =	sadd.s32 $0x10, s3  }
0x2e3: {  	v27 =	vor.u32 s26, v8;
	[tilespmem:v10+s18+$0x0] =	vst.idx.msk $0xffff, v16  }
0x2e4: {  	s25 =	sadd.s32 $0xFFFFFFF4, s0;
	v16 =	vor.u32 s26, v7;
	v10 =	vld.idx.msk [tilespmem:v11+s23+$0x0], $0xffff  }
0x2e5: {  	v25 =	vor.u32 s25, v8;
	v15 =	vld.idx.msk [tilespmem:v15+s21+$0x0], $0xffff  }
0x2e6: {  	s8 =	sadd.s32 $0xFFFFFFF5, s0;
	v18 =	vor.u32 s25, v7;
	v17 =	vld.idx.msk [tilespmem:v12+s23+$0x0], $0xffff  }
0x2e7: {  	v24 =	vor.u32 s8, v8;
	v14 =	vld.idx.msk [tilespmem:v14+s21+$0x0], $0xffff  }
0x2e8: {  	s4 =	sadd.s32 $0xFFFFFFF6, s0;
	v20 =	vor.u32 s8, v7;
	v19 =	vld.idx.msk [tilespmem:v27+s23+$0x0], $0xffff  }
0x2e9: {  	v23 =	vor.u32 s4, v8;
	v16 =	vld.idx.msk [tilespmem:v16+s21+$0x0], $0xffff  }
0x2ea: {  	s24 =	sadd.s32 $0xFFFFFFF7, s0;
	v28 =	vor.u32 s4, v7;
	v26 =	vld.idx.msk [tilespmem:v25+s23+$0x0], $0xffff  }
0x2eb: {  	v22 =	vor.u32 s24, v8;
	v18 =	vld.idx.msk [tilespmem:v18+s21+$0x0], $0xffff  }
0x2ec: {  	s17 =	sadd.s32 $0xFFFFFFF8, s0;
	v29 =	vor.u32 s24, v7;
	v15 =	vmul.f32 v17, v15;
	v17 =	vld.idx.msk [tilespmem:v24+s23+$0x0], $0xffff  }
0x2ed: {  	v21 =	vor.u32 s17, v8;
	v10 =	vmul.f32 v10, v14;
	v14 =	vld.idx.msk [tilespmem:v20+s21+$0x0], $0xffff  }
0x2ee: {  	s22 =	sadd.s32 $0xFFFFFFF9, s0;
	v31 =	vor.u32 s17, v7;
	v15 =	vadd.f32 $0.0e+00, v15;
	v30 =	vld.idx.msk [tilespmem:v23+s23+$0x0], $0xffff  }
0x2ef: {  	v20 =	vor.u32 s22, v8;
	v16 =	vmul.f32 v19, v16;
	v28 =	vld.idx.msk [tilespmem:v28+s21+$0x0], $0xffff  }
0x2f0: {  	s16 =	sadd.s32 $0xFFFFFFFA, s0;
	v32 =	vor.u32 s22, v7;
	v10 =	vadd.f32 v10, v15;
	v15 =	vld.idx.msk [tilespmem:v22+s23+$0x0], $0xffff  }
0x2f1: {  	v19 =	vor.u32 s16, v8;
	v26 =	vmul.f32 v26, v18;
	v29 =	vld.idx.msk [tilespmem:v29+s21+$0x0], $0xffff  }
0x2f2: {  	s15 =	sadd.s32 $0xFFFFFFFB, s0;
	v10 =	vadd.f32 v16, v10;
	v16 =	vor.u32 s16, v7;
	v33 =	vld.idx.msk [tilespmem:v21+s23+$0x0], $0xffff  }
0x2f3: {  	v18 =	vor.u32 s15, v8;
	v14 =	vmul.f32 v17, v14;
	v31 =	vld.idx.msk [tilespmem:v31+s21+$0x0], $0xffff  }
0x2f4: {  	s14 =	sadd.s32 $0xFFFFFFFC, s0;
	v34 =	vor.u32 s15, v7;
	v10 =	vadd.f32 v26, v10;
	v26 =	vld.idx.msk [tilespmem:v20+s23+$0x0], $0xffff  }
0x2f5: {  	v17 =	vor.u32 s14, v8;
	v28 =	vmul.f32 v30, v28;
	v30 =	vld.idx.msk [tilespmem:v32+s21+$0x0], $0xffff  }
0x2f6: {  	s12 =	sadd.s32 $0xFFFFFFFD, s0;
	v10 =	vadd.f32 v14, v10;
	v14 =	vor.u32 s14, v7;
	v32 =	vld.idx.msk [tilespmem:v19+s23+$0x0], $0xffff  }
0x2f7: {  	v29 =	vmul.f32 v15, v29;
	v35 =	vld.idx.msk [tilespmem:v16+s21+$0x0], $0xffff;
	v16 =	vor.u32 s12, v8  }
0x2f8: {  	s11 =	sadd.s32 $0xFFFFFFFE, s0;
	v36 =	vor.u32 s12, v7;
	v10 =	vadd.f32 v28, v10;
	v28 =	vld.idx.msk [tilespmem:v18+s23+$0x0], $0xffff  }
0x2f9: {  	v15 =	vor.u32 s11, v8;
	v31 =	vmul.f32 v33, v31;
	v33 =	vld.idx.msk [tilespmem:v34+s21+$0x0], $0xffff  }
0x2fa: {  	s10 =	sadd.s32 $0xFFFFFFFF, s0;
	v10 =	vadd.f32 v29, v10;
	v34 =	vor.u32 s11, v7;
	v29 =	vld.idx.msk [tilespmem:v17+s23+$0x0], $0xffff  }
0x2fb: {  	v26 =	vmul.f32 v26, v30;
	v30 =	vld.idx.msk [tilespmem:v14+s21+$0x0], $0xffff;
	v14 =	vor.u32 s10, v8  }
0x2fc: {  	v38 =	vor.u32 s10, v7;
	v31 =	vadd.f32 v31, v10;
	v37 =	vld.idx.msk [tilespmem:v16+s23+$0x0], $0xffff  }
0x2fd: {  	v10 =	vor.u32 s0, v8;
	v32 =	vmul.f32 v32, v35;
	v35 =	vld.idx.msk [tilespmem:v36+s21+$0x0], $0xffff  }
0x2fe: {  	v26 =	vadd.f32 v26, v31;
	v36 =	vor.u32 s0, v7;
	v31 =	vld.idx.msk [tilespmem:v15+s23+$0x0], $0xffff  }
0x2ff: {  	v28 =	vmul.f32 v28, v33;
	v33 =	vld.idx.msk [tilespmem:v34+s21+$0x0], $0xffff  }
0x300: {  	v26 =	vadd.f32 v32, v26;
	v32 =	vld.idx.msk [tilespmem:v14+s23+$0x0], $0xffff  }
0x301: {  	v29 =	vmul.f32 v29, v30;
	v30 =	vld.idx.msk [tilespmem:v38+s21+$0x0], $0xffff  }
0x302: {  	v26 =	vadd.f32 v28, v26;
	v28 =	vld.idx.msk [tilespmem:v10+s23+$0x0], $0xffff  }
0x303: {  	v34 =	vmul.f32 v37, v35;
	v35 =	vld.idx.msk [tilespmem:v36+s21+$0x0], $0xffff  }
0x304: {  	v26 =	vadd.f32 v29, v26  }
0x305: {  	v29 =	vmul.f32 v31, v33  }
0x306: {  	v26 =	vadd.f32 v34, v26  }
0x307: {  	v30 =	vmul.f32 v32, v30  }
0x308: {  	v26 =	vadd.f32 v29, v26  }
0x309: {  	v28 =	vmul.f32 v28, v35  }
0x30a: {  	v26 =	vadd.f32 v30, v26;
	_ =	sdelay $0x1  }
0x30b: {  	v26 =	vadd.f32 v28, v26;
	_ =	sdelay $0x1  }
0x30c: {  	v26 =	vmul.f32 $2.500000000e-01, v26;
	_ =	sdelay $0x1  }
0x30d: {  	v26 =	vmax.f32 v26, $-5.000000000e+00  }
0x30e: {  	v26 =	vmin.f32 v26, $5.000000000e+00  }
0x30f: {  	v26 =	vmul.f32 $1.442695020e+00, v26;
	_ =	sdelay $0x1  }
0x310: {  	(erf) = vpow2.f32 v26;
	_ =	sdelay $0x2  }
0x311: {  	v13 =	vld.idx.msk [tilespmem:v13+s21+$0x0], $0xffff;
	_ =	sdelay $0x3  }
0x312: {  	v28 =	vor.u32 s9, v9;
	_ =	sdelay $0x1  }
0x313: {  	v26 =	vpop (erf)  }
0x314: {  	v13 =	vmul.f32 v26, v13;
	_ =	sdelay $0x1  }
0x315: {  	[tilespmem:v12+s18+$0x0] =	vst.idx.msk $0xffff, v13  }
0x316: {  	v12 =	vld.idx.msk [tilespmem:v28+s21+$0x0], $0xffff;
	_ =	sdelay $0x2  }
0x317: {  	v13 =	vor.u32 s26, v9;
	_ =	sdelay $0x2  }
0x318: {  	v12 =	vmul.f32 v26, v12;
	_ =	sdelay $0x1  }
0x319: {  	[tilespmem:v11+s18+$0x0] =	vst.idx.msk $0xffff, v12  }
0x31a: {  	v11 =	vld.idx.msk [tilespmem:v13+s21+$0x0], $0xffff;
	_ =	sdelay $0x2  }
0x31b: {  	v12 =	vor.u32 s25, v9;
	_ =	sdelay $0x2  }
0x31c: {  	v11 =	vmul.f32 v26, v11;
	_ =	sdelay $0x1  }
0x31d: {  	[tilespmem:v27+s18+$0x0] =	vst.idx.msk $0xffff, v11  }
0x31e: {  	v11 =	vld.idx.msk [tilespmem:v12+s21+$0x0], $0xffff;
	_ =	sdelay $0x2  }
0x31f: {  	v12 =	vor.u32 s8, v9;
	_ =	sdelay $0x2  }
0x320: {  	v11 =	vmul.f32 v26, v11;
	_ =	sdelay $0x1  }
0x321: {  	[tilespmem:v25+s18+$0x0] =	vst.idx.msk $0xffff, v11  }
0x322: {  	v11 =	vld.idx.msk [tilespmem:v12+s21+$0x0], $0xffff;
	_ =	sdelay $0x2  }
0x323: {  	v12 =	vor.u32 s4, v9;
	_ =	sdelay $0x2  }
0x324: {  	v11 =	vmul.f32 v11, v26;
	_ =	sdelay $0x1  }
0x325: {  	[tilespmem:v24+s18+$0x0] =	vst.idx.msk $0xffff, v11  }
0x326: {  	v11 =	vld.idx.msk [tilespmem:v12+s21+$0x0], $0xffff;
	_ =	sdelay $0x2  }
0x327: {  	v12 =	vor.u32 s24, v9;
	_ =	sdelay $0x2  }
0x328: {  	v11 =	vmul.f32 v11, v26;
	_ =	sdelay $0x1  }
0x329: {  	[tilespmem:v23+s18+$0x0] =	vst.idx.msk $0xffff, v11  }
0x32a: {  	v11 =	vld.idx.msk [tilespmem:v12+s21+$0x0], $0xffff;
	_ =	sdelay $0x2  }
0x32b: {  	v12 =	vor.u32 s17, v9;
	_ =	sdelay $0x2  }
0x32c: {  	v11 =	vmul.f32 v11, v26;
	_ =	sdelay $0x1  }
0x32d: {  	[tilespmem:v22+s18+$0x0] =	vst.idx.msk $0xffff, v11  }
0x32e: {  	v11 =	vld.idx.msk [tilespmem:v12+s21+$0x0], $0xffff;
	_ =	sdelay $0x2  }
0x32f: {  	v12 =	vor.u32 s22, v9;
	_ =	sdelay $0x2  }
0x330: {  	v11 =	vmul.f32 v11, v26;
	_ =	sdelay $0x1  }
0x331: {  	[tilespmem:v21+s18+$0x0] =	vst.idx.msk $0xffff, v11  }
0x332: {  	v11 =	vld.idx.msk [tilespmem:v12+s21+$0x0], $0xffff;
	_ =	sdelay $0x2  }
0x333: {  	v12 =	vor.u32 s16, v9;
	_ =	sdelay $0x2  }
0x334: {  	v11 =	vmul.f32 v11, v26;
	_ =	sdelay $0x1  }
0x335: {  	[tilespmem:v20+s18+$0x0] =	vst.idx.msk $0xffff, v11  }
0x336: {  	v11 =	vld.idx.msk [tilespmem:v12+s21+$0x0], $0xffff;
	_ =	sdelay $0x2  }
0x337: {  	v12 =	vor.u32 s15, v9;
	_ =	sdelay $0x2  }
0x338: {  	v11 =	vmul.f32 v11, v26;
	_ =	sdelay $0x1  }
0x339: {  	[tilespmem:v19+s18+$0x0] =	vst.idx.msk $0xffff, v11  }
0x33a: {  	v11 =	vld.idx.msk [tilespmem:v12+s21+$0x0], $0xffff;
	_ =	sdelay $0x2  }
0x33b: {  	v12 =	vor.u32 s14, v9;
	_ =	sdelay $0x2  }
0x33c: {  	v11 =	vmul.f32 v11, v26;
	_ =	sdelay $0x1  }
0x33d: {  	[tilespmem:v18+s18+$0x0] =	vst.idx.msk $0xffff, v11  }
0x33e: {  	v11 =	vld.idx.msk [tilespmem:v12+s21+$0x0], $0xffff;
	_ =	sdelay $0x2  }
0x33f: {  	v12 =	vor.u32 s12, v9;
	_ =	sdelay $0x2  }
0x340: {  	v11 =	vmul.f32 v11, v26;
	_ =	sdelay $0x1  }
0x341: {  	[tilespmem:v17+s18+$0x0] =	vst.idx.msk $0xffff, v11  }
0x342: {  	v11 =	vld.idx.msk [tilespmem:v12+s21+$0x0], $0xffff;
	_ =	sdelay $0x2  }
0x343: {  	v12 =	vor.u32 s11, v9;
	_ =	sdelay $0x2  }
0x344: {  	v11 =	vmul.f32 v11, v26;
	_ =	sdelay $0x1  }
0x345: {  	[tilespmem:v16+s18+$0x0] =	vst.idx.msk $0xffff, v11  }
0x346: {  	v11 =	vld.idx.msk [tilespmem:v12+s21+$0x0], $0xffff;
	_ =	sdelay $0x2  }
0x347: {  	v12 =	vor.u32 s10, v9;
	_ =	sdelay $0x2  }
0x348: {  	v11 =	vmul.f32 v11, v26;
	_ =	sdelay $0x1  }
0x349: {  	[tilespmem:v15+s18+$0x0] =	vst.idx.msk $0xffff, v11  }
0x34a: {  	v11 =	vld.idx.msk [tilespmem:v12+s21+$0x0], $0xffff;
	_ =	sdelay $0x2  }
0x34b: {  	v12 =	vor.u32 s0, v9;
	s0 =	smov.u32 s20;
	_ =	sdelay $0x2  }
0x34c: {  	v11 =	vmul.f32 v11, v26;
	_ =	sdelay $0x1  }
0x34d: {  	[tilespmem:v14+s18+$0x0] =	vst.idx.msk $0xffff, v11  }
0x34e: {  	v16 =	vld.idx.msk [tilespmem:v12+s21+$0x0], $0xffff;
	_ =	sdelay $0x1  }
.Ltmp4:
0x34f: {  	(pc) =	sbr.rel @p0 .LBB2_10-.Ltmp4, $4  }
0x350: {  	s9 =	sadd.s32 $0xFFFFFFF2, s0  }
0x351: {  	s4 =	sadd.s32 $0xFFFFFFF1, s0;
	v14 =	vor.u32 s9, v7;
	v11 =	vor.u32 s9, v8  }
0x352: {  	v15 =	vor.u32 s4, v7;
	v13 =	vor.u32 s4, v9;
	v12 =	vor.u32 s4, v8  }
0x353: {  	v16 =	vmul.f32 v16, v26  }
0x354: {  	_ =	sdelay $0x2  }
0x355: {  	s3 =	sadd.s32 $0xFFFFFFF3, s0  }
0x356: {  	v17 =	vor.u32 s3, v8;
	[tilespmem:v10+s18+$0x0] =	vst.idx.msk $0xffff, v16  }
0x357: {  	s4 =	sadd.s32 $0xFFFFFFF4, s0;
	v10 =	vor.u32 s3, v7;
	v15 =	vld.idx.msk [tilespmem:v15+s21+$0x0], $0xffff  }
0x358: {  	v16 =	vor.u32 s4, v8;
	v18 =	vld.idx.msk [tilespmem:v12+s23+$0x0], $0xffff  }
0x359: {  	s8 =	sadd.s32 $0xFFFFFFF5, s0;
	v20 =	vor.u32 s4, v7;
	v19 =	vld.idx.msk [tilespmem:v11+s23+$0x0], $0xffff  }
0x35a: {  	v21 =	vor.u32 s8, v8;
	v14 =	vld.idx.msk [tilespmem:v14+s21+$0x0], $0xffff  }
0x35b: {  	s10 =	sadd.s32 $0xFFFFFFF6, s0;
	v23 =	vor.u32 s8, v7;
	v22 =	vld.idx.msk [tilespmem:v17+s23+$0x0], $0xffff  }
0x35c: {  	v24 =	vor.u32 s10, v8;
	v10 =	vld.idx.msk [tilespmem:v10+s21+$0x0], $0xffff  }
0x35d: {  	s11 =	sadd.s32 $0xFFFFFFF7, s0;
	v26 =	vor.u32 s10, v7;
	v25 =	vld.idx.msk [tilespmem:v16+s23+$0x0], $0xffff;
	v15 =	vmul.f32 v18, v15  }
0x35e: {  	v28 =	vor.u32 s11, v7;
	v56 =	vld.idx.msk [tilespmem:v20+s21+$0x0], $0xffff  }
0x35f: {  	s12 =	sadd.s32 $0xFFFFFFF8, s0;
	v20 =	vor.u32 s11, v8;
	v27 =	vld.idx.msk [tilespmem:v21+s23+$0x0], $0xffff;
	v14 =	vmul.f32 v19, v14;
	v15 =	vadd.f32 $0.0e+00, v15  }
0x360: {  	v30 =	vor.u32 s12, v7;
	v57 =	vld.idx.msk [tilespmem:v23+s21+$0x0], $0xffff  }
0x361: {  	s14 =	sadd.s32 $0xFFFFFFF9, s0;
	v23 =	vor.u32 s12, v8;
	v29 =	vld.idx.msk [tilespmem:v24+s23+$0x0], $0xffff;
	v10 =	vmul.f32 v22, v10;
	v14 =	vadd.f32 v14, v15  }
0x362: {  	v31 =	vor.u32 s14, v7;
	v58 =	vld.idx.msk [tilespmem:v26+s21+$0x0], $0xffff  }
0x363: {  	s15 =	sadd.s32 $0xFFFFFFFA, s0;
	v60 =	vld.idx.msk [tilespmem:v28+s21+$0x0], $0xffff;
	v22 =	vor.u32 s14, v8;
	v18 =	vmul.f32 v25, v56;
	v10 =	vadd.f32 v10, v14  }
0x364: {  	v32 =	vor.u32 s15, v7;
	v59 =	vld.idx.msk [tilespmem:v20+s23+$0x0], $0xffff  }
0x365: {  	s16 =	sadd.s32 $0xFFFFFFFB, s0;
	v62 =	vld.idx.msk [tilespmem:v30+s21+$0x0], $0xffff;
	v25 =	vor.u32 s15, v8;
	v19 =	vmul.f32 v27, v57;
	v10 =	vadd.f32 v18, v10  }
0x366: {  	v33 =	vor.u32 s16, v7;
	v61 =	vld.idx.msk [tilespmem:v23+s23+$0x0], $0xffff  }
0x367: {  	s17 =	sadd.s32 $0xFFFFFFFC, s0;
	v40 =	vld.idx.msk [tilespmem:v31+s21+$0x0], $0xffff;
	v27 =	vor.u32 s16, v8;
	v15 =	vmul.f32 v29, v58;
	v10 =	vadd.f32 v19, v10  }
0x368: {  	v41 =	vor.u32 s17, v8;
	v63 =	vld.idx.msk [tilespmem:v22+s23+$0x0], $0xffff  }
0x369: {  	s20 =	sadd.s32 $0xFFFFFFFD, s0;
	v34 =	vor.u32 s17, v7;
	v43 =	vld.idx.msk [tilespmem:v32+s21+$0x0], $0xffff;
	v14 =	vmul.f32 v59, v60;
	v10 =	vadd.f32 v15, v10  }
0x36a: {  	v44 =	vor.u32 s20, v8;
	v42 =	vld.idx.msk [tilespmem:v25+s23+$0x0], $0xffff  }
0x36b: {  	s22 =	sadd.s32 $0xFFFFFFFE, s0;
	v35 =	vor.u32 s20, v7;
	v46 =	vld.idx.msk [tilespmem:v33+s21+$0x0], $0xffff;
	v18 =	vmul.f32 v61, v62;
	v10 =	vadd.f32 v14, v10  }
0x36c: {  	v47 =	vor.u32 s22, v8;
	v45 =	vld.idx.msk [tilespmem:v27+s23+$0x0], $0xffff  }
0x36d: {  	s24 =	sadd.s32 $0xFFFFFFFF, s0;
	v36 =	vor.u32 s22, v7;
	v48 =	vld.idx.msk [tilespmem:v41+s23+$0x0], $0xffff;
	v19 =	vmul.f32 v63, v40;
	v10 =	vadd.f32 v18, v10  }
0x36e: {  	v50 =	vor.u32 s24, v8;
	v49 =	vld.idx.msk [tilespmem:v34+s21+$0x0], $0xffff  }
0x36f: {  	v37 =	vor.u32 s24, v7;
	v51 =	vld.idx.msk [tilespmem:v44+s23+$0x0], $0xffff;
	v15 =	vmul.f32 v42, v43;
	v10 =	vadd.f32 v19, v10  }
0x370: {  	v53 =	vor.u32 s0, v8;
	v52 =	vld.idx.msk [tilespmem:v35+s21+$0x0], $0xffff  }
0x371: {  	v38 =	vor.u32 s0, v7;
	v54 =	vld.idx.msk [tilespmem:v47+s23+$0x0], $0xffff;
	v14 =	vmul.f32 v45, v46;
	v10 =	vadd.f32 v15, v10  }
0x372: {  	v55 =	vld.idx.msk [tilespmem:v36+s21+$0x0], $0xffff  }
0x373: {  	v56 =	vld.idx.msk [tilespmem:v50+s23+$0x0], $0xffff;
	v18 =	vmul.f32 v48, v49;
	v10 =	vadd.f32 v14, v10  }
0x374: {  	v57 =	vld.idx.msk [tilespmem:v37+s21+$0x0], $0xffff  }
0x375: {  	v58 =	vld.idx.msk [tilespmem:v53+s23+$0x0], $0xffff;
	v19 =	vmul.f32 v51, v52;
	v10 =	vadd.f32 v18, v10  }
0x376: {  	v59 =	vld.idx.msk [tilespmem:v38+s21+$0x0], $0xffff  }
0x377: {  	v15 =	vmul.f32 v54, v55;
	v10 =	vadd.f32 v19, v10;
	_ =	sdelay $0x1  }
0x378: {  	v14 =	vmul.f32 v56, v57;
	v10 =	vadd.f32 v15, v10;
	_ =	sdelay $0x1  }
0x379: {  	v60 =	vmul.f32 v58, v59;
	v10 =	vadd.f32 v14, v10;
	_ =	sdelay $0x1  }
0x37a: {  	v10 =	vadd.f32 v60, v10;
	_ =	sdelay $0x1  }
0x37b: {  	v10 =	vmul.f32 $2.500000000e-01, v10;
	_ =	sdelay $0x1  }
0x37c: {  	v10 =	vmax.f32 v10, $-5.000000000e+00  }
0x37d: {  	v10 =	vmin.f32 v10, $5.000000000e+00  }
0x37e: {  	v10 =	vmul.f32 $1.442695020e+00, v10;
	_ =	sdelay $0x1  }
0x37f: {  	(erf) = vpow2.f32 v10;
	_ =	sdelay $0x4  }
0x380: {  	v10 =	vld.idx.msk [tilespmem:v13+s21+$0x0], $0xffff;
	_ =	sdelay $0x2  }
0x381: {  	v61 =	vor.u32 s9, v9  }
0x382: {  	v62 =	vpop (erf)  }
0x383: {  	v10 =	vmul.f32 v62, v10;
	_ =	sdelay $0x1  }
0x384: {  	[tilespmem:v12+s18+$0x0] =	vst.idx.msk $0xffff, v10  }
0x385: {  	v10 =	vld.idx.msk [tilespmem:v61+s21+$0x0], $0xffff;
	_ =	sdelay $0x2  }
0x386: {  	v63 =	vor.u32 s3, v9;
	_ =	sdelay $0x1  }
0x387: {  	v10 =	vmul.f32 v62, v10;
	_ =	sdelay $0x1  }
0x388: {  	[tilespmem:v11+s18+$0x0] =	vst.idx.msk $0xffff, v10  }
0x389: {  	v10 =	vld.idx.msk [tilespmem:v63+s21+$0x0], $0xffff;
	_ =	sdelay $0x2  }
0x38a: {  	v11 =	vor.u32 s4, v9;
	_ =	sdelay $0x1  }
0x38b: {  	v10 =	vmul.f32 v62, v10;
	_ =	sdelay $0x1  }
0x38c: {  	[tilespmem:v17+s18+$0x0] =	vst.idx.msk $0xffff, v10  }
0x38d: {  	v10 =	vld.idx.msk [tilespmem:v11+s21+$0x0], $0xffff;
	_ =	sdelay $0x2  }
0x38e: {  	v11 =	vor.u32 s8, v9;
	_ =	sdelay $0x1  }
0x38f: {  	v10 =	vmul.f32 v62, v10;
	_ =	sdelay $0x1  }
0x390: {  	[tilespmem:v16+s18+$0x0] =	vst.idx.msk $0xffff, v10  }
0x391: {  	v10 =	vld.idx.msk [tilespmem:v11+s21+$0x0], $0xffff;
	_ =	sdelay $0x2  }
0x392: {  	v11 =	vor.u32 s10, v9;
	_ =	sdelay $0x1  }
0x393: {  	v10 =	vmul.f32 v10, v62;
	_ =	sdelay $0x1  }
0x394: {  	[tilespmem:v21+s18+$0x0] =	vst.idx.msk $0xffff, v10  }
0x395: {  	v10 =	vld.idx.msk [tilespmem:v11+s21+$0x0], $0xffff;
	_ =	sdelay $0x2  }
0x396: {  	v11 =	vor.u32 s11, v9;
	_ =	sdelay $0x1  }
0x397: {  	v10 =	vmul.f32 v10, v62;
	_ =	sdelay $0x1  }
0x398: {  	[tilespmem:v24+s18+$0x0] =	vst.idx.msk $0xffff, v10  }
0x399: {  	v10 =	vld.idx.msk [tilespmem:v11+s21+$0x0], $0xffff;
	_ =	sdelay $0x2  }
0x39a: {  	v11 =	vor.u32 s12, v9;
	_ =	sdelay $0x1  }
0x39b: {  	v10 =	vmul.f32 v10, v62;
	_ =	sdelay $0x1  }
0x39c: {  	[tilespmem:v20+s18+$0x0] =	vst.idx.msk $0xffff, v10  }
0x39d: {  	v10 =	vld.idx.msk [tilespmem:v11+s21+$0x0], $0xffff;
	_ =	sdelay $0x2  }
0x39e: {  	v11 =	vor.u32 s14, v9;
	_ =	sdelay $0x1  }
0x39f: {  	v10 =	vmul.f32 v10, v62;
	_ =	sdelay $0x1  }
0x3a0: {  	[tilespmem:v23+s18+$0x0] =	vst.idx.msk $0xffff, v10  }
0x3a1: {  	v10 =	vld.idx.msk [tilespmem:v11+s21+$0x0], $0xffff;
	_ =	sdelay $0x2  }
0x3a2: {  	v11 =	vor.u32 s15, v9;
	_ =	sdelay $0x1  }
0x3a3: {  	v10 =	vmul.f32 v10, v62;
	_ =	sdelay $0x1  }
0x3a4: {  	[tilespmem:v22+s18+$0x0] =	vst.idx.msk $0xffff, v10  }
0x3a5: {  	v10 =	vld.idx.msk [tilespmem:v11+s21+$0x0], $0xffff;
	_ =	sdelay $0x2  }
0x3a6: {  	v11 =	vor.u32 s16, v9;
	_ =	sdelay $0x1  }
0x3a7: {  	v10 =	vmul.f32 v10, v62;
	_ =	sdelay $0x1  }
0x3a8: {  	[tilespmem:v25+s18+$0x0] =	vst.idx.msk $0xffff, v10  }
0x3a9: {  	v10 =	vld.idx.msk [tilespmem:v11+s21+$0x0], $0xffff;
	_ =	sdelay $0x2  }
0x3aa: {  	v11 =	vor.u32 s17, v9;
	_ =	sdelay $0x1  }
0x3ab: {  	v10 =	vmul.f32 v10, v62;
	_ =	sdelay $0x1  }
0x3ac: {  	[tilespmem:v27+s18+$0x0] =	vst.idx.msk $0xffff, v10  }
0x3ad: {  	v10 =	vld.idx.msk [tilespmem:v11+s21+$0x0], $0xffff;
	_ =	sdelay $0x2  }
0x3ae: {  	v11 =	vor.u32 s20, v9;
	_ =	sdelay $0x1  }
0x3af: {  	v10 =	vmul.f32 v10, v62;
	_ =	sdelay $0x1  }
0x3b0: {  	[tilespmem:v41+s18+$0x0] =	vst.idx.msk $0xffff, v10  }
0x3b1: {  	v10 =	vld.idx.msk [tilespmem:v11+s21+$0x0], $0xffff;
	_ =	sdelay $0x2  }
0x3b2: {  	v11 =	vor.u32 s22, v9;
	_ =	sdelay $0x1  }
0x3b3: {  	v10 =	vmul.f32 v10, v62;
	_ =	sdelay $0x1  }
0x3b4: {  	[tilespmem:v44+s18+$0x0] =	vst.idx.msk $0xffff, v10  }
0x3b5: {  	v10 =	vld.idx.msk [tilespmem:v11+s21+$0x0], $0xffff;
	_ =	sdelay $0x2  }
0x3b6: {  	v11 =	vor.u32 s24, v9;
	_ =	sdelay $0x1  }
0x3b7: {  	v10 =	vmul.f32 v10, v62;
	_ =	sdelay $0x1  }
0x3b8: {  	[tilespmem:v47+s18+$0x0] =	vst.idx.msk $0xffff, v10  }
0x3b9: {  	v10 =	vld.idx.msk [tilespmem:v11+s21+$0x0], $0xffff;
	_ =	sdelay $0x2  }
0x3ba: {  	v11 =	vor.u32 s0, v9;
	_ =	sdelay $0x1  }
0x3bb: {  	v10 =	vmul.f32 v10, v62;
	_ =	sdelay $0x1  }
0x3bc: {  	[tilespmem:v50+s18+$0x0] =	vst.idx.msk $0xffff, v10  }
0x3bd: {  	v10 =	vld.idx.msk [tilespmem:v11+s21+$0x0], $0xffff;
	_ =	sdelay $0x4  }
0x3be: {  	v10 =	vmul.f32 v10, v62;
	_ =	sdelay $0x1  }
0x3bf: {  	[tilespmem:v53+s18+$0x0] =	vst.idx.msk $0xffff, v10  }
0x3c0: {  	[spmem:s2] =	stream.indirect.scatter.add.f32 [tilespmem:s18], [sflag:$0x5], $0x80, s29, s30, $0xb8;
	[tilespmem:$0x1B280] =	vst v63  }
0x3c1: {  	_ =	swait.ge [sflag:s19], $0x800  }
0x3c2: {  	[sflag:s19] =	ssyncset.done $0x0  }
0x3c3: {  	[sflag:s19] =	ssyncadd.s32 $0xFFFFF800  }
0x3c4: {  	s11 =	stileid.u32;
	[bflag:$0x0] =	sbarrier.arrive $0xFFFF  }
0x3c5: {  	s0 =	sshll.u32 s11, $0x6;
	s16 =	rddreg [dreg:$0x4]  }
0x3c6: {  	s0 =	sor.u32 $0x1C05, s0;
	s14 =	rddreg [dreg:$0x9];
	s12 =	sshrl.u32 s16, $0x3  }
0x3c7: {  	[hbm:s14], [sflag:s0] =	dma.local [spmem:s12], $0x800  }
0x3c8: {  	_ =	swait.ge [sflag:s19], $0x800  }
0x3c9: {  	[sflag:s19] =	ssyncset.done $0x0;
	s15 =	rddreg [dreg:$0xa]  }
0x3ca: {  	s17 =	rddreg [dreg:$0x11];
	[sflag:s19] =	ssyncadd.s32 $0xFFFFF800  }
0x3cb: {  	[hbm:s15], [sflag:s0] =	dma.local [spmem:s17], $0x800  }
0x3cc: {  	_ =	swait.ge [sflag:s19], $0x800  }
0x3cd: {  	[sflag:s19] =	ssyncset.done $0x0;
	s20 =	rddreg [dreg:$0xb]  }
0x3ce: {  	s22 =	rddreg [dreg:$0x12];
	[sflag:s19] =	ssyncadd.s32 $0xFFFFF800  }
0x3cf: {  	[hbm:s20], [sflag:s0] =	dma.local [spmem:s22], $0x800  }
0x3d0: {  	_ =	swait.ge [sflag:s19], $0x800  }
0x3d1: {  	[sflag:s19] =	ssyncset.done $0x0;
	s24 =	rddreg [dreg:$0xc]  }
0x3d2: {  	s25 =	rddreg [dreg:$0x13];
	[sflag:s19] =	ssyncadd.s32 $0xFFFFF800  }
0x3d3: {  	[hbm:s24], [sflag:s0] =	dma.local [spmem:s25], $0x800  }
0x3d4: {  	_ =	swait.ge [sflag:s19], $0x800  }
0x3d5: {  	[sflag:s19] =	ssyncset.done $0x0;
	s26 =	rddreg [dreg:$0xd]  }
0x3d6: {  	s29 =	rddreg [dreg:$0x14];
	[sflag:s19] =	ssyncadd.s32 $0xFFFFF800  }
0x3d7: {  	[hbm:s26], [sflag:s0] =	dma.local [spmem:s29], $0x800  }
0x3d8: {  	_ =	swait.ge [sflag:s19], $0x800  }
0x3d9: {  	s30 =	sld [smem:$0x7F9];
	_ =	sdelay $0x2  }
0x3da: {  	s31 =	rddreg [dreg:$0x10];
	s3 =	sadd.s32 $0x1, s30  }
0x3db: {  	p0 =	sne.s32 s3, s31  }
.Ltmp5:
0x3dc: {  	_ = 	snop;
	(pc) =	sbr.rel @p0 .LBB2_1-.Ltmp5, $3  }
0x3dd: {  	_ =	sdelay $0x1  }
0x3de: {  	[sflag:s19] =	ssyncset.done $0x0  }
0x3df: {  	[sflag:s19] =	ssyncadd.s32 $0xFFFFF800  }
0x3e0: {  	_ =	sfence.sel $0x180000  }
0x3e1: {  	[bflag:$0x0] =	sbarrier.arrive $0xFFFF  }
0x3e2: {  	_ =	strace $0x90000047  }
0x3e3: {  	s0 =	stileid.u32;
	[bflag:$0x2] =	sbarrier.arrive $0xFFFF  }
0x3e4: {  	p0 =	sne.s32 s0, $0x0;
	s0 =	rddreg [dreg:$0x3]  }
0x3e5: {  	s0 =	sadd.s32 @!p0 $0x100000, s0  }
0x3e6: {  	[sflag:s0] =	ssyncadd.tile.s32 @!p0 $0x1;
	_ =	shalt  }
.Lfunc_end2:
_tile_overlayer_lowered:
.L_overlay_start_2:
0x3e7: {  	(tag) =	ssettag $0x2  }
0x3e8: {  	s0 =	rddreg [dreg:$0x0];
	s2 =	stileid.u32  }
0x3e9: {  	s1 =	rddreg [dreg:$0x1];
	p0 =	sne.s32 s2, $0x0  }
0x3ea: {  	s3 =	rddreg [dreg:$0x2];
	[bflag:$0x3] =	sbarrier.arrive $0xFFFF;
	s2 =	simm.s32 @!p0 $0x1C05  }
0x3eb: {  	[timem:s3], [sflag:s2] =	dma.local @!p0 [hbm:s0], s1  }
0x3ec: {  	s0 =	simm.s32 @!p0 $0x5  }
0x3ed: {  	_ =	swait.ge @!p0 [sflag:s0], s1  }
0x3ee: {  	s1 =	ssub.s32 @!p0 $0x0, s1;
	[sflag:s0] =	ssyncset.done @!p0 $0x0  }
0x3ef: {  	[sflag:s0] =	ssyncadd.s32 @!p0 s1  }
0x3f0: {  	[bflag:$0x3] =	sbarrier.arrive $0xFFFF  }
0x3f1: {  	_ =	shalt  }

</sc_bundles>
